<compile_context>
chip_gen: v7x
topology: tpu7x:2x2x1
jax: 0.10.2.dev20260603
libtpu: 0.0.44.dev20260713+nightly
codegen_flags: <defaults>
</compile_context>

<pallas_src>
import functools

import jax
import jax.numpy as jnp
from jax import lax
from jax.experimental import pallas as pl
from jax.experimental.pallas import tpu as pltpu
from jax.experimental.pallas import tpu_sc as plsc

_N = 4096
_NCOMBO = 4
_SC_Q = 1024
_CHUNK = _SC_Q // 8
_GBLK = 8
_TC_TILE = 512


def _newton_sqrt(x):
    i = lax.bitcast_convert_type(x, jnp.int32)
    y = lax.bitcast_convert_type(
        (i >> 1) + jnp.int32(0x1FBD3F7D), jnp.float32)
    half = jnp.float32(0.5)
    y = half * (y + x / y)
    y = half * (y + x / y)
    y = half * (y + x / y)
    return y


def _chamfer_sc(q_hbm, out_hbm, qx, qy, qz, cx, cy, cz, accv):
    nc = 2
    wid = lax.axis_index("s") * nc + lax.axis_index("c")
    combo = wid // 8
    chunk = wid % 8
    ccombo = combo ^ 1
    qbase = chunk * _CHUNK

    qrow = combo * (3 * _N)
    crow = ccombo * (3 * _N)
    pltpu.sync_copy(q_hbm.at[pl.ds(qrow + qbase, _CHUNK)], qx)
    pltpu.sync_copy(q_hbm.at[pl.ds(qrow + _N + qbase, _CHUNK)], qy)
    pltpu.sync_copy(q_hbm.at[pl.ds(qrow + 2 * _N + qbase, _CHUNK)], qz)
    pltpu.sync_copy(q_hbm.at[pl.ds(crow, _N)], cx)
    pltpu.sync_copy(q_hbm.at[pl.ds(crow + _N, _N)], cy)
    pltpu.sync_copy(q_hbm.at[pl.ds(crow + 2 * _N, _N)], cz)

    acc = jnp.zeros((16,), jnp.float32)
    big = jnp.full((16,), 3.0e38, jnp.float32)

    for blk in range(_CHUNK // 16 // _GBLK):
        qvs = []
        for g in range(_GBLK):
            off = (blk * _GBLK + g) * 16
            qvs.append((qx[pl.ds(off, 16)],
                        qy[pl.ds(off, 16)],
                        qz[pl.ds(off, 16)]))

        def body(jb, dmins, qvs=qvs):
            base = jb * 16
            cxv = cx[pl.ds(base, 16)]
            cyv = cy[pl.ds(base, 16)]
            czv = cz[pl.ds(base, 16)]
            out = list(dmins)
            for lane in range(16):
                bx = cxv[lane]
                by = cyv[lane]
                bz = czv[lane]
                for g in range(_GBLK):
                    dx = qvs[g][0] - bx
                    dy = qvs[g][1] - by
                    dz = qvs[g][2] - bz
                    d2 = dx * dx + dy * dy + dz * dz
                    out[g] = jnp.minimum(out[g], d2)
            return tuple(out)

        dmins = lax.fori_loop(0, _N // 16, body, tuple([big] * _GBLK),
                              unroll=2)
        for g in range(_GBLK):
            acc = acc + _newton_sqrt(dmins[g])

    accv[...] = acc
    pltpu.sync_copy(accv, out_hbm.at[pl.ds(wid * 16, 16)])


def _chamfer_tc(q_ref, c_ref, o_ref):
    q = q_ref[0]
    c = c_ref[0]
    qs = q * (-2.0)
    qs_hi = qs.astype(jnp.bfloat16)
    qs_lo = (qs - qs_hi.astype(jnp.float32)).astype(jnp.bfloat16)
    c_hi = c.astype(jnp.bfloat16)
    c_lo = (c - c_hi.astype(jnp.float32)).astype(jnp.bfloat16)
    qcat = jnp.concatenate([qs_hi, qs_hi, qs_lo], axis=1)
    ccat = jnp.concatenate([c_hi, c_lo, c_hi], axis=0)
    g = jax.lax.dot_general(
        qcat, ccat, (((1,), (0,)), ((), ())),
        preferred_element_type=jnp.float32)
    c2 = jnp.sum(c * c, axis=0, keepdims=True)
    m = jnp.min(c2 + g, axis=1)
    q2 = jnp.sum(q * q, axis=1)
    d2 = jnp.maximum(q2 + m, 0.0)
    o_ref[0, 0, pl.program_id(1)] = jnp.sum(jnp.sqrt(d2))


def kernel(pc1, pc2):
    b = pc1.shape[0]
    n = pc1.shape[1]
    qaos = jnp.stack([pc1[0], pc2[0], pc1[1], pc2[1]])
    qsoa = jnp.stack([pc1[0].T, pc2[0].T, pc1[1].T, pc2[1].T])
    csoa = qsoa[jnp.array([1, 0, 3, 2])]

    mesh = plsc.VectorSubcoreMesh(core_axis_name="c", subcore_axis_name="s")
    sc_run = functools.partial(
        pl.kernel,
        mesh=mesh,
        out_type=jax.ShapeDtypeStruct((32 * 16,), jnp.float32),
        scratch_types=[pltpu.VMEM((_CHUNK,), jnp.float32)] * 3
        + [pltpu.VMEM((_N,), jnp.float32)] * 3
        + [pltpu.VMEM((16,), jnp.float32)],
    )(_chamfer_sc)
    sc_part = sc_run(qsoa.reshape(-1))

    tc_q = qaos[:, _SC_Q:, :]
    ntiles = (n - _SC_Q) // _TC_TILE
    tc_part = pl.pallas_call(
        _chamfer_tc,
        grid=(_NCOMBO, ntiles),
        in_specs=[
            pl.BlockSpec((1, _TC_TILE, 3), lambda i, j: (i, j, 0)),
            pl.BlockSpec((1, 3, n), lambda i, j: (i, 0, 0)),
        ],
        out_specs=pl.BlockSpec(
            (1, 1, ntiles), lambda i, j: (i, 0, 0), memory_space=pltpu.SMEM),
        out_shape=jax.ShapeDtypeStruct((_NCOMBO, 1, ntiles), jnp.float32),
    )(tc_q, csoa)

    total = jnp.sum(sc_part) + jnp.sum(tc_part)
    return total / jnp.float32(2 * n * b)

# --- scband reference (transcript-rebuilt; emitter-appended) ---
"""Pipeline reference for scband-chamfer-distance-17952963297894 (READ-ONLY COPY).

The authoritative reference and input builder live on the scoring server;
editing this copy changes nothing except your own understanding.
"""

import jax, jax.numpy as jnp
import numpy as np


def setup_inputs(seed: int = 0) -> dict:
    key = jax.random.key(seed)
    k1, k2 = jax.random.split(key)
    pc1 = jax.random.normal(k1, (2, 4096, 3), dtype=jnp.float32)
    pc2 = jax.random.normal(k2, (2, 4096, 3), dtype=jnp.float32)
    return {"pc1": pc1, "pc2": pc2}


def reference(pc1, pc2):
    # Faithful translation of ChamferDistance.forward
    batch_size = pc1.shape[0]
    total_loss = jnp.float32(0.0)
    for b in range(batch_size):
        single_pc1 = pc1[b, :, :]
        single_pc2 = pc2[b, :, :]
        N, D = single_pc1.shape
        # broadcasted pairwise differences (equivalent to the repeat in torch)
        diff = single_pc1[:, None, :] - single_pc2[None, :, :]  # [N, N, D]
        norm = jnp.sqrt(jnp.sum(diff * diff, axis=2))  # torch.norm(dim=2)
        min_pc1_pc2 = jnp.min(norm, axis=1)
        min_pc2_pc1 = jnp.min(norm, axis=0)
        loss = (jnp.sum(min_pc1_pc2) + jnp.sum(min_pc2_pc1)) / (2.0 * N)
        total_loss = total_loss + loss
    return total_loss / batch_size

if __name__ == "__main__":
    import jax
    _d = setup_inputs()
    print(jax.jit(kernel)(*tuple(_d.values())))

</pallas_src>

<mosaic_0001>
#map = affine_map<(d0, d1) -> (0)>
module attributes {stable_mosaic.version = 14 : i64} {
  func.func @_chamfer_sc(%arg0: i32, %arg1: i32, %arg2: memref<49152xf32, #tpu.memory_space<hbm>>, %arg3: memref<512xf32, #tpu.memory_space<hbm>>, %arg4: memref<128xf32, #tpu.memory_space<vmem>>, %arg5: memref<128xf32, #tpu.memory_space<vmem>>, %arg6: memref<128xf32, #tpu.memory_space<vmem>>, %arg7: memref<4096xf32, #tpu.memory_space<vmem>>, %arg8: memref<4096xf32, #tpu.memory_space<vmem>>, %arg9: memref<4096xf32, #tpu.memory_space<vmem>>, %arg10: memref<16xf32, #tpu.memory_space<vmem>>) attributes {dimension_semantics = [#tpu.dimension_semantics<core_parallel>, #tpu.dimension_semantics<subcore_parallel>], iteration_bounds = array<i64: 2, 16>, scalar_prefetch = 0 : i64, scratch_operands = 7 : i64, tpu.core_type = #tpu.core_type<sc_vector_subcore>, window_params = [{transform_indices = #map}, {transform_indices = #map}]} {
    %mul3A = arith.constant 2 : i32
    %mul3A_0 = arith.muli %arg1, %mul3A : i32
    %add3A = arith.addi %mul3A_0, %arg0 : i32
    %jit3A = arith.constant 8 : i32
    %div3A = arith.divsi %add3A, %jit3A : i32
    %sign3A = arith.constant 0 : i32
    %sign3A_1 = arith.cmpi sgt, %add3A, %sign3A : i32
    %sign3A_2 = arith.extui %sign3A_1 : i1 to i32
    %sign3A_3 = arith.constant 0 : i32
    %sign3A_4 = arith.cmpi slt, %add3A, %sign3A_3 : i32
    %sign3A_5 = arith.extui %sign3A_4 : i1 to i32
    %sign3A_6 = arith.subi %sign3A_2, %sign3A_5 : i32
    %sign3A_7 = arith.constant 0 : i32
    %sign3A_8 = arith.cmpi sgt, %jit3A, %sign3A_7 : i32
    %sign3A_9 = arith.extui %sign3A_8 : i1 to i32
    %sign3A_10 = arith.constant 0 : i32
    %sign3A_11 = arith.cmpi slt, %jit3A, %sign3A_10 : i32
    %sign3A_12 = arith.extui %sign3A_11 : i1 to i32
    %sign3A_13 = arith.subi %sign3A_9, %sign3A_12 : i32
    %ne3A = arith.cmpi ne, %sign3A_6, %sign3A_13 : i32
    %rem3A = arith.remsi %add3A, %jit3A : i32
    %ne3A_14 = arith.constant 0 : i32
    %ne3A_15 = arith.cmpi ne, %rem3A, %ne3A_14 : i32
    %and3A = arith.andi %ne3A, %ne3A_15 : i1
    %sub3A = arith.constant 1 : i32
    %sub3A_16 = arith.subi %div3A, %sub3A : i32
    %select_n3A = arith.select %and3A, %sub3A_16, %div3A : i32
    %jit3A_17 = arith.constant 8 : i32
    %eq3A = arith.constant 0 : i32
    %eq3A_18 = arith.cmpi eq, %jit3A_17, %eq3A : i32
    %jit3A_19 = arith.constant 1 : i32
    %select_n3A_20 = arith.select %eq3A_18, %jit3A_19, %jit3A_17 : i32
    %rem3A_21 = arith.remsi %add3A, %select_n3A_20 : i32
    %ne3A_22 = arith.constant 0 : i32
    %ne3A_23 = arith.cmpi ne, %rem3A_21, %ne3A_22 : i32
    %lt3A = arith.constant 0 : i32
    %lt3A_24 = arith.cmpi slt, %rem3A_21, %lt3A : i32
    %lt3A_25 = arith.constant 0 : i32
    %lt3A_26 = arith.cmpi slt, %select_n3A_20, %lt3A_25 : i32
    %ne3A_27 = arith.xori %lt3A_24, %lt3A_26 : i1
    %and3A_28 = arith.andi %ne3A_27, %ne3A_23 : i1
    %add3A_29 = arith.addi %rem3A_21, %select_n3A_20 : i32
    %select_n3A_30 = arith.select %and3A_28, %add3A_29, %rem3A_21 : i32
    %xor3A = arith.constant 1 : i32
    %xor3A_31 = arith.xori %select_n3A, %xor3A : i32
    %mul3A_32 = arith.constant 128 : i32
    %mul3A_33 = arith.muli %select_n3A_30, %mul3A_32 : i32
    %mul3A_34 = arith.constant 12288 : i32
    %mul3A_35 = arith.muli %select_n3A, %mul3A_34 : i32
    %mul3A_36 = arith.constant 12288 : i32
    %mul3A_37 = arith.muli %xor3A_31, %mul3A_36 : i32
    %add3A_38 = arith.addi %mul3A_35, %mul3A_33 : i32
    "tpu.region"() ({
      %run_scoped3A = tpu.sem_alloc : memref<!tpu.dma_semaphore, #tpu.memory_space<semaphore_mem>>
      %dma_start3A = tpu.memref_slice %arg2[%add3A_38] : memref<49152xf32, #tpu.memory_space<hbm>> -> memref<128xf32, #tpu.memory_space<hbm>>
      %dma_start3A_323 = tpu.memref_slice %arg2[%add3A_38] : memref<49152xf32, #tpu.memory_space<hbm>> -> memref<128xf32, #tpu.memory_space<hbm>>
      tpu.enqueue_dma source(%dma_start3A_323 : memref<128xf32, #tpu.memory_space<hbm>>) target(%arg4 : memref<128xf32, #tpu.memory_space<vmem>>) target_semaphore(%run_scoped3A : memref<!tpu.dma_semaphore, #tpu.memory_space<semaphore_mem>>)
      %dma_wait3A = tpu.memref_slice %arg2[%add3A_38] : memref<49152xf32, #tpu.memory_space<hbm>> -> memref<128xf32, #tpu.memory_space<hbm>>
      %dma_wait3A_324 = tpu.memref_slice %arg2[%add3A_38] : memref<49152xf32, #tpu.memory_space<hbm>> -> memref<128xf32, #tpu.memory_space<hbm>>
      tpu.wait_dma2 semaphore(%run_scoped3A : memref<!tpu.dma_semaphore, #tpu.memory_space<semaphore_mem>>) src(%dma_wait3A_324 : memref<128xf32, #tpu.memory_space<hbm>>) dst(%arg4 : memref<128xf32, #tpu.memory_space<vmem>>)
      tpu.yield
    }) : () -> ()
    %add3A_39 = arith.constant 4096 : i32
    %add3A_40 = arith.addi %mul3A_35, %add3A_39 : i32
    %add3A_41 = arith.addi %add3A_40, %mul3A_33 : i32
    "tpu.region"() ({
      %run_scoped3A = tpu.sem_alloc : memref<!tpu.dma_semaphore, #tpu.memory_space<semaphore_mem>>
      %dma_start3A = tpu.memref_slice %arg2[%add3A_41] : memref<49152xf32, #tpu.memory_space<hbm>> -> memref<128xf32, #tpu.memory_space<hbm>>
      %dma_start3A_323 = tpu.memref_slice %arg2[%add3A_41] : memref<49152xf32, #tpu.memory_space<hbm>> -> memref<128xf32, #tpu.memory_space<hbm>>
      tpu.enqueue_dma source(%dma_start3A_323 : memref<128xf32, #tpu.memory_space<hbm>>) target(%arg5 : memref<128xf32, #tpu.memory_space<vmem>>) target_semaphore(%run_scoped3A : memref<!tpu.dma_semaphore, #tpu.memory_space<semaphore_mem>>)
      %dma_wait3A = tpu.memref_slice %arg2[%add3A_41] : memref<49152xf32, #tpu.memory_space<hbm>> -> memref<128xf32, #tpu.memory_space<hbm>>
      %dma_wait3A_324 = tpu.memref_slice %arg2[%add3A_41] : memref<49152xf32, #tpu.memory_space<hbm>> -> memref<128xf32, #tpu.memory_space<hbm>>
      tpu.wait_dma2 semaphore(%run_scoped3A : memref<!tpu.dma_semaphore, #tpu.memory_space<semaphore_mem>>) src(%dma_wait3A_324 : memref<128xf32, #tpu.memory_space<hbm>>) dst(%arg5 : memref<128xf32, #tpu.memory_space<vmem>>)
      tpu.yield
    }) : () -> ()
    %add3A_42 = arith.constant 8192 : i32
    %add3A_43 = arith.addi %mul3A_35, %add3A_42 : i32
    %add3A_44 = arith.addi %add3A_43, %mul3A_33 : i32
    "tpu.region"() ({
      %run_scoped3A = tpu.sem_alloc : memref<!tpu.dma_semaphore, #tpu.memory_space<semaphore_mem>>
      %dma_start3A = tpu.memref_slice %arg2[%add3A_44] : memref<49152xf32, #tpu.memory_space<hbm>> -> memref<128xf32, #tpu.memory_space<hbm>>
      %dma_start3A_323 = tpu.memref_slice %arg2[%add3A_44] : memref<49152xf32, #tpu.memory_space<hbm>> -> memref<128xf32, #tpu.memory_space<hbm>>
      tpu.enqueue_dma source(%dma_start3A_323 : memref<128xf32, #tpu.memory_space<hbm>>) target(%arg6 : memref<128xf32, #tpu.memory_space<vmem>>) target_semaphore(%run_scoped3A : memref<!tpu.dma_semaphore, #tpu.memory_space<semaphore_mem>>)
      %dma_wait3A = tpu.memref_slice %arg2[%add3A_44] : memref<49152xf32, #tpu.memory_space<hbm>> -> memref<128xf32, #tpu.memory_space<hbm>>
      %dma_wait3A_324 = tpu.memref_slice %arg2[%add3A_44] : memref<49152xf32, #tpu.memory_space<hbm>> -> memref<128xf32, #tpu.memory_space<hbm>>
      tpu.wait_dma2 semaphore(%run_scoped3A : memref<!tpu.dma_semaphore, #tpu.memory_space<semaphore_mem>>) src(%dma_wait3A_324 : memref<128xf32, #tpu.memory_space<hbm>>) dst(%arg6 : memref<128xf32, #tpu.memory_space<vmem>>)
      tpu.yield
    }) : () -> ()
    "tpu.region"() ({
      %run_scoped3A = tpu.sem_alloc : memref<!tpu.dma_semaphore, #tpu.memory_space<semaphore_mem>>
      %dma_start3A = tpu.memref_slice %arg2[%mul3A_37] : memref<49152xf32, #tpu.memory_space<hbm>> -> memref<4096xf32, #tpu.memory_space<hbm>>
      %dma_start3A_323 = tpu.memref_slice %arg2[%mul3A_37] : memref<49152xf32, #tpu.memory_space<hbm>> -> memref<4096xf32, #tpu.memory_space<hbm>>
      tpu.enqueue_dma source(%dma_start3A_323 : memref<4096xf32, #tpu.memory_space<hbm>>) target(%arg7 : memref<4096xf32, #tpu.memory_space<vmem>>) target_semaphore(%run_scoped3A : memref<!tpu.dma_semaphore, #tpu.memory_space<semaphore_mem>>)
      %dma_wait3A = tpu.memref_slice %arg2[%mul3A_37] : memref<49152xf32, #tpu.memory_space<hbm>> -> memref<4096xf32, #tpu.memory_space<hbm>>
      %dma_wait3A_324 = tpu.memref_slice %arg2[%mul3A_37] : memref<49152xf32, #tpu.memory_space<hbm>> -> memref<4096xf32, #tpu.memory_space<hbm>>
      tpu.wait_dma2 semaphore(%run_scoped3A : memref<!tpu.dma_semaphore, #tpu.memory_space<semaphore_mem>>) src(%dma_wait3A_324 : memref<4096xf32, #tpu.memory_space<hbm>>) dst(%arg7 : memref<4096xf32, #tpu.memory_space<vmem>>)
      tpu.yield
    }) : () -> ()
    %add3A_45 = arith.constant 4096 : i32
    %add3A_46 = arith.addi %mul3A_37, %add3A_45 : i32
    "tpu.region"() ({
      %run_scoped3A = tpu.sem_alloc : memref<!tpu.dma_semaphore, #tpu.memory_space<semaphore_mem>>
      %dma_start3A = tpu.memref_slice %arg2[%add3A_46] : memref<49152xf32, #tpu.memory_space<hbm>> -> memref<4096xf32, #tpu.memory_space<hbm>>
      %dma_start3A_323 = tpu.memref_slice %arg2[%add3A_46] : memref<49152xf32, #tpu.memory_space<hbm>> -> memref<4096xf32, #tpu.memory_space<hbm>>
      tpu.enqueue_dma source(%dma_start3A_323 : memref<4096xf32, #tpu.memory_space<hbm>>) target(%arg8 : memref<4096xf32, #tpu.memory_space<vmem>>) target_semaphore(%run_scoped3A : memref<!tpu.dma_semaphore, #tpu.memory_space<semaphore_mem>>)
      %dma_wait3A = tpu.memref_slice %arg2[%add3A_46] : memref<49152xf32, #tpu.memory_space<hbm>> -> memref<4096xf32, #tpu.memory_space<hbm>>
      %dma_wait3A_324 = tpu.memref_slice %arg2[%add3A_46] : memref<49152xf32, #tpu.memory_space<hbm>> -> memref<4096xf32, #tpu.memory_space<hbm>>
      tpu.wait_dma2 semaphore(%run_scoped3A : memref<!tpu.dma_semaphore, #tpu.memory_space<semaphore_mem>>) src(%dma_wait3A_324 : memref<4096xf32, #tpu.memory_space<hbm>>) dst(%arg8 : memref<4096xf32, #tpu.memory_space<vmem>>)
      tpu.yield
    }) : () -> ()
    %add3A_47 = arith.constant 8192 : i32
    %add3A_48 = arith.addi %mul3A_37, %add3A_47 : i32
    "tpu.region"() ({
      %run_scoped3A = tpu.sem_alloc : memref<!tpu.dma_semaphore, #tpu.memory_space<semaphore_mem>>
      %dma_start3A = tpu.memref_slice %arg2[%add3A_48] : memref<49152xf32, #tpu.memory_space<hbm>> -> memref<4096xf32, #tpu.memory_space<hbm>>
      %dma_start3A_323 = tpu.memref_slice %arg2[%add3A_48] : memref<49152xf32, #tpu.memory_space<hbm>> -> memref<4096xf32, #tpu.memory_space<hbm>>
      tpu.enqueue_dma source(%dma_start3A_323 : memref<4096xf32, #tpu.memory_space<hbm>>) target(%arg9 : memref<4096xf32, #tpu.memory_space<vmem>>) target_semaphore(%run_scoped3A : memref<!tpu.dma_semaphore, #tpu.memory_space<semaphore_mem>>)
      %dma_wait3A = tpu.memref_slice %arg2[%add3A_48] : memref<49152xf32, #tpu.memory_space<hbm>> -> memref<4096xf32, #tpu.memory_space<hbm>>
      %dma_wait3A_324 = tpu.memref_slice %arg2[%add3A_48] : memref<49152xf32, #tpu.memory_space<hbm>> -> memref<4096xf32, #tpu.memory_space<hbm>>
      tpu.wait_dma2 semaphore(%run_scoped3A : memref<!tpu.dma_semaphore, #tpu.memory_space<semaphore_mem>>) src(%dma_wait3A_324 : memref<4096xf32, #tpu.memory_space<hbm>>) dst(%arg9 : memref<4096xf32, #tpu.memory_space<vmem>>)
      tpu.yield
    }) : () -> ()
    %broadcast_in_dim3A = arith.constant 0.000000e+00 : f32
    %broadcast_in_dim3A_49 = vector.broadcast %broadcast_in_dim3A : f32 to vector<16xf32>
    %broadcast_in_dim3A_50 = arith.constant 3.000000e+38 : f32
    %broadcast_in_dim3A_51 = vector.broadcast %broadcast_in_dim3A_50 : f32 to vector<16xf32>
    %get3A = arith.constant 0 : index
    %get3A_52 = tpu.vector_load %arg4[%get3A] {strides = array<i32>} : memref<128xf32, #tpu.memory_space<vmem>>, vector<16xf32>,
    %get3A_53 = vector.shape_cast %get3A_52 : vector<16xf32> to vector<16xf32>
    %get3A_54 = arith.constant 0 : index
    %get3A_55 = tpu.vector_load %arg5[%get3A_54] {strides = array<i32>} : memref<128xf32, #tpu.memory_space<vmem>>, vector<16xf32>,
    %get3A_56 = vector.shape_cast %get3A_55 : vector<16xf32> to vector<16xf32>
    %get3A_57 = arith.constant 0 : index
    %get3A_58 = tpu.vector_load %arg6[%get3A_57] {strides = array<i32>} : memref<128xf32, #tpu.memory_space<vmem>>, vector<16xf32>,
    %get3A_59 = vector.shape_cast %get3A_58 : vector<16xf32> to vector<16xf32>
    %get3A_60 = arith.constant 16 : index
    %get3A_61 = tpu.vector_load %arg4[%get3A_60] {strides = array<i32>} : memref<128xf32, #tpu.memory_space<vmem>>, vector<16xf32>,
    %get3A_62 = vector.shape_cast %get3A_61 : vector<16xf32> to vector<16xf32>
    %get3A_63 = arith.constant 16 : index
    %get3A_64 = tpu.vector_load %arg5[%get3A_63] {strides = array<i32>} : memref<128xf32, #tpu.memory_space<vmem>>, vector<16xf32>,
    %get3A_65 = vector.shape_cast %get3A_64 : vector<16xf32> to vector<16xf32>
    %get3A_66 = arith.constant 16 : index
    %get3A_67 = tpu.vector_load %arg6[%get3A_66] {strides = array<i32>} : memref<128xf32, #tpu.memory_space<vmem>>, vector<16xf32>,
    %get3A_68 = vector.shape_cast %get3A_67 : vector<16xf32> to vector<16xf32>
    %get3A_69 = arith.constant 32 : index
    %get3A_70 = tpu.vector_load %arg4[%get3A_69] {strides = array<i32>} : memref<128xf32, #tpu.memory_space<vmem>>, vector<16xf32>,
    %get3A_71 = vector.shape_cast %get3A_70 : vector<16xf32> to vector<16xf32>
    %get3A_72 = arith.constant 32 : index
    %get3A_73 = tpu.vector_load %arg5[%get3A_72] {strides = array<i32>} : memref<128xf32, #tpu.memory_space<vmem>>, vector<16xf32>,
    %get3A_74 = vector.shape_cast %get3A_73 : vector<16xf32> to vector<16xf32>
    %get3A_75 = arith.constant 32 : index
    %get3A_76 = tpu.vector_load %arg6[%get3A_75] {strides = array<i32>} : memref<128xf32, #tpu.memory_space<vmem>>, vector<16xf32>,
    %get3A_77 = vector.shape_cast %get3A_76 : vector<16xf32> to vector<16xf32>
    %get3A_78 = arith.constant 48 : index
    %get3A_79 = tpu.vector_load %arg4[%get3A_78] {strides = array<i32>} : memref<128xf32, #tpu.memory_space<vmem>>, vector<16xf32>,
    %get3A_80 = vector.shape_cast %get3A_79 : vector<16xf32> to vector<16xf32>
    %get3A_81 = arith.constant 48 : index
    %get3A_82 = tpu.vector_load %arg5[%get3A_81] {strides = array<i32>} : memref<128xf32, #tpu.memory_space<vmem>>, vector<16xf32>,
    %get3A_83 = vector.shape_cast %get3A_82 : vector<16xf32> to vector<16xf32>
    %get3A_84 = arith.constant 48 : index
    %get3A_85 = tpu.vector_load %arg6[%get3A_84] {strides = array<i32>} : memref<128xf32, #tpu.memory_space<vmem>>, vector<16xf32>,
    %get3A_86 = vector.shape_cast %get3A_85 : vector<16xf32> to vector<16xf32>
    %get3A_87 = arith.constant 64 : index
    %get3A_88 = tpu.vector_load %arg4[%get3A_87] {strides = array<i32>} : memref<128xf32, #tpu.memory_space<vmem>>, vector<16xf32>,
    %get3A_89 = vector.shape_cast %get3A_88 : vector<16xf32> to vector<16xf32>
    %get3A_90 = arith.constant 64 : index
    %get3A_91 = tpu.vector_load %arg5[%get3A_90] {strides = array<i32>} : memref<128xf32, #tpu.memory_space<vmem>>, vector<16xf32>,
    %get3A_92 = vector.shape_cast %get3A_91 : vector<16xf32> to vector<16xf32>
    %get3A_93 = arith.constant 64 : index
    %get3A_94 = tpu.vector_load %arg6[%get3A_93] {strides = array<i32>} : memref<128xf32, #tpu.memory_space<vmem>>, vector<16xf32>,
    %get3A_95 = vector.shape_cast %get3A_94 : vector<16xf32> to vector<16xf32>
    %get3A_96 = arith.constant 80 : index
    %get3A_97 = tpu.vector_load %arg4[%get3A_96] {strides = array<i32>} : memref<128xf32, #tpu.memory_space<vmem>>, vector<16xf32>,
    %get3A_98 = vector.shape_cast %get3A_97 : vector<16xf32> to vector<16xf32>
    %get3A_99 = arith.constant 80 : index
    %get3A_100 = tpu.vector_load %arg5[%get3A_99] {strides = array<i32>} : memref<128xf32, #tpu.memory_space<vmem>>, vector<16xf32>,
    %get3A_101 = vector.shape_cast %get3A_100 : vector<16xf32> to vector<16xf32>
    %get3A_102 = arith.constant 80 : index
    %get3A_103 = tpu.vector_load %arg6[%get3A_102] {strides = array<i32>} : memref<128xf32, #tpu.memory_space<vmem>>, vector<16xf32>,
    %get3A_104 = vector.shape_cast %get3A_103 : vector<16xf32> to vector<16xf32>
    %get3A_105 = arith.constant 96 : index
    %get3A_106 = tpu.vector_load %arg4[%get3A_105] {strides = array<i32>} : memref<128xf32, #tpu.memory_space<vmem>>, vector<16xf32>,
    %get3A_107 = vector.shape_cast %get3A_106 : vector<16xf32> to vector<16xf32>
    %get3A_108 = arith.constant 96 : index
    %get3A_109 = tpu.vector_load %arg5[%get3A_108] {strides = array<i32>} : memref<128xf32, #tpu.memory_space<vmem>>, vector<16xf32>,
    %get3A_110 = vector.shape_cast %get3A_109 : vector<16xf32> to vector<16xf32>
    %get3A_111 = arith.constant 96 : index
    %get3A_112 = tpu.vector_load %arg6[%get3A_111] {strides = array<i32>} : memref<128xf32, #tpu.memory_space<vmem>>, vector<16xf32>,
    %get3A_113 = vector.shape_cast %get3A_112 : vector<16xf32> to vector<16xf32>
    %get3A_114 = arith.constant 112 : index
    %get3A_115 = tpu.vector_load %arg4[%get3A_114] {strides = array<i32>} : memref<128xf32, #tpu.memory_space<vmem>>, vector<16xf32>,
    %get3A_116 = vector.shape_cast %get3A_115 : vector<16xf32> to vector<16xf32>
    %get3A_117 = arith.constant 112 : index
    %get3A_118 = tpu.vector_load %arg5[%get3A_117] {strides = array<i32>} : memref<128xf32, #tpu.memory_space<vmem>>, vector<16xf32>,
    %get3A_119 = vector.shape_cast %get3A_118 : vector<16xf32> to vector<16xf32>
    %get3A_120 = arith.constant 112 : index
    %get3A_121 = tpu.vector_load %arg6[%get3A_120] {strides = array<i32>} : memref<128xf32, #tpu.memory_space<vmem>>, vector<16xf32>,
    %get3A_122 = vector.shape_cast %get3A_121 : vector<16xf32> to vector<16xf32>
    %scan3A = arith.constant 0 : i32
    %scan3A_123 = arith.constant 256 : i32
    %scan3A_124 = arith.addi %scan3A, %scan3A_123 : i32
    %scan3A_125 = arith.constant 2 : i32
    %scan3A_126:8 = scf.for %scan3A_323 = %scan3A to %scan3A_124 step %scan3A_125 iter_args(%scan3A_324 = %broadcast_in_dim3A_51, %scan3A_325 = %broadcast_in_dim3A_51, %scan3A_326 = %broadcast_in_dim3A_51, %scan3A_327 = %broadcast_in_dim3A_51, %scan3A_328 = %broadcast_in_dim3A_51, %scan3A_329 = %broadcast_in_dim3A_51, %scan3A_330 = %broadcast_in_dim3A_51, %scan3A_331 = %broadcast_in_dim3A_51) -> (vector<16xf32>, vector<16xf32>, vector<16xf32>, vector<16xf32>, vector<16xf32>, vector<16xf32>, vector<16xf32>, vector<16xf32>)  : i32 {
      %mul3A_332 = arith.constant 16 : i32
      %mul3A_333 = arith.muli %scan3A_323, %mul3A_332 : i32
      %get3A_334 = arith.index_cast %mul3A_333 : i32 to index
      %get3A_335 = tpu.vector_load %arg7[%get3A_334] {strides = array<i32>} : memref<4096xf32, #tpu.memory_space<vmem>>, vector<16xf32>,
      %get3A_336 = vector.shape_cast %get3A_335 : vector<16xf32> to vector<16xf32>
      %get3A_337 = arith.index_cast %mul3A_333 : i32 to index
      %get3A_338 = tpu.vector_load %arg8[%get3A_337] {strides = array<i32>} : memref<4096xf32, #tpu.memory_space<vmem>>, vector<16xf32>,
      %get3A_339 = vector.shape_cast %get3A_338 : vector<16xf32> to vector<16xf32>
      %get3A_340 = arith.index_cast %mul3A_333 : i32 to index
      %get3A_341 = tpu.vector_load %arg9[%get3A_340] {strides = array<i32>} : memref<4096xf32, #tpu.memory_space<vmem>>, vector<16xf32>,
      %get3A_342 = vector.shape_cast %get3A_341 : vector<16xf32> to vector<16xf32>
      %slice3A = vector.extract_strided_slice %get3A_336 {offsets = [0], sizes = [1], strides = [1]} : vector<16xf32> to vector<1xf32>
      %squeeze3A = vector.extract %slice3A[0] : f32 from vector<1xf32>
      %slice3A_343 = vector.extract_strided_slice %get3A_339 {offsets = [0], sizes = [1], strides = [1]} : vector<16xf32> to vector<1xf32>
      %squeeze3A_344 = vector.extract %slice3A_343[0] : f32 from vector<1xf32>
      %slice3A_345 = vector.extract_strided_slice %get3A_342 {offsets = [0], sizes = [1], strides = [1]} : vector<16xf32> to vector<1xf32>
      %squeeze3A_346 = vector.extract %slice3A_345[0] : f32 from vector<1xf32>
      %sub3A_347 = vector.broadcast %squeeze3A : f32 to vector<16xf32>
      %sub3A_348 = arith.subf %get3A_53, %sub3A_347 : vector<16xf32>
      %sub3A_349 = vector.broadcast %squeeze3A_344 : f32 to vector<16xf32>
      %sub3A_350 = arith.subf %get3A_56, %sub3A_349 : vector<16xf32>
      %sub3A_351 = vector.broadcast %squeeze3A_346 : f32 to vector<16xf32>
      %sub3A_352 = arith.subf %get3A_59, %sub3A_351 : vector<16xf32>
      %mul3A_353 = arith.mulf %sub3A_348, %sub3A_348 : vector<16xf32>
      %mul3A_354 = arith.mulf %sub3A_350, %sub3A_350 : vector<16xf32>
      %add3A_355 = arith.addf %mul3A_353, %mul3A_354 : vector<16xf32>
      %mul3A_356 = arith.mulf %sub3A_352, %sub3A_352 : vector<16xf32>
      %add3A_357 = arith.addf %add3A_355, %mul3A_356 : vector<16xf32>
      %min3A = arith.minimumf %scan3A_324, %add3A_357 : vector<16xf32>
      %sub3A_358 = vector.broadcast %squeeze3A : f32 to vector<16xf32>
      %sub3A_359 = arith.subf %get3A_62, %sub3A_358 : vector<16xf32>
      %sub3A_360 = vector.broadcast %squeeze3A_344 : f32 to vector<16xf32>
      %sub3A_361 = arith.subf %get3A_65, %sub3A_360 : vector<16xf32>
      %sub3A_362 = vector.broadcast %squeeze3A_346 : f32 to vector<16xf32>
      %sub3A_363 = arith.subf %get3A_68, %sub3A_362 : vector<16xf32>
      %mul3A_364 = arith.mulf %sub3A_359, %sub3A_359 : vector<16xf32>
      %mul3A_365 = arith.mulf %sub3A_361, %sub3A_361 : vector<16xf32>
      %add3A_366 = arith.addf %mul3A_364, %mul3A_365 : vector<16xf32>
      %mul3A_367 = arith.mulf %sub3A_363, %sub3A_363 : vector<16xf32>
      %add3A_368 = arith.addf %add3A_366, %mul3A_367 : vector<16xf32>
      %min3A_369 = arith.minimumf %scan3A_325, %add3A_368 : vector<16xf32>
      %sub3A_370 = vector.broadcast %squeeze3A : f32 to vector<16xf32>
      %sub3A_371 = arith.subf %get3A_71, %sub3A_370 : vector<16xf32>
      %sub3A_372 = vector.broadcast %squeeze3A_344 : f32 to vector<16xf32>
      %sub3A_373 = arith.subf %get3A_74, %sub3A_372 : vector<16xf32>
      %sub3A_374 = vector.broadcast %squeeze3A_346 : f32 to vector<16xf32>
      %sub3A_375 = arith.subf %get3A_77, %sub3A_374 : vector<16xf32>
      %mul3A_376 = arith.mulf %sub3A_371, %sub3A_371 : vector<16xf32>
      %mul3A_377 = arith.mulf %sub3A_373, %sub3A_373 : vector<16xf32>
      %add3A_378 = arith.addf %mul3A_376, %mul3A_377 : vector<16xf32>
      %mul3A_379 = arith.mulf %sub3A_375, %sub3A_375 : vector<16xf32>
      %add3A_380 = arith.addf %add3A_378, %mul3A_379 : vector<16xf32>
      %min3A_381 = arith.minimumf %scan3A_326, %add3A_380 : vector<16xf32>
      %sub3A_382 = vector.broadcast %squeeze3A : f32 to vector<16xf32>
      %sub3A_383 = arith.subf %get3A_80, %sub3A_382 : vector<16xf32>
      %sub3A_384 = vector.broadcast %squeeze3A_344 : f32 to vector<16xf32>
      %sub3A_385 = arith.subf %get3A_83, %sub3A_384 : vector<16xf32>
      %sub3A_386 = vector.broadcast %squeeze3A_346 : f32 to vector<16xf32>
      %sub3A_387 = arith.subf %get3A_86, %sub3A_386 : vector<16xf32>
      %mul3A_388 = arith.mulf %sub3A_383, %sub3A_383 : vector<16xf32>
      %mul3A_389 = arith.mulf %sub3A_385, %sub3A_385 : vector<16xf32>
      %add3A_390 = arith.addf %mul3A_388, %mul3A_389 : vector<16xf32>
      %mul3A_391 = arith.mulf %sub3A_387, %sub3A_387 : vector<16xf32>
      %add3A_392 = arith.addf %add3A_390, %mul3A_391 : vector<16xf32>
      %min3A_393 = arith.minimumf %scan3A_327, %add3A_392 : vector<16xf32>
      %sub3A_394 = vector.broadcast %squeeze3A : f32 to vector<16xf32>
      %sub3A_395 = arith.subf %get3A_89, %sub3A_394 : vector<16xf32>
      %sub3A_396 = vector.broadcast %squeeze3A_344 : f32 to vector<16xf32>
      %sub3A_397 = arith.subf %get3A_92, %sub3A_396 : vector<16xf32>
      %sub3A_398 = vector.broadcast %squeeze3A_346 : f32 to vector<16xf32>
      %sub3A_399 = arith.subf %get3A_95, %sub3A_398 : vector<16xf32>
      %mul3A_400 = arith.mulf %sub3A_395, %sub3A_395 : vector<16xf32>
      %mul3A_401 = arith.mulf %sub3A_397, %sub3A_397 : vector<16xf32>
      %add3A_402 = arith.addf %mul3A_400, %mul3A_401 : vector<16xf32>
      %mul3A_403 = arith.mulf %sub3A_399, %sub3A_399 : vector<16xf32>
      %add3A_404 = arith.addf %add3A_402, %mul3A_403 : vector<16xf32>
      %min3A_405 = arith.minimumf %scan3A_328, %add3A_404 : vector<16xf32>
      %sub3A_406 = vector.broadcast %squeeze3A : f32 to vector<16xf32>
      %sub3A_407 = arith.subf %get3A_98, %sub3A_406 : vector<16xf32>
      %sub3A_408 = vector.broadcast %squeeze3A_344 : f32 to vector<16xf32>
      %sub3A_409 = arith.subf %get3A_101, %sub3A_408 : vector<16xf32>
      %sub3A_410 = vector.broadcast %squeeze3A_346 : f32 to vector<16xf32>
      %sub3A_411 = arith.subf %get3A_104, %sub3A_410 : vector<16xf32>
      %mul3A_412 = arith.mulf %sub3A_407, %sub3A_407 : vector<16xf32>
      %mul3A_413 = arith.mulf %sub3A_409, %sub3A_409 : vector<16xf32>
      %add3A_414 = arith.addf %mul3A_412, %mul3A_413 : vector<16xf32>
      %mul3A_415 = arith.mulf %sub3A_411, %sub3A_411 : vector<16xf32>
      %add3A_416 = arith.addf %add3A_414, %mul3A_415 : vector<16xf32>
      %min3A_417 = arith.minimumf %scan3A_329, %add3A_416 : vector<16xf32>
      %sub3A_418 = vector.broadcast %squeeze3A : f32 to vector<16xf32>
      %sub3A_419 = arith.subf %get3A_107, %sub3A_418 : vector<16xf32>
      %sub3A_420 = vector.broadcast %squeeze3A_344 : f32 to vector<16xf32>
      %sub3A_421 = arith.subf %get3A_110, %sub3A_420 : vector<16xf32>
      %sub3A_422 = vector.broadcast %squeeze3A_346 : f32 to vector<16xf32>
      %sub3A_423 = arith.subf %get3A_113, %sub3A_422 : vector<16xf32>
      %mul3A_424 = arith.mulf %sub3A_419, %sub3A_419 : vector<16xf32>
      %mul3A_425 = arith.mulf %sub3A_421, %sub3A_421 : vector<16xf32>
      %add3A_426 = arith.addf %mul3A_424, %mul3A_425 : vector<16xf32>
      %mul3A_427 = arith.mulf %sub3A_423, %sub3A_423 : vector<16xf32>
      %add3A_428 = arith.addf %add3A_426, %mul3A_427 : vector<16xf32>
      %min3A_429 = arith.minimumf %scan3A_330, %add3A_428 : vector<16xf32>
      %sub3A_430 = vector.broadcast %squeeze3A : f32 to vector<16xf32>
      %sub3A_431 = arith.subf %get3A_116, %sub3A_430 : vector<16xf32>
      %sub3A_432 = vector.broadcast %squeeze3A_344 : f32 to vector<16xf32>
      %sub3A_433 = arith.subf %get3A_119, %sub3A_432 : vector<16xf32>
      %sub3A_434 = vector.broadcast %squeeze3A_346 : f32 to vector<16xf32>
      %sub3A_435 = arith.subf %get3A_122, %sub3A_434 : vector<16xf32>
      %mul3A_436 = arith.mulf %sub3A_431, %sub3A_431 : vector<16xf32>
      %mul3A_437 = arith.mulf %sub3A_433, %sub3A_433 : vector<16xf32>
      %add3A_438 = arith.addf %mul3A_436, %mul3A_437 : vector<16xf32>
      %mul3A_439 = arith.mulf %sub3A_435, %sub3A_435 : vector<16xf32>
      %add3A_440 = arith.addf %add3A_438, %mul3A_439 : vector<16xf32>
      %min3A_441 = arith.minimumf %scan3A_331, %add3A_440 : vector<16xf32>
      %slice3A_442 = vector.extract_strided_slice %get3A_336 {offsets = [1], sizes = [1], strides = [1]} : vector<16xf32> to vector<1xf32>
      %squeeze3A_443 = vector.extract %slice3A_442[0] : f32 from vector<1xf32>
      %slice3A_444 = vector.extract_strided_slice %get3A_339 {offsets = [1], sizes = [1], strides = [1]} : vector<16xf32> to vector<1xf32>
      %squeeze3A_445 = vector.extract %slice3A_444[0] : f32 from vector<1xf32>
      %slice3A_446 = vector.extract_strided_slice %get3A_342 {offsets = [1], sizes = [1], strides = [1]} : vector<16xf32> to vector<1xf32>
      %squeeze3A_447 = vector.extract %slice3A_446[0] : f32 from vector<1xf32>
      %sub3A_448 = vector.broadcast %squeeze3A_443 : f32 to vector<16xf32>
      %sub3A_449 = arith.subf %get3A_53, %sub3A_448 : vector<16xf32>
      %sub3A_450 = vector.broadcast %squeeze3A_445 : f32 to vector<16xf32>
      %sub3A_451 = arith.subf %get3A_56, %sub3A_450 : vector<16xf32>
      %sub3A_452 = vector.broadcast %squeeze3A_447 : f32 to vector<16xf32>
      %sub3A_453 = arith.subf %get3A_59, %sub3A_452 : vector<16xf32>
      %mul3A_454 = arith.mulf %sub3A_449, %sub3A_449 : vector<16xf32>
      %mul3A_455 = arith.mulf %sub3A_451, %sub3A_451 : vector<16xf32>
      %add3A_456 = arith.addf %mul3A_454, %mul3A_455 : vector<16xf32>
      %mul3A_457 = arith.mulf %sub3A_453, %sub3A_453 : vector<16xf32>
      %add3A_458 = arith.addf %add3A_456, %mul3A_457 : vector<16xf32>
      %min3A_459 = arith.minimumf %min3A, %add3A_458 : vector<16xf32>
      %sub3A_460 = vector.broadcast %squeeze3A_443 : f32 to vector<16xf32>
      %sub3A_461 = arith.subf %get3A_62, %sub3A_460 : vector<16xf32>
      %sub3A_462 = vector.broadcast %squeeze3A_445 : f32 to vector<16xf32>
      %sub3A_463 = arith.subf %get3A_65, %sub3A_462 : vector<16xf32>
      %sub3A_464 = vector.broadcast %squeeze3A_447 : f32 to vector<16xf32>
      %sub3A_465 = arith.subf %get3A_68, %sub3A_464 : vector<16xf32>
      %mul3A_466 = arith.mulf %sub3A_461, %sub3A_461 : vector<16xf32>
      %mul3A_467 = arith.mulf %sub3A_463, %sub3A_463 : vector<16xf32>
      %add3A_468 = arith.addf %mul3A_466, %mul3A_467 : vector<16xf32>
      %mul3A_469 = arith.mulf %sub3A_465, %sub3A_465 : vector<16xf32>
      %add3A_470 = arith.addf %add3A_468, %mul3A_469 : vector<16xf32>
      %min3A_471 = arith.minimumf %min3A_369, %add3A_470 : vector<16xf32>
      %sub3A_472 = vector.broadcast %squeeze3A_443 : f32 to vector<16xf32>
      %sub3A_473 = arith.subf %get3A_71, %sub3A_472 : vector<16xf32>
      %sub3A_474 = vector.broadcast %squeeze3A_445 : f32 to vector<16xf32>
      %sub3A_475 = arith.subf %get3A_74, %sub3A_474 : vector<16xf32>
      %sub3A_476 = vector.broadcast %squeeze3A_447 : f32 to vector<16xf32>
      %sub3A_477 = arith.subf %get3A_77, %sub3A_476 : vector<16xf32>
      %mul3A_478 = arith.mulf %sub3A_473, %sub3A_473 : vector<16xf32>
      %mul3A_479 = arith.mulf %sub3A_475, %sub3A_475 : vector<16xf32>
      %add3A_480 = arith.addf %mul3A_478, %mul3A_479 : vector<16xf32>
      %mul3A_481 = arith.mulf %sub3A_477, %sub3A_477 : vector<16xf32>
      %add3A_482 = arith.addf %add3A_480, %mul3A_481 : vector<16xf32>
      %min3A_483 = arith.minimumf %min3A_381, %add3A_482 : vector<16xf32>
      %sub3A_484 = vector.broadcast %squeeze3A_443 : f32 to vector<16xf32>
      %sub3A_485 = arith.subf %get3A_80, %sub3A_484 : vector<16xf32>
      %sub3A_486 = vector.broadcast %squeeze3A_445 : f32 to vector<16xf32>
      %sub3A_487 = arith.subf %get3A_83, %sub3A_486 : vector<16xf32>
      %sub3A_488 = vector.broadcast %squeeze3A_447 : f32 to vector<16xf32>
      %sub3A_489 = arith.subf %get3A_86, %sub3A_488 : vector<16xf32>
      %mul3A_490 = arith.mulf %sub3A_485, %sub3A_485 : vector<16xf32>
      %mul3A_491 = arith.mulf %sub3A_487, %sub3A_487 : vector<16xf32>
      %add3A_492 = arith.addf %mul3A_490, %mul3A_491 : vector<16xf32>
      %mul3A_493 = arith.mulf %sub3A_489, %sub3A_489 : vector<16xf32>
      %add3A_494 = arith.addf %add3A_492, %mul3A_493 : vector<16xf32>
      %min3A_495 = arith.minimumf %min3A_393, %add3A_494 : vector<16xf32>
      %sub3A_496 = vector.broadcast %squeeze3A_443 : f32 to vector<16xf32>
      %sub3A_497 = arith.subf %get3A_89, %sub3A_496 : vector<16xf32>
      %sub3A_498 = vector.broadcast %squeeze3A_445 : f32 to vector<16xf32>
      %sub3A_499 = arith.subf %get3A_92, %sub3A_498 : vector<16xf32>
      %sub3A_500 = vector.broadcast %squeeze3A_447 : f32 to vector<16xf32>
      %sub3A_501 = arith.subf %get3A_95, %sub3A_500 : vector<16xf32>
      %mul3A_502 = arith.mulf %sub3A_497, %sub3A_497 : vector<16xf32>
      %mul3A_503 = arith.mulf %sub3A_499, %sub3A_499 : vector<16xf32>
      %add3A_504 = arith.addf %mul3A_502, %mul3A_503 : vector<16xf32>
      %mul3A_505 = arith.mulf %sub3A_501, %sub3A_501 : vector<16xf32>
      %add3A_506 = arith.addf %add3A_504, %mul3A_505 : vector<16xf32>
      %min3A_507 = arith.minimumf %min3A_405, %add3A_506 : vector<16xf32>
      %sub3A_508 = vector.broadcast %squeeze3A_443 : f32 to vector<16xf32>
      %sub3A_509 = arith.subf %get3A_98, %sub3A_508 : vector<16xf32>
      %sub3A_510 = vector.broadcast %squeeze3A_445 : f32 to vector<16xf32>
      %sub3A_511 = arith.subf %get3A_101, %sub3A_510 : vector<16xf32>
      %sub3A_512 = vector.broadcast %squeeze3A_447 : f32 to vector<16xf32>
      %sub3A_513 = arith.subf %get3A_104, %sub3A_512 : vector<16xf32>
      %mul3A_514 = arith.mulf %sub3A_509, %sub3A_509 : vector<16xf32>
      %mul3A_515 = arith.mulf %sub3A_511, %sub3A_511 : vector<16xf32>
      %add3A_516 = arith.addf %mul3A_514, %mul3A_515 : vector<16xf32>
      %mul3A_517 = arith.mulf %sub3A_513, %sub3A_513 : vector<16xf32>
      %add3A_518 = arith.addf %add3A_516, %mul3A_517 : vector<16xf32>
      %min3A_519 = arith.minimumf %min3A_417, %add3A_518 : vector<16xf32>
      %sub3A_520 = vector.broadcast %squeeze3A_443 : f32 to vector<16xf32>
      %sub3A_521 = arith.subf %get3A_107, %sub3A_520 : vector<16xf32>
      %sub3A_522 = vector.broadcast %squeeze3A_445 : f32 to vector<16xf32>
      %sub3A_523 = arith.subf %get3A_110, %sub3A_522 : vector<16xf32>
      %sub3A_524 = vector.broadcast %squeeze3A_447 : f32 to vector<16xf32>
      %sub3A_525 = arith.subf %get3A_113, %sub3A_524 : vector<16xf32>
      %mul3A_526 = arith.mulf %sub3A_521, %sub3A_521 : vector<16xf32>
      %mul3A_527 = arith.mulf %sub3A_523, %sub3A_523 : vector<16xf32>
      %add3A_528 = arith.addf %mul3A_526, %mul3A_527 : vector<16xf32>
      %mul3A_529 = arith.mulf %sub3A_525, %sub3A_525 : vector<16xf32>
      %add3A_530 = arith.addf %add3A_528, %mul3A_529 : vector<16xf32>
      %min3A_531 = arith.minimumf %min3A_429, %add3A_530 : vector<16xf32>
      %sub3A_532 = vector.broadcast %squeeze3A_443 : f32 to vector<16xf32>
      %sub3A_533 = arith.subf %get3A_116, %sub3A_532 : vector<16xf32>
      %sub3A_534 = vector.broadcast %squeeze3A_445 : f32 to vector<16xf32>
      %sub3A_535 = arith.subf %get3A_119, %sub3A_534 : vector<16xf32>
      %sub3A_536 = vector.broadcast %squeeze3A_447 : f32 to vector<16xf32>
      %sub3A_537 = arith.subf %get3A_122, %sub3A_536 : vector<16xf32>
      %mul3A_538 = arith.mulf %sub3A_533, %sub3A_533 : vector<16xf32>
      %mul3A_539 = arith.mulf %sub3A_535, %sub3A_535 : vector<16xf32>
      %add3A_540 = arith.addf %mul3A_538, %mul3A_539 : vector<16xf32>
      %mul3A_541 = arith.mulf %sub3A_537, %sub3A_537 : vector<16xf32>
      %add3A_542 = arith.addf %add3A_540, %mul3A_541 : vector<16xf32>
      %min3A_543 = arith.minimumf %min3A_441, %add3A_542 : vector<16xf32>
      %slice3A_544 = vector.extract_strided_slice %get3A_336 {offsets = [2], sizes = [1], strides = [1]} : vector<16xf32> to vector<1xf32>
      %squeeze3A_545 = vector.extract %slice3A_544[0] : f32 from vector<1xf32>
      %slice3A_546 = vector.extract_strided_slice %get3A_339 {offsets = [2], sizes = [1], strides = [1]} : vector<16xf32> to vector<1xf32>
      %squeeze3A_547 = vector.extract %slice3A_546[0] : f32 from vector<1xf32>
      %slice3A_548 = vector.extract_strided_slice %get3A_342 {offsets = [2], sizes = [1], strides = [1]} : vector<16xf32> to vector<1xf32>
      %squeeze3A_549 = vector.extract %slice3A_548[0] : f32 from vector<1xf32>
      %sub3A_550 = vector.broadcast %squeeze3A_545 : f32 to vector<16xf32>
      %sub3A_551 = arith.subf %get3A_53, %sub3A_550 : vector<16xf32>
      %sub3A_552 = vector.broadcast %squeeze3A_547 : f32 to vector<16xf32>
      %sub3A_553 = arith.subf %get3A_56, %sub3A_552 : vector<16xf32>
      %sub3A_554 = vector.broadcast %squeeze3A_549 : f32 to vector<16xf32>
      %sub3A_555 = arith.subf %get3A_59, %sub3A_554 : vector<16xf32>
      %mul3A_556 = arith.mulf %sub3A_551, %sub3A_551 : vector<16xf32>
      %mul3A_557 = arith.mulf %sub3A_553, %sub3A_553 : vector<16xf32>
      %add3A_558 = arith.addf %mul3A_556, %mul3A_557 : vector<16xf32>
      %mul3A_559 = arith.mulf %sub3A_555, %sub3A_555 : vector<16xf32>
      %add3A_560 = arith.addf %add3A_558, %mul3A_559 : vector<16xf32>
      %min3A_561 = arith.minimumf %min3A_459, %add3A_560 : vector<16xf32>
      %sub3A_562 = vector.broadcast %squeeze3A_545 : f32 to vector<16xf32>
      %sub3A_563 = arith.subf %get3A_62, %sub3A_562 : vector<16xf32>
      %sub3A_564 = vector.broadcast %squeeze3A_547 : f32 to vector<16xf32>
      %sub3A_565 = arith.subf %get3A_65, %sub3A_564 : vector<16xf32>
      %sub3A_566 = vector.broadcast %squeeze3A_549 : f32 to vector<16xf32>
      %sub3A_567 = arith.subf %get3A_68, %sub3A_566 : vector<16xf32>
      %mul3A_568 = arith.mulf %sub3A_563, %sub3A_563 : vector<16xf32>
      %mul3A_569 = arith.mulf %sub3A_565, %sub3A_565 : vector<16xf32>
      %add3A_570 = arith.addf %mul3A_568, %mul3A_569 : vector<16xf32>
      %mul3A_571 = arith.mulf %sub3A_567, %sub3A_567 : vector<16xf32>
      %add3A_572 = arith.addf %add3A_570, %mul3A_571 : vector<16xf32>
      %min3A_573 = arith.minimumf %min3A_471, %add3A_572 : vector<16xf32>
      %sub3A_574 = vector.broadcast %squeeze3A_545 : f32 to vector<16xf32>
      %sub3A_575 = arith.subf %get3A_71, %sub3A_574 : vector<16xf32>
      %sub3A_576 = vector.broadcast %squeeze3A_547 : f32 to vector<16xf32>
      %sub3A_577 = arith.subf %get3A_74, %sub3A_576 : vector<16xf32>
      %sub3A_578 = vector.broadcast %squeeze3A_549 : f32 to vector<16xf32>
      %sub3A_579 = arith.subf %get3A_77, %sub3A_578 : vector<16xf32>
      %mul3A_580 = arith.mulf %sub3A_575, %sub3A_575 : vector<16xf32>
      %mul3A_581 = arith.mulf %sub3A_577, %sub3A_577 : vector<16xf32>
      %add3A_582 = arith.addf %mul3A_580, %mul3A_581 : vector<16xf32>
      %mul3A_583 = arith.mulf %sub3A_579, %sub3A_579 : vector<16xf32>
      %add3A_584 = arith.addf %add3A_582, %mul3A_583 : vector<16xf32>
      %min3A_585 = arith.minimumf %min3A_483, %add3A_584 : vector<16xf32>
      %sub3A_586 = vector.broadcast %squeeze3A_545 : f32 to vector<16xf32>
      %sub3A_587 = arith.subf %get3A_80, %sub3A_586 : vector<16xf32>
      %sub3A_588 = vector.broadcast %squeeze3A_547 : f32 to vector<16xf32>
      %sub3A_589 = arith.subf %get3A_83, %sub3A_588 : vector<16xf32>
      %sub3A_590 = vector.broadcast %squeeze3A_549 : f32 to vector<16xf32>
      %sub3A_591 = arith.subf %get3A_86, %sub3A_590 : vector<16xf32>
      %mul3A_592 = arith.mulf %sub3A_587, %sub3A_587 : vector<16xf32>
      %mul3A_593 = arith.mulf %sub3A_589, %sub3A_589 : vector<16xf32>
      %add3A_594 = arith.addf %mul3A_592, %mul3A_593 : vector<16xf32>
      %mul3A_595 = arith.mulf %sub3A_591, %sub3A_591 : vector<16xf32>
      %add3A_596 = arith.addf %add3A_594, %mul3A_595 : vector<16xf32>
      %min3A_597 = arith.minimumf %min3A_495, %add3A_596 : vector<16xf32>
      %sub3A_598 = vector.broadcast %squeeze3A_545 : f32 to vector<16xf32>
      %sub3A_599 = arith.subf %get3A_89, %sub3A_598 : vector<16xf32>
      %sub3A_600 = vector.broadcast %squeeze3A_547 : f32 to vector<16xf32>
      %sub3A_601 = arith.subf %get3A_92, %sub3A_600 : vector<16xf32>
      %sub3A_602 = vector.broadcast %squeeze3A_549 : f32 to vector<16xf32>
      %sub3A_603 = arith.subf %get3A_95, %sub3A_602 : vector<16xf32>
      %mul3A_604 = arith.mulf %sub3A_599, %sub3A_599 : vector<16xf32>
      %mul3A_605 = arith.mulf %sub3A_601, %sub3A_601 : vector<16xf32>
      %add3A_606 = arith.addf %mul3A_604, %mul3A_605 : vector<16xf32>
      %mul3A_607 = arith.mulf %sub3A_603, %sub3A_603 : vector<16xf32>
      %add3A_608 = arith.addf %add3A_606, %mul3A_607 : vector<16xf32>
      %min3A_609 = arith.minimumf %min3A_507, %add3A_608 : vector<16xf32>
      %sub3A_610 = vector.broadcast %squeeze3A_545 : f32 to vector<16xf32>
      %sub3A_611 = arith.subf %get3A_98, %sub3A_610 : vector<16xf32>
      %sub3A_612 = vector.broadcast %squeeze3A_547 : f32 to vector<16xf32>
      %sub3A_613 = arith.subf %get3A_101, %sub3A_612 : vector<16xf32>
      %sub3A_614 = vector.broadcast %squeeze3A_549 : f32 to vector<16xf32>
      %sub3A_615 = arith.subf %get3A_104, %sub3A_614 : vector<16xf32>
      %mul3A_616 = arith.mulf %sub3A_611, %sub3A_611 : vector<16xf32>
      %mul3A_617 = arith.mulf %sub3A_613, %sub3A_613 : vector<16xf32>
      %add3A_618 = arith.addf %mul3A_616, %mul3A_617 : vector<16xf32>
      %mul3A_619 = arith.mulf %sub3A_615, %sub3A_615 : vector<16xf32>
      %add3A_620 = arith.addf %add3A_618, %mul3A_619 : vector<16xf32>
      %min3A_621 = arith.minimumf %min3A_519, %add3A_620 : vector<16xf32>
      %sub3A_622 = vector.broadcast %squeeze3A_545 : f32 to vector<16xf32>
      %sub3A_623 = arith.subf %get3A_107, %sub3A_622 : vector<16xf32>
      %sub3A_624 = vector.broadcast %squeeze3A_547 : f32 to vector<16xf32>
      %sub3A_625 = arith.subf %get3A_110, %sub3A_624 : vector<16xf32>
      %sub3A_626 = vector.broadcast %squeeze3A_549 : f32 to vector<16xf32>
      %sub3A_627 = arith.subf %get3A_113, %sub3A_626 : vector<16xf32>
      %mul3A_628 = arith.mulf %sub3A_623, %sub3A_623 : vector<16xf32>
      %mul3A_629 = arith.mulf %sub3A_625, %sub3A_625 : vector<16xf32>
      %add3A_630 = arith.addf %mul3A_628, %mul3A_629 : vector<16xf32>
      %mul3A_631 = arith.mulf %sub3A_627, %sub3A_627 : vector<16xf32>
      %add3A_632 = arith.addf %add3A_630, %mul3A_631 : vector<16xf32>
      %min3A_633 = arith.minimumf %min3A_531, %add3A_632 : vector<16xf32>
      %sub3A_634 = vector.broadcast %squeeze3A_545 : f32 to vector<16xf32>
      %sub3A_635 = arith.subf %get3A_116, %sub3A_634 : vector<16xf32>
      %sub3A_636 = vector.broadcast %squeeze3A_547 : f32 to vector<16xf32>
      %sub3A_637 = arith.subf %get3A_119, %sub3A_636 : vector<16xf32>
      %sub3A_638 = vector.broadcast %squeeze3A_549 : f32 to vector<16xf32>
      %sub3A_639 = arith.subf %get3A_122, %sub3A_638 : vector<16xf32>
      %mul3A_640 = arith.mulf %sub3A_635, %sub3A_635 : vector<16xf32>
      %mul3A_641 = arith.mulf %sub3A_637, %sub3A_637 : vector<16xf32>
      %add3A_642 = arith.addf %mul3A_640, %mul3A_641 : vector<16xf32>
      %mul3A_643 = arith.mulf %sub3A_639, %sub3A_639 : vector<16xf32>
      %add3A_644 = arith.addf %add3A_642, %mul3A_643 : vector<16xf32>
      %min3A_645 = arith.minimumf %min3A_543, %add3A_644 : vector<16xf32>
      %slice3A_646 = vector.extract_strided_slice %get3A_336 {offsets = [3], sizes = [1], strides = [1]} : vector<16xf32> to vector<1xf32>
      %squeeze3A_647 = vector.extract %slice3A_646[0] : f32 from vector<1xf32>
      %slice3A_648 = vector.extract_strided_slice %get3A_339 {offsets = [3], sizes = [1], strides = [1]} : vector<16xf32> to vector<1xf32>
      %squeeze3A_649 = vector.extract %slice3A_648[0] : f32 from vector<1xf32>
      %slice3A_650 = vector.extract_strided_slice %get3A_342 {offsets = [3], sizes = [1], strides = [1]} : vector<16xf32> to vector<1xf32>
      %squeeze3A_651 = vector.extract %slice3A_650[0] : f32 from vector<1xf32>
      %sub3A_652 = vector.broadcast %squeeze3A_647 : f32 to vector<16xf32>
      %sub3A_653 = arith.subf %get3A_53, %sub3A_652 : vector<16xf32>
      %sub3A_654 = vector.broadcast %squeeze3A_649 : f32 to vector<16xf32>
      %sub3A_655 = arith.subf %get3A_56, %sub3A_654 : vector<16xf32>
      %sub3A_656 = vector.broadcast %squeeze3A_651 : f32 to vector<16xf32>
      %sub3A_657 = arith.subf %get3A_59, %sub3A_656 : vector<16xf32>
      %mul3A_658 = arith.mulf %sub3A_653, %sub3A_653 : vector<16xf32>
      %mul3A_659 = arith.mulf %sub3A_655, %sub3A_655 : vector<16xf32>
      %add3A_660 = arith.addf %mul3A_658, %mul3A_659 : vector<16xf32>
      %mul3A_661 = arith.mulf %sub3A_657, %sub3A_657 : vector<16xf32>
      %add3A_662 = arith.addf %add3A_660, %mul3A_661 : vector<16xf32>
      %min3A_663 = arith.minimumf %min3A_561, %add3A_662 : vector<16xf32>
      %sub3A_664 = vector.broadcast %squeeze3A_647 : f32 to vector<16xf32>
      %sub3A_665 = arith.subf %get3A_62, %sub3A_664 : vector<16xf32>
      %sub3A_666 = vector.broadcast %squeeze3A_649 : f32 to vector<16xf32>
      %sub3A_667 = arith.subf %get3A_65, %sub3A_666 : vector<16xf32>
      %sub3A_668 = vector.broadcast %squeeze3A_651 : f32 to vector<16xf32>
      %sub3A_669 = arith.subf %get3A_68, %sub3A_668 : vector<16xf32>
      %mul3A_670 = arith.mulf %sub3A_665, %sub3A_665 : vector<16xf32>
      %mul3A_671 = arith.mulf %sub3A_667, %sub3A_667 : vector<16xf32>
      %add3A_672 = arith.addf %mul3A_670, %mul3A_671 : vector<16xf32>
      %mul3A_673 = arith.mulf %sub3A_669, %sub3A_669 : vector<16xf32>
      %add3A_674 = arith.addf %add3A_672, %mul3A_673 : vector<16xf32>
      %min3A_675 = arith.minimumf %min3A_573, %add3A_674 : vector<16xf32>
      %sub3A_676 = vector.broadcast %squeeze3A_647 : f32 to vector<16xf32>
      %sub3A_677 = arith.subf %get3A_71, %sub3A_676 : vector<16xf32>
      %sub3A_678 = vector.broadcast %squeeze3A_649 : f32 to vector<16xf32>
      %sub3A_679 = arith.subf %get3A_74, %sub3A_678 : vector<16xf32>
      %sub3A_680 = vector.broadcast %squeeze3A_651 : f32 to vector<16xf32>
      %sub3A_681 = arith.subf %get3A_77, %sub3A_680 : vector<16xf32>
      %mul3A_682 = arith.mulf %sub3A_677, %sub3A_677 : vector<16xf32>
      %mul3A_683 = arith.mulf %sub3A_679, %sub3A_679 : vector<16xf32>
      %add3A_684 = arith.addf %mul3A_682, %mul3A_683 : vector<16xf32>
      %mul3A_685 = arith.mulf %sub3A_681, %sub3A_681 : vector<16xf32>
      %add3A_686 = arith.addf %add3A_684, %mul3A_685 : vector<16xf32>
      %min3A_687 = arith.minimumf %min3A_585, %add3A_686 : vector<16xf32>
      %sub3A_688 = vector.broadcast %squeeze3A_647 : f32 to vector<16xf32>
      %sub3A_689 = arith.subf %get3A_80, %sub3A_688 : vector<16xf32>
      %sub3A_690 = vector.broadcast %squeeze3A_649 : f32 to vector<16xf32>
      %sub3A_691 = arith.subf %get3A_83, %sub3A_690 : vector<16xf32>
      %sub3A_692 = vector.broadcast %squeeze3A_651 : f32 to vector<16xf32>
      %sub3A_693 = arith.subf %get3A_86, %sub3A_692 : vector<16xf32>
      %mul3A_694 = arith.mulf %sub3A_689, %sub3A_689 : vector<16xf32>
      %mul3A_695 = arith.mulf %sub3A_691, %sub3A_691 : vector<16xf32>
      %add3A_696 = arith.addf %mul3A_694, %mul3A_695 : vector<16xf32>
      %mul3A_697 = arith.mulf %sub3A_693, %sub3A_693 : vector<16xf32>
      %add3A_698 = arith.addf %add3A_696, %mul3A_697 : vector<16xf32>
      %min3A_699 = arith.minimumf %min3A_597, %add3A_698 : vector<16xf32>
      %sub3A_700 = vector.broadcast %squeeze3A_647 : f32 to vector<16xf32>
      %sub3A_701 = arith.subf %get3A_89, %sub3A_700 : vector<16xf32>
      %sub3A_702 = vector.broadcast %squeeze3A_649 : f32 to vector<16xf32>
      %sub3A_703 = arith.subf %get3A_92, %sub3A_702 : vector<16xf32>
      %sub3A_704 = vector.broadcast %squeeze3A_651 : f32 to vector<16xf32>
      %sub3A_705 = arith.subf %get3A_95, %sub3A_704 : vector<16xf32>
      %mul3A_706 = arith.mulf %sub3A_701, %sub3A_701 : vector<16xf32>
      %mul3A_707 = arith.mulf %sub3A_703, %sub3A_703 : vector<16xf32>
      %add3A_708 = arith.addf %mul3A_706, %mul3A_707 : vector<16xf32>
      %mul3A_709 = arith.mulf %sub3A_705, %sub3A_705 : vector<16xf32>
      %add3A_710 = arith.addf %add3A_708, %mul3A_709 : vector<16xf32>
      %min3A_711 = arith.minimumf %min3A_609, %add3A_710 : vector<16xf32>
      %sub3A_712 = vector.broadcast %squeeze3A_647 : f32 to vector<16xf32>
      %sub3A_713 = arith.subf %get3A_98, %sub3A_712 : vector<16xf32>
      %sub3A_714 = vector.broadcast %squeeze3A_649 : f32 to vector<16xf32>
      %sub3A_715 = arith.subf %get3A_101, %sub3A_714 : vector<16xf32>
      %sub3A_716 = vector.broadcast %squeeze3A_651 : f32 to vector<16xf32>
      %sub3A_717 = arith.subf %get3A_104, %sub3A_716 : vector<16xf32>
      %mul3A_718 = arith.mulf %sub3A_713, %sub3A_713 : vector<16xf32>
      %mul3A_719 = arith.mulf %sub3A_715, %sub3A_715 : vector<16xf32>
      %add3A_720 = arith.addf %mul3A_718, %mul3A_719 : vector<16xf32>
      %mul3A_721 = arith.mulf %sub3A_717, %sub3A_717 : vector<16xf32>
      %add3A_722 = arith.addf %add3A_720, %mul3A_721 : vector<16xf32>
      %min3A_723 = arith.minimumf %min3A_621, %add3A_722 : vector<16xf32>
      %sub3A_724 = vector.broadcast %squeeze3A_647 : f32 to vector<16xf32>
      %sub3A_725 = arith.subf %get3A_107, %sub3A_724 : vector<16xf32>
      %sub3A_726 = vector.broadcast %squeeze3A_649 : f32 to vector<16xf32>
      %sub3A_727 = arith.subf %get3A_110, %sub3A_726 : vector<16xf32>
      %sub3A_728 = vector.broadcast %squeeze3A_651 : f32 to vector<16xf32>
      %sub3A_729 = arith.subf %get3A_113, %sub3A_728 : vector<16xf32>
      %mul3A_730 = arith.mulf %sub3A_725, %sub3A_725 : vector<16xf32>
      %mul3A_731 = arith.mulf %sub3A_727, %sub3A_727 : vector<16xf32>
      %add3A_732 = arith.addf %mul3A_730, %mul3A_731 : vector<16xf32>
      %mul3A_733 = arith.mulf %sub3A_729, %sub3A_729 : vector<16xf32>
      %add3A_734 = arith.addf %add3A_732, %mul3A_733 : vector<16xf32>
      %min3A_735 = arith.minimumf %min3A_633, %add3A_734 : vector<16xf32>
      %sub3A_736 = vector.broadcast %squeeze3A_647 : f32 to vector<16xf32>
      %sub3A_737 = arith.subf %get3A_116, %sub3A_736 : vector<16xf32>
      %sub3A_738 = vector.broadcast %squeeze3A_649 : f32 to vector<16xf32>
      %sub3A_739 = arith.subf %get3A_119, %sub3A_738 : vector<16xf32>
      %sub3A_740 = vector.broadcast %squeeze3A_651 : f32 to vector<16xf32>
      %sub3A_741 = arith.subf %get3A_122, %sub3A_740 : vector<16xf32>
      %mul3A_742 = arith.mulf %sub3A_737, %sub3A_737 : vector<16xf32>
      %mul3A_743 = arith.mulf %sub3A_739, %sub3A_739 : vector<16xf32>
      %add3A_744 = arith.addf %mul3A_742, %mul3A_743 : vector<16xf32>
      %mul3A_745 = arith.mulf %sub3A_741, %sub3A_741 : vector<16xf32>
      %add3A_746 = arith.addf %add3A_744, %mul3A_745 : vector<16xf32>
      %min3A_747 = arith.minimumf %min3A_645, %add3A_746 : vector<16xf32>
      %slice3A_748 = vector.extract_strided_slice %get3A_336 {offsets = [4], sizes = [1], strides = [1]} : vector<16xf32> to vector<1xf32>
      %squeeze3A_749 = vector.extract %slice3A_748[0] : f32 from vector<1xf32>
      %slice3A_750 = vector.extract_strided_slice %get3A_339 {offsets = [4], sizes = [1], strides = [1]} : vector<16xf32> to vector<1xf32>
      %squeeze3A_751 = vector.extract %slice3A_750[0] : f32 from vector<1xf32>
      %slice3A_752 = vector.extract_strided_slice %get3A_342 {offsets = [4], sizes = [1], strides = [1]} : vector<16xf32> to vector<1xf32>
      %squeeze3A_753 = vector.extract %slice3A_752[0] : f32 from vector<1xf32>
      %sub3A_754 = vector.broadcast %squeeze3A_749 : f32 to vector<16xf32>
      %sub3A_755 = arith.subf %get3A_53, %sub3A_754 : vector<16xf32>
      %sub3A_756 = vector.broadcast %squeeze3A_751 : f32 to vector<16xf32>
      %sub3A_757 = arith.subf %get3A_56, %sub3A_756 : vector<16xf32>
      %sub3A_758 = vector.broadcast %squeeze3A_753 : f32 to vector<16xf32>
      %sub3A_759 = arith.subf %get3A_59, %sub3A_758 : vector<16xf32>
      %mul3A_760 = arith.mulf %sub3A_755, %sub3A_755 : vector<16xf32>
      %mul3A_761 = arith.mulf %sub3A_757, %sub3A_757 : vector<16xf32>
      %add3A_762 = arith.addf %mul3A_760, %mul3A_761 : vector<16xf32>
      %mul3A_763 = arith.mulf %sub3A_759, %sub3A_759 : vector<16xf32>
      %add3A_764 = arith.addf %add3A_762, %mul3A_763 : vector<16xf32>
      %min3A_765 = arith.minimumf %min3A_663, %add3A_764 : vector<16xf32>
      %sub3A_766 = vector.broadcast %squeeze3A_749 : f32 to vector<16xf32>
      %sub3A_767 = arith.subf %get3A_62, %sub3A_766 : vector<16xf32>
      %sub3A_768 = vector.broadcast %squeeze3A_751 : f32 to vector<16xf32>
      %sub3A_769 = arith.subf %get3A_65, %sub3A_768 : vector<16xf32>
      %sub3A_770 = vector.broadcast %squeeze3A_753 : f32 to vector<16xf32>
      %sub3A_771 = arith.subf %get3A_68, %sub3A_770 : vector<16xf32>
      %mul3A_772 = arith.mulf %sub3A_767, %sub3A_767 : vector<16xf32>
      %mul3A_773 = arith.mulf %sub3A_769, %sub3A_769 : vector<16xf32>
      %add3A_774 = arith.addf %mul3A_772, %mul3A_773 : vector<16xf32>
      %mul3A_775 = arith.mulf %sub3A_771, %sub3A_771 : vector<16xf32>
      %add3A_776 = arith.addf %add3A_774, %mul3A_775 : vector<16xf32>
      %min3A_777 = arith.minimumf %min3A_675, %add3A_776 : vector<16xf32>
      %sub3A_778 = vector.broadcast %squeeze3A_749 : f32 to vector<16xf32>
      %sub3A_779 = arith.subf %get3A_71, %sub3A_778 : vector<16xf32>
      %sub3A_780 = vector.broadcast %squeeze3A_751 : f32 to vector<16xf32>
      %sub3A_781 = arith.subf %get3A_74, %sub3A_780 : vector<16xf32>
      %sub3A_782 = vector.broadcast %squeeze3A_753 : f32 to vector<16xf32>
      %sub3A_783 = arith.subf %get3A_77, %sub3A_782 : vector<16xf32>
      %mul3A_784 = arith.mulf %sub3A_779, %sub3A_779 : vector<16xf32>
      %mul3A_785 = arith.mulf %sub3A_781, %sub3A_781 : vector<16xf32>
      %add3A_786 = arith.addf %mul3A_784, %mul3A_785 : vector<16xf32>
      %mul3A_787 = arith.mulf %sub3A_783, %sub3A_783 : vector<16xf32>
      %add3A_788 = arith.addf %add3A_786, %mul3A_787 : vector<16xf32>
      %min3A_789 = arith.minimumf %min3A_687, %add3A_788 : vector<16xf32>
      %sub3A_790 = vector.broadcast %squeeze3A_749 : f32 to vector<16xf32>
      %sub3A_791 = arith.subf %get3A_80, %sub3A_790 : vector<16xf32>
      %sub3A_792 = vector.broadcast %squeeze3A_751 : f32 to vector<16xf32>
      %sub3A_793 = arith.subf %get3A_83, %sub3A_792 : vector<16xf32>
      %sub3A_794 = vector.broadcast %squeeze3A_753 : f32 to vector<16xf32>
      %sub3A_795 = arith.subf %get3A_86, %sub3A_794 : vector<16xf32>
      %mul3A_796 = arith.mulf %sub3A_791, %sub3A_791 : vector<16xf32>
      %mul3A_797 = arith.mulf %sub3A_793, %sub3A_793 : vector<16xf32>
      %add3A_798 = arith.addf %mul3A_796, %mul3A_797 : vector<16xf32>
      %mul3A_799 = arith.mulf %sub3A_795, %sub3A_795 : vector<16xf32>
      %add3A_800 = arith.addf %add3A_798, %mul3A_799 : vector<16xf32>
      %min3A_801 = arith.minimumf %min3A_699, %add3A_800 : vector<16xf32>
      %sub3A_802 = vector.broadcast %squeeze3A_749 : f32 to vector<16xf32>
      %sub3A_803 = arith.subf %get3A_89, %sub3A_802 : vector<16xf32>
      %sub3A_804 = vector.broadcast %squeeze3A_751 : f32 to vector<16xf32>
      %sub3A_805 = arith.subf %get3A_92, %sub3A_804 : vector<16xf32>
      %sub3A_806 = vector.broadcast %squeeze3A_753 : f32 to vector<16xf32>
      %sub3A_807 = arith.subf %get3A_95, %sub3A_806 : vector<16xf32>
      %mul3A_808 = arith.mulf %sub3A_803, %sub3A_803 : vector<16xf32>
      %mul3A_809 = arith.mulf %sub3A_805, %sub3A_805 : vector<16xf32>
      %add3A_810 = arith.addf %mul3A_808, %mul3A_809 : vector<16xf32>
      %mul3A_811 = arith.mulf %sub3A_807, %sub3A_807 : vector<16xf32>
      %add3A_812 = arith.addf %add3A_810, %mul3A_811 : vector<16xf32>
      %min3A_813 = arith.minimumf %min3A_711, %add3A_812 : vector<16xf32>
      %sub3A_814 = vector.broadcast %squeeze3A_749 : f32 to vector<16xf32>
      %sub3A_815 = arith.subf %get3A_98, %sub3A_814 : vector<16xf32>
      %sub3A_816 = vector.broadcast %squeeze3A_751 : f32 to vector<16xf32>
      %sub3A_817 = arith.subf %get3A_101, %sub3A_816 : vector<16xf32>
      %sub3A_818 = vector.broadcast %squeeze3A_753 : f32 to vector<16xf32>
      %sub3A_819 = arith.subf %get3A_104, %sub3A_818 : vector<16xf32>
      %mul3A_820 = arith.mulf %sub3A_815, %sub3A_815 : vector<16xf32>
      %mul3A_821 = arith.mulf %sub3A_817, %sub3A_817 : vector<16xf32>
      %add3A_822 = arith.addf %mul3A_820, %mul3A_821 : vector<16xf32>
      %mul3A_823 = arith.mulf %sub3A_819, %sub3A_819 : vector<16xf32>
      %add3A_824 = arith.addf %add3A_822, %mul3A_823 : vector<16xf32>
      %min3A_825 = arith.minimumf %min3A_723, %add3A_824 : vector<16xf32>
      %sub3A_826 = vector.broadcast %squeeze3A_749 : f32 to vector<16xf32>
      %sub3A_827 = arith.subf %get3A_107, %sub3A_826 : vector<16xf32>
      %sub3A_828 = vector.broadcast %squeeze3A_751 : f32 to vector<16xf32>
      %sub3A_829 = arith.subf %get3A_110, %sub3A_828 : vector<16xf32>
      %sub3A_830 = vector.broadcast %squeeze3A_753 : f32 to vector<16xf32>
      %sub3A_831 = arith.subf %get3A_113, %sub3A_830 : vector<16xf32>
      %mul3A_832 = arith.mulf %sub3A_827, %sub3A_827 : vector<16xf32>
      %mul3A_833 = arith.mulf %sub3A_829, %sub3A_829 : vector<16xf32>
      %add3A_834 = arith.addf %mul3A_832, %mul3A_833 : vector<16xf32>
      %mul3A_835 = arith.mulf %sub3A_831, %sub3A_831 : vector<16xf32>
      %add3A_836 = arith.addf %add3A_834, %mul3A_835 : vector<16xf32>
      %min3A_837 = arith.minimumf %min3A_735, %add3A_836 : vector<16xf32>
      %sub3A_838 = vector.broadcast %squeeze3A_749 : f32 to vector<16xf32>
      %sub3A_839 = arith.subf %get3A_116, %sub3A_838 : vector<16xf32>
      %sub3A_840 = vector.broadcast %squeeze3A_751 : f32 to vector<16xf32>
      %sub3A_841 = arith.subf %get3A_119, %sub3A_840 : vector<16xf32>
      %sub3A_842 = vector.broadcast %squeeze3A_753 : f32 to vector<16xf32>
      %sub3A_843 = arith.subf %get3A_122, %sub3A_842 : vector<16xf32>
      %mul3A_844 = arith.mulf %sub3A_839, %sub3A_839 : vector<16xf32>
      %mul3A_845 = arith.mulf %sub3A_841, %sub3A_841 : vector<16xf32>
      %add3A_846 = arith.addf %mul3A_844, %mul3A_845 : vector<16xf32>
      %mul3A_847 = arith.mulf %sub3A_843, %sub3A_843 : vector<16xf32>
      %add3A_848 = arith.addf %add3A_846, %mul3A_847 : vector<16xf32>
      %min3A_849 = arith.minimumf %min3A_747, %add3A_848 : vector<16xf32>
      %slice3A_850 = vector.extract_strided_slice %get3A_336 {offsets = [5], sizes = [1], strides = [1]} : vector<16xf32> to vector<1xf32>
      %squeeze3A_851 = vector.extract %slice3A_850[0] : f32 from vector<1xf32>
      %slice3A_852 = vector.extract_strided_slice %get3A_339 {offsets = [5], sizes = [1], strides = [1]} : vector<16xf32> to vector<1xf32>
      %squeeze3A_853 = vector.extract %slice3A_852[0] : f32 from vector<1xf32>
      %slice3A_854 = vector.extract_strided_slice %get3A_342 {offsets = [5], sizes = [1], strides = [1]} : vector<16xf32> to vector<1xf32>
      %squeeze3A_855 = vector.extract %slice3A_854[0] : f32 from vector<1xf32>
      %sub3A_856 = vector.broadcast %squeeze3A_851 : f32 to vector<16xf32>
      %sub3A_857 = arith.subf %get3A_53, %sub3A_856 : vector<16xf32>
      %sub3A_858 = vector.broadcast %squeeze3A_853 : f32 to vector<16xf32>
      %sub3A_859 = arith.subf %get3A_56, %sub3A_858 : vector<16xf32>
      %sub3A_860 = vector.broadcast %squeeze3A_855 : f32 to vector<16xf32>
      %sub3A_861 = arith.subf %get3A_59, %sub3A_860 : vector<16xf32>
      %mul3A_862 = arith.mulf %sub3A_857, %sub3A_857 : vector<16xf32>
      %mul3A_863 = arith.mulf %sub3A_859, %sub3A_859 : vector<16xf32>
      %add3A_864 = arith.addf %mul3A_862, %mul3A_863 : vector<16xf32>
      %mul3A_865 = arith.mulf %sub3A_861, %sub3A_861 : vector<16xf32>
      %add3A_866 = arith.addf %add3A_864, %mul3A_865 : vector<16xf32>
      %min3A_867 = arith.minimumf %min3A_765, %add3A_866 : vector<16xf32>
      %sub3A_868 = vector.broadcast %squeeze3A_851 : f32 to vector<16xf32>
      %sub3A_869 = arith.subf %get3A_62, %sub3A_868 : vector<16xf32>
      %sub3A_870 = vector.broadcast %squeeze3A_853 : f32 to vector<16xf32>
      %sub3A_871 = arith.subf %get3A_65, %sub3A_870 : vector<16xf32>
      %sub3A_872 = vector.broadcast %squeeze3A_855 : f32 to vector<16xf32>
      %sub3A_873 = arith.subf %get3A_68, %sub3A_872 : vector<16xf32>
      %mul3A_874 = arith.mulf %sub3A_869, %sub3A_869 : vector<16xf32>
      %mul3A_875 = arith.mulf %sub3A_871, %sub3A_871 : vector<16xf32>
      %add3A_876 = arith.addf %mul3A_874, %mul3A_875 : vector<16xf32>
      %mul3A_877 = arith.mulf %sub3A_873, %sub3A_873 : vector<16xf32>
      %add3A_878 = arith.addf %add3A_876, %mul3A_877 : vector<16xf32>
      %min3A_879 = arith.minimumf %min3A_777, %add3A_878 : vector<16xf32>
      %sub3A_880 = vector.broadcast %squeeze3A_851 : f32 to vector<16xf32>
      %sub3A_881 = arith.subf %get3A_71, %sub3A_880 : vector<16xf32>
      %sub3A_882 = vector.broadcast %squeeze3A_853 : f32 to vector<16xf32>
      %sub3A_883 = arith.subf %get3A_74, %sub3A_882 : vector<16xf32>
      %sub3A_884 = vector.broadcast %squeeze3A_855 : f32 to vector<16xf32>
      %sub3A_885 = arith.subf %get3A_77, %sub3A_884 : vector<16xf32>
      %mul3A_886 = arith.mulf %sub3A_881, %sub3A_881 : vector<16xf32>
      %mul3A_887 = arith.mulf %sub3A_883, %sub3A_883 : vector<16xf32>
      %add3A_888 = arith.addf %mul3A_886, %mul3A_887 : vector<16xf32>
      %mul3A_889 = arith.mulf %sub3A_885, %sub3A_885 : vector<16xf32>
      %add3A_890 = arith.addf %add3A_888, %mul3A_889 : vector<16xf32>
      %min3A_891 = arith.minimumf %min3A_789, %add3A_890 : vector<16xf32>
      %sub3A_892 = vector.broadcast %squeeze3A_851 : f32 to vector<16xf32>
      %sub3A_893 = arith.subf %get3A_80, %sub3A_892 : vector<16xf32>
      %sub3A_894 = vector.broadcast %squeeze3A_853 : f32 to vector<16xf32>
      %sub3A_895 = arith.subf %get3A_83, %sub3A_894 : vector<16xf32>
      %sub3A_896 = vector.broadcast %squeeze3A_855 : f32 to vector<16xf32>
      %sub3A_897 = arith.subf %get3A_86, %sub3A_896 : vector<16xf32>
      %mul3A_898 = arith.mulf %sub3A_893, %sub3A_893 : vector<16xf32>
      %mul3A_899 = arith.mulf %sub3A_895, %sub3A_895 : vector<16xf32>
      %add3A_900 = arith.addf %mul3A_898, %mul3A_899 : vector<16xf32>
      %mul3A_901 = arith.mulf %sub3A_897, %sub3A_897 : vector<16xf32>
      %add3A_902 = arith.addf %add3A_900, %mul3A_901 : vector<16xf32>
      %min3A_903 = arith.minimumf %min3A_801, %add3A_902 : vector<16xf32>
      %sub3A_904 = vector.broadcast %squeeze3A_851 : f32 to vector<16xf32>
      %sub3A_905 = arith.subf %get3A_89, %sub3A_904 : vector<16xf32>
      %sub3A_906 = vector.broadcast %squeeze3A_853 : f32 to vector<16xf32>
      %sub3A_907 = arith.subf %get3A_92, %sub3A_906 : vector<16xf32>
      %sub3A_908 = vector.broadcast %squeeze3A_855 : f32 to vector<16xf32>
      %sub3A_909 = arith.subf %get3A_95, %sub3A_908 : vector<16xf32>
      %mul3A_910 = arith.mulf %sub3A_905, %sub3A_905 : vector<16xf32>
      %mul3A_911 = arith.mulf %sub3A_907, %sub3A_907 : vector<16xf32>
      %add3A_912 = arith.addf %mul3A_910, %mul3A_911 : vector<16xf32>
      %mul3A_913 = arith.mulf %sub3A_909, %sub3A_909 : vector<16xf32>
      %add3A_914 = arith.addf %add3A_912, %mul3A_913 : vector<16xf32>
      %min3A_915 = arith.minimumf %min3A_813, %add3A_914 : vector<16xf32>
      %sub3A_916 = vector.broadcast %squeeze3A_851 : f32 to vector<16xf32>
      %sub3A_917 = arith.subf %get3A_98, %sub3A_916 : vector<16xf32>
      %sub3A_918 = vector.broadcast %squeeze3A_853 : f32 to vector<16xf32>
      %sub3A_919 = arith.subf %get3A_101, %sub3A_918 : vector<16xf32>
      %sub3A_920 = vector.broadcast %squeeze3A_855 : f32 to vector<16xf32>
      %sub3A_921 = arith.subf %get3A_104, %sub3A_920 : vector<16xf32>
      %mul3A_922 = arith.mulf %sub3A_917, %sub3A_917 : vector<16xf32>
      %mul3A_923 = arith.mulf %sub3A_919, %sub3A_919 : vector<16xf32>
      %add3A_924 = arith.addf %mul3A_922, %mul3A_923 : vector<16xf32>
      %mul3A_925 = arith.mulf %sub3A_921, %sub3A_921 : vector<16xf32>
      %add3A_926 = arith.addf %add3A_924, %mul3A_925 : vector<16xf32>
      %min3A_927 = arith.minimumf %min3A_825, %add3A_926 : vector<16xf32>
      %sub3A_928 = vector.broadcast %squeeze3A_851 : f32 to vector<16xf32>
      %sub3A_929 = arith.subf %get3A_107, %sub3A_928 : vector<16xf32>
      %sub3A_930 = vector.broadcast %squeeze3A_853 : f32 to vector<16xf32>
      %sub3A_931 = arith.subf %get3A_110, %sub3A_930 : vector<16xf32>
      %sub3A_932 = vector.broadcast %squeeze3A_855 : f32 to vector<16xf32>
      %sub3A_933 = arith.subf %get3A_113, %sub3A_932 : vector<16xf32>
      %mul3A_934 = arith.mulf %sub3A_929, %sub3A_929 : vector<16xf32>
      %mul3A_935 = arith.mulf %sub3A_931, %sub3A_931 : vector<16xf32>
      %add3A_936 = arith.addf %mul3A_934, %mul3A_935 : vector<16xf32>
      %mul3A_937 = arith.mulf %sub3A_933, %sub3A_933 : vector<16xf32>
      %add3A_938 = arith.addf %add3A_936, %mul3A_937 : vector<16xf32>
      %min3A_939 = arith.minimumf %min3A_837, %add3A_938 : vector<16xf32>
      %sub3A_940 = vector.broadcast %squeeze3A_851 : f32 to vector<16xf32>
      %sub3A_941 = arith.subf %get3A_116, %sub3A_940 : vector<16xf32>
      %sub3A_942 = vector.broadcast %squeeze3A_853 : f32 to vector<16xf32>
      %sub3A_943 = arith.subf %get3A_119, %sub3A_942 : vector<16xf32>
      %sub3A_944 = vector.broadcast %squeeze3A_855 : f32 to vector<16xf32>
      %sub3A_945 = arith.subf %get3A_122, %sub3A_944 : vector<16xf32>
      %mul3A_946 = arith.mulf %sub3A_941, %sub3A_941 : vector<16xf32>
      %mul3A_947 = arith.mulf %sub3A_943, %sub3A_943 : vector<16xf32>
      %add3A_948 = arith.addf %mul3A_946, %mul3A_947 : vector<16xf32>
      %mul3A_949 = arith.mulf %sub3A_945, %sub3A_945 : vector<16xf32>
      %add3A_950 = arith.addf %add3A_948, %mul3A_949 : vector<16xf32>
      %min3A_951 = arith.minimumf %min3A_849, %add3A_950 : vector<16xf32>
      %slice3A_952 = vector.extract_strided_slice %get3A_336 {offsets = [6], sizes = [1], strides = [1]} : vector<16xf32> to vector<1xf32>
      %squeeze3A_953 = vector.extract %slice3A_952[0] : f32 from vector<1xf32>
      %slice3A_954 = vector.extract_strided_slice %get3A_339 {offsets = [6], sizes = [1], strides = [1]} : vector<16xf32> to vector<1xf32>
      %squeeze3A_955 = vector.extract %slice3A_954[0] : f32 from vector<1xf32>
      %slice3A_956 = vector.extract_strided_slice %get3A_342 {offsets = [6], sizes = [1], strides = [1]} : vector<16xf32> to vector<1xf32>
      %squeeze3A_957 = vector.extract %slice3A_956[0] : f32 from vector<1xf32>
      %sub3A_958 = vector.broadcast %squeeze3A_953 : f32 to vector<16xf32>
      %sub3A_959 = arith.subf %get3A_53, %sub3A_958 : vector<16xf32>
      %sub3A_960 = vector.broadcast %squeeze3A_955 : f32 to vector<16xf32>
      %sub3A_961 = arith.subf %get3A_56, %sub3A_960 : vector<16xf32>
      %sub3A_962 = vector.broadcast %squeeze3A_957 : f32 to vector<16xf32>
      %sub3A_963 = arith.subf %get3A_59, %sub3A_962 : vector<16xf32>
      %mul3A_964 = arith.mulf %sub3A_959, %sub3A_959 : vector<16xf32>
      %mul3A_965 = arith.mulf %sub3A_961, %sub3A_961 : vector<16xf32>
      %add3A_966 = arith.addf %mul3A_964, %mul3A_965 : vector<16xf32>
      %mul3A_967 = arith.mulf %sub3A_963, %sub3A_963 : vector<16xf32>
      %add3A_968 = arith.addf %add3A_966, %mul3A_967 : vector<16xf32>
      %min3A_969 = arith.minimumf %min3A_867, %add3A_968 : vector<16xf32>
      %sub3A_970 = vector.broadcast %squeeze3A_953 : f32 to vector<16xf32>
      %sub3A_971 = arith.subf %get3A_62, %sub3A_970 : vector<16xf32>
      %sub3A_972 = vector.broadcast %squeeze3A_955 : f32 to vector<16xf32>
      %sub3A_973 = arith.subf %get3A_65, %sub3A_972 : vector<16xf32>
      %sub3A_974 = vector.broadcast %squeeze3A_957 : f32 to vector<16xf32>
      %sub3A_975 = arith.subf %get3A_68, %sub3A_974 : vector<16xf32>
      %mul3A_976 = arith.mulf %sub3A_971, %sub3A_971 : vector<16xf32>
      %mul3A_977 = arith.mulf %sub3A_973, %sub3A_973 : vector<16xf32>
      %add3A_978 = arith.addf %mul3A_976, %mul3A_977 : vector<16xf32>
      %mul3A_979 = arith.mulf %sub3A_975, %sub3A_975 : vector<16xf32>
      %add3A_980 = arith.addf %add3A_978, %mul3A_979 : vector<16xf32>
      %min3A_981 = arith.minimumf %min3A_879, %add3A_980 : vector<16xf32>
      %sub3A_982 = vector.broadcast %squeeze3A_953 : f32 to vector<16xf32>
      %sub3A_983 = arith.subf %get3A_71, %sub3A_982 : vector<16xf32>
      %sub3A_984 = vector.broadcast %squeeze3A_955 : f32 to vector<16xf32>
      %sub3A_985 = arith.subf %get3A_74, %sub3A_984 : vector<16xf32>
      %sub3A_986 = vector.broadcast %squeeze3A_957 : f32 to vector<16xf32>
      %sub3A_987 = arith.subf %get3A_77, %sub3A_986 : vector<16xf32>
      %mul3A_988 = arith.mulf %sub3A_983, %sub3A_983 : vector<16xf32>
      %mul3A_989 = arith.mulf %sub3A_985, %sub3A_985 : vector<16xf32>
      %add3A_990 = arith.addf %mul3A_988, %mul3A_989 : vector<16xf32>
      %mul3A_991 = arith.mulf %sub3A_987, %sub3A_987 : vector<16xf32>
      %add3A_992 = arith.addf %add3A_990, %mul3A_991 : vector<16xf32>
      %min3A_993 = arith.minimumf %min3A_891, %add3A_992 : vector<16xf32>
      %sub3A_994 = vector.broadcast %squeeze3A_953 : f32 to vector<16xf32>
      %sub3A_995 = arith.subf %get3A_80, %sub3A_994 : vector<16xf32>
      %sub3A_996 = vector.broadcast %squeeze3A_955 : f32 to vector<16xf32>
      %sub3A_997 = arith.subf %get3A_83, %sub3A_996 : vector<16xf32>
      %sub3A_998 = vector.broadcast %squeeze3A_957 : f32 to vector<16xf32>
      %sub3A_999 = arith.subf %get3A_86, %sub3A_998 : vector<16xf32>
      %mul3A_1000 = arith.mulf %sub3A_995, %sub3A_995 : vector<16xf32>
      %mul3A_1001 = arith.mulf %sub3A_997, %sub3A_997 : vector<16xf32>
      %add3A_1002 = arith.addf %mul3A_1000, %mul3A_1001 : vector<16xf32>
      %mul3A_1003 = arith.mulf %sub3A_999, %sub3A_999 : vector<16xf32>
      %add3A_1004 = arith.addf %add3A_1002, %mul3A_1003 : vector<16xf32>
      %min3A_1005 = arith.minimumf %min3A_903, %add3A_1004 : vector<16xf32>
      %sub3A_1006 = vector.broadcast %squeeze3A_953 : f32 to vector<16xf32>
      %sub3A_1007 = arith.subf %get3A_89, %sub3A_1006 : vector<16xf32>
      %sub3A_1008 = vector.broadcast %squeeze3A_955 : f32 to vector<16xf32>
      %sub3A_1009 = arith.subf %get3A_92, %sub3A_1008 : vector<16xf32>
      %sub3A_1010 = vector.broadcast %squeeze3A_957 : f32 to vector<16xf32>
      %sub3A_1011 = arith.subf %get3A_95, %sub3A_1010 : vector<16xf32>
      %mul3A_1012 = arith.mulf %sub3A_1007, %sub3A_1007 : vector<16xf32>
      %mul3A_1013 = arith.mulf %sub3A_1009, %sub3A_1009 : vector<16xf32>
      %add3A_1014 = arith.addf %mul3A_1012, %mul3A_1013 : vector<16xf32>
      %mul3A_1015 = arith.mulf %sub3A_1011, %sub3A_1011 : vector<16xf32>
      %add3A_1016 = arith.addf %add3A_1014, %mul3A_1015 : vector<16xf32>
      %min3A_1017 = arith.minimumf %min3A_915, %add3A_1016 : vector<16xf32>
      %sub3A_1018 = vector.broadcast %squeeze3A_953 : f32 to vector<16xf32>
      %sub3A_1019 = arith.subf %get3A_98, %sub3A_1018 : vector<16xf32>
      %sub3A_1020 = vector.broadcast %squeeze3A_955 : f32 to vector<16xf32>
      %sub3A_1021 = arith.subf %get3A_101, %sub3A_1020 : vector<16xf32>
      %sub3A_1022 = vector.broadcast %squeeze3A_957 : f32 to vector<16xf32>
      %sub3A_1023 = arith.subf %get3A_104, %sub3A_1022 : vector<16xf32>
      %mul3A_1024 = arith.mulf %sub3A_1019, %sub3A_1019 : vector<16xf32>
      %mul3A_1025 = arith.mulf %sub3A_1021, %sub3A_1021 : vector<16xf32>
      %add3A_1026 = arith.addf %mul3A_1024, %mul3A_1025 : vector<16xf32>
      %mul3A_1027 = arith.mulf %sub3A_1023, %sub3A_1023 : vector<16xf32>
      %add3A_1028 = arith.addf %add3A_1026, %mul3A_1027 : vector<16xf32>
      %min3A_1029 = arith.minimumf %min3A_927, %add3A_1028 : vector<16xf32>
      %sub3A_1030 = vector.broadcast %squeeze3A_953 : f32 to vector<16xf32>
      %sub3A_1031 = arith.subf %get3A_107, %sub3A_1030 : vector<16xf32>
      %sub3A_1032 = vector.broadcast %squeeze3A_955 : f32 to vector<16xf32>
      %sub3A_1033 = arith.subf %get3A_110, %sub3A_1032 : vector<16xf32>
      %sub3A_1034 = vector.broadcast %squeeze3A_957 : f32 to vector<16xf32>
      %sub3A_1035 = arith.subf %get3A_113, %sub3A_1034 : vector<16xf32>
      %mul3A_1036 = arith.mulf %sub3A_1031, %sub3A_1031 : vector<16xf32>
      %mul3A_1037 = arith.mulf %sub3A_1033, %sub3A_1033 : vector<16xf32>
      %add3A_1038 = arith.addf %mul3A_1036, %mul3A_1037 : vector<16xf32>
      %mul3A_1039 = arith.mulf %sub3A_1035, %sub3A_1035 : vector<16xf32>
      %add3A_1040 = arith.addf %add3A_1038, %mul3A_1039 : vector<16xf32>
      %min3A_1041 = arith.minimumf %min3A_939, %add3A_1040 : vector<16xf32>
      %sub3A_1042 = vector.broadcast %squeeze3A_953 : f32 to vector<16xf32>
      %sub3A_1043 = arith.subf %get3A_116, %sub3A_1042 : vector<16xf32>
      %sub3A_1044 = vector.broadcast %squeeze3A_955 : f32 to vector<16xf32>
      %sub3A_1045 = arith.subf %get3A_119, %sub3A_1044 : vector<16xf32>
      %sub3A_1046 = vector.broadcast %squeeze3A_957 : f32 to vector<16xf32>
      %sub3A_1047 = arith.subf %get3A_122, %sub3A_1046 : vector<16xf32>
      %mul3A_1048 = arith.mulf %sub3A_1043, %sub3A_1043 : vector<16xf32>
      %mul3A_1049 = arith.mulf %sub3A_1045, %sub3A_1045 : vector<16xf32>
      %add3A_1050 = arith.addf %mul3A_1048, %mul3A_1049 : vector<16xf32>
      %mul3A_1051 = arith.mulf %sub3A_1047, %sub3A_1047 : vector<16xf32>
      %add3A_1052 = arith.addf %add3A_1050, %mul3A_1051 : vector<16xf32>
      %min3A_1053 = arith.minimumf %min3A_951, %add3A_1052 : vector<16xf32>
      %slice3A_1054 = vector.extract_strided_slice %get3A_336 {offsets = [7], sizes = [1], strides = [1]} : vector<16xf32> to vector<1xf32>
      %squeeze3A_1055 = vector.extract %slice3A_1054[0] : f32 from vector<1xf32>
      %slice3A_1056 = vector.extract_strided_slice %get3A_339 {offsets = [7], sizes = [1], strides = [1]} : vector<16xf32> to vector<1xf32>
      %squeeze3A_1057 = vector.extract %slice3A_1056[0] : f32 from vector<1xf32>
      %slice3A_1058 = vector.extract_strided_slice %get3A_342 {offsets = [7], sizes = [1], strides = [1]} : vector<16xf32> to vector<1xf32>
      %squeeze3A_1059 = vector.extract %slice3A_1058[0] : f32 from vector<1xf32>
      %sub3A_1060 = vector.broadcast %squeeze3A_1055 : f32 to vector<16xf32>
      %sub3A_1061 = arith.subf %get3A_53, %sub3A_1060 : vector<16xf32>
      %sub3A_1062 = vector.broadcast %squeeze3A_1057 : f32 to vector<16xf32>
      %sub3A_1063 = arith.subf %get3A_56, %sub3A_1062 : vector<16xf32>
      %sub3A_1064 = vector.broadcast %squeeze3A_1059 : f32 to vector<16xf32>
      %sub3A_1065 = arith.subf %get3A_59, %sub3A_1064 : vector<16xf32>
      %mul3A_1066 = arith.mulf %sub3A_1061, %sub3A_1061 : vector<16xf32>
      %mul3A_1067 = arith.mulf %sub3A_1063, %sub3A_1063 : vector<16xf32>
      %add3A_1068 = arith.addf %mul3A_1066, %mul3A_1067 : vector<16xf32>
      %mul3A_1069 = arith.mulf %sub3A_1065, %sub3A_1065 : vector<16xf32>
      %add3A_1070 = arith.addf %add3A_1068, %mul3A_1069 : vector<16xf32>
      %min3A_1071 = arith.minimumf %min3A_969, %add3A_1070 : vector<16xf32>
      %sub3A_1072 = vector.broadcast %squeeze3A_1055 : f32 to vector<16xf32>
      %sub3A_1073 = arith.subf %get3A_62, %sub3A_1072 : vector<16xf32>
      %sub3A_1074 = vector.broadcast %squeeze3A_1057 : f32 to vector<16xf32>
      %sub3A_1075 = arith.subf %get3A_65, %sub3A_1074 : vector<16xf32>
      %sub3A_1076 = vector.broadcast %squeeze3A_1059 : f32 to vector<16xf32>
      %sub3A_1077 = arith.subf %get3A_68, %sub3A_1076 : vector<16xf32>
      %mul3A_1078 = arith.mulf %sub3A_1073, %sub3A_1073 : vector<16xf32>
      %mul3A_1079 = arith.mulf %sub3A_1075, %sub3A_1075 : vector<16xf32>
      %add3A_1080 = arith.addf %mul3A_1078, %mul3A_1079 : vector<16xf32>
      %mul3A_1081 = arith.mulf %sub3A_1077, %sub3A_1077 : vector<16xf32>
      %add3A_1082 = arith.addf %add3A_1080, %mul3A_1081 : vector<16xf32>
      %min3A_1083 = arith.minimumf %min3A_981, %add3A_1082 : vector<16xf32>
      %sub3A_1084 = vector.broadcast %squeeze3A_1055 : f32 to vector<16xf32>
      %sub3A_1085 = arith.subf %get3A_71, %sub3A_1084 : vector<16xf32>
      %sub3A_1086 = vector.broadcast %squeeze3A_1057 : f32 to vector<16xf32>
      %sub3A_1087 = arith.subf %get3A_74, %sub3A_1086 : vector<16xf32>
      %sub3A_1088 = vector.broadcast %squeeze3A_1059 : f32 to vector<16xf32>
      %sub3A_1089 = arith.subf %get3A_77, %sub3A_1088 : vector<16xf32>
      %mul3A_1090 = arith.mulf %sub3A_1085, %sub3A_1085 : vector<16xf32>
      %mul3A_1091 = arith.mulf %sub3A_1087, %sub3A_1087 : vector<16xf32>
      %add3A_1092 = arith.addf %mul3A_1090, %mul3A_1091 : vector<16xf32>
      %mul3A_1093 = arith.mulf %sub3A_1089, %sub3A_1089 : vector<16xf32>
      %add3A_1094 = arith.addf %add3A_1092, %mul3A_1093 : vector<16xf32>
      %min3A_1095 = arith.minimumf %min3A_993, %add3A_1094 : vector<16xf32>
      %sub3A_1096 = vector.broadcast %squeeze3A_1055 : f32 to vector<16xf32>
      %sub3A_1097 = arith.subf %get3A_80, %sub3A_1096 : vector<16xf32>
      %sub3A_1098 = vector.broadcast %squeeze3A_1057 : f32 to vector<16xf32>
      %sub3A_1099 = arith.subf %get3A_83, %sub3A_1098 : vector<16xf32>
      %sub3A_1100 = vector.broadcast %squeeze3A_1059 : f32 to vector<16xf32>
      %sub3A_1101 = arith.subf %get3A_86, %sub3A_1100 : vector<16xf32>
      %mul3A_1102 = arith.mulf %sub3A_1097, %sub3A_1097 : vector<16xf32>
      %mul3A_1103 = arith.mulf %sub3A_1099, %sub3A_1099 : vector<16xf32>
      %add3A_1104 = arith.addf %mul3A_1102, %mul3A_1103 : vector<16xf32>
      %mul3A_1105 = arith.mulf %sub3A_1101, %sub3A_1101 : vector<16xf32>
      %add3A_1106 = arith.addf %add3A_1104, %mul3A_1105 : vector<16xf32>
      %min3A_1107 = arith.minimumf %min3A_1005, %add3A_1106 : vector<16xf32>
      %sub3A_1108 = vector.broadcast %squeeze3A_1055 : f32 to vector<16xf32>
      %sub3A_1109 = arith.subf %get3A_89, %sub3A_1108 : vector<16xf32>
      %sub3A_1110 = vector.broadcast %squeeze3A_1057 : f32 to vector<16xf32>
      %sub3A_1111 = arith.subf %get3A_92, %sub3A_1110 : vector<16xf32>
      %sub3A_1112 = vector.broadcast %squeeze3A_1059 : f32 to vector<16xf32>
      %sub3A_1113 = arith.subf %get3A_95, %sub3A_1112 : vector<16xf32>
      %mul3A_1114 = arith.mulf %sub3A_1109, %sub3A_1109 : vector<16xf32>
      %mul3A_1115 = arith.mulf %sub3A_1111, %sub3A_1111 : vector<16xf32>
      %add3A_1116 = arith.addf %mul3A_1114, %mul3A_1115 : vector<16xf32>
      %mul3A_1117 = arith.mulf %sub3A_1113, %sub3A_1113 : vector<16xf32>
      %add3A_1118 = arith.addf %add3A_1116, %mul3A_1117 : vector<16xf32>
      %min3A_1119 = arith.minimumf %min3A_1017, %add3A_1118 : vector<16xf32>
      %sub3A_1120 = vector.broadcast %squeeze3A_1055 : f32 to vector<16xf32>
      %sub3A_1121 = arith.subf %get3A_98, %sub3A_1120 : vector<16xf32>
      %sub3A_1122 = vector.broadcast %squeeze3A_1057 : f32 to vector<16xf32>
      %sub3A_1123 = arith.subf %get3A_101, %sub3A_1122 : vector<16xf32>
      %sub3A_1124 = vector.broadcast %squeeze3A_1059 : f32 to vector<16xf32>
      %sub3A_1125 = arith.subf %get3A_104, %sub3A_1124 : vector<16xf32>
      %mul3A_1126 = arith.mulf %sub3A_1121, %sub3A_1121 : vector<16xf32>
      %mul3A_1127 = arith.mulf %sub3A_1123, %sub3A_1123 : vector<16xf32>
      %add3A_1128 = arith.addf %mul3A_1126, %mul3A_1127 : vector<16xf32>
      %mul3A_1129 = arith.mulf %sub3A_1125, %sub3A_1125 : vector<16xf32>
      %add3A_1130 = arith.addf %add3A_1128, %mul3A_1129 : vector<16xf32>
      %min3A_1131 = arith.minimumf %min3A_1029, %add3A_1130 : vector<16xf32>
      %sub3A_1132 = vector.broadcast %squeeze3A_1055 : f32 to vector<16xf32>
      %sub3A_1133 = arith.subf %get3A_107, %sub3A_1132 : vector<16xf32>
      %sub3A_1134 = vector.broadcast %squeeze3A_1057 : f32 to vector<16xf32>
      %sub3A_1135 = arith.subf %get3A_110, %sub3A_1134 : vector<16xf32>
      %sub3A_1136 = vector.broadcast %squeeze3A_1059 : f32 to vector<16xf32>
      %sub3A_1137 = arith.subf %get3A_113, %sub3A_1136 : vector<16xf32>
      %mul3A_1138 = arith.mulf %sub3A_1133, %sub3A_1133 : vector<16xf32>
      %mul3A_1139 = arith.mulf %sub3A_1135, %sub3A_1135 : vector<16xf32>
      %add3A_1140 = arith.addf %mul3A_1138, %mul3A_1139 : vector<16xf32>
      %mul3A_1141 = arith.mulf %sub3A_1137, %sub3A_1137 : vector<16xf32>
      %add3A_1142 = arith.addf %add3A_1140, %mul3A_1141 : vector<16xf32>
      %min3A_1143 = arith.minimumf %min3A_1041, %add3A_1142 : vector<16xf32>
      %sub3A_1144 = vector.broadcast %squeeze3A_1055 : f32 to vector<16xf32>
      %sub3A_1145 = arith.subf %get3A_116, %sub3A_1144 : vector<16xf32>
      %sub3A_1146 = vector.broadcast %squeeze3A_1057 : f32 to vector<16xf32>
      %sub3A_1147 = arith.subf %get3A_119, %sub3A_1146 : vector<16xf32>
      %sub3A_1148 = vector.broadcast %squeeze3A_1059 : f32 to vector<16xf32>
      %sub3A_1149 = arith.subf %get3A_122, %sub3A_1148 : vector<16xf32>
      %mul3A_1150 = arith.mulf %sub3A_1145, %sub3A_1145 : vector<16xf32>
      %mul3A_1151 = arith.mulf %sub3A_1147, %sub3A_1147 : vector<16xf32>
      %add3A_1152 = arith.addf %mul3A_1150, %mul3A_1151 : vector<16xf32>
      %mul3A_1153 = arith.mulf %sub3A_1149, %sub3A_1149 : vector<16xf32>
      %add3A_1154 = arith.addf %add3A_1152, %mul3A_1153 : vector<16xf32>
      %min3A_1155 = arith.minimumf %min3A_1053, %add3A_1154 : vector<16xf32>
      %slice3A_1156 = vector.extract_strided_slice %get3A_336 {offsets = [8], sizes = [1], strides = [1]} : vector<16xf32> to vector<1xf32>
      %squeeze3A_1157 = vector.extract %slice3A_1156[0] : f32 from vector<1xf32>
      %slice3A_1158 = vector.extract_strided_slice %get3A_339 {offsets = [8], sizes = [1], strides = [1]} : vector<16xf32> to vector<1xf32>
      %squeeze3A_1159 = vector.extract %slice3A_1158[0] : f32 from vector<1xf32>
      %slice3A_1160 = vector.extract_strided_slice %get3A_342 {offsets = [8], sizes = [1], strides = [1]} : vector<16xf32> to vector<1xf32>
      %squeeze3A_1161 = vector.extract %slice3A_1160[0] : f32 from vector<1xf32>
      %sub3A_1162 = vector.broadcast %squeeze3A_1157 : f32 to vector<16xf32>
      %sub3A_1163 = arith.subf %get3A_53, %sub3A_1162 : vector<16xf32>
      %sub3A_1164 = vector.broadcast %squeeze3A_1159 : f32 to vector<16xf32>
      %sub3A_1165 = arith.subf %get3A_56, %sub3A_1164 : vector<16xf32>
      %sub3A_1166 = vector.broadcast %squeeze3A_1161 : f32 to vector<16xf32>
      %sub3A_1167 = arith.subf %get3A_59, %sub3A_1166 : vector<16xf32>
      %mul3A_1168 = arith.mulf %sub3A_1163, %sub3A_1163 : vector<16xf32>
      %mul3A_1169 = arith.mulf %sub3A_1165, %sub3A_1165 : vector<16xf32>
      %add3A_1170 = arith.addf %mul3A_1168, %mul3A_1169 : vector<16xf32>
      %mul3A_1171 = arith.mulf %sub3A_1167, %sub3A_1167 : vector<16xf32>
      %add3A_1172 = arith.addf %add3A_1170, %mul3A_1171 : vector<16xf32>
      %min3A_1173 = arith.minimumf %min3A_1071, %add3A_1172 : vector<16xf32>
      %sub3A_1174 = vector.broadcast %squeeze3A_1157 : f32 to vector<16xf32>
      %sub3A_1175 = arith.subf %get3A_62, %sub3A_1174 : vector<16xf32>
      %sub3A_1176 = vector.broadcast %squeeze3A_1159 : f32 to vector<16xf32>
      %sub3A_1177 = arith.subf %get3A_65, %sub3A_1176 : vector<16xf32>
      %sub3A_1178 = vector.broadcast %squeeze3A_1161 : f32 to vector<16xf32>
      %sub3A_1179 = arith.subf %get3A_68, %sub3A_1178 : vector<16xf32>
      %mul3A_1180 = arith.mulf %sub3A_1175, %sub3A_1175 : vector<16xf32>
      %mul3A_1181 = arith.mulf %sub3A_1177, %sub3A_1177 : vector<16xf32>
      %add3A_1182 = arith.addf %mul3A_1180, %mul3A_1181 : vector<16xf32>
      %mul3A_1183 = arith.mulf %sub3A_1179, %sub3A_1179 : vector<16xf32>
      %add3A_1184 = arith.addf %add3A_1182, %mul3A_1183 : vector<16xf32>
      %min3A_1185 = arith.minimumf %min3A_1083, %add3A_1184 : vector<16xf32>
      %sub3A_1186 = vector.broadcast %squeeze3A_1157 : f32 to vector<16xf32>
      %sub3A_1187 = arith.subf %get3A_71, %sub3A_1186 : vector<16xf32>
      %sub3A_1188 = vector.broadcast %squeeze3A_1159 : f32 to vector<16xf32>
      %sub3A_1189 = arith.subf %get3A_74, %sub3A_1188 : vector<16xf32>
      %sub3A_1190 = vector.broadcast %squeeze3A_1161 : f32 to vector<16xf32>
      %sub3A_1191 = arith.subf %get3A_77, %sub3A_1190 : vector<16xf32>
      %mul3A_1192 = arith.mulf %sub3A_1187, %sub3A_1187 : vector<16xf32>
      %mul3A_1193 = arith.mulf %sub3A_1189, %sub3A_1189 : vector<16xf32>
      %add3A_1194 = arith.addf %mul3A_1192, %mul3A_1193 : vector<16xf32>
      %mul3A_1195 = arith.mulf %sub3A_1191, %sub3A_1191 : vector<16xf32>
      %add3A_1196 = arith.addf %add3A_1194, %mul3A_1195 : vector<16xf32>
      %min3A_1197 = arith.minimumf %min3A_1095, %add3A_1196 : vector<16xf32>
      %sub3A_1198 = vector.broadcast %squeeze3A_1157 : f32 to vector<16xf32>
      %sub3A_1199 = arith.subf %get3A_80, %sub3A_1198 : vector<16xf32>
      %sub3A_1200 = vector.broadcast %squeeze3A_1159 : f32 to vector<16xf32>
      %sub3A_1201 = arith.subf %get3A_83, %sub3A_1200 : vector<16xf32>
      %sub3A_1202 = vector.broadcast %squeeze3A_1161 : f32 to vector<16xf32>
      %sub3A_1203 = arith.subf %get3A_86, %sub3A_1202 : vector<16xf32>
      %mul3A_1204 = arith.mulf %sub3A_1199, %sub3A_1199 : vector<16xf32>
      %mul3A_1205 = arith.mulf %sub3A_1201, %sub3A_1201 : vector<16xf32>
      %add3A_1206 = arith.addf %mul3A_1204, %mul3A_1205 : vector<16xf32>
      %mul3A_1207 = arith.mulf %sub3A_1203, %sub3A_1203 : vector<16xf32>
      %add3A_1208 = arith.addf %add3A_1206, %mul3A_1207 : vector<16xf32>
      %min3A_1209 = arith.minimumf %min3A_1107, %add3A_1208 : vector<16xf32>
      %sub3A_1210 = vector.broadcast %squeeze3A_1157 : f32 to vector<16xf32>
      %sub3A_1211 = arith.subf %get3A_89, %sub3A_1210 : vector<16xf32>
      %sub3A_1212 = vector.broadcast %squeeze3A_1159 : f32 to vector<16xf32>
      %sub3A_1213 = arith.subf %get3A_92, %sub3A_1212 : vector<16xf32>
      %sub3A_1214 = vector.broadcast %squeeze3A_1161 : f32 to vector<16xf32>
      %sub3A_1215 = arith.subf %get3A_95, %sub3A_1214 : vector<16xf32>
      %mul3A_1216 = arith.mulf %sub3A_1211, %sub3A_1211 : vector<16xf32>
      %mul3A_1217 = arith.mulf %sub3A_1213, %sub3A_1213 : vector<16xf32>
      %add3A_1218 = arith.addf %mul3A_1216, %mul3A_1217 : vector<16xf32>
      %mul3A_1219 = arith.mulf %sub3A_1215, %sub3A_1215 : vector<16xf32>
      %add3A_1220 = arith.addf %add3A_1218, %mul3A_1219 : vector<16xf32>
      %min3A_1221 = arith.minimumf %min3A_1119, %add3A_1220 : vector<16xf32>
      %sub3A_1222 = vector.broadcast %squeeze3A_1157 : f32 to vector<16xf32>
      %sub3A_1223 = arith.subf %get3A_98, %sub3A_1222 : vector<16xf32>
      %sub3A_1224 = vector.broadcast %squeeze3A_1159 : f32 to vector<16xf32>
      %sub3A_1225 = arith.subf %get3A_101, %sub3A_1224 : vector<16xf32>
      %sub3A_1226 = vector.broadcast %squeeze3A_1161 : f32 to vector<16xf32>
      %sub3A_1227 = arith.subf %get3A_104, %sub3A_1226 : vector<16xf32>
      %mul3A_1228 = arith.mulf %sub3A_1223, %sub3A_1223 : vector<16xf32>
      %mul3A_1229 = arith.mulf %sub3A_1225, %sub3A_1225 : vector<16xf32>
      %add3A_1230 = arith.addf %mul3A_1228, %mul3A_1229 : vector<16xf32>
      %mul3A_1231 = arith.mulf %sub3A_1227, %sub3A_1227 : vector<16xf32>
      %add3A_1232 = arith.addf %add3A_1230, %mul3A_1231 : vector<16xf32>
      %min3A_1233 = arith.minimumf %min3A_1131, %add3A_1232 : vector<16xf32>
      %sub3A_1234 = vector.broadcast %squeeze3A_1157 : f32 to vector<16xf32>
      %sub3A_1235 = arith.subf %get3A_107, %sub3A_1234 : vector<16xf32>
      %sub3A_1236 = vector.broadcast %squeeze3A_1159 : f32 to vector<16xf32>
      %sub3A_1237 = arith.subf %get3A_110, %sub3A_1236 : vector<16xf32>
      %sub3A_1238 = vector.broadcast %squeeze3A_1161 : f32 to vector<16xf32>
      %sub3A_1239 = arith.subf %get3A_113, %sub3A_1238 : vector<16xf32>
      %mul3A_1240 = arith.mulf %sub3A_1235, %sub3A_1235 : vector<16xf32>
      %mul3A_1241 = arith.mulf %sub3A_1237, %sub3A_1237 : vector<16xf32>
      %add3A_1242 = arith.addf %mul3A_1240, %mul3A_1241 : vector<16xf32>
      %mul3A_1243 = arith.mulf %sub3A_1239, %sub3A_1239 : vector<16xf32>
      %add3A_1244 = arith.addf %add3A_1242, %mul3A_1243 : vector<16xf32>
      %min3A_1245 = arith.minimumf %min3A_1143, %add3A_1244 : vector<16xf32>
      %sub3A_1246 = vector.broadcast %squeeze3A_1157 : f32 to vector<16xf32>
      %sub3A_1247 = arith.subf %get3A_116, %sub3A_1246 : vector<16xf32>
      %sub3A_1248 = vector.broadcast %squeeze3A_1159 : f32 to vector<16xf32>
      %sub3A_1249 = arith.subf %get3A_119, %sub3A_1248 : vector<16xf32>
      %sub3A_1250 = vector.broadcast %squeeze3A_1161 : f32 to vector<16xf32>
      %sub3A_1251 = arith.subf %get3A_122, %sub3A_1250 : vector<16xf32>
      %mul3A_1252 = arith.mulf %sub3A_1247, %sub3A_1247 : vector<16xf32>
      %mul3A_1253 = arith.mulf %sub3A_1249, %sub3A_1249 : vector<16xf32>
      %add3A_1254 = arith.addf %mul3A_1252, %mul3A_1253 : vector<16xf32>
      %mul3A_1255 = arith.mulf %sub3A_1251, %sub3A_1251 : vector<16xf32>
      %add3A_1256 = arith.addf %add3A_1254, %mul3A_1255 : vector<16xf32>
      %min3A_1257 = arith.minimumf %min3A_1155, %add3A_1256 : vector<16xf32>
      %slice3A_1258 = vector.extract_strided_slice %get3A_336 {offsets = [9], sizes = [1], strides = [1]} : vector<16xf32> to vector<1xf32>
      %squeeze3A_1259 = vector.extract %slice3A_1258[0] : f32 from vector<1xf32>
      %slice3A_1260 = vector.extract_strided_slice %get3A_339 {offsets = [9], sizes = [1], strides = [1]} : vector<16xf32> to vector<1xf32>
      %squeeze3A_1261 = vector.extract %slice3A_1260[0] : f32 from vector<1xf32>
      %slice3A_1262 = vector.extract_strided_slice %get3A_342 {offsets = [9], sizes = [1], strides = [1]} : vector<16xf32> to vector<1xf32>
      %squeeze3A_1263 = vector.extract %slice3A_1262[0] : f32 from vector<1xf32>
      %sub3A_1264 = vector.broadcast %squeeze3A_1259 : f32 to vector<16xf32>
      %sub3A_1265 = arith.subf %get3A_53, %sub3A_1264 : vector<16xf32>
      %sub3A_1266 = vector.broadcast %squeeze3A_1261 : f32 to vector<16xf32>
      %sub3A_1267 = arith.subf %get3A_56, %sub3A_1266 : vector<16xf32>
      %sub3A_1268 = vector.broadcast %squeeze3A_1263 : f32 to vector<16xf32>
      %sub3A_1269 = arith.subf %get3A_59, %sub3A_1268 : vector<16xf32>
      %mul3A_1270 = arith.mulf %sub3A_1265, %sub3A_1265 : vector<16xf32>
      %mul3A_1271 = arith.mulf %sub3A_1267, %sub3A_1267 : vector<16xf32>
      %add3A_1272 = arith.addf %mul3A_1270, %mul3A_1271 : vector<16xf32>
      %mul3A_1273 = arith.mulf %sub3A_1269, %sub3A_1269 : vector<16xf32>
      %add3A_1274 = arith.addf %add3A_1272, %mul3A_1273 : vector<16xf32>
      %min3A_1275 = arith.minimumf %min3A_1173, %add3A_1274 : vector<16xf32>
      %sub3A_1276 = vector.broadcast %squeeze3A_1259 : f32 to vector<16xf32>
      %sub3A_1277 = arith.subf %get3A_62, %sub3A_1276 : vector<16xf32>
      %sub3A_1278 = vector.broadcast %squeeze3A_1261 : f32 to vector<16xf32>
      %sub3A_1279 = arith.subf %get3A_65, %sub3A_1278 : vector<16xf32>
      %sub3A_1280 = vector.broadcast %squeeze3A_1263 : f32 to vector<16xf32>
      %sub3A_1281 = arith.subf %get3A_68, %sub3A_1280 : vector<16xf32>
      %mul3A_1282 = arith.mulf %sub3A_1277, %sub3A_1277 : vector<16xf32>
      %mul3A_1283 = arith.mulf %sub3A_1279, %sub3A_1279 : vector<16xf32>
      %add3A_1284 = arith.addf %mul3A_1282, %mul3A_1283 : vector<16xf32>
      %mul3A_1285 = arith.mulf %sub3A_1281, %sub3A_1281 : vector<16xf32>
      %add3A_1286 = arith.addf %add3A_1284, %mul3A_1285 : vector<16xf32>
      %min3A_1287 = arith.minimumf %min3A_1185, %add3A_1286 : vector<16xf32>
      %sub3A_1288 = vector.broadcast %squeeze3A_1259 : f32 to vector<16xf32>
      %sub3A_1289 = arith.subf %get3A_71, %sub3A_1288 : vector<16xf32>
      %sub3A_1290 = vector.broadcast %squeeze3A_1261 : f32 to vector<16xf32>
      %sub3A_1291 = arith.subf %get3A_74, %sub3A_1290 : vector<16xf32>
      %sub3A_1292 = vector.broadcast %squeeze3A_1263 : f32 to vector<16xf32>
      %sub3A_1293 = arith.subf %get3A_77, %sub3A_1292 : vector<16xf32>
      %mul3A_1294 = arith.mulf %sub3A_1289, %sub3A_1289 : vector<16xf32>
      %mul3A_1295 = arith.mulf %sub3A_1291, %sub3A_1291 : vector<16xf32>
      %add3A_1296 = arith.addf %mul3A_1294, %mul3A_1295 : vector<16xf32>
      %mul3A_1297 = arith.mulf %sub3A_1293, %sub3A_1293 : vector<16xf32>
      %add3A_1298 = arith.addf %add3A_1296, %mul3A_1297 : vector<16xf32>
      %min3A_1299 = arith.minimumf %min3A_1197, %add3A_1298 : vector<16xf32>
      %sub3A_1300 = vector.broadcast %squeeze3A_1259 : f32 to vector<16xf32>
      %sub3A_1301 = arith.subf %get3A_80, %sub3A_1300 : vector<16xf32>
      %sub3A_1302 = vector.broadcast %squeeze3A_1261 : f32 to vector<16xf32>
      %sub3A_1303 = arith.subf %get3A_83, %sub3A_1302 : vector<16xf32>
      %sub3A_1304 = vector.broadcast %squeeze3A_1263 : f32 to vector<16xf32>
      %sub3A_1305 = arith.subf %get3A_86, %sub3A_1304 : vector<16xf32>
      %mul3A_1306 = arith.mulf %sub3A_1301, %sub3A_1301 : vector<16xf32>
      %mul3A_1307 = arith.mulf %sub3A_1303, %sub3A_1303 : vector<16xf32>
      %add3A_1308 = arith.addf %mul3A_1306, %mul3A_1307 : vector<16xf32>
      %mul3A_1309 = arith.mulf %sub3A_1305, %sub3A_1305 : vector<16xf32>
      %add3A_1310 = arith.addf %add3A_1308, %mul3A_1309 : vector<16xf32>
      %min3A_1311 = arith.minimumf %min3A_1209, %add3A_1310 : vector<16xf32>
      %sub3A_1312 = vector.broadcast %squeeze3A_1259 : f32 to vector<16xf32>
      %sub3A_1313 = arith.subf %get3A_89, %sub3A_1312 : vector<16xf32>
      %sub3A_1314 = vector.broadcast %squeeze3A_1261 : f32 to vector<16xf32>
      %sub3A_1315 = arith.subf %get3A_92, %sub3A_1314 : vector<16xf32>
      %sub3A_1316 = vector.broadcast %squeeze3A_1263 : f32 to vector<16xf32>
      %sub3A_1317 = arith.subf %get3A_95, %sub3A_1316 : vector<16xf32>
      %mul3A_1318 = arith.mulf %sub3A_1313, %sub3A_1313 : vector<16xf32>
      %mul3A_1319 = arith.mulf %sub3A_1315, %sub3A_1315 : vector<16xf32>
      %add3A_1320 = arith.addf %mul3A_1318, %mul3A_1319 : vector<16xf32>
      %mul3A_1321 = arith.mulf %sub3A_1317, %sub3A_1317 : vector<16xf32>
      %add3A_1322 = arith.addf %add3A_1320, %mul3A_1321 : vector<16xf32>
      %min3A_1323 = arith.minimumf %min3A_1221, %add3A_1322 : vector<16xf32>
      %sub3A_1324 = vector.broadcast %squeeze3A_1259 : f32 to vector<16xf32>
      %sub3A_1325 = arith.subf %get3A_98, %sub3A_1324 : vector<16xf32>
      %sub3A_1326 = vector.broadcast %squeeze3A_1261 : f32 to vector<16xf32>
      %sub3A_1327 = arith.subf %get3A_101, %sub3A_1326 : vector<16xf32>
      %sub3A_1328 = vector.broadcast %squeeze3A_1263 : f32 to vector<16xf32>
      %sub3A_1329 = arith.subf %get3A_104, %sub3A_1328 : vector<16xf32>
      %mul3A_1330 = arith.mulf %sub3A_1325, %sub3A_1325 : vector<16xf32>
      %mul3A_1331 = arith.mulf %sub3A_1327, %sub3A_1327 : vector<16xf32>
      %add3A_1332 = arith.addf %mul3A_1330, %mul3A_1331 : vector<16xf32>
      %mul3A_1333 = arith.mulf %sub3A_1329, %sub3A_1329 : vector<16xf32>
      %add3A_1334 = arith.addf %add3A_1332, %mul3A_1333 : vector<16xf32>
      %min3A_1335 = arith.minimumf %min3A_1233, %add3A_1334 : vector<16xf32>
      %sub3A_1336 = vector.broadcast %squeeze3A_1259 : f32 to vector<16xf32>
      %sub3A_1337 = arith.subf %get3A_107, %sub3A_1336 : vector<16xf32>
      %sub3A_1338 = vector.broadcast %squeeze3A_1261 : f32 to vector<16xf32>
      %sub3A_1339 = arith.subf %get3A_110, %sub3A_1338 : vector<16xf32>
      %sub3A_1340 = vector.broadcast %squeeze3A_1263 : f32 to vector<16xf32>
      %sub3A_1341 = arith.subf %get3A_113, %sub3A_1340 : vector<16xf32>
      %mul3A_1342 = arith.mulf %sub3A_1337, %sub3A_1337 : vector<16xf32>
      %mul3A_1343 = arith.mulf %sub3A_1339, %sub3A_1339 : vector<16xf32>
      %add3A_1344 = arith.addf %mul3A_1342, %mul3A_1343 : vector<16xf32>
      %mul3A_1345 = arith.mulf %sub3A_1341, %sub3A_1341 : vector<16xf32>
      %add3A_1346 = arith.addf %add3A_1344, %mul3A_1345 : vector<16xf32>
      %min3A_1347 = arith.minimumf %min3A_1245, %add3A_1346 : vector<16xf32>
      %sub3A_1348 = vector.broadcast %squeeze3A_1259 : f32 to vector<16xf32>
      %sub3A_1349 = arith.subf %get3A_116, %sub3A_1348 : vector<16xf32>
      %sub3A_1350 = vector.broadcast %squeeze3A_1261 : f32 to vector<16xf32>
      %sub3A_1351 = arith.subf %get3A_119, %sub3A_1350 : vector<16xf32>
      %sub3A_1352 = vector.broadcast %squeeze3A_1263 : f32 to vector<16xf32>
      %sub3A_1353 = arith.subf %get3A_122, %sub3A_1352 : vector<16xf32>
      %mul3A_1354 = arith.mulf %sub3A_1349, %sub3A_1349 : vector<16xf32>
      %mul3A_1355 = arith.mulf %sub3A_1351, %sub3A_1351 : vector<16xf32>
      %add3A_1356 = arith.addf %mul3A_1354, %mul3A_1355 : vector<16xf32>
      %mul3A_1357 = arith.mulf %sub3A_1353, %sub3A_1353 : vector<16xf32>
      %add3A_1358 = arith.addf %add3A_1356, %mul3A_1357 : vector<16xf32>
      %min3A_1359 = arith.minimumf %min3A_1257, %add3A_1358 : vector<16xf32>
      %slice3A_1360 = vector.extract_strided_slice %get3A_336 {offsets = [10], sizes = [1], strides = [1]} : vector<16xf32> to vector<1xf32>
      %squeeze3A_1361 = vector.extract %slice3A_1360[0] : f32 from vector<1xf32>
      %slice3A_1362 = vector.extract_strided_slice %get3A_339 {offsets = [10], sizes = [1], strides = [1]} : vector<16xf32> to vector<1xf32>
      %squeeze3A_1363 = vector.extract %slice3A_1362[0] : f32 from vector<1xf32>
      %slice3A_1364 = vector.extract_strided_slice %get3A_342 {offsets = [10], sizes = [1], strides = [1]} : vector<16xf32> to vector<1xf32>
      %squeeze3A_1365 = vector.extract %slice3A_1364[0] : f32 from vector<1xf32>
      %sub3A_1366 = vector.broadcast %squeeze3A_1361 : f32 to vector<16xf32>
      %sub3A_1367 = arith.subf %get3A_53, %sub3A_1366 : vector<16xf32>
      %sub3A_1368 = vector.broadcast %squeeze3A_1363 : f32 to vector<16xf32>
      %sub3A_1369 = arith.subf %get3A_56, %sub3A_1368 : vector<16xf32>
      %sub3A_1370 = vector.broadcast %squeeze3A_1365 : f32 to vector<16xf32>
      %sub3A_1371 = arith.subf %get3A_59, %sub3A_1370 : vector<16xf32>
      %mul3A_1372 = arith.mulf %sub3A_1367, %sub3A_1367 : vector<16xf32>
      %mul3A_1373 = arith.mulf %sub3A_1369, %sub3A_1369 : vector<16xf32>
      %add3A_1374 = arith.addf %mul3A_1372, %mul3A_1373 : vector<16xf32>
      %mul3A_1375 = arith.mulf %sub3A_1371, %sub3A_1371 : vector<16xf32>
      %add3A_1376 = arith.addf %add3A_1374, %mul3A_1375 : vector<16xf32>
      %min3A_1377 = arith.minimumf %min3A_1275, %add3A_1376 : vector<16xf32>
      %sub3A_1378 = vector.broadcast %squeeze3A_1361 : f32 to vector<16xf32>
      %sub3A_1379 = arith.subf %get3A_62, %sub3A_1378 : vector<16xf32>
      %sub3A_1380 = vector.broadcast %squeeze3A_1363 : f32 to vector<16xf32>
      %sub3A_1381 = arith.subf %get3A_65, %sub3A_1380 : vector<16xf32>
      %sub3A_1382 = vector.broadcast %squeeze3A_1365 : f32 to vector<16xf32>
      %sub3A_1383 = arith.subf %get3A_68, %sub3A_1382 : vector<16xf32>
      %mul3A_1384 = arith.mulf %sub3A_1379, %sub3A_1379 : vector<16xf32>
      %mul3A_1385 = arith.mulf %sub3A_1381, %sub3A_1381 : vector<16xf32>
      %add3A_1386 = arith.addf %mul3A_1384, %mul3A_1385 : vector<16xf32>
      %mul3A_1387 = arith.mulf %sub3A_1383, %sub3A_1383 : vector<16xf32>
      %add3A_1388 = arith.addf %add3A_1386, %mul3A_1387 : vector<16xf32>
      %min3A_1389 = arith.minimumf %min3A_1287, %add3A_1388 : vector<16xf32>
      %sub3A_1390 = vector.broadcast %squeeze3A_1361 : f32 to vector<16xf32>
      %sub3A_1391 = arith.subf %get3A_71, %sub3A_1390 : vector<16xf32>
      %sub3A_1392 = vector.broadcast %squeeze3A_1363 : f32 to vector<16xf32>
      %sub3A_1393 = arith.subf %get3A_74, %sub3A_1392 : vector<16xf32>
      %sub3A_1394 = vector.broadcast %squeeze3A_1365 : f32 to vector<16xf32>
      %sub3A_1395 = arith.subf %get3A_77, %sub3A_1394 : vector<16xf32>
      %mul3A_1396 = arith.mulf %sub3A_1391, %sub3A_1391 : vector<16xf32>
      %mul3A_1397 = arith.mulf %sub3A_1393, %sub3A_1393 : vector<16xf32>
      %add3A_1398 = arith.addf %mul3A_1396, %mul3A_1397 : vector<16xf32>
      %mul3A_1399 = arith.mulf %sub3A_1395, %sub3A_1395 : vector<16xf32>
      %add3A_1400 = arith.addf %add3A_1398, %mul3A_1399 : vector<16xf32>
      %min3A_1401 = arith.minimumf %min3A_1299, %add3A_1400 : vector<16xf32>
      %sub3A_1402 = vector.broadcast %squeeze3A_1361 : f32 to vector<16xf32>
      %sub3A_1403 = arith.subf %get3A_80, %sub3A_1402 : vector<16xf32>
      %sub3A_1404 = vector.broadcast %squeeze3A_1363 : f32 to vector<16xf32>
      %sub3A_1405 = arith.subf %get3A_83, %sub3A_1404 : vector<16xf32>
      %sub3A_1406 = vector.broadcast %squeeze3A_1365 : f32 to vector<16xf32>
      %sub3A_1407 = arith.subf %get3A_86, %sub3A_1406 : vector<16xf32>
      %mul3A_1408 = arith.mulf %sub3A_1403, %sub3A_1403 : vector<16xf32>
      %mul3A_1409 = arith.mulf %sub3A_1405, %sub3A_1405 : vector<16xf32>
      %add3A_1410 = arith.addf %mul3A_1408, %mul3A_1409 : vector<16xf32>
      %mul3A_1411 = arith.mulf %sub3A_1407, %sub3A_1407 : vector<16xf32>
      %add3A_1412 = arith.addf %add3A_1410, %mul3A_1411 : vector<16xf32>
      %min3A_1413 = arith.minimumf %min3A_1311, %add3A_1412 : vector<16xf32>
      %sub3A_1414 = vector.broadcast %squeeze3A_1361 : f32 to vector<16xf32>
      %sub3A_1415 = arith.subf %get3A_89, %sub3A_1414 : vector<16xf32>
      %sub3A_1416 = vector.broadcast %squeeze3A_1363 : f32 to vector<16xf32>
      %sub3A_1417 = arith.subf %get3A_92, %sub3A_1416 : vector<16xf32>
      %sub3A_1418 = vector.broadcast %squeeze3A_1365 : f32 to vector<16xf32>
      %sub3A_1419 = arith.subf %get3A_95, %sub3A_1418 : vector<16xf32>
      %mul3A_1420 = arith.mulf %sub3A_1415, %sub3A_1415 : vector<16xf32>
      %mul3A_1421 = arith.mulf %sub3A_1417, %sub3A_1417 : vector<16xf32>
      %add3A_1422 = arith.addf %mul3A_1420, %mul3A_1421 : vector<16xf32>
      %mul3A_1423 = arith.mulf %sub3A_1419, %sub3A_1419 : vector<16xf32>
      %add3A_1424 = arith.addf %add3A_1422, %mul3A_1423 : vector<16xf32>
      %min3A_1425 = arith.minimumf %min3A_1323, %add3A_1424 : vector<16xf32>
      %sub3A_1426 = vector.broadcast %squeeze3A_1361 : f32 to vector<16xf32>
      %sub3A_1427 = arith.subf %get3A_98, %sub3A_1426 : vector<16xf32>
      %sub3A_1428 = vector.broadcast %squeeze3A_1363 : f32 to vector<16xf32>
      %sub3A_1429 = arith.subf %get3A_101, %sub3A_1428 : vector<16xf32>
      %sub3A_1430 = vector.broadcast %squeeze3A_1365 : f32 to vector<16xf32>
      %sub3A_1431 = arith.subf %get3A_104, %sub3A_1430 : vector<16xf32>
      %mul3A_1432 = arith.mulf %sub3A_1427, %sub3A_1427 : vector<16xf32>
      %mul3A_1433 = arith.mulf %sub3A_1429, %sub3A_1429 : vector<16xf32>
      %add3A_1434 = arith.addf %mul3A_1432, %mul3A_1433 : vector<16xf32>
      %mul3A_1435 = arith.mulf %sub3A_1431, %sub3A_1431 : vector<16xf32>
      %add3A_1436 = arith.addf %add3A_1434, %mul3A_1435 : vector<16xf32>
      %min3A_1437 = arith.minimumf %min3A_1335, %add3A_1436 : vector<16xf32>
      %sub3A_1438 = vector.broadcast %squeeze3A_1361 : f32 to vector<16xf32>
      %sub3A_1439 = arith.subf %get3A_107, %sub3A_1438 : vector<16xf32>
      %sub3A_1440 = vector.broadcast %squeeze3A_1363 : f32 to vector<16xf32>
      %sub3A_1441 = arith.subf %get3A_110, %sub3A_1440 : vector<16xf32>
      %sub3A_1442 = vector.broadcast %squeeze3A_1365 : f32 to vector<16xf32>
      %sub3A_1443 = arith.subf %get3A_113, %sub3A_1442 : vector<16xf32>
      %mul3A_1444 = arith.mulf %sub3A_1439, %sub3A_1439 : vector<16xf32>
      %mul3A_1445 = arith.mulf %sub3A_1441, %sub3A_1441 : vector<16xf32>
      %add3A_1446 = arith.addf %mul3A_1444, %mul3A_1445 : vector<16xf32>
      %mul3A_1447 = arith.mulf %sub3A_1443, %sub3A_1443 : vector<16xf32>
      %add3A_1448 = arith.addf %add3A_1446, %mul3A_1447 : vector<16xf32>
      %min3A_1449 = arith.minimumf %min3A_1347, %add3A_1448 : vector<16xf32>
      %sub3A_1450 = vector.broadcast %squeeze3A_1361 : f32 to vector<16xf32>
      %sub3A_1451 = arith.subf %get3A_116, %sub3A_1450 : vector<16xf32>
      %sub3A_1452 = vector.broadcast %squeeze3A_1363 : f32 to vector<16xf32>
      %sub3A_1453 = arith.subf %get3A_119, %sub3A_1452 : vector<16xf32>
      %sub3A_1454 = vector.broadcast %squeeze3A_1365 : f32 to vector<16xf32>
      %sub3A_1455 = arith.subf %get3A_122, %sub3A_1454 : vector<16xf32>
      %mul3A_1456 = arith.mulf %sub3A_1451, %sub3A_1451 : vector<16xf32>
      %mul3A_1457 = arith.mulf %sub3A_1453, %sub3A_1453 : vector<16xf32>
      %add3A_1458 = arith.addf %mul3A_1456, %mul3A_1457 : vector<16xf32>
      %mul3A_1459 = arith.mulf %sub3A_1455, %sub3A_1455 : vector<16xf32>
      %add3A_1460 = arith.addf %add3A_1458, %mul3A_1459 : vector<16xf32>
      %min3A_1461 = arith.minimumf %min3A_1359, %add3A_1460 : vector<16xf32>
      %slice3A_1462 = vector.extract_strided_slice %get3A_336 {offsets = [11], sizes = [1], strides = [1]} : vector<16xf32> to vector<1xf32>
      %squeeze3A_1463 = vector.extract %slice3A_1462[0] : f32 from vector<1xf32>
      %slice3A_1464 = vector.extract_strided_slice %get3A_339 {offsets = [11], sizes = [1], strides = [1]} : vector<16xf32> to vector<1xf32>
      %squeeze3A_1465 = vector.extract %slice3A_1464[0] : f32 from vector<1xf32>
      %slice3A_1466 = vector.extract_strided_slice %get3A_342 {offsets = [11], sizes = [1], strides = [1]} : vector<16xf32> to vector<1xf32>
      %squeeze3A_1467 = vector.extract %slice3A_1466[0] : f32 from vector<1xf32>
      %sub3A_1468 = vector.broadcast %squeeze3A_1463 : f32 to vector<16xf32>
      %sub3A_1469 = arith.subf %get3A_53, %sub3A_1468 : vector<16xf32>
      %sub3A_1470 = vector.broadcast %squeeze3A_1465 : f32 to vector<16xf32>
      %sub3A_1471 = arith.subf %get3A_56, %sub3A_1470 : vector<16xf32>
      %sub3A_1472 = vector.broadcast %squeeze3A_1467 : f32 to vector<16xf32>
      %sub3A_1473 = arith.subf %get3A_59, %sub3A_1472 : vector<16xf32>
      %mul3A_1474 = arith.mulf %sub3A_1469, %sub3A_1469 : vector<16xf32>
      %mul3A_1475 = arith.mulf %sub3A_1471, %sub3A_1471 : vector<16xf32>
      %add3A_1476 = arith.addf %mul3A_1474, %mul3A_1475 : vector<16xf32>
      %mul3A_1477 = arith.mulf %sub3A_1473, %sub3A_1473 : vector<16xf32>
      %add3A_1478 = arith.addf %add3A_1476, %mul3A_1477 : vector<16xf32>
      %min3A_1479 = arith.minimumf %min3A_1377, %add3A_1478 : vector<16xf32>
      %sub3A_1480 = vector.broadcast %squeeze3A_1463 : f32 to vector<16xf32>
      %sub3A_1481 = arith.subf %get3A_62, %sub3A_1480 : vector<16xf32>
      %sub3A_1482 = vector.broadcast %squeeze3A_1465 : f32 to vector<16xf32>
      %sub3A_1483 = arith.subf %get3A_65, %sub3A_1482 : vector<16xf32>
      %sub3A_1484 = vector.broadcast %squeeze3A_1467 : f32 to vector<16xf32>
      %sub3A_1485 = arith.subf %get3A_68, %sub3A_1484 : vector<16xf32>
      %mul3A_1486 = arith.mulf %sub3A_1481, %sub3A_1481 : vector<16xf32>
      %mul3A_1487 = arith.mulf %sub3A_1483, %sub3A_1483 : vector<16xf32>
      %add3A_1488 = arith.addf %mul3A_1486, %mul3A_1487 : vector<16xf32>
      %mul3A_1489 = arith.mulf %sub3A_1485, %sub3A_1485 : vector<16xf32>
      %add3A_1490 = arith.addf %add3A_1488, %mul3A_1489 : vector<16xf32>
      %min3A_1491 = arith.minimumf %min3A_1389, %add3A_1490 : vector<16xf32>
      %sub3A_1492 = vector.broadcast %squeeze3A_1463 : f32 to vector<16xf32>
      %sub3A_1493 = arith.subf %get3A_71, %sub3A_1492 : vector<16xf32>
      %sub3A_1494 = vector.broadcast %squeeze3A_1465 : f32 to vector<16xf32>
      %sub3A_1495 = arith.subf %get3A_74, %sub3A_1494 : vector<16xf32>
      %sub3A_1496 = vector.broadcast %squeeze3A_1467 : f32 to vector<16xf32>
      %sub3A_1497 = arith.subf %get3A_77, %sub3A_1496 : vector<16xf32>
      %mul3A_1498 = arith.mulf %sub3A_1493, %sub3A_1493 : vector<16xf32>
      %mul3A_1499 = arith.mulf %sub3A_1495, %sub3A_1495 : vector<16xf32>
      %add3A_1500 = arith.addf %mul3A_1498, %mul3A_1499 : vector<16xf32>
      %mul3A_1501 = arith.mulf %sub3A_1497, %sub3A_1497 : vector<16xf32>
      %add3A_1502 = arith.addf %add3A_1500, %mul3A_1501 : vector<16xf32>
      %min3A_1503 = arith.minimumf %min3A_1401, %add3A_1502 : vector<16xf32>
      %sub3A_1504 = vector.broadcast %squeeze3A_1463 : f32 to vector<16xf32>
      %sub3A_1505 = arith.subf %get3A_80, %sub3A_1504 : vector<16xf32>
      %sub3A_1506 = vector.broadcast %squeeze3A_1465 : f32 to vector<16xf32>
      %sub3A_1507 = arith.subf %get3A_83, %sub3A_1506 : vector<16xf32>
      %sub3A_1508 = vector.broadcast %squeeze3A_1467 : f32 to vector<16xf32>
      %sub3A_1509 = arith.subf %get3A_86, %sub3A_1508 : vector<16xf32>
      %mul3A_1510 = arith.mulf %sub3A_1505, %sub3A_1505 : vector<16xf32>
      %mul3A_1511 = arith.mulf %sub3A_1507, %sub3A_1507 : vector<16xf32>
      %add3A_1512 = arith.addf %mul3A_1510, %mul3A_1511 : vector<16xf32>
      %mul3A_1513 = arith.mulf %sub3A_1509, %sub3A_1509 : vector<16xf32>
      %add3A_1514 = arith.addf %add3A_1512, %mul3A_1513 : vector<16xf32>
      %min3A_1515 = arith.minimumf %min3A_1413, %add3A_1514 : vector<16xf32>
      %sub3A_1516 = vector.broadcast %squeeze3A_1463 : f32 to vector<16xf32>
      %sub3A_1517 = arith.subf %get3A_89, %sub3A_1516 : vector<16xf32>
      %sub3A_1518 = vector.broadcast %squeeze3A_1465 : f32 to vector<16xf32>
      %sub3A_1519 = arith.subf %get3A_92, %sub3A_1518 : vector<16xf32>
      %sub3A_1520 = vector.broadcast %squeeze3A_1467 : f32 to vector<16xf32>
      %sub3A_1521 = arith.subf %get3A_95, %sub3A_1520 : vector<16xf32>
      %mul3A_1522 = arith.mulf %sub3A_1517, %sub3A_1517 : vector<16xf32>
      %mul3A_1523 = arith.mulf %sub3A_1519, %sub3A_1519 : vector<16xf32>
      %add3A_1524 = arith.addf %mul3A_1522, %mul3A_1523 : vector<16xf32>
      %mul3A_1525 = arith.mulf %sub3A_1521, %sub3A_1521 : vector<16xf32>
      %add3A_1526 = arith.addf %add3A_1524, %mul3A_1525 : vector<16xf32>
      %min3A_1527 = arith.minimumf %min3A_1425, %add3A_1526 : vector<16xf32>
      %sub3A_1528 = vector.broadcast %squeeze3A_1463 : f32 to vector<16xf32>
      %sub3A_1529 = arith.subf %get3A_98, %sub3A_1528 : vector<16xf32>
      %sub3A_1530 = vector.broadcast %squeeze3A_1465 : f32 to vector<16xf32>
      %sub3A_1531 = arith.subf %get3A_101, %sub3A_1530 : vector<16xf32>
      %sub3A_1532 = vector.broadcast %squeeze3A_1467 : f32 to vector<16xf32>
      %sub3A_1533 = arith.subf %get3A_104, %sub3A_1532 : vector<16xf32>
      %mul3A_1534 = arith.mulf %sub3A_1529, %sub3A_1529 : vector<16xf32>
      %mul3A_1535 = arith.mulf %sub3A_1531, %sub3A_1531 : vector<16xf32>
      %add3A_1536 = arith.addf %mul3A_1534, %mul3A_1535 : vector<16xf32>
      %mul3A_1537 = arith.mulf %sub3A_1533, %sub3A_1533 : vector<16xf32>
      %add3A_1538 = arith.addf %add3A_1536, %mul3A_1537 : vector<16xf32>
      %min3A_1539 = arith.minimumf %min3A_1437, %add3A_1538 : vector<16xf32>
      %sub3A_1540 = vector.broadcast %squeeze3A_1463 : f32 to vector<16xf32>
      %sub3A_1541 = arith.subf %get3A_107, %sub3A_1540 : vector<16xf32>
      %sub3A_1542 = vector.broadcast %squeeze3A_1465 : f32 to vector<16xf32>
      %sub3A_1543 = arith.subf %get3A_110, %sub3A_1542 : vector<16xf32>
      %sub3A_1544 = vector.broadcast %squeeze3A_1467 : f32 to vector<16xf32>
      %sub3A_1545 = arith.subf %get3A_113, %sub3A_1544 : vector<16xf32>
      %mul3A_1546 = arith.mulf %sub3A_1541, %sub3A_1541 : vector<16xf32>
      %mul3A_1547 = arith.mulf %sub3A_1543, %sub3A_1543 : vector<16xf32>
      %add3A_1548 = arith.addf %mul3A_1546, %mul3A_1547 : vector<16xf32>
      %mul3A_1549 = arith.mulf %sub3A_1545, %sub3A_1545 : vector<16xf32>
      %add3A_1550 = arith.addf %add3A_1548, %mul3A_1549 : vector<16xf32>
      %min3A_1551 = arith.minimumf %min3A_1449, %add3A_1550 : vector<16xf32>
      %sub3A_1552 = vector.broadcast %squeeze3A_1463 : f32 to vector<16xf32>
      %sub3A_1553 = arith.subf %get3A_116, %sub3A_1552 : vector<16xf32>
      %sub3A_1554 = vector.broadcast %squeeze3A_1465 : f32 to vector<16xf32>
      %sub3A_1555 = arith.subf %get3A_119, %sub3A_1554 : vector<16xf32>
      %sub3A_1556 = vector.broadcast %squeeze3A_1467 : f32 to vector<16xf32>
      %sub3A_1557 = arith.subf %get3A_122, %sub3A_1556 : vector<16xf32>
      %mul3A_1558 = arith.mulf %sub3A_1553, %sub3A_1553 : vector<16xf32>
      %mul3A_1559 = arith.mulf %sub3A_1555, %sub3A_1555 : vector<16xf32>
      %add3A_1560 = arith.addf %mul3A_1558, %mul3A_1559 : vector<16xf32>
      %mul3A_1561 = arith.mulf %sub3A_1557, %sub3A_1557 : vector<16xf32>
      %add3A_1562 = arith.addf %add3A_1560, %mul3A_1561 : vector<16xf32>
      %min3A_1563 = arith.minimumf %min3A_1461, %add3A_1562 : vector<16xf32>
      %slice3A_1564 = vector.extract_strided_slice %get3A_336 {offsets = [12], sizes = [1], strides = [1]} : vector<16xf32> to vector<1xf32>
      %squeeze3A_1565 = vector.extract %slice3A_1564[0] : f32 from vector<1xf32>
      %slice3A_1566 = vector.extract_strided_slice %get3A_339 {offsets = [12], sizes = [1], strides = [1]} : vector<16xf32> to vector<1xf32>
      %squeeze3A_1567 = vector.extract %slice3A_1566[0] : f32 from vector<1xf32>
      %slice3A_1568 = vector.extract_strided_slice %get3A_342 {offsets = [12], sizes = [1], strides = [1]} : vector<16xf32> to vector<1xf32>
      %squeeze3A_1569 = vector.extract %slice3A_1568[0] : f32 from vector<1xf32>
      %sub3A_1570 = vector.broadcast %squeeze3A_1565 : f32 to vector<16xf32>
      %sub3A_1571 = arith.subf %get3A_53, %sub3A_1570 : vector<16xf32>
      %sub3A_1572 = vector.broadcast %squeeze3A_1567 : f32 to vector<16xf32>
      %sub3A_1573 = arith.subf %get3A_56, %sub3A_1572 : vector<16xf32>
      %sub3A_1574 = vector.broadcast %squeeze3A_1569 : f32 to vector<16xf32>
      %sub3A_1575 = arith.subf %get3A_59, %sub3A_1574 : vector<16xf32>
      %mul3A_1576 = arith.mulf %sub3A_1571, %sub3A_1571 : vector<16xf32>
      %mul3A_1577 = arith.mulf %sub3A_1573, %sub3A_1573 : vector<16xf32>
      %add3A_1578 = arith.addf %mul3A_1576, %mul3A_1577 : vector<16xf32>
      %mul3A_1579 = arith.mulf %sub3A_1575, %sub3A_1575 : vector<16xf32>
      %add3A_1580 = arith.addf %add3A_1578, %mul3A_1579 : vector<16xf32>
      %min3A_1581 = arith.minimumf %min3A_1479, %add3A_1580 : vector<16xf32>
      %sub3A_1582 = vector.broadcast %squeeze3A_1565 : f32 to vector<16xf32>
      %sub3A_1583 = arith.subf %get3A_62, %sub3A_1582 : vector<16xf32>
      %sub3A_1584 = vector.broadcast %squeeze3A_1567 : f32 to vector<16xf32>
      %sub3A_1585 = arith.subf %get3A_65, %sub3A_1584 : vector<16xf32>
      %sub3A_1586 = vector.broadcast %squeeze3A_1569 : f32 to vector<16xf32>
      %sub3A_1587 = arith.subf %get3A_68, %sub3A_1586 : vector<16xf32>
      %mul3A_1588 = arith.mulf %sub3A_1583, %sub3A_1583 : vector<16xf32>
      %mul3A_1589 = arith.mulf %sub3A_1585, %sub3A_1585 : vector<16xf32>
      %add3A_1590 = arith.addf %mul3A_1588, %mul3A_1589 : vector<16xf32>
      %mul3A_1591 = arith.mulf %sub3A_1587, %sub3A_1587 : vector<16xf32>
      %add3A_1592 = arith.addf %add3A_1590, %mul3A_1591 : vector<16xf32>
      %min3A_1593 = arith.minimumf %min3A_1491, %add3A_1592 : vector<16xf32>
      %sub3A_1594 = vector.broadcast %squeeze3A_1565 : f32 to vector<16xf32>
      %sub3A_1595 = arith.subf %get3A_71, %sub3A_1594 : vector<16xf32>
      %sub3A_1596 = vector.broadcast %squeeze3A_1567 : f32 to vector<16xf32>
      %sub3A_1597 = arith.subf %get3A_74, %sub3A_1596 : vector<16xf32>
      %sub3A_1598 = vector.broadcast %squeeze3A_1569 : f32 to vector<16xf32>
      %sub3A_1599 = arith.subf %get3A_77, %sub3A_1598 : vector<16xf32>
      %mul3A_1600 = arith.mulf %sub3A_1595, %sub3A_1595 : vector<16xf32>
      %mul3A_1601 = arith.mulf %sub3A_1597, %sub3A_1597 : vector<16xf32>
      %add3A_1602 = arith.addf %mul3A_1600, %mul3A_1601 : vector<16xf32>
      %mul3A_1603 = arith.mulf %sub3A_1599, %sub3A_1599 : vector<16xf32>
      %add3A_1604 = arith.addf %add3A_1602, %mul3A_1603 : vector<16xf32>
      %min3A_1605 = arith.minimumf %min3A_1503, %add3A_1604 : vector<16xf32>
      %sub3A_1606 = vector.broadcast %squeeze3A_1565 : f32 to vector<16xf32>
      %sub3A_1607 = arith.subf %get3A_80, %sub3A_1606 : vector<16xf32>
      %sub3A_1608 = vector.broadcast %squeeze3A_1567 : f32 to vector<16xf32>
      %sub3A_1609 = arith.subf %get3A_83, %sub3A_1608 : vector<16xf32>
      %sub3A_1610 = vector.broadcast %squeeze3A_1569 : f32 to vector<16xf32>
      %sub3A_1611 = arith.subf %get3A_86, %sub3A_1610 : vector<16xf32>
      %mul3A_1612 = arith.mulf %sub3A_1607, %sub3A_1607 : vector<16xf32>
      %mul3A_1613 = arith.mulf %sub3A_1609, %sub3A_1609 : vector<16xf32>
      %add3A_1614 = arith.addf %mul3A_1612, %mul3A_1613 : vector<16xf32>
      %mul3A_1615 = arith.mulf %sub3A_1611, %sub3A_1611 : vector<16xf32>
      %add3A_1616 = arith.addf %add3A_1614, %mul3A_1615 : vector<16xf32>
      %min3A_1617 = arith.minimumf %min3A_1515, %add3A_1616 : vector<16xf32>
      %sub3A_1618 = vector.broadcast %squeeze3A_1565 : f32 to vector<16xf32>
      %sub3A_1619 = arith.subf %get3A_89, %sub3A_1618 : vector<16xf32>
      %sub3A_1620 = vector.broadcast %squeeze3A_1567 : f32 to vector<16xf32>
      %sub3A_1621 = arith.subf %get3A_92, %sub3A_1620 : vector<16xf32>
      %sub3A_1622 = vector.broadcast %squeeze3A_1569 : f32 to vector<16xf32>
      %sub3A_1623 = arith.subf %get3A_95, %sub3A_1622 : vector<16xf32>
      %mul3A_1624 = arith.mulf %sub3A_1619, %sub3A_1619 : vector<16xf32>
      %mul3A_1625 = arith.mulf %sub3A_1621, %sub3A_1621 : vector<16xf32>
      %add3A_1626 = arith.addf %mul3A_1624, %mul3A_1625 : vector<16xf32>
      %mul3A_1627 = arith.mulf %sub3A_1623, %sub3A_1623 : vector<16xf32>
      %add3A_1628 = arith.addf %add3A_1626, %mul3A_1627 : vector<16xf32>
      %min3A_1629 = arith.minimumf %min3A_1527, %add3A_1628 : vector<16xf32>
      %sub3A_1630 = vector.broadcast %squeeze3A_1565 : f32 to vector<16xf32>
      %sub3A_1631 = arith.subf %get3A_98, %sub3A_1630 : vector<16xf32>
      %sub3A_1632 = vector.broadcast %squeeze3A_1567 : f32 to vector<16xf32>
      %sub3A_1633 = arith.subf %get3A_101, %sub3A_1632 : vector<16xf32>
      %sub3A_1634 = vector.broadcast %squeeze3A_1569 : f32 to vector<16xf32>
      %sub3A_1635 = arith.subf %get3A_104, %sub3A_1634 : vector<16xf32>
      %mul3A_1636 = arith.mulf %sub3A_1631, %sub3A_1631 : vector<16xf32>
      %mul3A_1637 = arith.mulf %sub3A_1633, %sub3A_1633 : vector<16xf32>
      %add3A_1638 = arith.addf %mul3A_1636, %mul3A_1637 : vector<16xf32>
      %mul3A_1639 = arith.mulf %sub3A_1635, %sub3A_1635 : vector<16xf32>
      %add3A_1640 = arith.addf %add3A_1638, %mul3A_1639 : vector<16xf32>
      %min3A_1641 = arith.minimumf %min3A_1539, %add3A_1640 : vector<16xf32>
      %sub3A_1642 = vector.broadcast %squeeze3A_1565 : f32 to vector<16xf32>
      %sub3A_1643 = arith.subf %get3A_107, %sub3A_1642 : vector<16xf32>
      %sub3A_1644 = vector.broadcast %squeeze3A_1567 : f32 to vector<16xf32>
      %sub3A_1645 = arith.subf %get3A_110, %sub3A_1644 : vector<16xf32>
      %sub3A_1646 = vector.broadcast %squeeze3A_1569 : f32 to vector<16xf32>
      %sub3A_1647 = arith.subf %get3A_113, %sub3A_1646 : vector<16xf32>
      %mul3A_1648 = arith.mulf %sub3A_1643, %sub3A_1643 : vector<16xf32>
      %mul3A_1649 = arith.mulf %sub3A_1645, %sub3A_1645 : vector<16xf32>
      %add3A_1650 = arith.addf %mul3A_1648, %mul3A_1649 : vector<16xf32>
      %mul3A_1651 = arith.mulf %sub3A_1647, %sub3A_1647 : vector<16xf32>
      %add3A_1652 = arith.addf %add3A_1650, %mul3A_1651 : vector<16xf32>
      %min3A_1653 = arith.minimumf %min3A_1551, %add3A_1652 : vector<16xf32>
      %sub3A_1654 = vector.broadcast %squeeze3A_1565 : f32 to vector<16xf32>
      %sub3A_1655 = arith.subf %get3A_116, %sub3A_1654 : vector<16xf32>
      %sub3A_1656 = vector.broadcast %squeeze3A_1567 : f32 to vector<16xf32>
      %sub3A_1657 = arith.subf %get3A_119, %sub3A_1656 : vector<16xf32>
      %sub3A_1658 = vector.broadcast %squeeze3A_1569 : f32 to vector<16xf32>
      %sub3A_1659 = arith.subf %get3A_122, %sub3A_1658 : vector<16xf32>
      %mul3A_1660 = arith.mulf %sub3A_1655, %sub3A_1655 : vector<16xf32>
      %mul3A_1661 = arith.mulf %sub3A_1657, %sub3A_1657 : vector<16xf32>
      %add3A_1662 = arith.addf %mul3A_1660, %mul3A_1661 : vector<16xf32>
      %mul3A_1663 = arith.mulf %sub3A_1659, %sub3A_1659 : vector<16xf32>
      %add3A_1664 = arith.addf %add3A_1662, %mul3A_1663 : vector<16xf32>
      %min3A_1665 = arith.minimumf %min3A_1563, %add3A_1664 : vector<16xf32>
      %slice3A_1666 = vector.extract_strided_slice %get3A_336 {offsets = [13], sizes = [1], strides = [1]} : vector<16xf32> to vector<1xf32>
      %squeeze3A_1667 = vector.extract %slice3A_1666[0] : f32 from vector<1xf32>
      %slice3A_1668 = vector.extract_strided_slice %get3A_339 {offsets = [13], sizes = [1], strides = [1]} : vector<16xf32> to vector<1xf32>
      %squeeze3A_1669 = vector.extract %slice3A_1668[0] : f32 from vector<1xf32>
      %slice3A_1670 = vector.extract_strided_slice %get3A_342 {offsets = [13], sizes = [1], strides = [1]} : vector<16xf32> to vector<1xf32>
      %squeeze3A_1671 = vector.extract %slice3A_1670[0] : f32 from vector<1xf32>
      %sub3A_1672 = vector.broadcast %squeeze3A_1667 : f32 to vector<16xf32>
      %sub3A_1673 = arith.subf %get3A_53, %sub3A_1672 : vector<16xf32>
      %sub3A_1674 = vector.broadcast %squeeze3A_1669 : f32 to vector<16xf32>
      %sub3A_1675 = arith.subf %get3A_56, %sub3A_1674 : vector<16xf32>
      %sub3A_1676 = vector.broadcast %squeeze3A_1671 : f32 to vector<16xf32>
      %sub3A_1677 = arith.subf %get3A_59, %sub3A_1676 : vector<16xf32>
      %mul3A_1678 = arith.mulf %sub3A_1673, %sub3A_1673 : vector<16xf32>
      %mul3A_1679 = arith.mulf %sub3A_1675, %sub3A_1675 : vector<16xf32>
      %add3A_1680 = arith.addf %mul3A_1678, %mul3A_1679 : vector<16xf32>
      %mul3A_1681 = arith.mulf %sub3A_1677, %sub3A_1677 : vector<16xf32>
      %add3A_1682 = arith.addf %add3A_1680, %mul3A_1681 : vector<16xf32>
      %min3A_1683 = arith.minimumf %min3A_1581, %add3A_1682 : vector<16xf32>
      %sub3A_1684 = vector.broadcast %squeeze3A_1667 : f32 to vector<16xf32>
      %sub3A_1685 = arith.subf %get3A_62, %sub3A_1684 : vector<16xf32>
      %sub3A_1686 = vector.broadcast %squeeze3A_1669 : f32 to vector<16xf32>
      %sub3A_1687 = arith.subf %get3A_65, %sub3A_1686 : vector<16xf32>
      %sub3A_1688 = vector.broadcast %squeeze3A_1671 : f32 to vector<16xf32>
      %sub3A_1689 = arith.subf %get3A_68, %sub3A_1688 : vector<16xf32>
      %mul3A_1690 = arith.mulf %sub3A_1685, %sub3A_1685 : vector<16xf32>
      %mul3A_1691 = arith.mulf %sub3A_1687, %sub3A_1687 : vector<16xf32>
      %add3A_1692 = arith.addf %mul3A_1690, %mul3A_1691 : vector<16xf32>
      %mul3A_1693 = arith.mulf %sub3A_1689, %sub3A_1689 : vector<16xf32>
      %add3A_1694 = arith.addf %add3A_1692, %mul3A_1693 : vector<16xf32>
      %min3A_1695 = arith.minimumf %min3A_1593, %add3A_1694 : vector<16xf32>
      %sub3A_1696 = vector.broadcast %squeeze3A_1667 : f32 to vector<16xf32>
      %sub3A_1697 = arith.subf %get3A_71, %sub3A_1696 : vector<16xf32>
      %sub3A_1698 = vector.broadcast %squeeze3A_1669 : f32 to vector<16xf32>
      %sub3A_1699 = arith.subf %get3A_74, %sub3A_1698 : vector<16xf32>
      %sub3A_1700 = vector.broadcast %squeeze3A_1671 : f32 to vector<16xf32>
      %sub3A_1701 = arith.subf %get3A_77, %sub3A_1700 : vector<16xf32>
      %mul3A_1702 = arith.mulf %sub3A_1697, %sub3A_1697 : vector<16xf32>
      %mul3A_1703 = arith.mulf %sub3A_1699, %sub3A_1699 : vector<16xf32>
      %add3A_1704 = arith.addf %mul3A_1702, %mul3A_1703 : vector<16xf32>
      %mul3A_1705 = arith.mulf %sub3A_1701, %sub3A_1701 : vector<16xf32>
      %add3A_1706 = arith.addf %add3A_1704, %mul3A_1705 : vector<16xf32>
      %min3A_1707 = arith.minimumf %min3A_1605, %add3A_1706 : vector<16xf32>
      %sub3A_1708 = vector.broadcast %squeeze3A_1667 : f32 to vector<16xf32>
      %sub3A_1709 = arith.subf %get3A_80, %sub3A_1708 : vector<16xf32>
      %sub3A_1710 = vector.broadcast %squeeze3A_1669 : f32 to vector<16xf32>
      %sub3A_1711 = arith.subf %get3A_83, %sub3A_1710 : vector<16xf32>
      %sub3A_1712 = vector.broadcast %squeeze3A_1671 : f32 to vector<16xf32>
      %sub3A_1713 = arith.subf %get3A_86, %sub3A_1712 : vector<16xf32>
      %mul3A_1714 = arith.mulf %sub3A_1709, %sub3A_1709 : vector<16xf32>
      %mul3A_1715 = arith.mulf %sub3A_1711, %sub3A_1711 : vector<16xf32>
      %add3A_1716 = arith.addf %mul3A_1714, %mul3A_1715 : vector<16xf32>
      %mul3A_1717 = arith.mulf %sub3A_1713, %sub3A_1713 : vector<16xf32>
      %add3A_1718 = arith.addf %add3A_1716, %mul3A_1717 : vector<16xf32>
      %min3A_1719 = arith.minimumf %min3A_1617, %add3A_1718 : vector<16xf32>
      %sub3A_1720 = vector.broadcast %squeeze3A_1667 : f32 to vector<16xf32>
      %sub3A_1721 = arith.subf %get3A_89, %sub3A_1720 : vector<16xf32>
      %sub3A_1722 = vector.broadcast %squeeze3A_1669 : f32 to vector<16xf32>
      %sub3A_1723 = arith.subf %get3A_92, %sub3A_1722 : vector<16xf32>
      %sub3A_1724 = vector.broadcast %squeeze3A_1671 : f32 to vector<16xf32>
      %sub3A_1725 = arith.subf %get3A_95, %sub3A_1724 : vector<16xf32>
      %mul3A_1726 = arith.mulf %sub3A_1721, %sub3A_1721 : vector<16xf32>
      %mul3A_1727 = arith.mulf %sub3A_1723, %sub3A_1723 : vector<16xf32>
      %add3A_1728 = arith.addf %mul3A_1726, %mul3A_1727 : vector<16xf32>
      %mul3A_1729 = arith.mulf %sub3A_1725, %sub3A_1725 : vector<16xf32>
      %add3A_1730 = arith.addf %add3A_1728, %mul3A_1729 : vector<16xf32>
      %min3A_1731 = arith.minimumf %min3A_1629, %add3A_1730 : vector<16xf32>
      %sub3A_1732 = vector.broadcast %squeeze3A_1667 : f32 to vector<16xf32>
      %sub3A_1733 = arith.subf %get3A_98, %sub3A_1732 : vector<16xf32>
      %sub3A_1734 = vector.broadcast %squeeze3A_1669 : f32 to vector<16xf32>
      %sub3A_1735 = arith.subf %get3A_101, %sub3A_1734 : vector<16xf32>
      %sub3A_1736 = vector.broadcast %squeeze3A_1671 : f32 to vector<16xf32>
      %sub3A_1737 = arith.subf %get3A_104, %sub3A_1736 : vector<16xf32>
      %mul3A_1738 = arith.mulf %sub3A_1733, %sub3A_1733 : vector<16xf32>
      %mul3A_1739 = arith.mulf %sub3A_1735, %sub3A_1735 : vector<16xf32>
      %add3A_1740 = arith.addf %mul3A_1738, %mul3A_1739 : vector<16xf32>
      %mul3A_1741 = arith.mulf %sub3A_1737, %sub3A_1737 : vector<16xf32>
      %add3A_1742 = arith.addf %add3A_1740, %mul3A_1741 : vector<16xf32>
      %min3A_1743 = arith.minimumf %min3A_1641, %add3A_1742 : vector<16xf32>
      %sub3A_1744 = vector.broadcast %squeeze3A_1667 : f32 to vector<16xf32>
      %sub3A_1745 = arith.subf %get3A_107, %sub3A_1744 : vector<16xf32>
      %sub3A_1746 = vector.broadcast %squeeze3A_1669 : f32 to vector<16xf32>
      %sub3A_1747 = arith.subf %get3A_110, %sub3A_1746 : vector<16xf32>
      %sub3A_1748 = vector.broadcast %squeeze3A_1671 : f32 to vector<16xf32>
      %sub3A_1749 = arith.subf %get3A_113, %sub3A_1748 : vector<16xf32>
      %mul3A_1750 = arith.mulf %sub3A_1745, %sub3A_1745 : vector<16xf32>
      %mul3A_1751 = arith.mulf %sub3A_1747, %sub3A_1747 : vector<16xf32>
      %add3A_1752 = arith.addf %mul3A_1750, %mul3A_1751 : vector<16xf32>
      %mul3A_1753 = arith.mulf %sub3A_1749, %sub3A_1749 : vector<16xf32>
      %add3A_1754 = arith.addf %add3A_1752, %mul3A_1753 : vector<16xf32>
      %min3A_1755 = arith.minimumf %min3A_1653, %add3A_1754 : vector<16xf32>
      %sub3A_1756 = vector.broadcast %squeeze3A_1667 : f32 to vector<16xf32>
      %sub3A_1757 = arith.subf %get3A_116, %sub3A_1756 : vector<16xf32>
      %sub3A_1758 = vector.broadcast %squeeze3A_1669 : f32 to vector<16xf32>
      %sub3A_1759 = arith.subf %get3A_119, %sub3A_1758 : vector<16xf32>
      %sub3A_1760 = vector.broadcast %squeeze3A_1671 : f32 to vector<16xf32>
      %sub3A_1761 = arith.subf %get3A_122, %sub3A_1760 : vector<16xf32>
      %mul3A_1762 = arith.mulf %sub3A_1757, %sub3A_1757 : vector<16xf32>
      %mul3A_1763 = arith.mulf %sub3A_1759, %sub3A_1759 : vector<16xf32>
      %add3A_1764 = arith.addf %mul3A_1762, %mul3A_1763 : vector<16xf32>
      %mul3A_1765 = arith.mulf %sub3A_1761, %sub3A_1761 : vector<16xf32>
      %add3A_1766 = arith.addf %add3A_1764, %mul3A_1765 : vector<16xf32>
      %min3A_1767 = arith.minimumf %min3A_1665, %add3A_1766 : vector<16xf32>
      %slice3A_1768 = vector.extract_strided_slice %get3A_336 {offsets = [14], sizes = [1], strides = [1]} : vector<16xf32> to vector<1xf32>
      %squeeze3A_1769 = vector.extract %slice3A_1768[0] : f32 from vector<1xf32>
      %slice3A_1770 = vector.extract_strided_slice %get3A_339 {offsets = [14], sizes = [1], strides = [1]} : vector<16xf32> to vector<1xf32>
      %squeeze3A_1771 = vector.extract %slice3A_1770[0] : f32 from vector<1xf32>
      %slice3A_1772 = vector.extract_strided_slice %get3A_342 {offsets = [14], sizes = [1], strides = [1]} : vector<16xf32> to vector<1xf32>
      %squeeze3A_1773 = vector.extract %slice3A_1772[0] : f32 from vector<1xf32>
      %sub3A_1774 = vector.broadcast %squeeze3A_1769 : f32 to vector<16xf32>
      %sub3A_1775 = arith.subf %get3A_53, %sub3A_1774 : vector<16xf32>
      %sub3A_1776 = vector.broadcast %squeeze3A_1771 : f32 to vector<16xf32>
      %sub3A_1777 = arith.subf %get3A_56, %sub3A_1776 : vector<16xf32>
      %sub3A_1778 = vector.broadcast %squeeze3A_1773 : f32 to vector<16xf32>
      %sub3A_1779 = arith.subf %get3A_59, %sub3A_1778 : vector<16xf32>
      %mul3A_1780 = arith.mulf %sub3A_1775, %sub3A_1775 : vector<16xf32>
      %mul3A_1781 = arith.mulf %sub3A_1777, %sub3A_1777 : vector<16xf32>
      %add3A_1782 = arith.addf %mul3A_1780, %mul3A_1781 : vector<16xf32>
      %mul3A_1783 = arith.mulf %sub3A_1779, %sub3A_1779 : vector<16xf32>
      %add3A_1784 = arith.addf %add3A_1782, %mul3A_1783 : vector<16xf32>
      %min3A_1785 = arith.minimumf %min3A_1683, %add3A_1784 : vector<16xf32>
      %sub3A_1786 = vector.broadcast %squeeze3A_1769 : f32 to vector<16xf32>
      %sub3A_1787 = arith.subf %get3A_62, %sub3A_1786 : vector<16xf32>
      %sub3A_1788 = vector.broadcast %squeeze3A_1771 : f32 to vector<16xf32>
      %sub3A_1789 = arith.subf %get3A_65, %sub3A_1788 : vector<16xf32>
      %sub3A_1790 = vector.broadcast %squeeze3A_1773 : f32 to vector<16xf32>
      %sub3A_1791 = arith.subf %get3A_68, %sub3A_1790 : vector<16xf32>
      %mul3A_1792 = arith.mulf %sub3A_1787, %sub3A_1787 : vector<16xf32>
      %mul3A_1793 = arith.mulf %sub3A_1789, %sub3A_1789 : vector<16xf32>
      %add3A_1794 = arith.addf %mul3A_1792, %mul3A_1793 : vector<16xf32>
      %mul3A_1795 = arith.mulf %sub3A_1791, %sub3A_1791 : vector<16xf32>
      %add3A_1796 = arith.addf %add3A_1794, %mul3A_1795 : vector<16xf32>
      %min3A_1797 = arith.minimumf %min3A_1695, %add3A_1796 : vector<16xf32>
      %sub3A_1798 = vector.broadcast %squeeze3A_1769 : f32 to vector<16xf32>
      %sub3A_1799 = arith.subf %get3A_71, %sub3A_1798 : vector<16xf32>
      %sub3A_1800 = vector.broadcast %squeeze3A_1771 : f32 to vector<16xf32>
      %sub3A_1801 = arith.subf %get3A_74, %sub3A_1800 : vector<16xf32>
      %sub3A_1802 = vector.broadcast %squeeze3A_1773 : f32 to vector<16xf32>
      %sub3A_1803 = arith.subf %get3A_77, %sub3A_1802 : vector<16xf32>
      %mul3A_1804 = arith.mulf %sub3A_1799, %sub3A_1799 : vector<16xf32>
      %mul3A_1805 = arith.mulf %sub3A_1801, %sub3A_1801 : vector<16xf32>
      %add3A_1806 = arith.addf %mul3A_1804, %mul3A_1805 : vector<16xf32>
      %mul3A_1807 = arith.mulf %sub3A_1803, %sub3A_1803 : vector<16xf32>
      %add3A_1808 = arith.addf %add3A_1806, %mul3A_1807 : vector<16xf32>
      %min3A_1809 = arith.minimumf %min3A_1707, %add3A_1808 : vector<16xf32>
      %sub3A_1810 = vector.broadcast %squeeze3A_1769 : f32 to vector<16xf32>
      %sub3A_1811 = arith.subf %get3A_80, %sub3A_1810 : vector<16xf32>
      %sub3A_1812 = vector.broadcast %squeeze3A_1771 : f32 to vector<16xf32>
      %sub3A_1813 = arith.subf %get3A_83, %sub3A_1812 : vector<16xf32>
      %sub3A_1814 = vector.broadcast %squeeze3A_1773 : f32 to vector<16xf32>
      %sub3A_1815 = arith.subf %get3A_86, %sub3A_1814 : vector<16xf32>
      %mul3A_1816 = arith.mulf %sub3A_1811, %sub3A_1811 : vector<16xf32>
      %mul3A_1817 = arith.mulf %sub3A_1813, %sub3A_1813 : vector<16xf32>
      %add3A_1818 = arith.addf %mul3A_1816, %mul3A_1817 : vector<16xf32>
      %mul3A_1819 = arith.mulf %sub3A_1815, %sub3A_1815 : vector<16xf32>
      %add3A_1820 = arith.addf %add3A_1818, %mul3A_1819 : vector<16xf32>
      %min3A_1821 = arith.minimumf %min3A_1719, %add3A_1820 : vector<16xf32>
      %sub3A_1822 = vector.broadcast %squeeze3A_1769 : f32 to vector<16xf32>
      %sub3A_1823 = arith.subf %get3A_89, %sub3A_1822 : vector<16xf32>
      %sub3A_1824 = vector.broadcast %squeeze3A_1771 : f32 to vector<16xf32>
      %sub3A_1825 = arith.subf %get3A_92, %sub3A_1824 : vector<16xf32>
      %sub3A_1826 = vector.broadcast %squeeze3A_1773 : f32 to vector<16xf32>
      %sub3A_1827 = arith.subf %get3A_95, %sub3A_1826 : vector<16xf32>
      %mul3A_1828 = arith.mulf %sub3A_1823, %sub3A_1823 : vector<16xf32>
      %mul3A_1829 = arith.mulf %sub3A_1825, %sub3A_1825 : vector<16xf32>
      %add3A_1830 = arith.addf %mul3A_1828, %mul3A_1829 : vector<16xf32>
      %mul3A_1831 = arith.mulf %sub3A_1827, %sub3A_1827 : vector<16xf32>
      %add3A_1832 = arith.addf %add3A_1830, %mul3A_1831 : vector<16xf32>
      %min3A_1833 = arith.minimumf %min3A_1731, %add3A_1832 : vector<16xf32>
      %sub3A_1834 = vector.broadcast %squeeze3A_1769 : f32 to vector<16xf32>
      %sub3A_1835 = arith.subf %get3A_98, %sub3A_1834 : vector<16xf32>
      %sub3A_1836 = vector.broadcast %squeeze3A_1771 : f32 to vector<16xf32>
      %sub3A_1837 = arith.subf %get3A_101, %sub3A_1836 : vector<16xf32>
      %sub3A_1838 = vector.broadcast %squeeze3A_1773 : f32 to vector<16xf32>
      %sub3A_1839 = arith.subf %get3A_104, %sub3A_1838 : vector<16xf32>
      %mul3A_1840 = arith.mulf %sub3A_1835, %sub3A_1835 : vector<16xf32>
      %mul3A_1841 = arith.mulf %sub3A_1837, %sub3A_1837 : vector<16xf32>
      %add3A_1842 = arith.addf %mul3A_1840, %mul3A_1841 : vector<16xf32>
      %mul3A_1843 = arith.mulf %sub3A_1839, %sub3A_1839 : vector<16xf32>
      %add3A_1844 = arith.addf %add3A_1842, %mul3A_1843 : vector<16xf32>
      %min3A_1845 = arith.minimumf %min3A_1743, %add3A_1844 : vector<16xf32>
      %sub3A_1846 = vector.broadcast %squeeze3A_1769 : f32 to vector<16xf32>
      %sub3A_1847 = arith.subf %get3A_107, %sub3A_1846 : vector<16xf32>
      %sub3A_1848 = vector.broadcast %squeeze3A_1771 : f32 to vector<16xf32>
      %sub3A_1849 = arith.subf %get3A_110, %sub3A_1848 : vector<16xf32>
      %sub3A_1850 = vector.broadcast %squeeze3A_1773 : f32 to vector<16xf32>
      %sub3A_1851 = arith.subf %get3A_113, %sub3A_1850 : vector<16xf32>
      %mul3A_1852 = arith.mulf %sub3A_1847, %sub3A_1847 : vector<16xf32>
      %mul3A_1853 = arith.mulf %sub3A_1849, %sub3A_1849 : vector<16xf32>
      %add3A_1854 = arith.addf %mul3A_1852, %mul3A_1853 : vector<16xf32>
      %mul3A_1855 = arith.mulf %sub3A_1851, %sub3A_1851 : vector<16xf32>
      %add3A_1856 = arith.addf %add3A_1854, %mul3A_1855 : vector<16xf32>
      %min3A_1857 = arith.minimumf %min3A_1755, %add3A_1856 : vector<16xf32>
      %sub3A_1858 = vector.broadcast %squeeze3A_1769 : f32 to vector<16xf32>
      %sub3A_1859 = arith.subf %get3A_116, %sub3A_1858 : vector<16xf32>
      %sub3A_1860 = vector.broadcast %squeeze3A_1771 : f32 to vector<16xf32>
      %sub3A_1861 = arith.subf %get3A_119, %sub3A_1860 : vector<16xf32>
      %sub3A_1862 = vector.broadcast %squeeze3A_1773 : f32 to vector<16xf32>
      %sub3A_1863 = arith.subf %get3A_122, %sub3A_1862 : vector<16xf32>
      %mul3A_1864 = arith.mulf %sub3A_1859, %sub3A_1859 : vector<16xf32>
      %mul3A_1865 = arith.mulf %sub3A_1861, %sub3A_1861 : vector<16xf32>
      %add3A_1866 = arith.addf %mul3A_1864, %mul3A_1865 : vector<16xf32>
      %mul3A_1867 = arith.mulf %sub3A_1863, %sub3A_1863 : vector<16xf32>
      %add3A_1868 = arith.addf %add3A_1866, %mul3A_1867 : vector<16xf32>
      %min3A_1869 = arith.minimumf %min3A_1767, %add3A_1868 : vector<16xf32>
      %slice3A_1870 = vector.extract_strided_slice %get3A_336 {offsets = [15], sizes = [1], strides = [1]} : vector<16xf32> to vector<1xf32>
      %squeeze3A_1871 = vector.extract %slice3A_1870[0] : f32 from vector<1xf32>
      %slice3A_1872 = vector.extract_strided_slice %get3A_339 {offsets = [15], sizes = [1], strides = [1]} : vector<16xf32> to vector<1xf32>
      %squeeze3A_1873 = vector.extract %slice3A_1872[0] : f32 from vector<1xf32>
      %slice3A_1874 = vector.extract_strided_slice %get3A_342 {offsets = [15], sizes = [1], strides = [1]} : vector<16xf32> to vector<1xf32>
      %squeeze3A_1875 = vector.extract %slice3A_1874[0] : f32 from vector<1xf32>
      %sub3A_1876 = vector.broadcast %squeeze3A_1871 : f32 to vector<16xf32>
      %sub3A_1877 = arith.subf %get3A_53, %sub3A_1876 : vector<16xf32>
      %sub3A_1878 = vector.broadcast %squeeze3A_1873 : f32 to vector<16xf32>
      %sub3A_1879 = arith.subf %get3A_56, %sub3A_1878 : vector<16xf32>
      %sub3A_1880 = vector.broadcast %squeeze3A_1875 : f32 to vector<16xf32>
      %sub3A_1881 = arith.subf %get3A_59, %sub3A_1880 : vector<16xf32>
      %mul3A_1882 = arith.mulf %sub3A_1877, %sub3A_1877 : vector<16xf32>
      %mul3A_1883 = arith.mulf %sub3A_1879, %sub3A_1879 : vector<16xf32>
      %add3A_1884 = arith.addf %mul3A_1882, %mul3A_1883 : vector<16xf32>
      %mul3A_1885 = arith.mulf %sub3A_1881, %sub3A_1881 : vector<16xf32>
      %add3A_1886 = arith.addf %add3A_1884, %mul3A_1885 : vector<16xf32>
      %min3A_1887 = arith.minimumf %min3A_1785, %add3A_1886 : vector<16xf32>
      %sub3A_1888 = vector.broadcast %squeeze3A_1871 : f32 to vector<16xf32>
      %sub3A_1889 = arith.subf %get3A_62, %sub3A_1888 : vector<16xf32>
      %sub3A_1890 = vector.broadcast %squeeze3A_1873 : f32 to vector<16xf32>
      %sub3A_1891 = arith.subf %get3A_65, %sub3A_1890 : vector<16xf32>
      %sub3A_1892 = vector.broadcast %squeeze3A_1875 : f32 to vector<16xf32>
      %sub3A_1893 = arith.subf %get3A_68, %sub3A_1892 : vector<16xf32>
      %mul3A_1894 = arith.mulf %sub3A_1889, %sub3A_1889 : vector<16xf32>
      %mul3A_1895 = arith.mulf %sub3A_1891, %sub3A_1891 : vector<16xf32>
      %add3A_1896 = arith.addf %mul3A_1894, %mul3A_1895 : vector<16xf32>
      %mul3A_1897 = arith.mulf %sub3A_1893, %sub3A_1893 : vector<16xf32>
      %add3A_1898 = arith.addf %add3A_1896, %mul3A_1897 : vector<16xf32>
      %min3A_1899 = arith.minimumf %min3A_1797, %add3A_1898 : vector<16xf32>
      %sub3A_1900 = vector.broadcast %squeeze3A_1871 : f32 to vector<16xf32>
      %sub3A_1901 = arith.subf %get3A_71, %sub3A_1900 : vector<16xf32>
      %sub3A_1902 = vector.broadcast %squeeze3A_1873 : f32 to vector<16xf32>
      %sub3A_1903 = arith.subf %get3A_74, %sub3A_1902 : vector<16xf32>
      %sub3A_1904 = vector.broadcast %squeeze3A_1875 : f32 to vector<16xf32>
      %sub3A_1905 = arith.subf %get3A_77, %sub3A_1904 : vector<16xf32>
      %mul3A_1906 = arith.mulf %sub3A_1901, %sub3A_1901 : vector<16xf32>
      %mul3A_1907 = arith.mulf %sub3A_1903, %sub3A_1903 : vector<16xf32>
      %add3A_1908 = arith.addf %mul3A_1906, %mul3A_1907 : vector<16xf32>
      %mul3A_1909 = arith.mulf %sub3A_1905, %sub3A_1905 : vector<16xf32>
      %add3A_1910 = arith.addf %add3A_1908, %mul3A_1909 : vector<16xf32>
      %min3A_1911 = arith.minimumf %min3A_1809, %add3A_1910 : vector<16xf32>
      %sub3A_1912 = vector.broadcast %squeeze3A_1871 : f32 to vector<16xf32>
      %sub3A_1913 = arith.subf %get3A_80, %sub3A_1912 : vector<16xf32>
      %sub3A_1914 = vector.broadcast %squeeze3A_1873 : f32 to vector<16xf32>
      %sub3A_1915 = arith.subf %get3A_83, %sub3A_1914 : vector<16xf32>
      %sub3A_1916 = vector.broadcast %squeeze3A_1875 : f32 to vector<16xf32>
      %sub3A_1917 = arith.subf %get3A_86, %sub3A_1916 : vector<16xf32>
      %mul3A_1918 = arith.mulf %sub3A_1913, %sub3A_1913 : vector<16xf32>
      %mul3A_1919 = arith.mulf %sub3A_1915, %sub3A_1915 : vector<16xf32>
      %add3A_1920 = arith.addf %mul3A_1918, %mul3A_1919 : vector<16xf32>
      %mul3A_1921 = arith.mulf %sub3A_1917, %sub3A_1917 : vector<16xf32>
      %add3A_1922 = arith.addf %add3A_1920, %mul3A_1921 : vector<16xf32>
      %min3A_1923 = arith.minimumf %min3A_1821, %add3A_1922 : vector<16xf32>
      %sub3A_1924 = vector.broadcast %squeeze3A_1871 : f32 to vector<16xf32>
      %sub3A_1925 = arith.subf %get3A_89, %sub3A_1924 : vector<16xf32>
      %sub3A_1926 = vector.broadcast %squeeze3A_1873 : f32 to vector<16xf32>
      %sub3A_1927 = arith.subf %get3A_92, %sub3A_1926 : vector<16xf32>
      %sub3A_1928 = vector.broadcast %squeeze3A_1875 : f32 to vector<16xf32>
      %sub3A_1929 = arith.subf %get3A_95, %sub3A_1928 : vector<16xf32>
      %mul3A_1930 = arith.mulf %sub3A_1925, %sub3A_1925 : vector<16xf32>
      %mul3A_1931 = arith.mulf %sub3A_1927, %sub3A_1927 : vector<16xf32>
      %add3A_1932 = arith.addf %mul3A_1930, %mul3A_1931 : vector<16xf32>
      %mul3A_1933 = arith.mulf %sub3A_1929, %sub3A_1929 : vector<16xf32>
      %add3A_1934 = arith.addf %add3A_1932, %mul3A_1933 : vector<16xf32>
      %min3A_1935 = arith.minimumf %min3A_1833, %add3A_1934 : vector<16xf32>
      %sub3A_1936 = vector.broadcast %squeeze3A_1871 : f32 to vector<16xf32>
      %sub3A_1937 = arith.subf %get3A_98, %sub3A_1936 : vector<16xf32>
      %sub3A_1938 = vector.broadcast %squeeze3A_1873 : f32 to vector<16xf32>
      %sub3A_1939 = arith.subf %get3A_101, %sub3A_1938 : vector<16xf32>
      %sub3A_1940 = vector.broadcast %squeeze3A_1875 : f32 to vector<16xf32>
      %sub3A_1941 = arith.subf %get3A_104, %sub3A_1940 : vector<16xf32>
      %mul3A_1942 = arith.mulf %sub3A_1937, %sub3A_1937 : vector<16xf32>
      %mul3A_1943 = arith.mulf %sub3A_1939, %sub3A_1939 : vector<16xf32>
      %add3A_1944 = arith.addf %mul3A_1942, %mul3A_1943 : vector<16xf32>
      %mul3A_1945 = arith.mulf %sub3A_1941, %sub3A_1941 : vector<16xf32>
      %add3A_1946 = arith.addf %add3A_1944, %mul3A_1945 : vector<16xf32>
      %min3A_1947 = arith.minimumf %min3A_1845, %add3A_1946 : vector<16xf32>
      %sub3A_1948 = vector.broadcast %squeeze3A_1871 : f32 to vector<16xf32>
      %sub3A_1949 = arith.subf %get3A_107, %sub3A_1948 : vector<16xf32>
      %sub3A_1950 = vector.broadcast %squeeze3A_1873 : f32 to vector<16xf32>
      %sub3A_1951 = arith.subf %get3A_110, %sub3A_1950 : vector<16xf32>
      %sub3A_1952 = vector.broadcast %squeeze3A_1875 : f32 to vector<16xf32>
      %sub3A_1953 = arith.subf %get3A_113, %sub3A_1952 : vector<16xf32>
      %mul3A_1954 = arith.mulf %sub3A_1949, %sub3A_1949 : vector<16xf32>
      %mul3A_1955 = arith.mulf %sub3A_1951, %sub3A_1951 : vector<16xf32>
      %add3A_1956 = arith.addf %mul3A_1954, %mul3A_1955 : vector<16xf32>
      %mul3A_1957 = arith.mulf %sub3A_1953, %sub3A_1953 : vector<16xf32>
      %add3A_1958 = arith.addf %add3A_1956, %mul3A_1957 : vector<16xf32>
      %min3A_1959 = arith.minimumf %min3A_1857, %add3A_1958 : vector<16xf32>
      %sub3A_1960 = vector.broadcast %squeeze3A_1871 : f32 to vector<16xf32>
      %sub3A_1961 = arith.subf %get3A_116, %sub3A_1960 : vector<16xf32>
      %sub3A_1962 = vector.broadcast %squeeze3A_1873 : f32 to vector<16xf32>
      %sub3A_1963 = arith.subf %get3A_119, %sub3A_1962 : vector<16xf32>
      %sub3A_1964 = vector.broadcast %squeeze3A_1875 : f32 to vector<16xf32>
      %sub3A_1965 = arith.subf %get3A_122, %sub3A_1964 : vector<16xf32>
      %mul3A_1966 = arith.mulf %sub3A_1961, %sub3A_1961 : vector<16xf32>
      %mul3A_1967 = arith.mulf %sub3A_1963, %sub3A_1963 : vector<16xf32>
      %add3A_1968 = arith.addf %mul3A_1966, %mul3A_1967 : vector<16xf32>
      %mul3A_1969 = arith.mulf %sub3A_1965, %sub3A_1965 : vector<16xf32>
      %add3A_1970 = arith.addf %add3A_1968, %mul3A_1969 : vector<16xf32>
      %min3A_1971 = arith.minimumf %min3A_1869, %add3A_1970 : vector<16xf32>
      %scan3A_1972 = arith.constant 1 : i32
      %scan3A_1973 = arith.addi %scan3A_323, %scan3A_1972 : i32
      %mul3A_1974 = arith.constant 16 : i32
      %mul3A_1975 = arith.muli %scan3A_1973, %mul3A_1974 : i32
      %get3A_1976 = arith.index_cast %mul3A_1975 : i32 to index
      %get3A_1977 = tpu.vector_load %arg7[%get3A_1976] {strides = array<i32>} : memref<4096xf32, #tpu.memory_space<vmem>>, vector<16xf32>,
      %get3A_1978 = vector.shape_cast %get3A_1977 : vector<16xf32> to vector<16xf32>
      %get3A_1979 = arith.index_cast %mul3A_1975 : i32 to index
      %get3A_1980 = tpu.vector_load %arg8[%get3A_1979] {strides = array<i32>} : memref<4096xf32, #tpu.memory_space<vmem>>, vector<16xf32>,
      %get3A_1981 = vector.shape_cast %get3A_1980 : vector<16xf32> to vector<16xf32>
      %get3A_1982 = arith.index_cast %mul3A_1975 : i32 to index
      %get3A_1983 = tpu.vector_load %arg9[%get3A_1982] {strides = array<i32>} : memref<4096xf32, #tpu.memory_space<vmem>>, vector<16xf32>,
      %get3A_1984 = vector.shape_cast %get3A_1983 : vector<16xf32> to vector<16xf32>
      %slice3A_1985 = vector.extract_strided_slice %get3A_1978 {offsets = [0], sizes = [1], strides = [1]} : vector<16xf32> to vector<1xf32>
      %squeeze3A_1986 = vector.extract %slice3A_1985[0] : f32 from vector<1xf32>
      %slice3A_1987 = vector.extract_strided_slice %get3A_1981 {offsets = [0], sizes = [1], strides = [1]} : vector<16xf32> to vector<1xf32>
      %squeeze3A_1988 = vector.extract %slice3A_1987[0] : f32 from vector<1xf32>
      %slice3A_1989 = vector.extract_strided_slice %get3A_1984 {offsets = [0], sizes = [1], strides = [1]} : vector<16xf32> to vector<1xf32>
      %squeeze3A_1990 = vector.extract %slice3A_1989[0] : f32 from vector<1xf32>
      %sub3A_1991 = vector.broadcast %squeeze3A_1986 : f32 to vector<16xf32>
      %sub3A_1992 = arith.subf %get3A_53, %sub3A_1991 : vector<16xf32>
      %sub3A_1993 = vector.broadcast %squeeze3A_1988 : f32 to vector<16xf32>
      %sub3A_1994 = arith.subf %get3A_56, %sub3A_1993 : vector<16xf32>
      %sub3A_1995 = vector.broadcast %squeeze3A_1990 : f32 to vector<16xf32>
      %sub3A_1996 = arith.subf %get3A_59, %sub3A_1995 : vector<16xf32>
      %mul3A_1997 = arith.mulf %sub3A_1992, %sub3A_1992 : vector<16xf32>
      %mul3A_1998 = arith.mulf %sub3A_1994, %sub3A_1994 : vector<16xf32>
      %add3A_1999 = arith.addf %mul3A_1997, %mul3A_1998 : vector<16xf32>
      %mul3A_2000 = arith.mulf %sub3A_1996, %sub3A_1996 : vector<16xf32>
      %add3A_2001 = arith.addf %add3A_1999, %mul3A_2000 : vector<16xf32>
      %min3A_2002 = arith.minimumf %min3A_1887, %add3A_2001 : vector<16xf32>
      %sub3A_2003 = vector.broadcast %squeeze3A_1986 : f32 to vector<16xf32>
      %sub3A_2004 = arith.subf %get3A_62, %sub3A_2003 : vector<16xf32>
      %sub3A_2005 = vector.broadcast %squeeze3A_1988 : f32 to vector<16xf32>
      %sub3A_2006 = arith.subf %get3A_65, %sub3A_2005 : vector<16xf32>
      %sub3A_2007 = vector.broadcast %squeeze3A_1990 : f32 to vector<16xf32>
      %sub3A_2008 = arith.subf %get3A_68, %sub3A_2007 : vector<16xf32>
      %mul3A_2009 = arith.mulf %sub3A_2004, %sub3A_2004 : vector<16xf32>
      %mul3A_2010 = arith.mulf %sub3A_2006, %sub3A_2006 : vector<16xf32>
      %add3A_2011 = arith.addf %mul3A_2009, %mul3A_2010 : vector<16xf32>
      %mul3A_2012 = arith.mulf %sub3A_2008, %sub3A_2008 : vector<16xf32>
      %add3A_2013 = arith.addf %add3A_2011, %mul3A_2012 : vector<16xf32>
      %min3A_2014 = arith.minimumf %min3A_1899, %add3A_2013 : vector<16xf32>
      %sub3A_2015 = vector.broadcast %squeeze3A_1986 : f32 to vector<16xf32>
      %sub3A_2016 = arith.subf %get3A_71, %sub3A_2015 : vector<16xf32>
      %sub3A_2017 = vector.broadcast %squeeze3A_1988 : f32 to vector<16xf32>
      %sub3A_2018 = arith.subf %get3A_74, %sub3A_2017 : vector<16xf32>
      %sub3A_2019 = vector.broadcast %squeeze3A_1990 : f32 to vector<16xf32>
      %sub3A_2020 = arith.subf %get3A_77, %sub3A_2019 : vector<16xf32>
      %mul3A_2021 = arith.mulf %sub3A_2016, %sub3A_2016 : vector<16xf32>
      %mul3A_2022 = arith.mulf %sub3A_2018, %sub3A_2018 : vector<16xf32>
      %add3A_2023 = arith.addf %mul3A_2021, %mul3A_2022 : vector<16xf32>
      %mul3A_2024 = arith.mulf %sub3A_2020, %sub3A_2020 : vector<16xf32>
      %add3A_2025 = arith.addf %add3A_2023, %mul3A_2024 : vector<16xf32>
      %min3A_2026 = arith.minimumf %min3A_1911, %add3A_2025 : vector<16xf32>
      %sub3A_2027 = vector.broadcast %squeeze3A_1986 : f32 to vector<16xf32>
      %sub3A_2028 = arith.subf %get3A_80, %sub3A_2027 : vector<16xf32>
      %sub3A_2029 = vector.broadcast %squeeze3A_1988 : f32 to vector<16xf32>
      %sub3A_2030 = arith.subf %get3A_83, %sub3A_2029 : vector<16xf32>
      %sub3A_2031 = vector.broadcast %squeeze3A_1990 : f32 to vector<16xf32>
      %sub3A_2032 = arith.subf %get3A_86, %sub3A_2031 : vector<16xf32>
      %mul3A_2033 = arith.mulf %sub3A_2028, %sub3A_2028 : vector<16xf32>
      %mul3A_2034 = arith.mulf %sub3A_2030, %sub3A_2030 : vector<16xf32>
      %add3A_2035 = arith.addf %mul3A_2033, %mul3A_2034 : vector<16xf32>
      %mul3A_2036 = arith.mulf %sub3A_2032, %sub3A_2032 : vector<16xf32>
      %add3A_2037 = arith.addf %add3A_2035, %mul3A_2036 : vector<16xf32>
      %min3A_2038 = arith.minimumf %min3A_1923, %add3A_2037 : vector<16xf32>
      %sub3A_2039 = vector.broadcast %squeeze3A_1986 : f32 to vector<16xf32>
      %sub3A_2040 = arith.subf %get3A_89, %sub3A_2039 : vector<16xf32>
      %sub3A_2041 = vector.broadcast %squeeze3A_1988 : f32 to vector<16xf32>
      %sub3A_2042 = arith.subf %get3A_92, %sub3A_2041 : vector<16xf32>
      %sub3A_2043 = vector.broadcast %squeeze3A_1990 : f32 to vector<16xf32>
      %sub3A_2044 = arith.subf %get3A_95, %sub3A_2043 : vector<16xf32>
      %mul3A_2045 = arith.mulf %sub3A_2040, %sub3A_2040 : vector<16xf32>
      %mul3A_2046 = arith.mulf %sub3A_2042, %sub3A_2042 : vector<16xf32>
      %add3A_2047 = arith.addf %mul3A_2045, %mul3A_2046 : vector<16xf32>
      %mul3A_2048 = arith.mulf %sub3A_2044, %sub3A_2044 : vector<16xf32>
      %add3A_2049 = arith.addf %add3A_2047, %mul3A_2048 : vector<16xf32>
      %min3A_2050 = arith.minimumf %min3A_1935, %add3A_2049 : vector<16xf32>
      %sub3A_2051 = vector.broadcast %squeeze3A_1986 : f32 to vector<16xf32>
      %sub3A_2052 = arith.subf %get3A_98, %sub3A_2051 : vector<16xf32>
      %sub3A_2053 = vector.broadcast %squeeze3A_1988 : f32 to vector<16xf32>
      %sub3A_2054 = arith.subf %get3A_101, %sub3A_2053 : vector<16xf32>
      %sub3A_2055 = vector.broadcast %squeeze3A_1990 : f32 to vector<16xf32>
      %sub3A_2056 = arith.subf %get3A_104, %sub3A_2055 : vector<16xf32>
      %mul3A_2057 = arith.mulf %sub3A_2052, %sub3A_2052 : vector<16xf32>
      %mul3A_2058 = arith.mulf %sub3A_2054, %sub3A_2054 : vector<16xf32>
      %add3A_2059 = arith.addf %mul3A_2057, %mul3A_2058 : vector<16xf32>
      %mul3A_2060 = arith.mulf %sub3A_2056, %sub3A_2056 : vector<16xf32>
      %add3A_2061 = arith.addf %add3A_2059, %mul3A_2060 : vector<16xf32>
      %min3A_2062 = arith.minimumf %min3A_1947, %add3A_2061 : vector<16xf32>
      %sub3A_2063 = vector.broadcast %squeeze3A_1986 : f32 to vector<16xf32>
      %sub3A_2064 = arith.subf %get3A_107, %sub3A_2063 : vector<16xf32>
      %sub3A_2065 = vector.broadcast %squeeze3A_1988 : f32 to vector<16xf32>
      %sub3A_2066 = arith.subf %get3A_110, %sub3A_2065 : vector<16xf32>
      %sub3A_2067 = vector.broadcast %squeeze3A_1990 : f32 to vector<16xf32>
      %sub3A_2068 = arith.subf %get3A_113, %sub3A_2067 : vector<16xf32>
      %mul3A_2069 = arith.mulf %sub3A_2064, %sub3A_2064 : vector<16xf32>
      %mul3A_2070 = arith.mulf %sub3A_2066, %sub3A_2066 : vector<16xf32>
      %add3A_2071 = arith.addf %mul3A_2069, %mul3A_2070 : vector<16xf32>
      %mul3A_2072 = arith.mulf %sub3A_2068, %sub3A_2068 : vector<16xf32>
      %add3A_2073 = arith.addf %add3A_2071, %mul3A_2072 : vector<16xf32>
      %min3A_2074 = arith.minimumf %min3A_1959, %add3A_2073 : vector<16xf32>
      %sub3A_2075 = vector.broadcast %squeeze3A_1986 : f32 to vector<16xf32>
      %sub3A_2076 = arith.subf %get3A_116, %sub3A_2075 : vector<16xf32>
      %sub3A_2077 = vector.broadcast %squeeze3A_1988 : f32 to vector<16xf32>
      %sub3A_2078 = arith.subf %get3A_119, %sub3A_2077 : vector<16xf32>
      %sub3A_2079 = vector.broadcast %squeeze3A_1990 : f32 to vector<16xf32>
      %sub3A_2080 = arith.subf %get3A_122, %sub3A_2079 : vector<16xf32>
      %mul3A_2081 = arith.mulf %sub3A_2076, %sub3A_2076 : vector<16xf32>
      %mul3A_2082 = arith.mulf %sub3A_2078, %sub3A_2078 : vector<16xf32>
      %add3A_2083 = arith.addf %mul3A_2081, %mul3A_2082 : vector<16xf32>
      %mul3A_2084 = arith.mulf %sub3A_2080, %sub3A_2080 : vector<16xf32>
      %add3A_2085 = arith.addf %add3A_2083, %mul3A_2084 : vector<16xf32>
      %min3A_2086 = arith.minimumf %min3A_1971, %add3A_2085 : vector<16xf32>
      %slice3A_2087 = vector.extract_strided_slice %get3A_1978 {offsets = [1], sizes = [1], strides = [1]} : vector<16xf32> to vector<1xf32>
      %squeeze3A_2088 = vector.extract %slice3A_2087[0] : f32 from vector<1xf32>
      %slice3A_2089 = vector.extract_strided_slice %get3A_1981 {offsets = [1], sizes = [1], strides = [1]} : vector<16xf32> to vector<1xf32>
      %squeeze3A_2090 = vector.extract %slice3A_2089[0] : f32 from vector<1xf32>
      %slice3A_2091 = vector.extract_strided_slice %get3A_1984 {offsets = [1], sizes = [1], strides = [1]} : vector<16xf32> to vector<1xf32>
      %squeeze3A_2092 = vector.extract %slice3A_2091[0] : f32 from vector<1xf32>
      %sub3A_2093 = vector.broadcast %squeeze3A_2088 : f32 to vector<16xf32>
      %sub3A_2094 = arith.subf %get3A_53, %sub3A_2093 : vector<16xf32>
      %sub3A_2095 = vector.broadcast %squeeze3A_2090 : f32 to vector<16xf32>
      %sub3A_2096 = arith.subf %get3A_56, %sub3A_2095 : vector<16xf32>
      %sub3A_2097 = vector.broadcast %squeeze3A_2092 : f32 to vector<16xf32>
      %sub3A_2098 = arith.subf %get3A_59, %sub3A_2097 : vector<16xf32>
      %mul3A_2099 = arith.mulf %sub3A_2094, %sub3A_2094 : vector<16xf32>
      %mul3A_2100 = arith.mulf %sub3A_2096, %sub3A_2096 : vector<16xf32>
      %add3A_2101 = arith.addf %mul3A_2099, %mul3A_2100 : vector<16xf32>
      %mul3A_2102 = arith.mulf %sub3A_2098, %sub3A_2098 : vector<16xf32>
      %add3A_2103 = arith.addf %add3A_2101, %mul3A_2102 : vector<16xf32>
      %min3A_2104 = arith.minimumf %min3A_2002, %add3A_2103 : vector<16xf32>
      %sub3A_2105 = vector.broadcast %squeeze3A_2088 : f32 to vector<16xf32>
      %sub3A_2106 = arith.subf %get3A_62, %sub3A_2105 : vector<16xf32>
      %sub3A_2107 = vector.broadcast %squeeze3A_2090 : f32 to vector<16xf32>
      %sub3A_2108 = arith.subf %get3A_65, %sub3A_2107 : vector<16xf32>
      %sub3A_2109 = vector.broadcast %squeeze3A_2092 : f32 to vector<16xf32>
      %sub3A_2110 = arith.subf %get3A_68, %sub3A_2109 : vector<16xf32>
      %mul3A_2111 = arith.mulf %sub3A_2106, %sub3A_2106 : vector<16xf32>
      %mul3A_2112 = arith.mulf %sub3A_2108, %sub3A_2108 : vector<16xf32>
      %add3A_2113 = arith.addf %mul3A_2111, %mul3A_2112 : vector<16xf32>
      %mul3A_2114 = arith.mulf %sub3A_2110, %sub3A_2110 : vector<16xf32>
      %add3A_2115 = arith.addf %add3A_2113, %mul3A_2114 : vector<16xf32>
      %min3A_2116 = arith.minimumf %min3A_2014, %add3A_2115 : vector<16xf32>
      %sub3A_2117 = vector.broadcast %squeeze3A_2088 : f32 to vector<16xf32>
      %sub3A_2118 = arith.subf %get3A_71, %sub3A_2117 : vector<16xf32>
      %sub3A_2119 = vector.broadcast %squeeze3A_2090 : f32 to vector<16xf32>
      %sub3A_2120 = arith.subf %get3A_74, %sub3A_2119 : vector<16xf32>
      %sub3A_2121 = vector.broadcast %squeeze3A_2092 : f32 to vector<16xf32>
      %sub3A_2122 = arith.subf %get3A_77, %sub3A_2121 : vector<16xf32>
      %mul3A_2123 = arith.mulf %sub3A_2118, %sub3A_2118 : vector<16xf32>
      %mul3A_2124 = arith.mulf %sub3A_2120, %sub3A_2120 : vector<16xf32>
      %add3A_2125 = arith.addf %mul3A_2123, %mul3A_2124 : vector<16xf32>
      %mul3A_2126 = arith.mulf %sub3A_2122, %sub3A_2122 : vector<16xf32>
      %add3A_2127 = arith.addf %add3A_2125, %mul3A_2126 : vector<16xf32>
      %min3A_2128 = arith.minimumf %min3A_2026, %add3A_2127 : vector<16xf32>
      %sub3A_2129 = vector.broadcast %squeeze3A_2088 : f32 to vector<16xf32>
      %sub3A_2130 = arith.subf %get3A_80, %sub3A_2129 : vector<16xf32>
      %sub3A_2131 = vector.broadcast %squeeze3A_2090 : f32 to vector<16xf32>
      %sub3A_2132 = arith.subf %get3A_83, %sub3A_2131 : vector<16xf32>
      %sub3A_2133 = vector.broadcast %squeeze3A_2092 : f32 to vector<16xf32>
      %sub3A_2134 = arith.subf %get3A_86, %sub3A_2133 : vector<16xf32>
      %mul3A_2135 = arith.mulf %sub3A_2130, %sub3A_2130 : vector<16xf32>
      %mul3A_2136 = arith.mulf %sub3A_2132, %sub3A_2132 : vector<16xf32>
      %add3A_2137 = arith.addf %mul3A_2135, %mul3A_2136 : vector<16xf32>
      %mul3A_2138 = arith.mulf %sub3A_2134, %sub3A_2134 : vector<16xf32>
      %add3A_2139 = arith.addf %add3A_2137, %mul3A_2138 : vector<16xf32>
      %min3A_2140 = arith.minimumf %min3A_2038, %add3A_2139 : vector<16xf32>
      %sub3A_2141 = vector.broadcast %squeeze3A_2088 : f32 to vector<16xf32>
      %sub3A_2142 = arith.subf %get3A_89, %sub3A_2141 : vector<16xf32>
      %sub3A_2143 = vector.broadcast %squeeze3A_2090 : f32 to vector<16xf32>
      %sub3A_2144 = arith.subf %get3A_92, %sub3A_2143 : vector<16xf32>
      %sub3A_2145 = vector.broadcast %squeeze3A_2092 : f32 to vector<16xf32>
      %sub3A_2146 = arith.subf %get3A_95, %sub3A_2145 : vector<16xf32>
      %mul3A_2147 = arith.mulf %sub3A_2142, %sub3A_2142 : vector<16xf32>
      %mul3A_2148 = arith.mulf %sub3A_2144, %sub3A_2144 : vector<16xf32>
      %add3A_2149 = arith.addf %mul3A_2147, %mul3A_2148 : vector<16xf32>
      %mul3A_2150 = arith.mulf %sub3A_2146, %sub3A_2146 : vector<16xf32>
      %add3A_2151 = arith.addf %add3A_2149, %mul3A_2150 : vector<16xf32>
      %min3A_2152 = arith.minimumf %min3A_2050, %add3A_2151 : vector<16xf32>
      %sub3A_2153 = vector.broadcast %squeeze3A_2088 : f32 to vector<16xf32>
      %sub3A_2154 = arith.subf %get3A_98, %sub3A_2153 : vector<16xf32>
      %sub3A_2155 = vector.broadcast %squeeze3A_2090 : f32 to vector<16xf32>
      %sub3A_2156 = arith.subf %get3A_101, %sub3A_2155 : vector<16xf32>
      %sub3A_2157 = vector.broadcast %squeeze3A_2092 : f32 to vector<16xf32>
      %sub3A_2158 = arith.subf %get3A_104, %sub3A_2157 : vector<16xf32>
      %mul3A_2159 = arith.mulf %sub3A_2154, %sub3A_2154 : vector<16xf32>
      %mul3A_2160 = arith.mulf %sub3A_2156, %sub3A_2156 : vector<16xf32>
      %add3A_2161 = arith.addf %mul3A_2159, %mul3A_2160 : vector<16xf32>
      %mul3A_2162 = arith.mulf %sub3A_2158, %sub3A_2158 : vector<16xf32>
      %add3A_2163 = arith.addf %add3A_2161, %mul3A_2162 : vector<16xf32>
      %min3A_2164 = arith.minimumf %min3A_2062, %add3A_2163 : vector<16xf32>
      %sub3A_2165 = vector.broadcast %squeeze3A_2088 : f32 to vector<16xf32>
      %sub3A_2166 = arith.subf %get3A_107, %sub3A_2165 : vector<16xf32>
      %sub3A_2167 = vector.broadcast %squeeze3A_2090 : f32 to vector<16xf32>
      %sub3A_2168 = arith.subf %get3A_110, %sub3A_2167 : vector<16xf32>
      %sub3A_2169 = vector.broadcast %squeeze3A_2092 : f32 to vector<16xf32>
      %sub3A_2170 = arith.subf %get3A_113, %sub3A_2169 : vector<16xf32>
      %mul3A_2171 = arith.mulf %sub3A_2166, %sub3A_2166 : vector<16xf32>
      %mul3A_2172 = arith.mulf %sub3A_2168, %sub3A_2168 : vector<16xf32>
      %add3A_2173 = arith.addf %mul3A_2171, %mul3A_2172 : vector<16xf32>
      %mul3A_2174 = arith.mulf %sub3A_2170, %sub3A_2170 : vector<16xf32>
      %add3A_2175 = arith.addf %add3A_2173, %mul3A_2174 : vector<16xf32>
      %min3A_2176 = arith.minimumf %min3A_2074, %add3A_2175 : vector<16xf32>
      %sub3A_2177 = vector.broadcast %squeeze3A_2088 : f32 to vector<16xf32>
      %sub3A_2178 = arith.subf %get3A_116, %sub3A_2177 : vector<16xf32>
      %sub3A_2179 = vector.broadcast %squeeze3A_2090 : f32 to vector<16xf32>
      %sub3A_2180 = arith.subf %get3A_119, %sub3A_2179 : vector<16xf32>
      %sub3A_2181 = vector.broadcast %squeeze3A_2092 : f32 to vector<16xf32>
      %sub3A_2182 = arith.subf %get3A_122, %sub3A_2181 : vector<16xf32>
      %mul3A_2183 = arith.mulf %sub3A_2178, %sub3A_2178 : vector<16xf32>
      %mul3A_2184 = arith.mulf %sub3A_2180, %sub3A_2180 : vector<16xf32>
      %add3A_2185 = arith.addf %mul3A_2183, %mul3A_2184 : vector<16xf32>
      %mul3A_2186 = arith.mulf %sub3A_2182, %sub3A_2182 : vector<16xf32>
      %add3A_2187 = arith.addf %add3A_2185, %mul3A_2186 : vector<16xf32>
      %min3A_2188 = arith.minimumf %min3A_2086, %add3A_2187 : vector<16xf32>
      %slice3A_2189 = vector.extract_strided_slice %get3A_1978 {offsets = [2], sizes = [1], strides = [1]} : vector<16xf32> to vector<1xf32>
      %squeeze3A_2190 = vector.extract %slice3A_2189[0] : f32 from vector<1xf32>
      %slice3A_2191 = vector.extract_strided_slice %get3A_1981 {offsets = [2], sizes = [1], strides = [1]} : vector<16xf32> to vector<1xf32>
      %squeeze3A_2192 = vector.extract %slice3A_2191[0] : f32 from vector<1xf32>
      %slice3A_2193 = vector.extract_strided_slice %get3A_1984 {offsets = [2], sizes = [1], strides = [1]} : vector<16xf32> to vector<1xf32>
      %squeeze3A_2194 = vector.extract %slice3A_2193[0] : f32 from vector<1xf32>
      %sub3A_2195 = vector.broadcast %squeeze3A_2190 : f32 to vector<16xf32>
      %sub3A_2196 = arith.subf %get3A_53, %sub3A_2195 : vector<16xf32>
      %sub3A_2197 = vector.broadcast %squeeze3A_2192 : f32 to vector<16xf32>
      %sub3A_2198 = arith.subf %get3A_56, %sub3A_2197 : vector<16xf32>
      %sub3A_2199 = vector.broadcast %squeeze3A_2194 : f32 to vector<16xf32>
      %sub3A_2200 = arith.subf %get3A_59, %sub3A_2199 : vector<16xf32>
      %mul3A_2201 = arith.mulf %sub3A_2196, %sub3A_2196 : vector<16xf32>
      %mul3A_2202 = arith.mulf %sub3A_2198, %sub3A_2198 : vector<16xf32>
      %add3A_2203 = arith.addf %mul3A_2201, %mul3A_2202 : vector<16xf32>
      %mul3A_2204 = arith.mulf %sub3A_2200, %sub3A_2200 : vector<16xf32>
      %add3A_2205 = arith.addf %add3A_2203, %mul3A_2204 : vector<16xf32>
      %min3A_2206 = arith.minimumf %min3A_2104, %add3A_2205 : vector<16xf32>
      %sub3A_2207 = vector.broadcast %squeeze3A_2190 : f32 to vector<16xf32>
      %sub3A_2208 = arith.subf %get3A_62, %sub3A_2207 : vector<16xf32>
      %sub3A_2209 = vector.broadcast %squeeze3A_2192 : f32 to vector<16xf32>
      %sub3A_2210 = arith.subf %get3A_65, %sub3A_2209 : vector<16xf32>
      %sub3A_2211 = vector.broadcast %squeeze3A_2194 : f32 to vector<16xf32>
      %sub3A_2212 = arith.subf %get3A_68, %sub3A_2211 : vector<16xf32>
      %mul3A_2213 = arith.mulf %sub3A_2208, %sub3A_2208 : vector<16xf32>
      %mul3A_2214 = arith.mulf %sub3A_2210, %sub3A_2210 : vector<16xf32>
      %add3A_2215 = arith.addf %mul3A_2213, %mul3A_2214 : vector<16xf32>
      %mul3A_2216 = arith.mulf %sub3A_2212, %sub3A_2212 : vector<16xf32>
      %add3A_2217 = arith.addf %add3A_2215, %mul3A_2216 : vector<16xf32>
      %min3A_2218 = arith.minimumf %min3A_2116, %add3A_2217 : vector<16xf32>
      %sub3A_2219 = vector.broadcast %squeeze3A_2190 : f32 to vector<16xf32>
      %sub3A_2220 = arith.subf %get3A_71, %sub3A_2219 : vector<16xf32>
      %sub3A_2221 = vector.broadcast %squeeze3A_2192 : f32 to vector<16xf32>
      %sub3A_2222 = arith.subf %get3A_74, %sub3A_2221 : vector<16xf32>
      %sub3A_2223 = vector.broadcast %squeeze3A_2194 : f32 to vector<16xf32>
      %sub3A_2224 = arith.subf %get3A_77, %sub3A_2223 : vector<16xf32>
      %mul3A_2225 = arith.mulf %sub3A_2220, %sub3A_2220 : vector<16xf32>
      %mul3A_2226 = arith.mulf %sub3A_2222, %sub3A_2222 : vector<16xf32>
      %add3A_2227 = arith.addf %mul3A_2225, %mul3A_2226 : vector<16xf32>
      %mul3A_2228 = arith.mulf %sub3A_2224, %sub3A_2224 : vector<16xf32>
      %add3A_2229 = arith.addf %add3A_2227, %mul3A_2228 : vector<16xf32>
      %min3A_2230 = arith.minimumf %min3A_2128, %add3A_2229 : vector<16xf32>
      %sub3A_2231 = vector.broadcast %squeeze3A_2190 : f32 to vector<16xf32>
      %sub3A_2232 = arith.subf %get3A_80, %sub3A_2231 : vector<16xf32>
      %sub3A_2233 = vector.broadcast %squeeze3A_2192 : f32 to vector<16xf32>
      %sub3A_2234 = arith.subf %get3A_83, %sub3A_2233 : vector<16xf32>
      %sub3A_2235 = vector.broadcast %squeeze3A_2194 : f32 to vector<16xf32>
      %sub3A_2236 = arith.subf %get3A_86, %sub3A_2235 : vector<16xf32>
      %mul3A_2237 = arith.mulf %sub3A_2232, %sub3A_2232 : vector<16xf32>
      %mul3A_2238 = arith.mulf %sub3A_2234, %sub3A_2234 : vector<16xf32>
      %add3A_2239 = arith.addf %mul3A_2237, %mul3A_2238 : vector<16xf32>
      %mul3A_2240 = arith.mulf %sub3A_2236, %sub3A_2236 : vector<16xf32>
      %add3A_2241 = arith.addf %add3A_2239, %mul3A_2240 : vector<16xf32>
      %min3A_2242 = arith.minimumf %min3A_2140, %add3A_2241 : vector<16xf32>
      %sub3A_2243 = vector.broadcast %squeeze3A_2190 : f32 to vector<16xf32>
      %sub3A_2244 = arith.subf %get3A_89, %sub3A_2243 : vector<16xf32>
      %sub3A_2245 = vector.broadcast %squeeze3A_2192 : f32 to vector<16xf32>
      %sub3A_2246 = arith.subf %get3A_92, %sub3A_2245 : vector<16xf32>
      %sub3A_2247 = vector.broadcast %squeeze3A_2194 : f32 to vector<16xf32>
      %sub3A_2248 = arith.subf %get3A_95, %sub3A_2247 : vector<16xf32>
      %mul3A_2249 = arith.mulf %sub3A_2244, %sub3A_2244 : vector<16xf32>
      %mul3A_2250 = arith.mulf %sub3A_2246, %sub3A_2246 : vector<16xf32>
      %add3A_2251 = arith.addf %mul3A_2249, %mul3A_2250 : vector<16xf32>
      %mul3A_2252 = arith.mulf %sub3A_2248, %sub3A_2248 : vector<16xf32>
      %add3A_2253 = arith.addf %add3A_2251, %mul3A_2252 : vector<16xf32>
      %min3A_2254 = arith.minimumf %min3A_2152, %add3A_2253 : vector<16xf32>
      %sub3A_2255 = vector.broadcast %squeeze3A_2190 : f32 to vector<16xf32>
      %sub3A_2256 = arith.subf %get3A_98, %sub3A_2255 : vector<16xf32>
      %sub3A_2257 = vector.broadcast %squeeze3A_2192 : f32 to vector<16xf32>
      %sub3A_2258 = arith.subf %get3A_101, %sub3A_2257 : vector<16xf32>
      %sub3A_2259 = vector.broadcast %squeeze3A_2194 : f32 to vector<16xf32>
      %sub3A_2260 = arith.subf %get3A_104, %sub3A_2259 : vector<16xf32>
      %mul3A_2261 = arith.mulf %sub3A_2256, %sub3A_2256 : vector<16xf32>
      %mul3A_2262 = arith.mulf %sub3A_2258, %sub3A_2258 : vector<16xf32>
      %add3A_2263 = arith.addf %mul3A_2261, %mul3A_2262 : vector<16xf32>
      %mul3A_2264 = arith.mulf %sub3A_2260, %sub3A_2260 : vector<16xf32>
      %add3A_2265 = arith.addf %add3A_2263, %mul3A_2264 : vector<16xf32>
      %min3A_2266 = arith.minimumf %min3A_2164, %add3A_2265 : vector<16xf32>
      %sub3A_2267 = vector.broadcast %squeeze3A_2190 : f32 to vector<16xf32>
      %sub3A_2268 = arith.subf %get3A_107, %sub3A_2267 : vector<16xf32>
      %sub3A_2269 = vector.broadcast %squeeze3A_2192 : f32 to vector<16xf32>
      %sub3A_2270 = arith.subf %get3A_110, %sub3A_2269 : vector<16xf32>
      %sub3A_2271 = vector.broadcast %squeeze3A_2194 : f32 to vector<16xf32>
      %sub3A_2272 = arith.subf %get3A_113, %sub3A_2271 : vector<16xf32>
      %mul3A_2273 = arith.mulf %sub3A_2268, %sub3A_2268 : vector<16xf32>
      %mul3A_2274 = arith.mulf %sub3A_2270, %sub3A_2270 : vector<16xf32>
      %add3A_2275 = arith.addf %mul3A_2273, %mul3A_2274 : vector<16xf32>
      %mul3A_2276 = arith.mulf %sub3A_2272, %sub3A_2272 : vector<16xf32>
      %add3A_2277 = arith.addf %add3A_2275, %mul3A_2276 : vector<16xf32>
      %min3A_2278 = arith.minimumf %min3A_2176, %add3A_2277 : vector<16xf32>
      %sub3A_2279 = vector.broadcast %squeeze3A_2190 : f32 to vector<16xf32>
      %sub3A_2280 = arith.subf %get3A_116, %sub3A_2279 : vector<16xf32>
      %sub3A_2281 = vector.broadcast %squeeze3A_2192 : f32 to vector<16xf32>
      %sub3A_2282 = arith.subf %get3A_119, %sub3A_2281 : vector<16xf32>
      %sub3A_2283 = vector.broadcast %squeeze3A_2194 : f32 to vector<16xf32>
      %sub3A_2284 = arith.subf %get3A_122, %sub3A_2283 : vector<16xf32>
      %mul3A_2285 = arith.mulf %sub3A_2280, %sub3A_2280 : vector<16xf32>
      %mul3A_2286 = arith.mulf %sub3A_2282, %sub3A_2282 : vector<16xf32>
      %add3A_2287 = arith.addf %mul3A_2285, %mul3A_2286 : vector<16xf32>
      %mul3A_2288 = arith.mulf %sub3A_2284, %sub3A_2284 : vector<16xf32>
      %add3A_2289 = arith.addf %add3A_2287, %mul3A_2288 : vector<16xf32>
      %min3A_2290 = arith.minimumf %min3A_2188, %add3A_2289 : vector<16xf32>
      %slice3A_2291 = vector.extract_strided_slice %get3A_1978 {offsets = [3], sizes = [1], strides = [1]} : vector<16xf32> to vector<1xf32>
      %squeeze3A_2292 = vector.extract %slice3A_2291[0] : f32 from vector<1xf32>
      %slice3A_2293 = vector.extract_strided_slice %get3A_1981 {offsets = [3], sizes = [1], strides = [1]} : vector<16xf32> to vector<1xf32>
      %squeeze3A_2294 = vector.extract %slice3A_2293[0] : f32 from vector<1xf32>
      %slice3A_2295 = vector.extract_strided_slice %get3A_1984 {offsets = [3], sizes = [1], strides = [1]} : vector<16xf32> to vector<1xf32>
      %squeeze3A_2296 = vector.extract %slice3A_2295[0] : f32 from vector<1xf32>
      %sub3A_2297 = vector.broadcast %squeeze3A_2292 : f32 to vector<16xf32>
      %sub3A_2298 = arith.subf %get3A_53, %sub3A_2297 : vector<16xf32>
      %sub3A_2299 = vector.broadcast %squeeze3A_2294 : f32 to vector<16xf32>
      %sub3A_2300 = arith.subf %get3A_56, %sub3A_2299 : vector<16xf32>
      %sub3A_2301 = vector.broadcast %squeeze3A_2296 : f32 to vector<16xf32>
      %sub3A_2302 = arith.subf %get3A_59, %sub3A_2301 : vector<16xf32>
      %mul3A_2303 = arith.mulf %sub3A_2298, %sub3A_2298 : vector<16xf32>
      %mul3A_2304 = arith.mulf %sub3A_2300, %sub3A_2300 : vector<16xf32>
      %add3A_2305 = arith.addf %mul3A_2303, %mul3A_2304 : vector<16xf32>
      %mul3A_2306 = arith.mulf %sub3A_2302, %sub3A_2302 : vector<16xf32>
      %add3A_2307 = arith.addf %add3A_2305, %mul3A_2306 : vector<16xf32>
      %min3A_2308 = arith.minimumf %min3A_2206, %add3A_2307 : vector<16xf32>
      %sub3A_2309 = vector.broadcast %squeeze3A_2292 : f32 to vector<16xf32>
      %sub3A_2310 = arith.subf %get3A_62, %sub3A_2309 : vector<16xf32>
      %sub3A_2311 = vector.broadcast %squeeze3A_2294 : f32 to vector<16xf32>
      %sub3A_2312 = arith.subf %get3A_65, %sub3A_2311 : vector<16xf32>
      %sub3A_2313 = vector.broadcast %squeeze3A_2296 : f32 to vector<16xf32>
      %sub3A_2314 = arith.subf %get3A_68, %sub3A_2313 : vector<16xf32>
      %mul3A_2315 = arith.mulf %sub3A_2310, %sub3A_2310 : vector<16xf32>
      %mul3A_2316 = arith.mulf %sub3A_2312, %sub3A_2312 : vector<16xf32>
      %add3A_2317 = arith.addf %mul3A_2315, %mul3A_2316 : vector<16xf32>
      %mul3A_2318 = arith.mulf %sub3A_2314, %sub3A_2314 : vector<16xf32>
      %add3A_2319 = arith.addf %add3A_2317, %mul3A_2318 : vector<16xf32>
      %min3A_2320 = arith.minimumf %min3A_2218, %add3A_2319 : vector<16xf32>
      %sub3A_2321 = vector.broadcast %squeeze3A_2292 : f32 to vector<16xf32>
      %sub3A_2322 = arith.subf %get3A_71, %sub3A_2321 : vector<16xf32>
      %sub3A_2323 = vector.broadcast %squeeze3A_2294 : f32 to vector<16xf32>
      %sub3A_2324 = arith.subf %get3A_74, %sub3A_2323 : vector<16xf32>
      %sub3A_2325 = vector.broadcast %squeeze3A_2296 : f32 to vector<16xf32>
      %sub3A_2326 = arith.subf %get3A_77, %sub3A_2325 : vector<16xf32>
      %mul3A_2327 = arith.mulf %sub3A_2322, %sub3A_2322 : vector<16xf32>
      %mul3A_2328 = arith.mulf %sub3A_2324, %sub3A_2324 : vector<16xf32>
      %add3A_2329 = arith.addf %mul3A_2327, %mul3A_2328 : vector<16xf32>
      %mul3A_2330 = arith.mulf %sub3A_2326, %sub3A_2326 : vector<16xf32>
      %add3A_2331 = arith.addf %add3A_2329, %mul3A_2330 : vector<16xf32>
      %min3A_2332 = arith.minimumf %min3A_2230, %add3A_2331 : vector<16xf32>
      %sub3A_2333 = vector.broadcast %squeeze3A_2292 : f32 to vector<16xf32>
      %sub3A_2334 = arith.subf %get3A_80, %sub3A_2333 : vector<16xf32>
      %sub3A_2335 = vector.broadcast %squeeze3A_2294 : f32 to vector<16xf32>
      %sub3A_2336 = arith.subf %get3A_83, %sub3A_2335 : vector<16xf32>
      %sub3A_2337 = vector.broadcast %squeeze3A_2296 : f32 to vector<16xf32>
      %sub3A_2338 = arith.subf %get3A_86, %sub3A_2337 : vector<16xf32>
      %mul3A_2339 = arith.mulf %sub3A_2334, %sub3A_2334 : vector<16xf32>
      %mul3A_2340 = arith.mulf %sub3A_2336, %sub3A_2336 : vector<16xf32>
      %add3A_2341 = arith.addf %mul3A_2339, %mul3A_2340 : vector<16xf32>
      %mul3A_2342 = arith.mulf %sub3A_2338, %sub3A_2338 : vector<16xf32>
      %add3A_2343 = arith.addf %add3A_2341, %mul3A_2342 : vector<16xf32>
      %min3A_2344 = arith.minimumf %min3A_2242, %add3A_2343 : vector<16xf32>
      %sub3A_2345 = vector.broadcast %squeeze3A_2292 : f32 to vector<16xf32>
      %sub3A_2346 = arith.subf %get3A_89, %sub3A_2345 : vector<16xf32>
      %sub3A_2347 = vector.broadcast %squeeze3A_2294 : f32 to vector<16xf32>
      %sub3A_2348 = arith.subf %get3A_92, %sub3A_2347 : vector<16xf32>
      %sub3A_2349 = vector.broadcast %squeeze3A_2296 : f32 to vector<16xf32>
      %sub3A_2350 = arith.subf %get3A_95, %sub3A_2349 : vector<16xf32>
      %mul3A_2351 = arith.mulf %sub3A_2346, %sub3A_2346 : vector<16xf32>
      %mul3A_2352 = arith.mulf %sub3A_2348, %sub3A_2348 : vector<16xf32>
      %add3A_2353 = arith.addf %mul3A_2351, %mul3A_2352 : vector<16xf32>
      %mul3A_2354 = arith.mulf %sub3A_2350, %sub3A_2350 : vector<16xf32>
      %add3A_2355 = arith.addf %add3A_2353, %mul3A_2354 : vector<16xf32>
      %min3A_2356 = arith.minimumf %min3A_2254, %add3A_2355 : vector<16xf32>
      %sub3A_2357 = vector.broadcast %squeeze3A_2292 : f32 to vector<16xf32>
      %sub3A_2358 = arith.subf %get3A_98, %sub3A_2357 : vector<16xf32>
      %sub3A_2359 = vector.broadcast %squeeze3A_2294 : f32 to vector<16xf32>
      %sub3A_2360 = arith.subf %get3A_101, %sub3A_2359 : vector<16xf32>
      %sub3A_2361 = vector.broadcast %squeeze3A_2296 : f32 to vector<16xf32>
      %sub3A_2362 = arith.subf %get3A_104, %sub3A_2361 : vector<16xf32>
      %mul3A_2363 = arith.mulf %sub3A_2358, %sub3A_2358 : vector<16xf32>
      %mul3A_2364 = arith.mulf %sub3A_2360, %sub3A_2360 : vector<16xf32>
      %add3A_2365 = arith.addf %mul3A_2363, %mul3A_2364 : vector<16xf32>
      %mul3A_2366 = arith.mulf %sub3A_2362, %sub3A_2362 : vector<16xf32>
      %add3A_2367 = arith.addf %add3A_2365, %mul3A_2366 : vector<16xf32>
      %min3A_2368 = arith.minimumf %min3A_2266, %add3A_2367 : vector<16xf32>
      %sub3A_2369 = vector.broadcast %squeeze3A_2292 : f32 to vector<16xf32>
      %sub3A_2370 = arith.subf %get3A_107, %sub3A_2369 : vector<16xf32>
      %sub3A_2371 = vector.broadcast %squeeze3A_2294 : f32 to vector<16xf32>
      %sub3A_2372 = arith.subf %get3A_110, %sub3A_2371 : vector<16xf32>
      %sub3A_2373 = vector.broadcast %squeeze3A_2296 : f32 to vector<16xf32>
      %sub3A_2374 = arith.subf %get3A_113, %sub3A_2373 : vector<16xf32>
      %mul3A_2375 = arith.mulf %sub3A_2370, %sub3A_2370 : vector<16xf32>
      %mul3A_2376 = arith.mulf %sub3A_2372, %sub3A_2372 : vector<16xf32>
      %add3A_2377 = arith.addf %mul3A_2375, %mul3A_2376 : vector<16xf32>
      %mul3A_2378 = arith.mulf %sub3A_2374, %sub3A_2374 : vector<16xf32>
      %add3A_2379 = arith.addf %add3A_2377, %mul3A_2378 : vector<16xf32>
      %min3A_2380 = arith.minimumf %min3A_2278, %add3A_2379 : vector<16xf32>
      %sub3A_2381 = vector.broadcast %squeeze3A_2292 : f32 to vector<16xf32>
      %sub3A_2382 = arith.subf %get3A_116, %sub3A_2381 : vector<16xf32>
      %sub3A_2383 = vector.broadcast %squeeze3A_2294 : f32 to vector<16xf32>
      %sub3A_2384 = arith.subf %get3A_119, %sub3A_2383 : vector<16xf32>
      %sub3A_2385 = vector.broadcast %squeeze3A_2296 : f32 to vector<16xf32>
      %sub3A_2386 = arith.subf %get3A_122, %sub3A_2385 : vector<16xf32>
      %mul3A_2387 = arith.mulf %sub3A_2382, %sub3A_2382 : vector<16xf32>
      %mul3A_2388 = arith.mulf %sub3A_2384, %sub3A_2384 : vector<16xf32>
      %add3A_2389 = arith.addf %mul3A_2387, %mul3A_2388 : vector<16xf32>
      %mul3A_2390 = arith.mulf %sub3A_2386, %sub3A_2386 : vector<16xf32>
      %add3A_2391 = arith.addf %add3A_2389, %mul3A_2390 : vector<16xf32>
      %min3A_2392 = arith.minimumf %min3A_2290, %add3A_2391 : vector<16xf32>
      %slice3A_2393 = vector.extract_strided_slice %get3A_1978 {offsets = [4], sizes = [1], strides = [1]} : vector<16xf32> to vector<1xf32>
      %squeeze3A_2394 = vector.extract %slice3A_2393[0] : f32 from vector<1xf32>
      %slice3A_2395 = vector.extract_strided_slice %get3A_1981 {offsets = [4], sizes = [1], strides = [1]} : vector<16xf32> to vector<1xf32>
      %squeeze3A_2396 = vector.extract %slice3A_2395[0] : f32 from vector<1xf32>
      %slice3A_2397 = vector.extract_strided_slice %get3A_1984 {offsets = [4], sizes = [1], strides = [1]} : vector<16xf32> to vector<1xf32>
      %squeeze3A_2398 = vector.extract %slice3A_2397[0] : f32 from vector<1xf32>
      %sub3A_2399 = vector.broadcast %squeeze3A_2394 : f32 to vector<16xf32>
      %sub3A_2400 = arith.subf %get3A_53, %sub3A_2399 : vector<16xf32>
      %sub3A_2401 = vector.broadcast %squeeze3A_2396 : f32 to vector<16xf32>
      %sub3A_2402 = arith.subf %get3A_56, %sub3A_2401 : vector<16xf32>
      %sub3A_2403 = vector.broadcast %squeeze3A_2398 : f32 to vector<16xf32>
      %sub3A_2404 = arith.subf %get3A_59, %sub3A_2403 : vector<16xf32>
      %mul3A_2405 = arith.mulf %sub3A_2400, %sub3A_2400 : vector<16xf32>
      %mul3A_2406 = arith.mulf %sub3A_2402, %sub3A_2402 : vector<16xf32>
      %add3A_2407 = arith.addf %mul3A_2405, %mul3A_2406 : vector<16xf32>
      %mul3A_2408 = arith.mulf %sub3A_2404, %sub3A_2404 : vector<16xf32>
      %add3A_2409 = arith.addf %add3A_2407, %mul3A_2408 : vector<16xf32>
      %min3A_2410 = arith.minimumf %min3A_2308, %add3A_2409 : vector<16xf32>
      %sub3A_2411 = vector.broadcast %squeeze3A_2394 : f32 to vector<16xf32>
      %sub3A_2412 = arith.subf %get3A_62, %sub3A_2411 : vector<16xf32>
      %sub3A_2413 = vector.broadcast %squeeze3A_2396 : f32 to vector<16xf32>
      %sub3A_2414 = arith.subf %get3A_65, %sub3A_2413 : vector<16xf32>
      %sub3A_2415 = vector.broadcast %squeeze3A_2398 : f32 to vector<16xf32>
      %sub3A_2416 = arith.subf %get3A_68, %sub3A_2415 : vector<16xf32>
      %mul3A_2417 = arith.mulf %sub3A_2412, %sub3A_2412 : vector<16xf32>
      %mul3A_2418 = arith.mulf %sub3A_2414, %sub3A_2414 : vector<16xf32>
      %add3A_2419 = arith.addf %mul3A_2417, %mul3A_2418 : vector<16xf32>
      %mul3A_2420 = arith.mulf %sub3A_2416, %sub3A_2416 : vector<16xf32>
      %add3A_2421 = arith.addf %add3A_2419, %mul3A_2420 : vector<16xf32>
      %min3A_2422 = arith.minimumf %min3A_2320, %add3A_2421 : vector<16xf32>
      %sub3A_2423 = vector.broadcast %squeeze3A_2394 : f32 to vector<16xf32>
      %sub3A_2424 = arith.subf %get3A_71, %sub3A_2423 : vector<16xf32>
      %sub3A_2425 = vector.broadcast %squeeze3A_2396 : f32 to vector<16xf32>
      %sub3A_2426 = arith.subf %get3A_74, %sub3A_2425 : vector<16xf32>
      %sub3A_2427 = vector.broadcast %squeeze3A_2398 : f32 to vector<16xf32>
      %sub3A_2428 = arith.subf %get3A_77, %sub3A_2427 : vector<16xf32>
      %mul3A_2429 = arith.mulf %sub3A_2424, %sub3A_2424 : vector<16xf32>
      %mul3A_2430 = arith.mulf %sub3A_2426, %sub3A_2426 : vector<16xf32>
      %add3A_2431 = arith.addf %mul3A_2429, %mul3A_2430 : vector<16xf32>
      %mul3A_2432 = arith.mulf %sub3A_2428, %sub3A_2428 : vector<16xf32>
      %add3A_2433 = arith.addf %add3A_2431, %mul3A_2432 : vector<16xf32>
      %min3A_2434 = arith.minimumf %min3A_2332, %add3A_2433 : vector<16xf32>
      %sub3A_2435 = vector.broadcast %squeeze3A_2394 : f32 to vector<16xf32>
      %sub3A_2436 = arith.subf %get3A_80, %sub3A_2435 : vector<16xf32>
      %sub3A_2437 = vector.broadcast %squeeze3A_2396 : f32 to vector<16xf32>
      %sub3A_2438 = arith.subf %get3A_83, %sub3A_2437 : vector<16xf32>
      %sub3A_2439 = vector.broadcast %squeeze3A_2398 : f32 to vector<16xf32>
      %sub3A_2440 = arith.subf %get3A_86, %sub3A_2439 : vector<16xf32>
      %mul3A_2441 = arith.mulf %sub3A_2436, %sub3A_2436 : vector<16xf32>
      %mul3A_2442 = arith.mulf %sub3A_2438, %sub3A_2438 : vector<16xf32>
      %add3A_2443 = arith.addf %mul3A_2441, %mul3A_2442 : vector<16xf32>
      %mul3A_2444 = arith.mulf %sub3A_2440, %sub3A_2440 : vector<16xf32>
      %add3A_2445 = arith.addf %add3A_2443, %mul3A_2444 : vector<16xf32>
      %min3A_2446 = arith.minimumf %min3A_2344, %add3A_2445 : vector<16xf32>
      %sub3A_2447 = vector.broadcast %squeeze3A_2394 : f32 to vector<16xf32>
      %sub3A_2448 = arith.subf %get3A_89, %sub3A_2447 : vector<16xf32>
      %sub3A_2449 = vector.broadcast %squeeze3A_2396 : f32 to vector<16xf32>
      %sub3A_2450 = arith.subf %get3A_92, %sub3A_2449 : vector<16xf32>
      %sub3A_2451 = vector.broadcast %squeeze3A_2398 : f32 to vector<16xf32>
      %sub3A_2452 = arith.subf %get3A_95, %sub3A_2451 : vector<16xf32>
      %mul3A_2453 = arith.mulf %sub3A_2448, %sub3A_2448 : vector<16xf32>
      %mul3A_2454 = arith.mulf %sub3A_2450, %sub3A_2450 : vector<16xf32>
      %add3A_2455 = arith.addf %mul3A_2453, %mul3A_2454 : vector<16xf32>
      %mul3A_2456 = arith.mulf %sub3A_2452, %sub3A_2452 : vector<16xf32>
      %add3A_2457 = arith.addf %add3A_2455, %mul3A_2456 : vector<16xf32>
      %min3A_2458 = arith.minimumf %min3A_2356, %add3A_2457 : vector<16xf32>
      %sub3A_2459 = vector.broadcast %squeeze3A_2394 : f32 to vector<16xf32>
      %sub3A_2460 = arith.subf %get3A_98, %sub3A_2459 : vector<16xf32>
      %sub3A_2461 = vector.broadcast %squeeze3A_2396 : f32 to vector<16xf32>
      %sub3A_2462 = arith.subf %get3A_101, %sub3A_2461 : vector<16xf32>
      %sub3A_2463 = vector.broadcast %squeeze3A_2398 : f32 to vector<16xf32>
      %sub3A_2464 = arith.subf %get3A_104, %sub3A_2463 : vector<16xf32>
      %mul3A_2465 = arith.mulf %sub3A_2460, %sub3A_2460 : vector<16xf32>
      %mul3A_2466 = arith.mulf %sub3A_2462, %sub3A_2462 : vector<16xf32>
      %add3A_2467 = arith.addf %mul3A_2465, %mul3A_2466 : vector<16xf32>
      %mul3A_2468 = arith.mulf %sub3A_2464, %sub3A_2464 : vector<16xf32>
      %add3A_2469 = arith.addf %add3A_2467, %mul3A_2468 : vector<16xf32>
      %min3A_2470 = arith.minimumf %min3A_2368, %add3A_2469 : vector<16xf32>
      %sub3A_2471 = vector.broadcast %squeeze3A_2394 : f32 to vector<16xf32>
      %sub3A_2472 = arith.subf %get3A_107, %sub3A_2471 : vector<16xf32>
      %sub3A_2473 = vector.broadcast %squeeze3A_2396 : f32 to vector<16xf32>
      %sub3A_2474 = arith.subf %get3A_110, %sub3A_2473 : vector<16xf32>
      %sub3A_2475 = vector.broadcast %squeeze3A_2398 : f32 to vector<16xf32>
      %sub3A_2476 = arith.subf %get3A_113, %sub3A_2475 : vector<16xf32>
      %mul3A_2477 = arith.mulf %sub3A_2472, %sub3A_2472 : vector<16xf32>
      %mul3A_2478 = arith.mulf %sub3A_2474, %sub3A_2474 : vector<16xf32>
      %add3A_2479 = arith.addf %mul3A_2477, %mul3A_2478 : vector<16xf32>
      %mul3A_2480 = arith.mulf %sub3A_2476, %sub3A_2476 : vector<16xf32>
      %add3A_2481 = arith.addf %add3A_2479, %mul3A_2480 : vector<16xf32>
      %min3A_2482 = arith.minimumf %min3A_2380, %add3A_2481 : vector<16xf32>
      %sub3A_2483 = vector.broadcast %squeeze3A_2394 : f32 to vector<16xf32>
      %sub3A_2484 = arith.subf %get3A_116, %sub3A_2483 : vector<16xf32>
      %sub3A_2485 = vector.broadcast %squeeze3A_2396 : f32 to vector<16xf32>
      %sub3A_2486 = arith.subf %get3A_119, %sub3A_2485 : vector<16xf32>
      %sub3A_2487 = vector.broadcast %squeeze3A_2398 : f32 to vector<16xf32>
      %sub3A_2488 = arith.subf %get3A_122, %sub3A_2487 : vector<16xf32>
      %mul3A_2489 = arith.mulf %sub3A_2484, %sub3A_2484 : vector<16xf32>
      %mul3A_2490 = arith.mulf %sub3A_2486, %sub3A_2486 : vector<16xf32>
      %add3A_2491 = arith.addf %mul3A_2489, %mul3A_2490 : vector<16xf32>
      %mul3A_2492 = arith.mulf %sub3A_2488, %sub3A_2488 : vector<16xf32>
      %add3A_2493 = arith.addf %add3A_2491, %mul3A_2492 : vector<16xf32>
      %min3A_2494 = arith.minimumf %min3A_2392, %add3A_2493 : vector<16xf32>
      %slice3A_2495 = vector.extract_strided_slice %get3A_1978 {offsets = [5], sizes = [1], strides = [1]} : vector<16xf32> to vector<1xf32>
      %squeeze3A_2496 = vector.extract %slice3A_2495[0] : f32 from vector<1xf32>
      %slice3A_2497 = vector.extract_strided_slice %get3A_1981 {offsets = [5], sizes = [1], strides = [1]} : vector<16xf32> to vector<1xf32>
      %squeeze3A_2498 = vector.extract %slice3A_2497[0] : f32 from vector<1xf32>
      %slice3A_2499 = vector.extract_strided_slice %get3A_1984 {offsets = [5], sizes = [1], strides = [1]} : vector<16xf32> to vector<1xf32>
      %squeeze3A_2500 = vector.extract %slice3A_2499[0] : f32 from vector<1xf32>
      %sub3A_2501 = vector.broadcast %squeeze3A_2496 : f32 to vector<16xf32>
      %sub3A_2502 = arith.subf %get3A_53, %sub3A_2501 : vector<16xf32>
      %sub3A_2503 = vector.broadcast %squeeze3A_2498 : f32 to vector<16xf32>
      %sub3A_2504 = arith.subf %get3A_56, %sub3A_2503 : vector<16xf32>
      %sub3A_2505 = vector.broadcast %squeeze3A_2500 : f32 to vector<16xf32>
      %sub3A_2506 = arith.subf %get3A_59, %sub3A_2505 : vector<16xf32>
      %mul3A_2507 = arith.mulf %sub3A_2502, %sub3A_2502 : vector<16xf32>
      %mul3A_2508 = arith.mulf %sub3A_2504, %sub3A_2504 : vector<16xf32>
      %add3A_2509 = arith.addf %mul3A_2507, %mul3A_2508 : vector<16xf32>
      %mul3A_2510 = arith.mulf %sub3A_2506, %sub3A_2506 : vector<16xf32>
      %add3A_2511 = arith.addf %add3A_2509, %mul3A_2510 : vector<16xf32>
      %min3A_2512 = arith.minimumf %min3A_2410, %add3A_2511 : vector<16xf32>
      %sub3A_2513 = vector.broadcast %squeeze3A_2496 : f32 to vector<16xf32>
      %sub3A_2514 = arith.subf %get3A_62, %sub3A_2513 : vector<16xf32>
      %sub3A_2515 = vector.broadcast %squeeze3A_2498 : f32 to vector<16xf32>
      %sub3A_2516 = arith.subf %get3A_65, %sub3A_2515 : vector<16xf32>
      %sub3A_2517 = vector.broadcast %squeeze3A_2500 : f32 to vector<16xf32>
      %sub3A_2518 = arith.subf %get3A_68, %sub3A_2517 : vector<16xf32>
      %mul3A_2519 = arith.mulf %sub3A_2514, %sub3A_2514 : vector<16xf32>
      %mul3A_2520 = arith.mulf %sub3A_2516, %sub3A_2516 : vector<16xf32>
      %add3A_2521 = arith.addf %mul3A_2519, %mul3A_2520 : vector<16xf32>
      %mul3A_2522 = arith.mulf %sub3A_2518, %sub3A_2518 : vector<16xf32>
      %add3A_2523 = arith.addf %add3A_2521, %mul3A_2522 : vector<16xf32>
      %min3A_2524 = arith.minimumf %min3A_2422, %add3A_2523 : vector<16xf32>
      %sub3A_2525 = vector.broadcast %squeeze3A_2496 : f32 to vector<16xf32>
      %sub3A_2526 = arith.subf %get3A_71, %sub3A_2525 : vector<16xf32>
      %sub3A_2527 = vector.broadcast %squeeze3A_2498 : f32 to vector<16xf32>
      %sub3A_2528 = arith.subf %get3A_74, %sub3A_2527 : vector<16xf32>
      %sub3A_2529 = vector.broadcast %squeeze3A_2500 : f32 to vector<16xf32>
      %sub3A_2530 = arith.subf %get3A_77, %sub3A_2529 : vector<16xf32>
      %mul3A_2531 = arith.mulf %sub3A_2526, %sub3A_2526 : vector<16xf32>
      %mul3A_2532 = arith.mulf %sub3A_2528, %sub3A_2528 : vector<16xf32>
      %add3A_2533 = arith.addf %mul3A_2531, %mul3A_2532 : vector<16xf32>
      %mul3A_2534 = arith.mulf %sub3A_2530, %sub3A_2530 : vector<16xf32>
      %add3A_2535 = arith.addf %add3A_2533, %mul3A_2534 : vector<16xf32>
      %min3A_2536 = arith.minimumf %min3A_2434, %add3A_2535 : vector<16xf32>
      %sub3A_2537 = vector.broadcast %squeeze3A_2496 : f32 to vector<16xf32>
      %sub3A_2538 = arith.subf %get3A_80, %sub3A_2537 : vector<16xf32>
      %sub3A_2539 = vector.broadcast %squeeze3A_2498 : f32 to vector<16xf32>
      %sub3A_2540 = arith.subf %get3A_83, %sub3A_2539 : vector<16xf32>
      %sub3A_2541 = vector.broadcast %squeeze3A_2500 : f32 to vector<16xf32>
      %sub3A_2542 = arith.subf %get3A_86, %sub3A_2541 : vector<16xf32>
      %mul3A_2543 = arith.mulf %sub3A_2538, %sub3A_2538 : vector<16xf32>
      %mul3A_2544 = arith.mulf %sub3A_2540, %sub3A_2540 : vector<16xf32>
      %add3A_2545 = arith.addf %mul3A_2543, %mul3A_2544 : vector<16xf32>
      %mul3A_2546 = arith.mulf %sub3A_2542, %sub3A_2542 : vector<16xf32>
      %add3A_2547 = arith.addf %add3A_2545, %mul3A_2546 : vector<16xf32>
      %min3A_2548 = arith.minimumf %min3A_2446, %add3A_2547 : vector<16xf32>
      %sub3A_2549 = vector.broadcast %squeeze3A_2496 : f32 to vector<16xf32>
      %sub3A_2550 = arith.subf %get3A_89, %sub3A_2549 : vector<16xf32>
      %sub3A_2551 = vector.broadcast %squeeze3A_2498 : f32 to vector<16xf32>
      %sub3A_2552 = arith.subf %get3A_92, %sub3A_2551 : vector<16xf32>
      %sub3A_2553 = vector.broadcast %squeeze3A_2500 : f32 to vector<16xf32>
      %sub3A_2554 = arith.subf %get3A_95, %sub3A_2553 : vector<16xf32>
      %mul3A_2555 = arith.mulf %sub3A_2550, %sub3A_2550 : vector<16xf32>
      %mul3A_2556 = arith.mulf %sub3A_2552, %sub3A_2552 : vector<16xf32>
      %add3A_2557 = arith.addf %mul3A_2555, %mul3A_2556 : vector<16xf32>
      %mul3A_2558 = arith.mulf %sub3A_2554, %sub3A_2554 : vector<16xf32>
      %add3A_2559 = arith.addf %add3A_2557, %mul3A_2558 : vector<16xf32>
      %min3A_2560 = arith.minimumf %min3A_2458, %add3A_2559 : vector<16xf32>
      %sub3A_2561 = vector.broadcast %squeeze3A_2496 : f32 to vector<16xf32>
      %sub3A_2562 = arith.subf %get3A_98, %sub3A_2561 : vector<16xf32>
      %sub3A_2563 = vector.broadcast %squeeze3A_2498 : f32 to vector<16xf32>
      %sub3A_2564 = arith.subf %get3A_101, %sub3A_2563 : vector<16xf32>
      %sub3A_2565 = vector.broadcast %squeeze3A_2500 : f32 to vector<16xf32>
      %sub3A_2566 = arith.subf %get3A_104, %sub3A_2565 : vector<16xf32>
      %mul3A_2567 = arith.mulf %sub3A_2562, %sub3A_2562 : vector<16xf32>
      %mul3A_2568 = arith.mulf %sub3A_2564, %sub3A_2564 : vector<16xf32>
      %add3A_2569 = arith.addf %mul3A_2567, %mul3A_2568 : vector<16xf32>
      %mul3A_2570 = arith.mulf %sub3A_2566, %sub3A_2566 : vector<16xf32>
      %add3A_2571 = arith.addf %add3A_2569, %mul3A_2570 : vector<16xf32>
      %min3A_2572 = arith.minimumf %min3A_2470, %add3A_2571 : vector<16xf32>
      %sub3A_2573 = vector.broadcast %squeeze3A_2496 : f32 to vector<16xf32>
      %sub3A_2574 = arith.subf %get3A_107, %sub3A_2573 : vector<16xf32>
      %sub3A_2575 = vector.broadcast %squeeze3A_2498 : f32 to vector<16xf32>
      %sub3A_2576 = arith.subf %get3A_110, %sub3A_2575 : vector<16xf32>
      %sub3A_2577 = vector.broadcast %squeeze3A_2500 : f32 to vector<16xf32>
      %sub3A_2578 = arith.subf %get3A_113, %sub3A_2577 : vector<16xf32>
      %mul3A_2579 = arith.mulf %sub3A_2574, %sub3A_2574 : vector<16xf32>
      %mul3A_2580 = arith.mulf %sub3A_2576, %sub3A_2576 : vector<16xf32>
      %add3A_2581 = arith.addf %mul3A_2579, %mul3A_2580 : vector<16xf32>
      %mul3A_2582 = arith.mulf %sub3A_2578, %sub3A_2578 : vector<16xf32>
      %add3A_2583 = arith.addf %add3A_2581, %mul3A_2582 : vector<16xf32>
      %min3A_2584 = arith.minimumf %min3A_2482, %add3A_2583 : vector<16xf32>
      %sub3A_2585 = vector.broadcast %squeeze3A_2496 : f32 to vector<16xf32>
      %sub3A_2586 = arith.subf %get3A_116, %sub3A_2585 : vector<16xf32>
      %sub3A_2587 = vector.broadcast %squeeze3A_2498 : f32 to vector<16xf32>
      %sub3A_2588 = arith.subf %get3A_119, %sub3A_2587 : vector<16xf32>
      %sub3A_2589 = vector.broadcast %squeeze3A_2500 : f32 to vector<16xf32>
      %sub3A_2590 = arith.subf %get3A_122, %sub3A_2589 : vector<16xf32>
      %mul3A_2591 = arith.mulf %sub3A_2586, %sub3A_2586 : vector<16xf32>
      %mul3A_2592 = arith.mulf %sub3A_2588, %sub3A_2588 : vector<16xf32>
      %add3A_2593 = arith.addf %mul3A_2591, %mul3A_2592 : vector<16xf32>
      %mul3A_2594 = arith.mulf %sub3A_2590, %sub3A_2590 : vector<16xf32>
      %add3A_2595 = arith.addf %add3A_2593, %mul3A_2594 : vector<16xf32>
      %min3A_2596 = arith.minimumf %min3A_2494, %add3A_2595 : vector<16xf32>
      %slice3A_2597 = vector.extract_strided_slice %get3A_1978 {offsets = [6], sizes = [1], strides = [1]} : vector<16xf32> to vector<1xf32>
      %squeeze3A_2598 = vector.extract %slice3A_2597[0] : f32 from vector<1xf32>
      %slice3A_2599 = vector.extract_strided_slice %get3A_1981 {offsets = [6], sizes = [1], strides = [1]} : vector<16xf32> to vector<1xf32>
      %squeeze3A_2600 = vector.extract %slice3A_2599[0] : f32 from vector<1xf32>
      %slice3A_2601 = vector.extract_strided_slice %get3A_1984 {offsets = [6], sizes = [1], strides = [1]} : vector<16xf32> to vector<1xf32>
      %squeeze3A_2602 = vector.extract %slice3A_2601[0] : f32 from vector<1xf32>
      %sub3A_2603 = vector.broadcast %squeeze3A_2598 : f32 to vector<16xf32>
      %sub3A_2604 = arith.subf %get3A_53, %sub3A_2603 : vector<16xf32>
      %sub3A_2605 = vector.broadcast %squeeze3A_2600 : f32 to vector<16xf32>
      %sub3A_2606 = arith.subf %get3A_56, %sub3A_2605 : vector<16xf32>
      %sub3A_2607 = vector.broadcast %squeeze3A_2602 : f32 to vector<16xf32>
      %sub3A_2608 = arith.subf %get3A_59, %sub3A_2607 : vector<16xf32>
      %mul3A_2609 = arith.mulf %sub3A_2604, %sub3A_2604 : vector<16xf32>
      %mul3A_2610 = arith.mulf %sub3A_2606, %sub3A_2606 : vector<16xf32>
      %add3A_2611 = arith.addf %mul3A_2609, %mul3A_2610 : vector<16xf32>
      %mul3A_2612 = arith.mulf %sub3A_2608, %sub3A_2608 : vector<16xf32>
      %add3A_2613 = arith.addf %add3A_2611, %mul3A_2612 : vector<16xf32>
      %min3A_2614 = arith.minimumf %min3A_2512, %add3A_2613 : vector<16xf32>
      %sub3A_2615 = vector.broadcast %squeeze3A_2598 : f32 to vector<16xf32>
      %sub3A_2616 = arith.subf %get3A_62, %sub3A_2615 : vector<16xf32>
      %sub3A_2617 = vector.broadcast %squeeze3A_2600 : f32 to vector<16xf32>
      %sub3A_2618 = arith.subf %get3A_65, %sub3A_2617 : vector<16xf32>
      %sub3A_2619 = vector.broadcast %squeeze3A_2602 : f32 to vector<16xf32>
      %sub3A_2620 = arith.subf %get3A_68, %sub3A_2619 : vector<16xf32>
      %mul3A_2621 = arith.mulf %sub3A_2616, %sub3A_2616 : vector<16xf32>
      %mul3A_2622 = arith.mulf %sub3A_2618, %sub3A_2618 : vector<16xf32>
      %add3A_2623 = arith.addf %mul3A_2621, %mul3A_2622 : vector<16xf32>
      %mul3A_2624 = arith.mulf %sub3A_2620, %sub3A_2620 : vector<16xf32>
      %add3A_2625 = arith.addf %add3A_2623, %mul3A_2624 : vector<16xf32>
      %min3A_2626 = arith.minimumf %min3A_2524, %add3A_2625 : vector<16xf32>
      %sub3A_2627 = vector.broadcast %squeeze3A_2598 : f32 to vector<16xf32>
      %sub3A_2628 = arith.subf %get3A_71, %sub3A_2627 : vector<16xf32>
      %sub3A_2629 = vector.broadcast %squeeze3A_2600 : f32 to vector<16xf32>
      %sub3A_2630 = arith.subf %get3A_74, %sub3A_2629 : vector<16xf32>
      %sub3A_2631 = vector.broadcast %squeeze3A_2602 : f32 to vector<16xf32>
      %sub3A_2632 = arith.subf %get3A_77, %sub3A_2631 : vector<16xf32>
      %mul3A_2633 = arith.mulf %sub3A_2628, %sub3A_2628 : vector<16xf32>
      %mul3A_2634 = arith.mulf %sub3A_2630, %sub3A_2630 : vector<16xf32>
      %add3A_2635 = arith.addf %mul3A_2633, %mul3A_2634 : vector<16xf32>
      %mul3A_2636 = arith.mulf %sub3A_2632, %sub3A_2632 : vector<16xf32>
      %add3A_2637 = arith.addf %add3A_2635, %mul3A_2636 : vector<16xf32>
      %min3A_2638 = arith.minimumf %min3A_2536, %add3A_2637 : vector<16xf32>
      %sub3A_2639 = vector.broadcast %squeeze3A_2598 : f32 to vector<16xf32>
      %sub3A_2640 = arith.subf %get3A_80, %sub3A_2639 : vector<16xf32>
      %sub3A_2641 = vector.broadcast %squeeze3A_2600 : f32 to vector<16xf32>
      %sub3A_2642 = arith.subf %get3A_83, %sub3A_2641 : vector<16xf32>
      %sub3A_2643 = vector.broadcast %squeeze3A_2602 : f32 to vector<16xf32>
      %sub3A_2644 = arith.subf %get3A_86, %sub3A_2643 : vector<16xf32>
      %mul3A_2645 = arith.mulf %sub3A_2640, %sub3A_2640 : vector<16xf32>
      %mul3A_2646 = arith.mulf %sub3A_2642, %sub3A_2642 : vector<16xf32>
      %add3A_2647 = arith.addf %mul3A_2645, %mul3A_2646 : vector<16xf32>
      %mul3A_2648 = arith.mulf %sub3A_2644, %sub3A_2644 : vector<16xf32>
      %add3A_2649 = arith.addf %add3A_2647, %mul3A_2648 : vector<16xf32>
      %min3A_2650 = arith.minimumf %min3A_2548, %add3A_2649 : vector<16xf32>
      %sub3A_2651 = vector.broadcast %squeeze3A_2598 : f32 to vector<16xf32>
      %sub3A_2652 = arith.subf %get3A_89, %sub3A_2651 : vector<16xf32>
      %sub3A_2653 = vector.broadcast %squeeze3A_2600 : f32 to vector<16xf32>
      %sub3A_2654 = arith.subf %get3A_92, %sub3A_2653 : vector<16xf32>
      %sub3A_2655 = vector.broadcast %squeeze3A_2602 : f32 to vector<16xf32>
      %sub3A_2656 = arith.subf %get3A_95, %sub3A_2655 : vector<16xf32>
      %mul3A_2657 = arith.mulf %sub3A_2652, %sub3A_2652 : vector<16xf32>
      %mul3A_2658 = arith.mulf %sub3A_2654, %sub3A_2654 : vector<16xf32>
      %add3A_2659 = arith.addf %mul3A_2657, %mul3A_2658 : vector<16xf32>
      %mul3A_2660 = arith.mulf %sub3A_2656, %sub3A_2656 : vector<16xf32>
      %add3A_2661 = arith.addf %add3A_2659, %mul3A_2660 : vector<16xf32>
      %min3A_2662 = arith.minimumf %min3A_2560, %add3A_2661 : vector<16xf32>
      %sub3A_2663 = vector.broadcast %squeeze3A_2598 : f32 to vector<16xf32>
      %sub3A_2664 = arith.subf %get3A_98, %sub3A_2663 : vector<16xf32>
      %sub3A_2665 = vector.broadcast %squeeze3A_2600 : f32 to vector<16xf32>
      %sub3A_2666 = arith.subf %get3A_101, %sub3A_2665 : vector<16xf32>
      %sub3A_2667 = vector.broadcast %squeeze3A_2602 : f32 to vector<16xf32>
      %sub3A_2668 = arith.subf %get3A_104, %sub3A_2667 : vector<16xf32>
      %mul3A_2669 = arith.mulf %sub3A_2664, %sub3A_2664 : vector<16xf32>
      %mul3A_2670 = arith.mulf %sub3A_2666, %sub3A_2666 : vector<16xf32>
      %add3A_2671 = arith.addf %mul3A_2669, %mul3A_2670 : vector<16xf32>
      %mul3A_2672 = arith.mulf %sub3A_2668, %sub3A_2668 : vector<16xf32>
      %add3A_2673 = arith.addf %add3A_2671, %mul3A_2672 : vector<16xf32>
      %min3A_2674 = arith.minimumf %min3A_2572, %add3A_2673 : vector<16xf32>
      %sub3A_2675 = vector.broadcast %squeeze3A_2598 : f32 to vector<16xf32>
      %sub3A_2676 = arith.subf %get3A_107, %sub3A_2675 : vector<16xf32>
      %sub3A_2677 = vector.broadcast %squeeze3A_2600 : f32 to vector<16xf32>
      %sub3A_2678 = arith.subf %get3A_110, %sub3A_2677 : vector<16xf32>
      %sub3A_2679 = vector.broadcast %squeeze3A_2602 : f32 to vector<16xf32>
      %sub3A_2680 = arith.subf %get3A_113, %sub3A_2679 : vector<16xf32>
      %mul3A_2681 = arith.mulf %sub3A_2676, %sub3A_2676 : vector<16xf32>
      %mul3A_2682 = arith.mulf %sub3A_2678, %sub3A_2678 : vector<16xf32>
      %add3A_2683 = arith.addf %mul3A_2681, %mul3A_2682 : vector<16xf32>
      %mul3A_2684 = arith.mulf %sub3A_2680, %sub3A_2680 : vector<16xf32>
      %add3A_2685 = arith.addf %add3A_2683, %mul3A_2684 : vector<16xf32>
      %min3A_2686 = arith.minimumf %min3A_2584, %add3A_2685 : vector<16xf32>
      %sub3A_2687 = vector.broadcast %squeeze3A_2598 : f32 to vector<16xf32>
      %sub3A_2688 = arith.subf %get3A_116, %sub3A_2687 : vector<16xf32>
      %sub3A_2689 = vector.broadcast %squeeze3A_2600 : f32 to vector<16xf32>
      %sub3A_2690 = arith.subf %get3A_119, %sub3A_2689 : vector<16xf32>
      %sub3A_2691 = vector.broadcast %squeeze3A_2602 : f32 to vector<16xf32>
      %sub3A_2692 = arith.subf %get3A_122, %sub3A_2691 : vector<16xf32>
      %mul3A_2693 = arith.mulf %sub3A_2688, %sub3A_2688 : vector<16xf32>
      %mul3A_2694 = arith.mulf %sub3A_2690, %sub3A_2690 : vector<16xf32>
      %add3A_2695 = arith.addf %mul3A_2693, %mul3A_2694 : vector<16xf32>
      %mul3A_2696 = arith.mulf %sub3A_2692, %sub3A_2692 : vector<16xf32>
      %add3A_2697 = arith.addf %add3A_2695, %mul3A_2696 : vector<16xf32>
      %min3A_2698 = arith.minimumf %min3A_2596, %add3A_2697 : vector<16xf32>
      %slice3A_2699 = vector.extract_strided_slice %get3A_1978 {offsets = [7], sizes = [1], strides = [1]} : vector<16xf32> to vector<1xf32>
      %squeeze3A_2700 = vector.extract %slice3A_2699[0] : f32 from vector<1xf32>
      %slice3A_2701 = vector.extract_strided_slice %get3A_1981 {offsets = [7], sizes = [1], strides = [1]} : vector<16xf32> to vector<1xf32>
      %squeeze3A_2702 = vector.extract %slice3A_2701[0] : f32 from vector<1xf32>
      %slice3A_2703 = vector.extract_strided_slice %get3A_1984 {offsets = [7], sizes = [1], strides = [1]} : vector<16xf32> to vector<1xf32>
      %squeeze3A_2704 = vector.extract %slice3A_2703[0] : f32 from vector<1xf32>
      %sub3A_2705 = vector.broadcast %squeeze3A_2700 : f32 to vector<16xf32>
      %sub3A_2706 = arith.subf %get3A_53, %sub3A_2705 : vector<16xf32>
      %sub3A_2707 = vector.broadcast %squeeze3A_2702 : f32 to vector<16xf32>
      %sub3A_2708 = arith.subf %get3A_56, %sub3A_2707 : vector<16xf32>
      %sub3A_2709 = vector.broadcast %squeeze3A_2704 : f32 to vector<16xf32>
      %sub3A_2710 = arith.subf %get3A_59, %sub3A_2709 : vector<16xf32>
      %mul3A_2711 = arith.mulf %sub3A_2706, %sub3A_2706 : vector<16xf32>
      %mul3A_2712 = arith.mulf %sub3A_2708, %sub3A_2708 : vector<16xf32>
      %add3A_2713 = arith.addf %mul3A_2711, %mul3A_2712 : vector<16xf32>
      %mul3A_2714 = arith.mulf %sub3A_2710, %sub3A_2710 : vector<16xf32>
      %add3A_2715 = arith.addf %add3A_2713, %mul3A_2714 : vector<16xf32>
      %min3A_2716 = arith.minimumf %min3A_2614, %add3A_2715 : vector<16xf32>
      %sub3A_2717 = vector.broadcast %squeeze3A_2700 : f32 to vector<16xf32>
      %sub3A_2718 = arith.subf %get3A_62, %sub3A_2717 : vector<16xf32>
      %sub3A_2719 = vector.broadcast %squeeze3A_2702 : f32 to vector<16xf32>
      %sub3A_2720 = arith.subf %get3A_65, %sub3A_2719 : vector<16xf32>
      %sub3A_2721 = vector.broadcast %squeeze3A_2704 : f32 to vector<16xf32>
      %sub3A_2722 = arith.subf %get3A_68, %sub3A_2721 : vector<16xf32>
      %mul3A_2723 = arith.mulf %sub3A_2718, %sub3A_2718 : vector<16xf32>
      %mul3A_2724 = arith.mulf %sub3A_2720, %sub3A_2720 : vector<16xf32>
      %add3A_2725 = arith.addf %mul3A_2723, %mul3A_2724 : vector<16xf32>
      %mul3A_2726 = arith.mulf %sub3A_2722, %sub3A_2722 : vector<16xf32>
      %add3A_2727 = arith.addf %add3A_2725, %mul3A_2726 : vector<16xf32>
      %min3A_2728 = arith.minimumf %min3A_2626, %add3A_2727 : vector<16xf32>
      %sub3A_2729 = vector.broadcast %squeeze3A_2700 : f32 to vector<16xf32>
      %sub3A_2730 = arith.subf %get3A_71, %sub3A_2729 : vector<16xf32>
      %sub3A_2731 = vector.broadcast %squeeze3A_2702 : f32 to vector<16xf32>
      %sub3A_2732 = arith.subf %get3A_74, %sub3A_2731 : vector<16xf32>
      %sub3A_2733 = vector.broadcast %squeeze3A_2704 : f32 to vector<16xf32>
      %sub3A_2734 = arith.subf %get3A_77, %sub3A_2733 : vector<16xf32>
      %mul3A_2735 = arith.mulf %sub3A_2730, %sub3A_2730 : vector<16xf32>
      %mul3A_2736 = arith.mulf %sub3A_2732, %sub3A_2732 : vector<16xf32>
      %add3A_2737 = arith.addf %mul3A_2735, %mul3A_2736 : vector<16xf32>
      %mul3A_2738 = arith.mulf %sub3A_2734, %sub3A_2734 : vector<16xf32>
      %add3A_2739 = arith.addf %add3A_2737, %mul3A_2738 : vector<16xf32>
      %min3A_2740 = arith.minimumf %min3A_2638, %add3A_2739 : vector<16xf32>
      %sub3A_2741 = vector.broadcast %squeeze3A_2700 : f32 to vector<16xf32>
      %sub3A_2742 = arith.subf %get3A_80, %sub3A_2741 : vector<16xf32>
      %sub3A_2743 = vector.broadcast %squeeze3A_2702 : f32 to vector<16xf32>
      %sub3A_2744 = arith.subf %get3A_83, %sub3A_2743 : vector<16xf32>
      %sub3A_2745 = vector.broadcast %squeeze3A_2704 : f32 to vector<16xf32>
      %sub3A_2746 = arith.subf %get3A_86, %sub3A_2745 : vector<16xf32>
      %mul3A_2747 = arith.mulf %sub3A_2742, %sub3A_2742 : vector<16xf32>
      %mul3A_2748 = arith.mulf %sub3A_2744, %sub3A_2744 : vector<16xf32>
      %add3A_2749 = arith.addf %mul3A_2747, %mul3A_2748 : vector<16xf32>
      %mul3A_2750 = arith.mulf %sub3A_2746, %sub3A_2746 : vector<16xf32>
      %add3A_2751 = arith.addf %add3A_2749, %mul3A_2750 : vector<16xf32>
      %min3A_2752 = arith.minimumf %min3A_2650, %add3A_2751 : vector<16xf32>
      %sub3A_2753 = vector.broadcast %squeeze3A_2700 : f32 to vector<16xf32>
      %sub3A_2754 = arith.subf %get3A_89, %sub3A_2753 : vector<16xf32>
      %sub3A_2755 = vector.broadcast %squeeze3A_2702 : f32 to vector<16xf32>
      %sub3A_2756 = arith.subf %get3A_92, %sub3A_2755 : vector<16xf32>
      %sub3A_2757 = vector.broadcast %squeeze3A_2704 : f32 to vector<16xf32>
      %sub3A_2758 = arith.subf %get3A_95, %sub3A_2757 : vector<16xf32>
      %mul3A_2759 = arith.mulf %sub3A_2754, %sub3A_2754 : vector<16xf32>
      %mul3A_2760 = arith.mulf %sub3A_2756, %sub3A_2756 : vector<16xf32>
      %add3A_2761 = arith.addf %mul3A_2759, %mul3A_2760 : vector<16xf32>
      %mul3A_2762 = arith.mulf %sub3A_2758, %sub3A_2758 : vector<16xf32>
      %add3A_2763 = arith.addf %add3A_2761, %mul3A_2762 : vector<16xf32>
      %min3A_2764 = arith.minimumf %min3A_2662, %add3A_2763 : vector<16xf32>
      %sub3A_2765 = vector.broadcast %squeeze3A_2700 : f32 to vector<16xf32>
      %sub3A_2766 = arith.subf %get3A_98, %sub3A_2765 : vector<16xf32>
      %sub3A_2767 = vector.broadcast %squeeze3A_2702 : f32 to vector<16xf32>
      %sub3A_2768 = arith.subf %get3A_101, %sub3A_2767 : vector<16xf32>
      %sub3A_2769 = vector.broadcast %squeeze3A_2704 : f32 to vector<16xf32>
      %sub3A_2770 = arith.subf %get3A_104, %sub3A_2769 : vector<16xf32>
      %mul3A_2771 = arith.mulf %sub3A_2766, %sub3A_2766 : vector<16xf32>
      %mul3A_2772 = arith.mulf %sub3A_2768, %sub3A_2768 : vector<16xf32>
      %add3A_2773 = arith.addf %mul3A_2771, %mul3A_2772 : vector<16xf32>
      %mul3A_2774 = arith.mulf %sub3A_2770, %sub3A_2770 : vector<16xf32>
      %add3A_2775 = arith.addf %add3A_2773, %mul3A_2774 : vector<16xf32>
      %min3A_2776 = arith.minimumf %min3A_2674, %add3A_2775 : vector<16xf32>
      %sub3A_2777 = vector.broadcast %squeeze3A_2700 : f32 to vector<16xf32>
      %sub3A_2778 = arith.subf %get3A_107, %sub3A_2777 : vector<16xf32>
      %sub3A_2779 = vector.broadcast %squeeze3A_2702 : f32 to vector<16xf32>
      %sub3A_2780 = arith.subf %get3A_110, %sub3A_2779 : vector<16xf32>
      %sub3A_2781 = vector.broadcast %squeeze3A_2704 : f32 to vector<16xf32>
      %sub3A_2782 = arith.subf %get3A_113, %sub3A_2781 : vector<16xf32>
      %mul3A_2783 = arith.mulf %sub3A_2778, %sub3A_2778 : vector<16xf32>
      %mul3A_2784 = arith.mulf %sub3A_2780, %sub3A_2780 : vector<16xf32>
      %add3A_2785 = arith.addf %mul3A_2783, %mul3A_2784 : vector<16xf32>
      %mul3A_2786 = arith.mulf %sub3A_2782, %sub3A_2782 : vector<16xf32>
      %add3A_2787 = arith.addf %add3A_2785, %mul3A_2786 : vector<16xf32>
      %min3A_2788 = arith.minimumf %min3A_2686, %add3A_2787 : vector<16xf32>
      %sub3A_2789 = vector.broadcast %squeeze3A_2700 : f32 to vector<16xf32>
      %sub3A_2790 = arith.subf %get3A_116, %sub3A_2789 : vector<16xf32>
      %sub3A_2791 = vector.broadcast %squeeze3A_2702 : f32 to vector<16xf32>
      %sub3A_2792 = arith.subf %get3A_119, %sub3A_2791 : vector<16xf32>
      %sub3A_2793 = vector.broadcast %squeeze3A_2704 : f32 to vector<16xf32>
      %sub3A_2794 = arith.subf %get3A_122, %sub3A_2793 : vector<16xf32>
      %mul3A_2795 = arith.mulf %sub3A_2790, %sub3A_2790 : vector<16xf32>
      %mul3A_2796 = arith.mulf %sub3A_2792, %sub3A_2792 : vector<16xf32>
      %add3A_2797 = arith.addf %mul3A_2795, %mul3A_2796 : vector<16xf32>
      %mul3A_2798 = arith.mulf %sub3A_2794, %sub3A_2794 : vector<16xf32>
      %add3A_2799 = arith.addf %add3A_2797, %mul3A_2798 : vector<16xf32>
      %min3A_2800 = arith.minimumf %min3A_2698, %add3A_2799 : vector<16xf32>
      %slice3A_2801 = vector.extract_strided_slice %get3A_1978 {offsets = [8], sizes = [1], strides = [1]} : vector<16xf32> to vector<1xf32>
      %squeeze3A_2802 = vector.extract %slice3A_2801[0] : f32 from vector<1xf32>
      %slice3A_2803 = vector.extract_strided_slice %get3A_1981 {offsets = [8], sizes = [1], strides = [1]} : vector<16xf32> to vector<1xf32>
      %squeeze3A_2804 = vector.extract %slice3A_2803[0] : f32 from vector<1xf32>
      %slice3A_2805 = vector.extract_strided_slice %get3A_1984 {offsets = [8], sizes = [1], strides = [1]} : vector<16xf32> to vector<1xf32>
      %squeeze3A_2806 = vector.extract %slice3A_2805[0] : f32 from vector<1xf32>
      %sub3A_2807 = vector.broadcast %squeeze3A_2802 : f32 to vector<16xf32>
      %sub3A_2808 = arith.subf %get3A_53, %sub3A_2807 : vector<16xf32>
      %sub3A_2809 = vector.broadcast %squeeze3A_2804 : f32 to vector<16xf32>
      %sub3A_2810 = arith.subf %get3A_56, %sub3A_2809 : vector<16xf32>
      %sub3A_2811 = vector.broadcast %squeeze3A_2806 : f32 to vector<16xf32>
      %sub3A_2812 = arith.subf %get3A_59, %sub3A_2811 : vector<16xf32>
      %mul3A_2813 = arith.mulf %sub3A_2808, %sub3A_2808 : vector<16xf32>
      %mul3A_2814 = arith.mulf %sub3A_2810, %sub3A_2810 : vector<16xf32>
      %add3A_2815 = arith.addf %mul3A_2813, %mul3A_2814 : vector<16xf32>
      %mul3A_2816 = arith.mulf %sub3A_2812, %sub3A_2812 : vector<16xf32>
      %add3A_2817 = arith.addf %add3A_2815, %mul3A_2816 : vector<16xf32>
      %min3A_2818 = arith.minimumf %min3A_2716, %add3A_2817 : vector<16xf32>
      %sub3A_2819 = vector.broadcast %squeeze3A_2802 : f32 to vector<16xf32>
      %sub3A_2820 = arith.subf %get3A_62, %sub3A_2819 : vector<16xf32>
      %sub3A_2821 = vector.broadcast %squeeze3A_2804 : f32 to vector<16xf32>
      %sub3A_2822 = arith.subf %get3A_65, %sub3A_2821 : vector<16xf32>
      %sub3A_2823 = vector.broadcast %squeeze3A_2806 : f32 to vector<16xf32>
      %sub3A_2824 = arith.subf %get3A_68, %sub3A_2823 : vector<16xf32>
      %mul3A_2825 = arith.mulf %sub3A_2820, %sub3A_2820 : vector<16xf32>
      %mul3A_2826 = arith.mulf %sub3A_2822, %sub3A_2822 : vector<16xf32>
      %add3A_2827 = arith.addf %mul3A_2825, %mul3A_2826 : vector<16xf32>
      %mul3A_2828 = arith.mulf %sub3A_2824, %sub3A_2824 : vector<16xf32>
      %add3A_2829 = arith.addf %add3A_2827, %mul3A_2828 : vector<16xf32>
      %min3A_2830 = arith.minimumf %min3A_2728, %add3A_2829 : vector<16xf32>
      %sub3A_2831 = vector.broadcast %squeeze3A_2802 : f32 to vector<16xf32>
      %sub3A_2832 = arith.subf %get3A_71, %sub3A_2831 : vector<16xf32>
      %sub3A_2833 = vector.broadcast %squeeze3A_2804 : f32 to vector<16xf32>
      %sub3A_2834 = arith.subf %get3A_74, %sub3A_2833 : vector<16xf32>
      %sub3A_2835 = vector.broadcast %squeeze3A_2806 : f32 to vector<16xf32>
      %sub3A_2836 = arith.subf %get3A_77, %sub3A_2835 : vector<16xf32>
      %mul3A_2837 = arith.mulf %sub3A_2832, %sub3A_2832 : vector<16xf32>
      %mul3A_2838 = arith.mulf %sub3A_2834, %sub3A_2834 : vector<16xf32>
      %add3A_2839 = arith.addf %mul3A_2837, %mul3A_2838 : vector<16xf32>
      %mul3A_2840 = arith.mulf %sub3A_2836, %sub3A_2836 : vector<16xf32>
      %add3A_2841 = arith.addf %add3A_2839, %mul3A_2840 : vector<16xf32>
      %min3A_2842 = arith.minimumf %min3A_2740, %add3A_2841 : vector<16xf32>
      %sub3A_2843 = vector.broadcast %squeeze3A_2802 : f32 to vector<16xf32>
      %sub3A_2844 = arith.subf %get3A_80, %sub3A_2843 : vector<16xf32>
      %sub3A_2845 = vector.broadcast %squeeze3A_2804 : f32 to vector<16xf32>
      %sub3A_2846 = arith.subf %get3A_83, %sub3A_2845 : vector<16xf32>
      %sub3A_2847 = vector.broadcast %squeeze3A_2806 : f32 to vector<16xf32>
      %sub3A_2848 = arith.subf %get3A_86, %sub3A_2847 : vector<16xf32>
      %mul3A_2849 = arith.mulf %sub3A_2844, %sub3A_2844 : vector<16xf32>
      %mul3A_2850 = arith.mulf %sub3A_2846, %sub3A_2846 : vector<16xf32>
      %add3A_2851 = arith.addf %mul3A_2849, %mul3A_2850 : vector<16xf32>
      %mul3A_2852 = arith.mulf %sub3A_2848, %sub3A_2848 : vector<16xf32>
      %add3A_2853 = arith.addf %add3A_2851, %mul3A_2852 : vector<16xf32>
      %min3A_2854 = arith.minimumf %min3A_2752, %add3A_2853 : vector<16xf32>
      %sub3A_2855 = vector.broadcast %squeeze3A_2802 : f32 to vector<16xf32>
      %sub3A_2856 = arith.subf %get3A_89, %sub3A_2855 : vector<16xf32>
      %sub3A_2857 = vector.broadcast %squeeze3A_2804 : f32 to vector<16xf32>
      %sub3A_2858 = arith.subf %get3A_92, %sub3A_2857 : vector<16xf32>
      %sub3A_2859 = vector.broadcast %squeeze3A_2806 : f32 to vector<16xf32>
      %sub3A_2860 = arith.subf %get3A_95, %sub3A_2859 : vector<16xf32>
      %mul3A_2861 = arith.mulf %sub3A_2856, %sub3A_2856 : vector<16xf32>
      %mul3A_2862 = arith.mulf %sub3A_2858, %sub3A_2858 : vector<16xf32>
      %add3A_2863 = arith.addf %mul3A_2861, %mul3A_2862 : vector<16xf32>
      %mul3A_2864 = arith.mulf %sub3A_2860, %sub3A_2860 : vector<16xf32>
      %add3A_2865 = arith.addf %add3A_2863, %mul3A_2864 : vector<16xf32>
      %min3A_2866 = arith.minimumf %min3A_2764, %add3A_2865 : vector<16xf32>
      %sub3A_2867 = vector.broadcast %squeeze3A_2802 : f32 to vector<16xf32>
      %sub3A_2868 = arith.subf %get3A_98, %sub3A_2867 : vector<16xf32>
      %sub3A_2869 = vector.broadcast %squeeze3A_2804 : f32 to vector<16xf32>
      %sub3A_2870 = arith.subf %get3A_101, %sub3A_2869 : vector<16xf32>
      %sub3A_2871 = vector.broadcast %squeeze3A_2806 : f32 to vector<16xf32>
      %sub3A_2872 = arith.subf %get3A_104, %sub3A_2871 : vector<16xf32>
      %mul3A_2873 = arith.mulf %sub3A_2868, %sub3A_2868 : vector<16xf32>
      %mul3A_2874 = arith.mulf %sub3A_2870, %sub3A_2870 : vector<16xf32>
      %add3A_2875 = arith.addf %mul3A_2873, %mul3A_2874 : vector<16xf32>
      %mul3A_2876 = arith.mulf %sub3A_2872, %sub3A_2872 : vector<16xf32>
      %add3A_2877 = arith.addf %add3A_2875, %mul3A_2876 : vector<16xf32>
      %min3A_2878 = arith.minimumf %min3A_2776, %add3A_2877 : vector<16xf32>
      %sub3A_2879 = vector.broadcast %squeeze3A_2802 : f32 to vector<16xf32>
      %sub3A_2880 = arith.subf %get3A_107, %sub3A_2879 : vector<16xf32>
      %sub3A_2881 = vector.broadcast %squeeze3A_2804 : f32 to vector<16xf32>
      %sub3A_2882 = arith.subf %get3A_110, %sub3A_2881 : vector<16xf32>
      %sub3A_2883 = vector.broadcast %squeeze3A_2806 : f32 to vector<16xf32>
      %sub3A_2884 = arith.subf %get3A_113, %sub3A_2883 : vector<16xf32>
      %mul3A_2885 = arith.mulf %sub3A_2880, %sub3A_2880 : vector<16xf32>
      %mul3A_2886 = arith.mulf %sub3A_2882, %sub3A_2882 : vector<16xf32>
      %add3A_2887 = arith.addf %mul3A_2885, %mul3A_2886 : vector<16xf32>
      %mul3A_2888 = arith.mulf %sub3A_2884, %sub3A_2884 : vector<16xf32>
      %add3A_2889 = arith.addf %add3A_2887, %mul3A_2888 : vector<16xf32>
      %min3A_2890 = arith.minimumf %min3A_2788, %add3A_2889 : vector<16xf32>
      %sub3A_2891 = vector.broadcast %squeeze3A_2802 : f32 to vector<16xf32>
      %sub3A_2892 = arith.subf %get3A_116, %sub3A_2891 : vector<16xf32>
      %sub3A_2893 = vector.broadcast %squeeze3A_2804 : f32 to vector<16xf32>
      %sub3A_2894 = arith.subf %get3A_119, %sub3A_2893 : vector<16xf32>
      %sub3A_2895 = vector.broadcast %squeeze3A_2806 : f32 to vector<16xf32>
      %sub3A_2896 = arith.subf %get3A_122, %sub3A_2895 : vector<16xf32>
      %mul3A_2897 = arith.mulf %sub3A_2892, %sub3A_2892 : vector<16xf32>
      %mul3A_2898 = arith.mulf %sub3A_2894, %sub3A_2894 : vector<16xf32>
      %add3A_2899 = arith.addf %mul3A_2897, %mul3A_2898 : vector<16xf32>
      %mul3A_2900 = arith.mulf %sub3A_2896, %sub3A_2896 : vector<16xf32>
      %add3A_2901 = arith.addf %add3A_2899, %mul3A_2900 : vector<16xf32>
      %min3A_2902 = arith.minimumf %min3A_2800, %add3A_2901 : vector<16xf32>
      %slice3A_2903 = vector.extract_strided_slice %get3A_1978 {offsets = [9], sizes = [1], strides = [1]} : vector<16xf32> to vector<1xf32>
      %squeeze3A_2904 = vector.extract %slice3A_2903[0] : f32 from vector<1xf32>
      %slice3A_2905 = vector.extract_strided_slice %get3A_1981 {offsets = [9], sizes = [1], strides = [1]} : vector<16xf32> to vector<1xf32>
      %squeeze3A_2906 = vector.extract %slice3A_2905[0] : f32 from vector<1xf32>
      %slice3A_2907 = vector.extract_strided_slice %get3A_1984 {offsets = [9], sizes = [1], strides = [1]} : vector<16xf32> to vector<1xf32>
      %squeeze3A_2908 = vector.extract %slice3A_2907[0] : f32 from vector<1xf32>
      %sub3A_2909 = vector.broadcast %squeeze3A_2904 : f32 to vector<16xf32>
      %sub3A_2910 = arith.subf %get3A_53, %sub3A_2909 : vector<16xf32>
      %sub3A_2911 = vector.broadcast %squeeze3A_2906 : f32 to vector<16xf32>
      %sub3A_2912 = arith.subf %get3A_56, %sub3A_2911 : vector<16xf32>
      %sub3A_2913 = vector.broadcast %squeeze3A_2908 : f32 to vector<16xf32>
      %sub3A_2914 = arith.subf %get3A_59, %sub3A_2913 : vector<16xf32>
      %mul3A_2915 = arith.mulf %sub3A_2910, %sub3A_2910 : vector<16xf32>
      %mul3A_2916 = arith.mulf %sub3A_2912, %sub3A_2912 : vector<16xf32>
      %add3A_2917 = arith.addf %mul3A_2915, %mul3A_2916 : vector<16xf32>
      %mul3A_2918 = arith.mulf %sub3A_2914, %sub3A_2914 : vector<16xf32>
      %add3A_2919 = arith.addf %add3A_2917, %mul3A_2918 : vector<16xf32>
      %min3A_2920 = arith.minimumf %min3A_2818, %add3A_2919 : vector<16xf32>
      %sub3A_2921 = vector.broadcast %squeeze3A_2904 : f32 to vector<16xf32>
      %sub3A_2922 = arith.subf %get3A_62, %sub3A_2921 : vector<16xf32>
      %sub3A_2923 = vector.broadcast %squeeze3A_2906 : f32 to vector<16xf32>
      %sub3A_2924 = arith.subf %get3A_65, %sub3A_2923 : vector<16xf32>
      %sub3A_2925 = vector.broadcast %squeeze3A_2908 : f32 to vector<16xf32>
      %sub3A_2926 = arith.subf %get3A_68, %sub3A_2925 : vector<16xf32>
      %mul3A_2927 = arith.mulf %sub3A_2922, %sub3A_2922 : vector<16xf32>
      %mul3A_2928 = arith.mulf %sub3A_2924, %sub3A_2924 : vector<16xf32>
      %add3A_2929 = arith.addf %mul3A_2927, %mul3A_2928 : vector<16xf32>
      %mul3A_2930 = arith.mulf %sub3A_2926, %sub3A_2926 : vector<16xf32>
      %add3A_2931 = arith.addf %add3A_2929, %mul3A_2930 : vector<16xf32>
      %min3A_2932 = arith.minimumf %min3A_2830, %add3A_2931 : vector<16xf32>
      %sub3A_2933 = vector.broadcast %squeeze3A_2904 : f32 to vector<16xf32>
      %sub3A_2934 = arith.subf %get3A_71, %sub3A_2933 : vector<16xf32>
      %sub3A_2935 = vector.broadcast %squeeze3A_2906 : f32 to vector<16xf32>
      %sub3A_2936 = arith.subf %get3A_74, %sub3A_2935 : vector<16xf32>
      %sub3A_2937 = vector.broadcast %squeeze3A_2908 : f32 to vector<16xf32>
      %sub3A_2938 = arith.subf %get3A_77, %sub3A_2937 : vector<16xf32>
      %mul3A_2939 = arith.mulf %sub3A_2934, %sub3A_2934 : vector<16xf32>
      %mul3A_2940 = arith.mulf %sub3A_2936, %sub3A_2936 : vector<16xf32>
      %add3A_2941 = arith.addf %mul3A_2939, %mul3A_2940 : vector<16xf32>
      %mul3A_2942 = arith.mulf %sub3A_2938, %sub3A_2938 : vector<16xf32>
      %add3A_2943 = arith.addf %add3A_2941, %mul3A_2942 : vector<16xf32>
      %min3A_2944 = arith.minimumf %min3A_2842, %add3A_2943 : vector<16xf32>
      %sub3A_2945 = vector.broadcast %squeeze3A_2904 : f32 to vector<16xf32>
      %sub3A_2946 = arith.subf %get3A_80, %sub3A_2945 : vector<16xf32>
      %sub3A_2947 = vector.broadcast %squeeze3A_2906 : f32 to vector<16xf32>
      %sub3A_2948 = arith.subf %get3A_83, %sub3A_2947 : vector<16xf32>
      %sub3A_2949 = vector.broadcast %squeeze3A_2908 : f32 to vector<16xf32>
      %sub3A_2950 = arith.subf %get3A_86, %sub3A_2949 : vector<16xf32>
      %mul3A_2951 = arith.mulf %sub3A_2946, %sub3A_2946 : vector<16xf32>
      %mul3A_2952 = arith.mulf %sub3A_2948, %sub3A_2948 : vector<16xf32>
      %add3A_2953 = arith.addf %mul3A_2951, %mul3A_2952 : vector<16xf32>
      %mul3A_2954 = arith.mulf %sub3A_2950, %sub3A_2950 : vector<16xf32>
      %add3A_2955 = arith.addf %add3A_2953, %mul3A_2954 : vector<16xf32>
      %min3A_2956 = arith.minimumf %min3A_2854, %add3A_2955 : vector<16xf32>
      %sub3A_2957 = vector.broadcast %squeeze3A_2904 : f32 to vector<16xf32>
      %sub3A_2958 = arith.subf %get3A_89, %sub3A_2957 : vector<16xf32>
      %sub3A_2959 = vector.broadcast %squeeze3A_2906 : f32 to vector<16xf32>
      %sub3A_2960 = arith.subf %get3A_92, %sub3A_2959 : vector<16xf32>
      %sub3A_2961 = vector.broadcast %squeeze3A_2908 : f32 to vector<16xf32>
      %sub3A_2962 = arith.subf %get3A_95, %sub3A_2961 : vector<16xf32>
      %mul3A_2963 = arith.mulf %sub3A_2958, %sub3A_2958 : vector<16xf32>
      %mul3A_2964 = arith.mulf %sub3A_2960, %sub3A_2960 : vector<16xf32>
      %add3A_2965 = arith.addf %mul3A_2963, %mul3A_2964 : vector<16xf32>
      %mul3A_2966 = arith.mulf %sub3A_2962, %sub3A_2962 : vector<16xf32>
      %add3A_2967 = arith.addf %add3A_2965, %mul3A_2966 : vector<16xf32>
      %min3A_2968 = arith.minimumf %min3A_2866, %add3A_2967 : vector<16xf32>
      %sub3A_2969 = vector.broadcast %squeeze3A_2904 : f32 to vector<16xf32>
      %sub3A_2970 = arith.subf %get3A_98, %sub3A_2969 : vector<16xf32>
      %sub3A_2971 = vector.broadcast %squeeze3A_2906 : f32 to vector<16xf32>
      %sub3A_2972 = arith.subf %get3A_101, %sub3A_2971 : vector<16xf32>
      %sub3A_2973 = vector.broadcast %squeeze3A_2908 : f32 to vector<16xf32>
      %sub3A_2974 = arith.subf %get3A_104, %sub3A_2973 : vector<16xf32>
      %mul3A_2975 = arith.mulf %sub3A_2970, %sub3A_2970 : vector<16xf32>
      %mul3A_2976 = arith.mulf %sub3A_2972, %sub3A_2972 : vector<16xf32>
      %add3A_2977 = arith.addf %mul3A_2975, %mul3A_2976 : vector<16xf32>
      %mul3A_2978 = arith.mulf %sub3A_2974, %sub3A_2974 : vector<16xf32>
      %add3A_2979 = arith.addf %add3A_2977, %mul3A_2978 : vector<16xf32>
      %min3A_2980 = arith.minimumf %min3A_2878, %add3A_2979 : vector<16xf32>
      %sub3A_2981 = vector.broadcast %squeeze3A_2904 : f32 to vector<16xf32>
      %sub3A_2982 = arith.subf %get3A_107, %sub3A_2981 : vector<16xf32>
      %sub3A_2983 = vector.broadcast %squeeze3A_2906 : f32 to vector<16xf32>
      %sub3A_2984 = arith.subf %get3A_110, %sub3A_2983 : vector<16xf32>
      %sub3A_2985 = vector.broadcast %squeeze3A_2908 : f32 to vector<16xf32>
      %sub3A_2986 = arith.subf %get3A_113, %sub3A_2985 : vector<16xf32>
      %mul3A_2987 = arith.mulf %sub3A_2982, %sub3A_2982 : vector<16xf32>
      %mul3A_2988 = arith.mulf %sub3A_2984, %sub3A_2984 : vector<16xf32>
      %add3A_2989 = arith.addf %mul3A_2987, %mul3A_2988 : vector<16xf32>
      %mul3A_2990 = arith.mulf %sub3A_2986, %sub3A_2986 : vector<16xf32>
      %add3A_2991 = arith.addf %add3A_2989, %mul3A_2990 : vector<16xf32>
      %min3A_2992 = arith.minimumf %min3A_2890, %add3A_2991 : vector<16xf32>
      %sub3A_2993 = vector.broadcast %squeeze3A_2904 : f32 to vector<16xf32>
      %sub3A_2994 = arith.subf %get3A_116, %sub3A_2993 : vector<16xf32>
      %sub3A_2995 = vector.broadcast %squeeze3A_2906 : f32 to vector<16xf32>
      %sub3A_2996 = arith.subf %get3A_119, %sub3A_2995 : vector<16xf32>
      %sub3A_2997 = vector.broadcast %squeeze3A_2908 : f32 to vector<16xf32>
      %sub3A_2998 = arith.subf %get3A_122, %sub3A_2997 : vector<16xf32>
      %mul3A_2999 = arith.mulf %sub3A_2994, %sub3A_2994 : vector<16xf32>
      %mul3A_3000 = arith.mulf %sub3A_2996, %sub3A_2996 : vector<16xf32>
      %add3A_3001 = arith.addf %mul3A_2999, %mul3A_3000 : vector<16xf32>
      %mul3A_3002 = arith.mulf %sub3A_2998, %sub3A_2998 : vector<16xf32>
      %add3A_3003 = arith.addf %add3A_3001, %mul3A_3002 : vector<16xf32>
      %min3A_3004 = arith.minimumf %min3A_2902, %add3A_3003 : vector<16xf32>
      %slice3A_3005 = vector.extract_strided_slice %get3A_1978 {offsets = [10], sizes = [1], strides = [1]} : vector<16xf32> to vector<1xf32>
      %squeeze3A_3006 = vector.extract %slice3A_3005[0] : f32 from vector<1xf32>
      %slice3A_3007 = vector.extract_strided_slice %get3A_1981 {offsets = [10], sizes = [1], strides = [1]} : vector<16xf32> to vector<1xf32>
      %squeeze3A_3008 = vector.extract %slice3A_3007[0] : f32 from vector<1xf32>
      %slice3A_3009 = vector.extract_strided_slice %get3A_1984 {offsets = [10], sizes = [1], strides = [1]} : vector<16xf32> to vector<1xf32>
      %squeeze3A_3010 = vector.extract %slice3A_3009[0] : f32 from vector<1xf32>
      %sub3A_3011 = vector.broadcast %squeeze3A_3006 : f32 to vector<16xf32>
      %sub3A_3012 = arith.subf %get3A_53, %sub3A_3011 : vector<16xf32>
      %sub3A_3013 = vector.broadcast %squeeze3A_3008 : f32 to vector<16xf32>
      %sub3A_3014 = arith.subf %get3A_56, %sub3A_3013 : vector<16xf32>
      %sub3A_3015 = vector.broadcast %squeeze3A_3010 : f32 to vector<16xf32>
      %sub3A_3016 = arith.subf %get3A_59, %sub3A_3015 : vector<16xf32>
      %mul3A_3017 = arith.mulf %sub3A_3012, %sub3A_3012 : vector<16xf32>
      %mul3A_3018 = arith.mulf %sub3A_3014, %sub3A_3014 : vector<16xf32>
      %add3A_3019 = arith.addf %mul3A_3017, %mul3A_3018 : vector<16xf32>
      %mul3A_3020 = arith.mulf %sub3A_3016, %sub3A_3016 : vector<16xf32>
      %add3A_3021 = arith.addf %add3A_3019, %mul3A_3020 : vector<16xf32>
      %min3A_3022 = arith.minimumf %min3A_2920, %add3A_3021 : vector<16xf32>
      %sub3A_3023 = vector.broadcast %squeeze3A_3006 : f32 to vector<16xf32>
      %sub3A_3024 = arith.subf %get3A_62, %sub3A_3023 : vector<16xf32>
      %sub3A_3025 = vector.broadcast %squeeze3A_3008 : f32 to vector<16xf32>
      %sub3A_3026 = arith.subf %get3A_65, %sub3A_3025 : vector<16xf32>
      %sub3A_3027 = vector.broadcast %squeeze3A_3010 : f32 to vector<16xf32>
      %sub3A_3028 = arith.subf %get3A_68, %sub3A_3027 : vector<16xf32>
      %mul3A_3029 = arith.mulf %sub3A_3024, %sub3A_3024 : vector<16xf32>
      %mul3A_3030 = arith.mulf %sub3A_3026, %sub3A_3026 : vector<16xf32>
      %add3A_3031 = arith.addf %mul3A_3029, %mul3A_3030 : vector<16xf32>
      %mul3A_3032 = arith.mulf %sub3A_3028, %sub3A_3028 : vector<16xf32>
      %add3A_3033 = arith.addf %add3A_3031, %mul3A_3032 : vector<16xf32>
      %min3A_3034 = arith.minimumf %min3A_2932, %add3A_3033 : vector<16xf32>
      %sub3A_3035 = vector.broadcast %squeeze3A_3006 : f32 to vector<16xf32>
      %sub3A_3036 = arith.subf %get3A_71, %sub3A_3035 : vector<16xf32>
      %sub3A_3037 = vector.broadcast %squeeze3A_3008 : f32 to vector<16xf32>
      %sub3A_3038 = arith.subf %get3A_74, %sub3A_3037 : vector<16xf32>
      %sub3A_3039 = vector.broadcast %squeeze3A_3010 : f32 to vector<16xf32>
      %sub3A_3040 = arith.subf %get3A_77, %sub3A_3039 : vector<16xf32>
      %mul3A_3041 = arith.mulf %sub3A_3036, %sub3A_3036 : vector<16xf32>
      %mul3A_3042 = arith.mulf %sub3A_3038, %sub3A_3038 : vector<16xf32>
      %add3A_3043 = arith.addf %mul3A_3041, %mul3A_3042 : vector<16xf32>
      %mul3A_3044 = arith.mulf %sub3A_3040, %sub3A_3040 : vector<16xf32>
      %add3A_3045 = arith.addf %add3A_3043, %mul3A_3044 : vector<16xf32>
      %min3A_3046 = arith.minimumf %min3A_2944, %add3A_3045 : vector<16xf32>
      %sub3A_3047 = vector.broadcast %squeeze3A_3006 : f32 to vector<16xf32>
      %sub3A_3048 = arith.subf %get3A_80, %sub3A_3047 : vector<16xf32>
      %sub3A_3049 = vector.broadcast %squeeze3A_3008 : f32 to vector<16xf32>
      %sub3A_3050 = arith.subf %get3A_83, %sub3A_3049 : vector<16xf32>
      %sub3A_3051 = vector.broadcast %squeeze3A_3010 : f32 to vector<16xf32>
      %sub3A_3052 = arith.subf %get3A_86, %sub3A_3051 : vector<16xf32>
      %mul3A_3053 = arith.mulf %sub3A_3048, %sub3A_3048 : vector<16xf32>
      %mul3A_3054 = arith.mulf %sub3A_3050, %sub3A_3050 : vector<16xf32>
      %add3A_3055 = arith.addf %mul3A_3053, %mul3A_3054 : vector<16xf32>
      %mul3A_3056 = arith.mulf %sub3A_3052, %sub3A_3052 : vector<16xf32>
      %add3A_3057 = arith.addf %add3A_3055, %mul3A_3056 : vector<16xf32>
      %min3A_3058 = arith.minimumf %min3A_2956, %add3A_3057 : vector<16xf32>
      %sub3A_3059 = vector.broadcast %squeeze3A_3006 : f32 to vector<16xf32>
      %sub3A_3060 = arith.subf %get3A_89, %sub3A_3059 : vector<16xf32>
      %sub3A_3061 = vector.broadcast %squeeze3A_3008 : f32 to vector<16xf32>
      %sub3A_3062 = arith.subf %get3A_92, %sub3A_3061 : vector<16xf32>
      %sub3A_3063 = vector.broadcast %squeeze3A_3010 : f32 to vector<16xf32>
      %sub3A_3064 = arith.subf %get3A_95, %sub3A_3063 : vector<16xf32>
      %mul3A_3065 = arith.mulf %sub3A_3060, %sub3A_3060 : vector<16xf32>
      %mul3A_3066 = arith.mulf %sub3A_3062, %sub3A_3062 : vector<16xf32>
      %add3A_3067 = arith.addf %mul3A_3065, %mul3A_3066 : vector<16xf32>
      %mul3A_3068 = arith.mulf %sub3A_3064, %sub3A_3064 : vector<16xf32>
      %add3A_3069 = arith.addf %add3A_3067, %mul3A_3068 : vector<16xf32>
      %min3A_3070 = arith.minimumf %min3A_2968, %add3A_3069 : vector<16xf32>
      %sub3A_3071 = vector.broadcast %squeeze3A_3006 : f32 to vector<16xf32>
      %sub3A_3072 = arith.subf %get3A_98, %sub3A_3071 : vector<16xf32>
      %sub3A_3073 = vector.broadcast %squeeze3A_3008 : f32 to vector<16xf32>
      %sub3A_3074 = arith.subf %get3A_101, %sub3A_3073 : vector<16xf32>
      %sub3A_3075 = vector.broadcast %squeeze3A_3010 : f32 to vector<16xf32>
      %sub3A_3076 = arith.subf %get3A_104, %sub3A_3075 : vector<16xf32>
      %mul3A_3077 = arith.mulf %sub3A_3072, %sub3A_3072 : vector<16xf32>
      %mul3A_3078 = arith.mulf %sub3A_3074, %sub3A_3074 : vector<16xf32>
      %add3A_3079 = arith.addf %mul3A_3077, %mul3A_3078 : vector<16xf32>
      %mul3A_3080 = arith.mulf %sub3A_3076, %sub3A_3076 : vector<16xf32>
      %add3A_3081 = arith.addf %add3A_3079, %mul3A_3080 : vector<16xf32>
      %min3A_3082 = arith.minimumf %min3A_2980, %add3A_3081 : vector<16xf32>
      %sub3A_3083 = vector.broadcast %squeeze3A_3006 : f32 to vector<16xf32>
      %sub3A_3084 = arith.subf %get3A_107, %sub3A_3083 : vector<16xf32>
      %sub3A_3085 = vector.broadcast %squeeze3A_3008 : f32 to vector<16xf32>
      %sub3A_3086 = arith.subf %get3A_110, %sub3A_3085 : vector<16xf32>
      %sub3A_3087 = vector.broadcast %squeeze3A_3010 : f32 to vector<16xf32>
      %sub3A_3088 = arith.subf %get3A_113, %sub3A_3087 : vector<16xf32>
      %mul3A_3089 = arith.mulf %sub3A_3084, %sub3A_3084 : vector<16xf32>
      %mul3A_3090 = arith.mulf %sub3A_3086, %sub3A_3086 : vector<16xf32>
      %add3A_3091 = arith.addf %mul3A_3089, %mul3A_3090 : vector<16xf32>
      %mul3A_3092 = arith.mulf %sub3A_3088, %sub3A_3088 : vector<16xf32>
      %add3A_3093 = arith.addf %add3A_3091, %mul3A_3092 : vector<16xf32>
      %min3A_3094 = arith.minimumf %min3A_2992, %add3A_3093 : vector<16xf32>
      %sub3A_3095 = vector.broadcast %squeeze3A_3006 : f32 to vector<16xf32>
      %sub3A_3096 = arith.subf %get3A_116, %sub3A_3095 : vector<16xf32>
      %sub3A_3097 = vector.broadcast %squeeze3A_3008 : f32 to vector<16xf32>
      %sub3A_3098 = arith.subf %get3A_119, %sub3A_3097 : vector<16xf32>
      %sub3A_3099 = vector.broadcast %squeeze3A_3010 : f32 to vector<16xf32>
      %sub3A_3100 = arith.subf %get3A_122, %sub3A_3099 : vector<16xf32>
      %mul3A_3101 = arith.mulf %sub3A_3096, %sub3A_3096 : vector<16xf32>
      %mul3A_3102 = arith.mulf %sub3A_3098, %sub3A_3098 : vector<16xf32>
      %add3A_3103 = arith.addf %mul3A_3101, %mul3A_3102 : vector<16xf32>
      %mul3A_3104 = arith.mulf %sub3A_3100, %sub3A_3100 : vector<16xf32>
      %add3A_3105 = arith.addf %add3A_3103, %mul3A_3104 : vector<16xf32>
      %min3A_3106 = arith.minimumf %min3A_3004, %add3A_3105 : vector<16xf32>
      %slice3A_3107 = vector.extract_strided_slice %get3A_1978 {offsets = [11], sizes = [1], strides = [1]} : vector<16xf32> to vector<1xf32>
      %squeeze3A_3108 = vector.extract %slice3A_3107[0] : f32 from vector<1xf32>
      %slice3A_3109 = vector.extract_strided_slice %get3A_1981 {offsets = [11], sizes = [1], strides = [1]} : vector<16xf32> to vector<1xf32>
      %squeeze3A_3110 = vector.extract %slice3A_3109[0] : f32 from vector<1xf32>
      %slice3A_3111 = vector.extract_strided_slice %get3A_1984 {offsets = [11], sizes = [1], strides = [1]} : vector<16xf32> to vector<1xf32>
      %squeeze3A_3112 = vector.extract %slice3A_3111[0] : f32 from vector<1xf32>
      %sub3A_3113 = vector.broadcast %squeeze3A_3108 : f32 to vector<16xf32>
      %sub3A_3114 = arith.subf %get3A_53, %sub3A_3113 : vector<16xf32>
      %sub3A_3115 = vector.broadcast %squeeze3A_3110 : f32 to vector<16xf32>
      %sub3A_3116 = arith.subf %get3A_56, %sub3A_3115 : vector<16xf32>
      %sub3A_3117 = vector.broadcast %squeeze3A_3112 : f32 to vector<16xf32>
      %sub3A_3118 = arith.subf %get3A_59, %sub3A_3117 : vector<16xf32>
      %mul3A_3119 = arith.mulf %sub3A_3114, %sub3A_3114 : vector<16xf32>
      %mul3A_3120 = arith.mulf %sub3A_3116, %sub3A_3116 : vector<16xf32>
      %add3A_3121 = arith.addf %mul3A_3119, %mul3A_3120 : vector<16xf32>
      %mul3A_3122 = arith.mulf %sub3A_3118, %sub3A_3118 : vector<16xf32>
      %add3A_3123 = arith.addf %add3A_3121, %mul3A_3122 : vector<16xf32>
      %min3A_3124 = arith.minimumf %min3A_3022, %add3A_3123 : vector<16xf32>
      %sub3A_3125 = vector.broadcast %squeeze3A_3108 : f32 to vector<16xf32>
      %sub3A_3126 = arith.subf %get3A_62, %sub3A_3125 : vector<16xf32>
      %sub3A_3127 = vector.broadcast %squeeze3A_3110 : f32 to vector<16xf32>
      %sub3A_3128 = arith.subf %get3A_65, %sub3A_3127 : vector<16xf32>
      %sub3A_3129 = vector.broadcast %squeeze3A_3112 : f32 to vector<16xf32>
      %sub3A_3130 = arith.subf %get3A_68, %sub3A_3129 : vector<16xf32>
      %mul3A_3131 = arith.mulf %sub3A_3126, %sub3A_3126 : vector<16xf32>
      %mul3A_3132 = arith.mulf %sub3A_3128, %sub3A_3128 : vector<16xf32>
      %add3A_3133 = arith.addf %mul3A_3131, %mul3A_3132 : vector<16xf32>
      %mul3A_3134 = arith.mulf %sub3A_3130, %sub3A_3130 : vector<16xf32>
      %add3A_3135 = arith.addf %add3A_3133, %mul3A_3134 : vector<16xf32>
      %min3A_3136 = arith.minimumf %min3A_3034, %add3A_3135 : vector<16xf32>
      %sub3A_3137 = vector.broadcast %squeeze3A_3108 : f32 to vector<16xf32>
      %sub3A_3138 = arith.subf %get3A_71, %sub3A_3137 : vector<16xf32>
      %sub3A_3139 = vector.broadcast %squeeze3A_3110 : f32 to vector<16xf32>
      %sub3A_3140 = arith.subf %get3A_74, %sub3A_3139 : vector<16xf32>
      %sub3A_3141 = vector.broadcast %squeeze3A_3112 : f32 to vector<16xf32>
      %sub3A_3142 = arith.subf %get3A_77, %sub3A_3141 : vector<16xf32>
      %mul3A_3143 = arith.mulf %sub3A_3138, %sub3A_3138 : vector<16xf32>
      %mul3A_3144 = arith.mulf %sub3A_3140, %sub3A_3140 : vector<16xf32>
      %add3A_3145 = arith.addf %mul3A_3143, %mul3A_3144 : vector<16xf32>
      %mul3A_3146 = arith.mulf %sub3A_3142, %sub3A_3142 : vector<16xf32>
      %add3A_3147 = arith.addf %add3A_3145, %mul3A_3146 : vector<16xf32>
      %min3A_3148 = arith.minimumf %min3A_3046, %add3A_3147 : vector<16xf32>
      %sub3A_3149 = vector.broadcast %squeeze3A_3108 : f32 to vector<16xf32>
      %sub3A_3150 = arith.subf %get3A_80, %sub3A_3149 : vector<16xf32>
      %sub3A_3151 = vector.broadcast %squeeze3A_3110 : f32 to vector<16xf32>
      %sub3A_3152 = arith.subf %get3A_83, %sub3A_3151 : vector<16xf32>
      %sub3A_3153 = vector.broadcast %squeeze3A_3112 : f32 to vector<16xf32>
      %sub3A_3154 = arith.subf %get3A_86, %sub3A_3153 : vector<16xf32>
      %mul3A_3155 = arith.mulf %sub3A_3150, %sub3A_3150 : vector<16xf32>
      %mul3A_3156 = arith.mulf %sub3A_3152, %sub3A_3152 : vector<16xf32>
      %add3A_3157 = arith.addf %mul3A_3155, %mul3A_3156 : vector<16xf32>
      %mul3A_3158 = arith.mulf %sub3A_3154, %sub3A_3154 : vector<16xf32>
      %add3A_3159 = arith.addf %add3A_3157, %mul3A_3158 : vector<16xf32>
      %min3A_3160 = arith.minimumf %min3A_3058, %add3A_3159 : vector<16xf32>
      %sub3A_3161 = vector.broadcast %squeeze3A_3108 : f32 to vector<16xf32>
      %sub3A_3162 = arith.subf %get3A_89, %sub3A_3161 : vector<16xf32>
      %sub3A_3163 = vector.broadcast %squeeze3A_3110 : f32 to vector<16xf32>
      %sub3A_3164 = arith.subf %get3A_92, %sub3A_3163 : vector<16xf32>
      %sub3A_3165 = vector.broadcast %squeeze3A_3112 : f32 to vector<16xf32>
      %sub3A_3166 = arith.subf %get3A_95, %sub3A_3165 : vector<16xf32>
      %mul3A_3167 = arith.mulf %sub3A_3162, %sub3A_3162 : vector<16xf32>
      %mul3A_3168 = arith.mulf %sub3A_3164, %sub3A_3164 : vector<16xf32>
      %add3A_3169 = arith.addf %mul3A_3167, %mul3A_3168 : vector<16xf32>
      %mul3A_3170 = arith.mulf %sub3A_3166, %sub3A_3166 : vector<16xf32>
      %add3A_3171 = arith.addf %add3A_3169, %mul3A_3170 : vector<16xf32>
      %min3A_3172 = arith.minimumf %min3A_3070, %add3A_3171 : vector<16xf32>
      %sub3A_3173 = vector.broadcast %squeeze3A_3108 : f32 to vector<16xf32>
      %sub3A_3174 = arith.subf %get3A_98, %sub3A_3173 : vector<16xf32>
      %sub3A_3175 = vector.broadcast %squeeze3A_3110 : f32 to vector<16xf32>
      %sub3A_3176 = arith.subf %get3A_101, %sub3A_3175 : vector<16xf32>
      %sub3A_3177 = vector.broadcast %squeeze3A_3112 : f32 to vector<16xf32>
      %sub3A_3178 = arith.subf %get3A_104, %sub3A_3177 : vector<16xf32>
      %mul3A_3179 = arith.mulf %sub3A_3174, %sub3A_3174 : vector<16xf32>
      %mul3A_3180 = arith.mulf %sub3A_3176, %sub3A_3176 : vector<16xf32>
      %add3A_3181 = arith.addf %mul3A_3179, %mul3A_3180 : vector<16xf32>
      %mul3A_3182 = arith.mulf %sub3A_3178, %sub3A_3178 : vector<16xf32>
      %add3A_3183 = arith.addf %add3A_3181, %mul3A_3182 : vector<16xf32>
      %min3A_3184 = arith.minimumf %min3A_3082, %add3A_3183 : vector<16xf32>
      %sub3A_3185 = vector.broadcast %squeeze3A_3108 : f32 to vector<16xf32>
      %sub3A_3186 = arith.subf %get3A_107, %sub3A_3185 : vector<16xf32>
      %sub3A_3187 = vector.broadcast %squeeze3A_3110 : f32 to vector<16xf32>
      %sub3A_3188 = arith.subf %get3A_110, %sub3A_3187 : vector<16xf32>
      %sub3A_3189 = vector.broadcast %squeeze3A_3112 : f32 to vector<16xf32>
      %sub3A_3190 = arith.subf %get3A_113, %sub3A_3189 : vector<16xf32>
      %mul3A_3191 = arith.mulf %sub3A_3186, %sub3A_3186 : vector<16xf32>
      %mul3A_3192 = arith.mulf %sub3A_3188, %sub3A_3188 : vector<16xf32>
      %add3A_3193 = arith.addf %mul3A_3191, %mul3A_3192 : vector<16xf32>
      %mul3A_3194 = arith.mulf %sub3A_3190, %sub3A_3190 : vector<16xf32>
      %add3A_3195 = arith.addf %add3A_3193, %mul3A_3194 : vector<16xf32>
      %min3A_3196 = arith.minimumf %min3A_3094, %add3A_3195 : vector<16xf32>
      %sub3A_3197 = vector.broadcast %squeeze3A_3108 : f32 to vector<16xf32>
      %sub3A_3198 = arith.subf %get3A_116, %sub3A_3197 : vector<16xf32>
      %sub3A_3199 = vector.broadcast %squeeze3A_3110 : f32 to vector<16xf32>
      %sub3A_3200 = arith.subf %get3A_119, %sub3A_3199 : vector<16xf32>
      %sub3A_3201 = vector.broadcast %squeeze3A_3112 : f32 to vector<16xf32>
      %sub3A_3202 = arith.subf %get3A_122, %sub3A_3201 : vector<16xf32>
      %mul3A_3203 = arith.mulf %sub3A_3198, %sub3A_3198 : vector<16xf32>
      %mul3A_3204 = arith.mulf %sub3A_3200, %sub3A_3200 : vector<16xf32>
      %add3A_3205 = arith.addf %mul3A_3203, %mul3A_3204 : vector<16xf32>
      %mul3A_3206 = arith.mulf %sub3A_3202, %sub3A_3202 : vector<16xf32>
      %add3A_3207 = arith.addf %add3A_3205, %mul3A_3206 : vector<16xf32>
      %min3A_3208 = arith.minimumf %min3A_3106, %add3A_3207 : vector<16xf32>
      %slice3A_3209 = vector.extract_strided_slice %get3A_1978 {offsets = [12], sizes = [1], strides = [1]} : vector<16xf32> to vector<1xf32>
      %squeeze3A_3210 = vector.extract %slice3A_3209[0] : f32 from vector<1xf32>
      %slice3A_3211 = vector.extract_strided_slice %get3A_1981 {offsets = [12], sizes = [1], strides = [1]} : vector<16xf32> to vector<1xf32>
      %squeeze3A_3212 = vector.extract %slice3A_3211[0] : f32 from vector<1xf32>
      %slice3A_3213 = vector.extract_strided_slice %get3A_1984 {offsets = [12], sizes = [1], strides = [1]} : vector<16xf32> to vector<1xf32>
      %squeeze3A_3214 = vector.extract %slice3A_3213[0] : f32 from vector<1xf32>
      %sub3A_3215 = vector.broadcast %squeeze3A_3210 : f32 to vector<16xf32>
      %sub3A_3216 = arith.subf %get3A_53, %sub3A_3215 : vector<16xf32>
      %sub3A_3217 = vector.broadcast %squeeze3A_3212 : f32 to vector<16xf32>
      %sub3A_3218 = arith.subf %get3A_56, %sub3A_3217 : vector<16xf32>
      %sub3A_3219 = vector.broadcast %squeeze3A_3214 : f32 to vector<16xf32>
      %sub3A_3220 = arith.subf %get3A_59, %sub3A_3219 : vector<16xf32>
      %mul3A_3221 = arith.mulf %sub3A_3216, %sub3A_3216 : vector<16xf32>
      %mul3A_3222 = arith.mulf %sub3A_3218, %sub3A_3218 : vector<16xf32>
      %add3A_3223 = arith.addf %mul3A_3221, %mul3A_3222 : vector<16xf32>
      %mul3A_3224 = arith.mulf %sub3A_3220, %sub3A_3220 : vector<16xf32>
      %add3A_3225 = arith.addf %add3A_3223, %mul3A_3224 : vector<16xf32>
      %min3A_3226 = arith.minimumf %min3A_3124, %add3A_3225 : vector<16xf32>
      %sub3A_3227 = vector.broadcast %squeeze3A_3210 : f32 to vector<16xf32>
      %sub3A_3228 = arith.subf %get3A_62, %sub3A_3227 : vector<16xf32>
      %sub3A_3229 = vector.broadcast %squeeze3A_3212 : f32 to vector<16xf32>
      %sub3A_3230 = arith.subf %get3A_65, %sub3A_3229 : vector<16xf32>
      %sub3A_3231 = vector.broadcast %squeeze3A_3214 : f32 to vector<16xf32>
      %sub3A_3232 = arith.subf %get3A_68, %sub3A_3231 : vector<16xf32>
      %mul3A_3233 = arith.mulf %sub3A_3228, %sub3A_3228 : vector<16xf32>
      %mul3A_3234 = arith.mulf %sub3A_3230, %sub3A_3230 : vector<16xf32>
      %add3A_3235 = arith.addf %mul3A_3233, %mul3A_3234 : vector<16xf32>
      %mul3A_3236 = arith.mulf %sub3A_3232, %sub3A_3232 : vector<16xf32>
      %add3A_3237 = arith.addf %add3A_3235, %mul3A_3236 : vector<16xf32>
      %min3A_3238 = arith.minimumf %min3A_3136, %add3A_3237 : vector<16xf32>
      %sub3A_3239 = vector.broadcast %squeeze3A_3210 : f32 to vector<16xf32>
      %sub3A_3240 = arith.subf %get3A_71, %sub3A_3239 : vector<16xf32>
      %sub3A_3241 = vector.broadcast %squeeze3A_3212 : f32 to vector<16xf32>
      %sub3A_3242 = arith.subf %get3A_74, %sub3A_3241 : vector<16xf32>
      %sub3A_3243 = vector.broadcast %squeeze3A_3214 : f32 to vector<16xf32>
      %sub3A_3244 = arith.subf %get3A_77, %sub3A_3243 : vector<16xf32>
      %mul3A_3245 = arith.mulf %sub3A_3240, %sub3A_3240 : vector<16xf32>
      %mul3A_3246 = arith.mulf %sub3A_3242, %sub3A_3242 : vector<16xf32>
      %add3A_3247 = arith.addf %mul3A_3245, %mul3A_3246 : vector<16xf32>
      %mul3A_3248 = arith.mulf %sub3A_3244, %sub3A_3244 : vector<16xf32>
      %add3A_3249 = arith.addf %add3A_3247, %mul3A_3248 : vector<16xf32>
      %min3A_3250 = arith.minimumf %min3A_3148, %add3A_3249 : vector<16xf32>
      %sub3A_3251 = vector.broadcast %squeeze3A_3210 : f32 to vector<16xf32>
      %sub3A_3252 = arith.subf %get3A_80, %sub3A_3251 : vector<16xf32>
      %sub3A_3253 = vector.broadcast %squeeze3A_3212 : f32 to vector<16xf32>
      %sub3A_3254 = arith.subf %get3A_83, %sub3A_3253 : vector<16xf32>
      %sub3A_3255 = vector.broadcast %squeeze3A_3214 : f32 to vector<16xf32>
      %sub3A_3256 = arith.subf %get3A_86, %sub3A_3255 : vector<16xf32>
      %mul3A_3257 = arith.mulf %sub3A_3252, %sub3A_3252 : vector<16xf32>
      %mul3A_3258 = arith.mulf %sub3A_3254, %sub3A_3254 : vector<16xf32>
      %add3A_3259 = arith.addf %mul3A_3257, %mul3A_3258 : vector<16xf32>
      %mul3A_3260 = arith.mulf %sub3A_3256, %sub3A_3256 : vector<16xf32>
      %add3A_3261 = arith.addf %add3A_3259, %mul3A_3260 : vector<16xf32>
      %min3A_3262 = arith.minimumf %min3A_3160, %add3A_3261 : vector<16xf32>
      %sub3A_3263 = vector.broadcast %squeeze3A_3210 : f32 to vector<16xf32>
      %sub3A_3264 = arith.subf %get3A_89, %sub3A_3263 : vector<16xf32>
      %sub3A_3265 = vector.broadcast %squeeze3A_3212 : f32 to vector<16xf32>
      %sub3A_3266 = arith.subf %get3A_92, %sub3A_3265 : vector<16xf32>
      %sub3A_3267 = vector.broadcast %squeeze3A_3214 : f32 to vector<16xf32>
      %sub3A_3268 = arith.subf %get3A_95, %sub3A_3267 : vector<16xf32>
      %mul3A_3269 = arith.mulf %sub3A_3264, %sub3A_3264 : vector<16xf32>
      %mul3A_3270 = arith.mulf %sub3A_3266, %sub3A_3266 : vector<16xf32>
      %add3A_3271 = arith.addf %mul3A_3269, %mul3A_3270 : vector<16xf32>
      %mul3A_3272 = arith.mulf %sub3A_3268, %sub3A_3268 : vector<16xf32>
      %add3A_3273 = arith.addf %add3A_3271, %mul3A_3272 : vector<16xf32>
      %min3A_3274 = arith.minimumf %min3A_3172, %add3A_3273 : vector<16xf32>
      %sub3A_3275 = vector.broadcast %squeeze3A_3210 : f32 to vector<16xf32>
      %sub3A_3276 = arith.subf %get3A_98, %sub3A_3275 : vector<16xf32>
      %sub3A_3277 = vector.broadcast %squeeze3A_3212 : f32 to vector<16xf32>
      %sub3A_3278 = arith.subf %get3A_101, %sub3A_3277 : vector<16xf32>
      %sub3A_3279 = vector.broadcast %squeeze3A_3214 : f32 to vector<16xf32>
      %sub3A_3280 = arith.subf %get3A_104, %sub3A_3279 : vector<16xf32>
      %mul3A_3281 = arith.mulf %sub3A_3276, %sub3A_3276 : vector<16xf32>
      %mul3A_3282 = arith.mulf %sub3A_3278, %sub3A_3278 : vector<16xf32>
      %add3A_3283 = arith.addf %mul3A_3281, %mul3A_3282 : vector<16xf32>
      %mul3A_3284 = arith.mulf %sub3A_3280, %sub3A_3280 : vector<16xf32>
      %add3A_3285 = arith.addf %add3A_3283, %mul3A_3284 : vector<16xf32>
      %min3A_3286 = arith.minimumf %min3A_3184, %add3A_3285 : vector<16xf32>
      %sub3A_3287 = vector.broadcast %squeeze3A_3210 : f32 to vector<16xf32>
      %sub3A_3288 = arith.subf %get3A_107, %sub3A_3287 : vector<16xf32>
      %sub3A_3289 = vector.broadcast %squeeze3A_3212 : f32 to vector<16xf32>
      %sub3A_3290 = arith.subf %get3A_110, %sub3A_3289 : vector<16xf32>
      %sub3A_3291 = vector.broadcast %squeeze3A_3214 : f32 to vector<16xf32>
      %sub3A_3292 = arith.subf %get3A_113, %sub3A_3291 : vector<16xf32>
      %mul3A_3293 = arith.mulf %sub3A_3288, %sub3A_3288 : vector<16xf32>
      %mul3A_3294 = arith.mulf %sub3A_3290, %sub3A_3290 : vector<16xf32>
      %add3A_3295 = arith.addf %mul3A_3293, %mul3A_3294 : vector<16xf32>
      %mul3A_3296 = arith.mulf %sub3A_3292, %sub3A_3292 : vector<16xf32>
      %add3A_3297 = arith.addf %add3A_3295, %mul3A_3296 : vector<16xf32>
      %min3A_3298 = arith.minimumf %min3A_3196, %add3A_3297 : vector<16xf32>
      %sub3A_3299 = vector.broadcast %squeeze3A_3210 : f32 to vector<16xf32>
      %sub3A_3300 = arith.subf %get3A_116, %sub3A_3299 : vector<16xf32>
      %sub3A_3301 = vector.broadcast %squeeze3A_3212 : f32 to vector<16xf32>
      %sub3A_3302 = arith.subf %get3A_119, %sub3A_3301 : vector<16xf32>
      %sub3A_3303 = vector.broadcast %squeeze3A_3214 : f32 to vector<16xf32>
      %sub3A_3304 = arith.subf %get3A_122, %sub3A_3303 : vector<16xf32>
      %mul3A_3305 = arith.mulf %sub3A_3300, %sub3A_3300 : vector<16xf32>
      %mul3A_3306 = arith.mulf %sub3A_3302, %sub3A_3302 : vector<16xf32>
      %add3A_3307 = arith.addf %mul3A_3305, %mul3A_3306 : vector<16xf32>
      %mul3A_3308 = arith.mulf %sub3A_3304, %sub3A_3304 : vector<16xf32>
      %add3A_3309 = arith.addf %add3A_3307, %mul3A_3308 : vector<16xf32>
      %min3A_3310 = arith.minimumf %min3A_3208, %add3A_3309 : vector<16xf32>
      %slice3A_3311 = vector.extract_strided_slice %get3A_1978 {offsets = [13], sizes = [1], strides = [1]} : vector<16xf32> to vector<1xf32>
      %squeeze3A_3312 = vector.extract %slice3A_3311[0] : f32 from vector<1xf32>
      %slice3A_3313 = vector.extract_strided_slice %get3A_1981 {offsets = [13], sizes = [1], strides = [1]} : vector<16xf32> to vector<1xf32>
      %squeeze3A_3314 = vector.extract %slice3A_3313[0] : f32 from vector<1xf32>
      %slice3A_3315 = vector.extract_strided_slice %get3A_1984 {offsets = [13], sizes = [1], strides = [1]} : vector<16xf32> to vector<1xf32>
      %squeeze3A_3316 = vector.extract %slice3A_3315[0] : f32 from vector<1xf32>
      %sub3A_3317 = vector.broadcast %squeeze3A_3312 : f32 to vector<16xf32>
      %sub3A_3318 = arith.subf %get3A_53, %sub3A_3317 : vector<16xf32>
      %sub3A_3319 = vector.broadcast %squeeze3A_3314 : f32 to vector<16xf32>
      %sub3A_3320 = arith.subf %get3A_56, %sub3A_3319 : vector<16xf32>
      %sub3A_3321 = vector.broadcast %squeeze3A_3316 : f32 to vector<16xf32>
      %sub3A_3322 = arith.subf %get3A_59, %sub3A_3321 : vector<16xf32>
      %mul3A_3323 = arith.mulf %sub3A_3318, %sub3A_3318 : vector<16xf32>
      %mul3A_3324 = arith.mulf %sub3A_3320, %sub3A_3320 : vector<16xf32>
      %add3A_3325 = arith.addf %mul3A_3323, %mul3A_3324 : vector<16xf32>
      %mul3A_3326 = arith.mulf %sub3A_3322, %sub3A_3322 : vector<16xf32>
      %add3A_3327 = arith.addf %add3A_3325, %mul3A_3326 : vector<16xf32>
      %min3A_3328 = arith.minimumf %min3A_3226, %add3A_3327 : vector<16xf32>
      %sub3A_3329 = vector.broadcast %squeeze3A_3312 : f32 to vector<16xf32>
      %sub3A_3330 = arith.subf %get3A_62, %sub3A_3329 : vector<16xf32>
      %sub3A_3331 = vector.broadcast %squeeze3A_3314 : f32 to vector<16xf32>
      %sub3A_3332 = arith.subf %get3A_65, %sub3A_3331 : vector<16xf32>
      %sub3A_3333 = vector.broadcast %squeeze3A_3316 : f32 to vector<16xf32>
      %sub3A_3334 = arith.subf %get3A_68, %sub3A_3333 : vector<16xf32>
      %mul3A_3335 = arith.mulf %sub3A_3330, %sub3A_3330 : vector<16xf32>
      %mul3A_3336 = arith.mulf %sub3A_3332, %sub3A_3332 : vector<16xf32>
      %add3A_3337 = arith.addf %mul3A_3335, %mul3A_3336 : vector<16xf32>
      %mul3A_3338 = arith.mulf %sub3A_3334, %sub3A_3334 : vector<16xf32>
      %add3A_3339 = arith.addf %add3A_3337, %mul3A_3338 : vector<16xf32>
      %min3A_3340 = arith.minimumf %min3A_3238, %add3A_3339 : vector<16xf32>
      %sub3A_3341 = vector.broadcast %squeeze3A_3312 : f32 to vector<16xf32>
      %sub3A_3342 = arith.subf %get3A_71, %sub3A_3341 : vector<16xf32>
      %sub3A_3343 = vector.broadcast %squeeze3A_3314 : f32 to vector<16xf32>
      %sub3A_3344 = arith.subf %get3A_74, %sub3A_3343 : vector<16xf32>
      %sub3A_3345 = vector.broadcast %squeeze3A_3316 : f32 to vector<16xf32>
      %sub3A_3346 = arith.subf %get3A_77, %sub3A_3345 : vector<16xf32>
      %mul3A_3347 = arith.mulf %sub3A_3342, %sub3A_3342 : vector<16xf32>
      %mul3A_3348 = arith.mulf %sub3A_3344, %sub3A_3344 : vector<16xf32>
      %add3A_3349 = arith.addf %mul3A_3347, %mul3A_3348 : vector<16xf32>
      %mul3A_3350 = arith.mulf %sub3A_3346, %sub3A_3346 : vector<16xf32>
      %add3A_3351 = arith.addf %add3A_3349, %mul3A_3350 : vector<16xf32>
      %min3A_3352 = arith.minimumf %min3A_3250, %add3A_3351 : vector<16xf32>
      %sub3A_3353 = vector.broadcast %squeeze3A_3312 : f32 to vector<16xf32>
      %sub3A_3354 = arith.subf %get3A_80, %sub3A_3353 : vector<16xf32>
      %sub3A_3355 = vector.broadcast %squeeze3A_3314 : f32 to vector<16xf32>
      %sub3A_3356 = arith.subf %get3A_83, %sub3A_3355 : vector<16xf32>
      %sub3A_3357 = vector.broadcast %squeeze3A_3316 : f32 to vector<16xf32>
      %sub3A_3358 = arith.subf %get3A_86, %sub3A_3357 : vector<16xf32>
      %mul3A_3359 = arith.mulf %sub3A_3354, %sub3A_3354 : vector<16xf32>
      %mul3A_3360 = arith.mulf %sub3A_3356, %sub3A_3356 : vector<16xf32>
      %add3A_3361 = arith.addf %mul3A_3359, %mul3A_3360 : vector<16xf32>
      %mul3A_3362 = arith.mulf %sub3A_3358, %sub3A_3358 : vector<16xf32>
      %add3A_3363 = arith.addf %add3A_3361, %mul3A_3362 : vector<16xf32>
      %min3A_3364 = arith.minimumf %min3A_3262, %add3A_3363 : vector<16xf32>
      %sub3A_3365 = vector.broadcast %squeeze3A_3312 : f32 to vector<16xf32>
      %sub3A_3366 = arith.subf %get3A_89, %sub3A_3365 : vector<16xf32>
      %sub3A_3367 = vector.broadcast %squeeze3A_3314 : f32 to vector<16xf32>
      %sub3A_3368 = arith.subf %get3A_92, %sub3A_3367 : vector<16xf32>
      %sub3A_3369 = vector.broadcast %squeeze3A_3316 : f32 to vector<16xf32>
      %sub3A_3370 = arith.subf %get3A_95, %sub3A_3369 : vector<16xf32>
      %mul3A_3371 = arith.mulf %sub3A_3366, %sub3A_3366 : vector<16xf32>
      %mul3A_3372 = arith.mulf %sub3A_3368, %sub3A_3368 : vector<16xf32>
      %add3A_3373 = arith.addf %mul3A_3371, %mul3A_3372 : vector<16xf32>
      %mul3A_3374 = arith.mulf %sub3A_3370, %sub3A_3370 : vector<16xf32>
      %add3A_3375 = arith.addf %add3A_3373, %mul3A_3374 : vector<16xf32>
      %min3A_3376 = arith.minimumf %min3A_3274, %add3A_3375 : vector<16xf32>
      %sub3A_3377 = vector.broadcast %squeeze3A_3312 : f32 to vector<16xf32>
      %sub3A_3378 = arith.subf %get3A_98, %sub3A_3377 : vector<16xf32>
      %sub3A_3379 = vector.broadcast %squeeze3A_3314 : f32 to vector<16xf32>
      %sub3A_3380 = arith.subf %get3A_101, %sub3A_3379 : vector<16xf32>
      %sub3A_3381 = vector.broadcast %squeeze3A_3316 : f32 to vector<16xf32>
      %sub3A_3382 = arith.subf %get3A_104, %sub3A_3381 : vector<16xf32>
      %mul3A_3383 = arith.mulf %sub3A_3378, %sub3A_3378 : vector<16xf32>
      %mul3A_3384 = arith.mulf %sub3A_3380, %sub3A_3380 : vector<16xf32>
      %add3A_3385 = arith.addf %mul3A_3383, %mul3A_3384 : vector<16xf32>
      %mul3A_3386 = arith.mulf %sub3A_3382, %sub3A_3382 : vector<16xf32>
      %add3A_3387 = arith.addf %add3A_3385, %mul3A_3386 : vector<16xf32>
      %min3A_3388 = arith.minimumf %min3A_3286, %add3A_3387 : vector<16xf32>
      %sub3A_3389 = vector.broadcast %squeeze3A_3312 : f32 to vector<16xf32>
      %sub3A_3390 = arith.subf %get3A_107, %sub3A_3389 : vector<16xf32>
      %sub3A_3391 = vector.broadcast %squeeze3A_3314 : f32 to vector<16xf32>
      %sub3A_3392 = arith.subf %get3A_110, %sub3A_3391 : vector<16xf32>
      %sub3A_3393 = vector.broadcast %squeeze3A_3316 : f32 to vector<16xf32>
      %sub3A_3394 = arith.subf %get3A_113, %sub3A_3393 : vector<16xf32>
      %mul3A_3395 = arith.mulf %sub3A_3390, %sub3A_3390 : vector<16xf32>
      %mul3A_3396 = arith.mulf %sub3A_3392, %sub3A_3392 : vector<16xf32>
      %add3A_3397 = arith.addf %mul3A_3395, %mul3A_3396 : vector<16xf32>
      %mul3A_3398 = arith.mulf %sub3A_3394, %sub3A_3394 : vector<16xf32>
      %add3A_3399 = arith.addf %add3A_3397, %mul3A_3398 : vector<16xf32>
      %min3A_3400 = arith.minimumf %min3A_3298, %add3A_3399 : vector<16xf32>
      %sub3A_3401 = vector.broadcast %squeeze3A_3312 : f32 to vector<16xf32>
      %sub3A_3402 = arith.subf %get3A_116, %sub3A_3401 : vector<16xf32>
      %sub3A_3403 = vector.broadcast %squeeze3A_3314 : f32 to vector<16xf32>
      %sub3A_3404 = arith.subf %get3A_119, %sub3A_3403 : vector<16xf32>
      %sub3A_3405 = vector.broadcast %squeeze3A_3316 : f32 to vector<16xf32>
      %sub3A_3406 = arith.subf %get3A_122, %sub3A_3405 : vector<16xf32>
      %mul3A_3407 = arith.mulf %sub3A_3402, %sub3A_3402 : vector<16xf32>
      %mul3A_3408 = arith.mulf %sub3A_3404, %sub3A_3404 : vector<16xf32>
      %add3A_3409 = arith.addf %mul3A_3407, %mul3A_3408 : vector<16xf32>
      %mul3A_3410 = arith.mulf %sub3A_3406, %sub3A_3406 : vector<16xf32>
      %add3A_3411 = arith.addf %add3A_3409, %mul3A_3410 : vector<16xf32>
      %min3A_3412 = arith.minimumf %min3A_3310, %add3A_3411 : vector<16xf32>
      %slice3A_3413 = vector.extract_strided_slice %get3A_1978 {offsets = [14], sizes = [1], strides = [1]} : vector<16xf32> to vector<1xf32>
      %squeeze3A_3414 = vector.extract %slice3A_3413[0] : f32 from vector<1xf32>
      %slice3A_3415 = vector.extract_strided_slice %get3A_1981 {offsets = [14], sizes = [1], strides = [1]} : vector<16xf32> to vector<1xf32>
      %squeeze3A_3416 = vector.extract %slice3A_3415[0] : f32 from vector<1xf32>
      %slice3A_3417 = vector.extract_strided_slice %get3A_1984 {offsets = [14], sizes = [1], strides = [1]} : vector<16xf32> to vector<1xf32>
      %squeeze3A_3418 = vector.extract %slice3A_3417[0] : f32 from vector<1xf32>
      %sub3A_3419 = vector.broadcast %squeeze3A_3414 : f32 to vector<16xf32>
      %sub3A_3420 = arith.subf %get3A_53, %sub3A_3419 : vector<16xf32>
      %sub3A_3421 = vector.broadcast %squeeze3A_3416 : f32 to vector<16xf32>
      %sub3A_3422 = arith.subf %get3A_56, %sub3A_3421 : vector<16xf32>
      %sub3A_3423 = vector.broadcast %squeeze3A_3418 : f32 to vector<16xf32>
      %sub3A_3424 = arith.subf %get3A_59, %sub3A_3423 : vector<16xf32>
      %mul3A_3425 = arith.mulf %sub3A_3420, %sub3A_3420 : vector<16xf32>
      %mul3A_3426 = arith.mulf %sub3A_3422, %sub3A_3422 : vector<16xf32>
      %add3A_3427 = arith.addf %mul3A_3425, %mul3A_3426 : vector<16xf32>
      %mul3A_3428 = arith.mulf %sub3A_3424, %sub3A_3424 : vector<16xf32>
      %add3A_3429 = arith.addf %add3A_3427, %mul3A_3428 : vector<16xf32>
      %min3A_3430 = arith.minimumf %min3A_3328, %add3A_3429 : vector<16xf32>
      %sub3A_3431 = vector.broadcast %squeeze3A_3414 : f32 to vector<16xf32>
      %sub3A_3432 = arith.subf %get3A_62, %sub3A_3431 : vector<16xf32>
      %sub3A_3433 = vector.broadcast %squeeze3A_3416 : f32 to vector<16xf32>
      %sub3A_3434 = arith.subf %get3A_65, %sub3A_3433 : vector<16xf32>
      %sub3A_3435 = vector.broadcast %squeeze3A_3418 : f32 to vector<16xf32>
      %sub3A_3436 = arith.subf %get3A_68, %sub3A_3435 : vector<16xf32>
      %mul3A_3437 = arith.mulf %sub3A_3432, %sub3A_3432 : vector<16xf32>
      %mul3A_3438 = arith.mulf %sub3A_3434, %sub3A_3434 : vector<16xf32>
      %add3A_3439 = arith.addf %mul3A_3437, %mul3A_3438 : vector<16xf32>
      %mul3A_3440 = arith.mulf %sub3A_3436, %sub3A_3436 : vector<16xf32>
      %add3A_3441 = arith.addf %add3A_3439, %mul3A_3440 : vector<16xf32>
      %min3A_3442 = arith.minimumf %min3A_3340, %add3A_3441 : vector<16xf32>
      %sub3A_3443 = vector.broadcast %squeeze3A_3414 : f32 to vector<16xf32>
      %sub3A_3444 = arith.subf %get3A_71, %sub3A_3443 : vector<16xf32>
      %sub3A_3445 = vector.broadcast %squeeze3A_3416 : f32 to vector<16xf32>
      %sub3A_3446 = arith.subf %get3A_74, %sub3A_3445 : vector<16xf32>
      %sub3A_3447 = vector.broadcast %squeeze3A_3418 : f32 to vector<16xf32>
      %sub3A_3448 = arith.subf %get3A_77, %sub3A_3447 : vector<16xf32>
      %mul3A_3449 = arith.mulf %sub3A_3444, %sub3A_3444 : vector<16xf32>
      %mul3A_3450 = arith.mulf %sub3A_3446, %sub3A_3446 : vector<16xf32>
      %add3A_3451 = arith.addf %mul3A_3449, %mul3A_3450 : vector<16xf32>
      %mul3A_3452 = arith.mulf %sub3A_3448, %sub3A_3448 : vector<16xf32>
      %add3A_3453 = arith.addf %add3A_3451, %mul3A_3452 : vector<16xf32>
      %min3A_3454 = arith.minimumf %min3A_3352, %add3A_3453 : vector<16xf32>
      %sub3A_3455 = vector.broadcast %squeeze3A_3414 : f32 to vector<16xf32>
      %sub3A_3456 = arith.subf %get3A_80, %sub3A_3455 : vector<16xf32>
      %sub3A_3457 = vector.broadcast %squeeze3A_3416 : f32 to vector<16xf32>
      %sub3A_3458 = arith.subf %get3A_83, %sub3A_3457 : vector<16xf32>
      %sub3A_3459 = vector.broadcast %squeeze3A_3418 : f32 to vector<16xf32>
      %sub3A_3460 = arith.subf %get3A_86, %sub3A_3459 : vector<16xf32>
      %mul3A_3461 = arith.mulf %sub3A_3456, %sub3A_3456 : vector<16xf32>
      %mul3A_3462 = arith.mulf %sub3A_3458, %sub3A_3458 : vector<16xf32>
      %add3A_3463 = arith.addf %mul3A_3461, %mul3A_3462 : vector<16xf32>
      %mul3A_3464 = arith.mulf %sub3A_3460, %sub3A_3460 : vector<16xf32>
      %add3A_3465 = arith.addf %add3A_3463, %mul3A_3464 : vector<16xf32>
      %min3A_3466 = arith.minimumf %min3A_3364, %add3A_3465 : vector<16xf32>
      %sub3A_3467 = vector.broadcast %squeeze3A_3414 : f32 to vector<16xf32>
      %sub3A_3468 = arith.subf %get3A_89, %sub3A_3467 : vector<16xf32>
      %sub3A_3469 = vector.broadcast %squeeze3A_3416 : f32 to vector<16xf32>
      %sub3A_3470 = arith.subf %get3A_92, %sub3A_3469 : vector<16xf32>
      %sub3A_3471 = vector.broadcast %squeeze3A_3418 : f32 to vector<16xf32>
      %sub3A_3472 = arith.subf %get3A_95, %sub3A_3471 : vector<16xf32>
      %mul3A_3473 = arith.mulf %sub3A_3468, %sub3A_3468 : vector<16xf32>
      %mul3A_3474 = arith.mulf %sub3A_3470, %sub3A_3470 : vector<16xf32>
      %add3A_3475 = arith.addf %mul3A_3473, %mul3A_3474 : vector<16xf32>
      %mul3A_3476 = arith.mulf %sub3A_3472, %sub3A_3472 : vector<16xf32>
      %add3A_3477 = arith.addf %add3A_3475, %mul3A_3476 : vector<16xf32>
      %min3A_3478 = arith.minimumf %min3A_3376, %add3A_3477 : vector<16xf32>
      %sub3A_3479 = vector.broadcast %squeeze3A_3414 : f32 to vector<16xf32>
      %sub3A_3480 = arith.subf %get3A_98, %sub3A_3479 : vector<16xf32>
      %sub3A_3481 = vector.broadcast %squeeze3A_3416 : f32 to vector<16xf32>
      %sub3A_3482 = arith.subf %get3A_101, %sub3A_3481 : vector<16xf32>
      %sub3A_3483 = vector.broadcast %squeeze3A_3418 : f32 to vector<16xf32>
      %sub3A_3484 = arith.subf %get3A_104, %sub3A_3483 : vector<16xf32>
      %mul3A_3485 = arith.mulf %sub3A_3480, %sub3A_3480 : vector<16xf32>
      %mul3A_3486 = arith.mulf %sub3A_3482, %sub3A_3482 : vector<16xf32>
      %add3A_3487 = arith.addf %mul3A_3485, %mul3A_3486 : vector<16xf32>
      %mul3A_3488 = arith.mulf %sub3A_3484, %sub3A_3484 : vector<16xf32>
      %add3A_3489 = arith.addf %add3A_3487, %mul3A_3488 : vector<16xf32>
      %min3A_3490 = arith.minimumf %min3A_3388, %add3A_3489 : vector<16xf32>
      %sub3A_3491 = vector.broadcast %squeeze3A_3414 : f32 to vector<16xf32>
      %sub3A_3492 = arith.subf %get3A_107, %sub3A_3491 : vector<16xf32>
      %sub3A_3493 = vector.broadcast %squeeze3A_3416 : f32 to vector<16xf32>
      %sub3A_3494 = arith.subf %get3A_110, %sub3A_3493 : vector<16xf32>
      %sub3A_3495 = vector.broadcast %squeeze3A_3418 : f32 to vector<16xf32>
      %sub3A_3496 = arith.subf %get3A_113, %sub3A_3495 : vector<16xf32>
      %mul3A_3497 = arith.mulf %sub3A_3492, %sub3A_3492 : vector<16xf32>
      %mul3A_3498 = arith.mulf %sub3A_3494, %sub3A_3494 : vector<16xf32>
      %add3A_3499 = arith.addf %mul3A_3497, %mul3A_3498 : vector<16xf32>
      %mul3A_3500 = arith.mulf %sub3A_3496, %sub3A_3496 : vector<16xf32>
      %add3A_3501 = arith.addf %add3A_3499, %mul3A_3500 : vector<16xf32>
      %min3A_3502 = arith.minimumf %min3A_3400, %add3A_3501 : vector<16xf32>
      %sub3A_3503 = vector.broadcast %squeeze3A_3414 : f32 to vector<16xf32>
      %sub3A_3504 = arith.subf %get3A_116, %sub3A_3503 : vector<16xf32>
      %sub3A_3505 = vector.broadcast %squeeze3A_3416 : f32 to vector<16xf32>
      %sub3A_3506 = arith.subf %get3A_119, %sub3A_3505 : vector<16xf32>
      %sub3A_3507 = vector.broadcast %squeeze3A_3418 : f32 to vector<16xf32>
      %sub3A_3508 = arith.subf %get3A_122, %sub3A_3507 : vector<16xf32>
      %mul3A_3509 = arith.mulf %sub3A_3504, %sub3A_3504 : vector<16xf32>
      %mul3A_3510 = arith.mulf %sub3A_3506, %sub3A_3506 : vector<16xf32>
      %add3A_3511 = arith.addf %mul3A_3509, %mul3A_3510 : vector<16xf32>
      %mul3A_3512 = arith.mulf %sub3A_3508, %sub3A_3508 : vector<16xf32>
      %add3A_3513 = arith.addf %add3A_3511, %mul3A_3512 : vector<16xf32>
      %min3A_3514 = arith.minimumf %min3A_3412, %add3A_3513 : vector<16xf32>
      %slice3A_3515 = vector.extract_strided_slice %get3A_1978 {offsets = [15], sizes = [1], strides = [1]} : vector<16xf32> to vector<1xf32>
      %squeeze3A_3516 = vector.extract %slice3A_3515[0] : f32 from vector<1xf32>
      %slice3A_3517 = vector.extract_strided_slice %get3A_1981 {offsets = [15], sizes = [1], strides = [1]} : vector<16xf32> to vector<1xf32>
      %squeeze3A_3518 = vector.extract %slice3A_3517[0] : f32 from vector<1xf32>
      %slice3A_3519 = vector.extract_strided_slice %get3A_1984 {offsets = [15], sizes = [1], strides = [1]} : vector<16xf32> to vector<1xf32>
      %squeeze3A_3520 = vector.extract %slice3A_3519[0] : f32 from vector<1xf32>
      %sub3A_3521 = vector.broadcast %squeeze3A_3516 : f32 to vector<16xf32>
      %sub3A_3522 = arith.subf %get3A_53, %sub3A_3521 : vector<16xf32>
      %sub3A_3523 = vector.broadcast %squeeze3A_3518 : f32 to vector<16xf32>
      %sub3A_3524 = arith.subf %get3A_56, %sub3A_3523 : vector<16xf32>
      %sub3A_3525 = vector.broadcast %squeeze3A_3520 : f32 to vector<16xf32>
      %sub3A_3526 = arith.subf %get3A_59, %sub3A_3525 : vector<16xf32>
      %mul3A_3527 = arith.mulf %sub3A_3522, %sub3A_3522 : vector<16xf32>
      %mul3A_3528 = arith.mulf %sub3A_3524, %sub3A_3524 : vector<16xf32>
      %add3A_3529 = arith.addf %mul3A_3527, %mul3A_3528 : vector<16xf32>
      %mul3A_3530 = arith.mulf %sub3A_3526, %sub3A_3526 : vector<16xf32>
      %add3A_3531 = arith.addf %add3A_3529, %mul3A_3530 : vector<16xf32>
      %min3A_3532 = arith.minimumf %min3A_3430, %add3A_3531 : vector<16xf32>
      %sub3A_3533 = vector.broadcast %squeeze3A_3516 : f32 to vector<16xf32>
      %sub3A_3534 = arith.subf %get3A_62, %sub3A_3533 : vector<16xf32>
      %sub3A_3535 = vector.broadcast %squeeze3A_3518 : f32 to vector<16xf32>
      %sub3A_3536 = arith.subf %get3A_65, %sub3A_3535 : vector<16xf32>
      %sub3A_3537 = vector.broadcast %squeeze3A_3520 : f32 to vector<16xf32>
      %sub3A_3538 = arith.subf %get3A_68, %sub3A_3537 : vector<16xf32>
      %mul3A_3539 = arith.mulf %sub3A_3534, %sub3A_3534 : vector<16xf32>
      %mul3A_3540 = arith.mulf %sub3A_3536, %sub3A_3536 : vector<16xf32>
      %add3A_3541 = arith.addf %mul3A_3539, %mul3A_3540 : vector<16xf32>
      %mul3A_3542 = arith.mulf %sub3A_3538, %sub3A_3538 : vector<16xf32>
      %add3A_3543 = arith.addf %add3A_3541, %mul3A_3542 : vector<16xf32>
      %min3A_3544 = arith.minimumf %min3A_3442, %add3A_3543 : vector<16xf32>
      %sub3A_3545 = vector.broadcast %squeeze3A_3516 : f32 to vector<16xf32>
      %sub3A_3546 = arith.subf %get3A_71, %sub3A_3545 : vector<16xf32>
      %sub3A_3547 = vector.broadcast %squeeze3A_3518 : f32 to vector<16xf32>
      %sub3A_3548 = arith.subf %get3A_74, %sub3A_3547 : vector<16xf32>
      %sub3A_3549 = vector.broadcast %squeeze3A_3520 : f32 to vector<16xf32>
      %sub3A_3550 = arith.subf %get3A_77, %sub3A_3549 : vector<16xf32>
      %mul3A_3551 = arith.mulf %sub3A_3546, %sub3A_3546 : vector<16xf32>
      %mul3A_3552 = arith.mulf %sub3A_3548, %sub3A_3548 : vector<16xf32>
      %add3A_3553 = arith.addf %mul3A_3551, %mul3A_3552 : vector<16xf32>
      %mul3A_3554 = arith.mulf %sub3A_3550, %sub3A_3550 : vector<16xf32>
      %add3A_3555 = arith.addf %add3A_3553, %mul3A_3554 : vector<16xf32>
      %min3A_3556 = arith.minimumf %min3A_3454, %add3A_3555 : vector<16xf32>
      %sub3A_3557 = vector.broadcast %squeeze3A_3516 : f32 to vector<16xf32>
      %sub3A_3558 = arith.subf %get3A_80, %sub3A_3557 : vector<16xf32>
      %sub3A_3559 = vector.broadcast %squeeze3A_3518 : f32 to vector<16xf32>
      %sub3A_3560 = arith.subf %get3A_83, %sub3A_3559 : vector<16xf32>
      %sub3A_3561 = vector.broadcast %squeeze3A_3520 : f32 to vector<16xf32>
      %sub3A_3562 = arith.subf %get3A_86, %sub3A_3561 : vector<16xf32>
      %mul3A_3563 = arith.mulf %sub3A_3558, %sub3A_3558 : vector<16xf32>
      %mul3A_3564 = arith.mulf %sub3A_3560, %sub3A_3560 : vector<16xf32>
      %add3A_3565 = arith.addf %mul3A_3563, %mul3A_3564 : vector<16xf32>
      %mul3A_3566 = arith.mulf %sub3A_3562, %sub3A_3562 : vector<16xf32>
      %add3A_3567 = arith.addf %add3A_3565, %mul3A_3566 : vector<16xf32>
      %min3A_3568 = arith.minimumf %min3A_3466, %add3A_3567 : vector<16xf32>
      %sub3A_3569 = vector.broadcast %squeeze3A_3516 : f32 to vector<16xf32>
      %sub3A_3570 = arith.subf %get3A_89, %sub3A_3569 : vector<16xf32>
      %sub3A_3571 = vector.broadcast %squeeze3A_3518 : f32 to vector<16xf32>
      %sub3A_3572 = arith.subf %get3A_92, %sub3A_3571 : vector<16xf32>
      %sub3A_3573 = vector.broadcast %squeeze3A_3520 : f32 to vector<16xf32>
      %sub3A_3574 = arith.subf %get3A_95, %sub3A_3573 : vector<16xf32>
      %mul3A_3575 = arith.mulf %sub3A_3570, %sub3A_3570 : vector<16xf32>
      %mul3A_3576 = arith.mulf %sub3A_3572, %sub3A_3572 : vector<16xf32>
      %add3A_3577 = arith.addf %mul3A_3575, %mul3A_3576 : vector<16xf32>
      %mul3A_3578 = arith.mulf %sub3A_3574, %sub3A_3574 : vector<16xf32>
      %add3A_3579 = arith.addf %add3A_3577, %mul3A_3578 : vector<16xf32>
      %min3A_3580 = arith.minimumf %min3A_3478, %add3A_3579 : vector<16xf32>
      %sub3A_3581 = vector.broadcast %squeeze3A_3516 : f32 to vector<16xf32>
      %sub3A_3582 = arith.subf %get3A_98, %sub3A_3581 : vector<16xf32>
      %sub3A_3583 = vector.broadcast %squeeze3A_3518 : f32 to vector<16xf32>
      %sub3A_3584 = arith.subf %get3A_101, %sub3A_3583 : vector<16xf32>
      %sub3A_3585 = vector.broadcast %squeeze3A_3520 : f32 to vector<16xf32>
      %sub3A_3586 = arith.subf %get3A_104, %sub3A_3585 : vector<16xf32>
      %mul3A_3587 = arith.mulf %sub3A_3582, %sub3A_3582 : vector<16xf32>
      %mul3A_3588 = arith.mulf %sub3A_3584, %sub3A_3584 : vector<16xf32>
      %add3A_3589 = arith.addf %mul3A_3587, %mul3A_3588 : vector<16xf32>
      %mul3A_3590 = arith.mulf %sub3A_3586, %sub3A_3586 : vector<16xf32>
      %add3A_3591 = arith.addf %add3A_3589, %mul3A_3590 : vector<16xf32>
      %min3A_3592 = arith.minimumf %min3A_3490, %add3A_3591 : vector<16xf32>
      %sub3A_3593 = vector.broadcast %squeeze3A_3516 : f32 to vector<16xf32>
      %sub3A_3594 = arith.subf %get3A_107, %sub3A_3593 : vector<16xf32>
      %sub3A_3595 = vector.broadcast %squeeze3A_3518 : f32 to vector<16xf32>
      %sub3A_3596 = arith.subf %get3A_110, %sub3A_3595 : vector<16xf32>
      %sub3A_3597 = vector.broadcast %squeeze3A_3520 : f32 to vector<16xf32>
      %sub3A_3598 = arith.subf %get3A_113, %sub3A_3597 : vector<16xf32>
      %mul3A_3599 = arith.mulf %sub3A_3594, %sub3A_3594 : vector<16xf32>
      %mul3A_3600 = arith.mulf %sub3A_3596, %sub3A_3596 : vector<16xf32>
      %add3A_3601 = arith.addf %mul3A_3599, %mul3A_3600 : vector<16xf32>
      %mul3A_3602 = arith.mulf %sub3A_3598, %sub3A_3598 : vector<16xf32>
      %add3A_3603 = arith.addf %add3A_3601, %mul3A_3602 : vector<16xf32>
      %min3A_3604 = arith.minimumf %min3A_3502, %add3A_3603 : vector<16xf32>
      %sub3A_3605 = vector.broadcast %squeeze3A_3516 : f32 to vector<16xf32>
      %sub3A_3606 = arith.subf %get3A_116, %sub3A_3605 : vector<16xf32>
      %sub3A_3607 = vector.broadcast %squeeze3A_3518 : f32 to vector<16xf32>
      %sub3A_3608 = arith.subf %get3A_119, %sub3A_3607 : vector<16xf32>
      %sub3A_3609 = vector.broadcast %squeeze3A_3520 : f32 to vector<16xf32>
      %sub3A_3610 = arith.subf %get3A_122, %sub3A_3609 : vector<16xf32>
      %mul3A_3611 = arith.mulf %sub3A_3606, %sub3A_3606 : vector<16xf32>
      %mul3A_3612 = arith.mulf %sub3A_3608, %sub3A_3608 : vector<16xf32>
      %add3A_3613 = arith.addf %mul3A_3611, %mul3A_3612 : vector<16xf32>
      %mul3A_3614 = arith.mulf %sub3A_3610, %sub3A_3610 : vector<16xf32>
      %add3A_3615 = arith.addf %add3A_3613, %mul3A_3614 : vector<16xf32>
      %min3A_3616 = arith.minimumf %min3A_3514, %add3A_3615 : vector<16xf32>
      scf.yield %min3A_3532, %min3A_3544, %min3A_3556, %min3A_3568, %min3A_3580, %min3A_3592, %min3A_3604, %min3A_3616 : vector<16xf32>, vector<16xf32>, vector<16xf32>, vector<16xf32>, vector<16xf32>, vector<16xf32>, vector<16xf32>, vector<16xf32>
    }
    %scan3A_127 = arith.constant 256 : i32
    %bitcast_convert_type3A = tpu.bitcast %scan3A_126#0 : vector<16xf32> -> vector<16xi32>
    %shift_right_arithmetic3A = arith.constant 1 : i32
    %shift_right_arithmetic3A_128 = vector.broadcast %shift_right_arithmetic3A : i32 to vector<16xi32>
    %shift_right_arithmetic3A_129 = arith.shrsi %bitcast_convert_type3A, %shift_right_arithmetic3A_128 : vector<16xi32>
    %add3A_130 = arith.constant 532496253 : i32
    %add3A_131 = vector.broadcast %add3A_130 : i32 to vector<16xi32>
    %add3A_132 = arith.addi %shift_right_arithmetic3A_129, %add3A_131 : vector<16xi32>
    %bitcast_convert_type3A_133 = tpu.bitcast %add3A_132 : vector<16xi32> -> vector<16xf32>
    %div3A_134 = arith.divf %scan3A_126#0, %bitcast_convert_type3A_133 : vector<16xf32>
    %add3A_135 = arith.addf %bitcast_convert_type3A_133, %div3A_134 : vector<16xf32>
    %mul3A_136 = arith.constant 5.000000e-01 : f32
    %mul3A_137 = vector.broadcast %mul3A_136 : f32 to vector<16xf32>
    %mul3A_138 = arith.mulf %mul3A_137, %add3A_135 : vector<16xf32>
    %div3A_139 = arith.divf %scan3A_126#0, %mul3A_138 : vector<16xf32>
    %add3A_140 = arith.addf %mul3A_138, %div3A_139 : vector<16xf32>
    %mul3A_141 = arith.constant 5.000000e-01 : f32
    %mul3A_142 = vector.broadcast %mul3A_141 : f32 to vector<16xf32>
    %mul3A_143 = arith.mulf %mul3A_142, %add3A_140 : vector<16xf32>
    %div3A_144 = arith.divf %scan3A_126#0, %mul3A_143 : vector<16xf32>
    %add3A_145 = arith.addf %mul3A_143, %div3A_144 : vector<16xf32>
    %mul3A_146 = arith.constant 5.000000e-01 : f32
    %mul3A_147 = vector.broadcast %mul3A_146 : f32 to vector<16xf32>
    %mul3A_148 = arith.mulf %mul3A_147, %add3A_145 : vector<16xf32>
    %add3A_149 = arith.addf %broadcast_in_dim3A_49, %mul3A_148 : vector<16xf32>
    %bitcast_convert_type3A_150 = tpu.bitcast %scan3A_126#1 : vector<16xf32> -> vector<16xi32>
    %shift_right_arithmetic3A_151 = arith.constant 1 : i32
    %shift_right_arithmetic3A_152 = vector.broadcast %shift_right_arithmetic3A_151 : i32 to vector<16xi32>
    %shift_right_arithmetic3A_153 = arith.shrsi %bitcast_convert_type3A_150, %shift_right_arithmetic3A_152 : vector<16xi32>
    %add3A_154 = arith.constant 532496253 : i32
    %add3A_155 = vector.broadcast %add3A_154 : i32 to vector<16xi32>
    %add3A_156 = arith.addi %shift_right_arithmetic3A_153, %add3A_155 : vector<16xi32>
    %bitcast_convert_type3A_157 = tpu.bitcast %add3A_156 : vector<16xi32> -> vector<16xf32>
    %div3A_158 = arith.divf %scan3A_126#1, %bitcast_convert_type3A_157 : vector<16xf32>
    %add3A_159 = arith.addf %bitcast_convert_type3A_157, %div3A_158 : vector<16xf32>
    %mul3A_160 = arith.constant 5.000000e-01 : f32
    %mul3A_161 = vector.broadcast %mul3A_160 : f32 to vector<16xf32>
    %mul3A_162 = arith.mulf %mul3A_161, %add3A_159 : vector<16xf32>
    %div3A_163 = arith.divf %scan3A_126#1, %mul3A_162 : vector<16xf32>
    %add3A_164 = arith.addf %mul3A_162, %div3A_163 : vector<16xf32>
    %mul3A_165 = arith.constant 5.000000e-01 : f32
    %mul3A_166 = vector.broadcast %mul3A_165 : f32 to vector<16xf32>
    %mul3A_167 = arith.mulf %mul3A_166, %add3A_164 : vector<16xf32>
    %div3A_168 = arith.divf %scan3A_126#1, %mul3A_167 : vector<16xf32>
    %add3A_169 = arith.addf %mul3A_167, %div3A_168 : vector<16xf32>
    %mul3A_170 = arith.constant 5.000000e-01 : f32
    %mul3A_171 = vector.broadcast %mul3A_170 : f32 to vector<16xf32>
    %mul3A_172 = arith.mulf %mul3A_171, %add3A_169 : vector<16xf32>
    %add3A_173 = arith.addf %add3A_149, %mul3A_172 : vector<16xf32>
    %bitcast_convert_type3A_174 = tpu.bitcast %scan3A_126#2 : vector<16xf32> -> vector<16xi32>
    %shift_right_arithmetic3A_175 = arith.constant 1 : i32
    %shift_right_arithmetic3A_176 = vector.broadcast %shift_right_arithmetic3A_175 : i32 to vector<16xi32>
    %shift_right_arithmetic3A_177 = arith.shrsi %bitcast_convert_type3A_174, %shift_right_arithmetic3A_176 : vector<16xi32>
    %add3A_178 = arith.constant 532496253 : i32
    %add3A_179 = vector.broadcast %add3A_178 : i32 to vector<16xi32>
    %add3A_180 = arith.addi %shift_right_arithmetic3A_177, %add3A_179 : vector<16xi32>
    %bitcast_convert_type3A_181 = tpu.bitcast %add3A_180 : vector<16xi32> -> vector<16xf32>
    %div3A_182 = arith.divf %scan3A_126#2, %bitcast_convert_type3A_181 : vector<16xf32>
    %add3A_183 = arith.addf %bitcast_convert_type3A_181, %div3A_182 : vector<16xf32>
    %mul3A_184 = arith.constant 5.000000e-01 : f32
    %mul3A_185 = vector.broadcast %mul3A_184 : f32 to vector<16xf32>
    %mul3A_186 = arith.mulf %mul3A_185, %add3A_183 : vector<16xf32>
    %div3A_187 = arith.divf %scan3A_126#2, %mul3A_186 : vector<16xf32>
    %add3A_188 = arith.addf %mul3A_186, %div3A_187 : vector<16xf32>
    %mul3A_189 = arith.constant 5.000000e-01 : f32
    %mul3A_190 = vector.broadcast %mul3A_189 : f32 to vector<16xf32>
    %mul3A_191 = arith.mulf %mul3A_190, %add3A_188 : vector<16xf32>
    %div3A_192 = arith.divf %scan3A_126#2, %mul3A_191 : vector<16xf32>
    %add3A_193 = arith.addf %mul3A_191, %div3A_192 : vector<16xf32>
    %mul3A_194 = arith.constant 5.000000e-01 : f32
    %mul3A_195 = vector.broadcast %mul3A_194 : f32 to vector<16xf32>
    %mul3A_196 = arith.mulf %mul3A_195, %add3A_193 : vector<16xf32>
    %add3A_197 = arith.addf %add3A_173, %mul3A_196 : vector<16xf32>
    %bitcast_convert_type3A_198 = tpu.bitcast %scan3A_126#3 : vector<16xf32> -> vector<16xi32>
    %shift_right_arithmetic3A_199 = arith.constant 1 : i32
    %shift_right_arithmetic3A_200 = vector.broadcast %shift_right_arithmetic3A_199 : i32 to vector<16xi32>
    %shift_right_arithmetic3A_201 = arith.shrsi %bitcast_convert_type3A_198, %shift_right_arithmetic3A_200 : vector<16xi32>
    %add3A_202 = arith.constant 532496253 : i32
    %add3A_203 = vector.broadcast %add3A_202 : i32 to vector<16xi32>
    %add3A_204 = arith.addi %shift_right_arithmetic3A_201, %add3A_203 : vector<16xi32>
    %bitcast_convert_type3A_205 = tpu.bitcast %add3A_204 : vector<16xi32> -> vector<16xf32>
    %div3A_206 = arith.divf %scan3A_126#3, %bitcast_convert_type3A_205 : vector<16xf32>
    %add3A_207 = arith.addf %bitcast_convert_type3A_205, %div3A_206 : vector<16xf32>
    %mul3A_208 = arith.constant 5.000000e-01 : f32
    %mul3A_209 = vector.broadcast %mul3A_208 : f32 to vector<16xf32>
    %mul3A_210 = arith.mulf %mul3A_209, %add3A_207 : vector<16xf32>
    %div3A_211 = arith.divf %scan3A_126#3, %mul3A_210 : vector<16xf32>
    %add3A_212 = arith.addf %mul3A_210, %div3A_211 : vector<16xf32>
    %mul3A_213 = arith.constant 5.000000e-01 : f32
    %mul3A_214 = vector.broadcast %mul3A_213 : f32 to vector<16xf32>
    %mul3A_215 = arith.mulf %mul3A_214, %add3A_212 : vector<16xf32>
    %div3A_216 = arith.divf %scan3A_126#3, %mul3A_215 : vector<16xf32>
    %add3A_217 = arith.addf %mul3A_215, %div3A_216 : vector<16xf32>
    %mul3A_218 = arith.constant 5.000000e-01 : f32
    %mul3A_219 = vector.broadcast %mul3A_218 : f32 to vector<16xf32>
    %mul3A_220 = arith.mulf %mul3A_219, %add3A_217 : vector<16xf32>
    %add3A_221 = arith.addf %add3A_197, %mul3A_220 : vector<16xf32>
    %bitcast_convert_type3A_222 = tpu.bitcast %scan3A_126#4 : vector<16xf32> -> vector<16xi32>
    %shift_right_arithmetic3A_223 = arith.constant 1 : i32
    %shift_right_arithmetic3A_224 = vector.broadcast %shift_right_arithmetic3A_223 : i32 to vector<16xi32>
    %shift_right_arithmetic3A_225 = arith.shrsi %bitcast_convert_type3A_222, %shift_right_arithmetic3A_224 : vector<16xi32>
    %add3A_226 = arith.constant 532496253 : i32
    %add3A_227 = vector.broadcast %add3A_226 : i32 to vector<16xi32>
    %add3A_228 = arith.addi %shift_right_arithmetic3A_225, %add3A_227 : vector<16xi32>
    %bitcast_convert_type3A_229 = tpu.bitcast %add3A_228 : vector<16xi32> -> vector<16xf32>
    %div3A_230 = arith.divf %scan3A_126#4, %bitcast_convert_type3A_229 : vector<16xf32>
    %add3A_231 = arith.addf %bitcast_convert_type3A_229, %div3A_230 : vector<16xf32>
    %mul3A_232 = arith.constant 5.000000e-01 : f32
    %mul3A_233 = vector.broadcast %mul3A_232 : f32 to vector<16xf32>
    %mul3A_234 = arith.mulf %mul3A_233, %add3A_231 : vector<16xf32>
    %div3A_235 = arith.divf %scan3A_126#4, %mul3A_234 : vector<16xf32>
    %add3A_236 = arith.addf %mul3A_234, %div3A_235 : vector<16xf32>
    %mul3A_237 = arith.constant 5.000000e-01 : f32
    %mul3A_238 = vector.broadcast %mul3A_237 : f32 to vector<16xf32>
    %mul3A_239 = arith.mulf %mul3A_238, %add3A_236 : vector<16xf32>
    %div3A_240 = arith.divf %scan3A_126#4, %mul3A_239 : vector<16xf32>
    %add3A_241 = arith.addf %mul3A_239, %div3A_240 : vector<16xf32>
    %mul3A_242 = arith.constant 5.000000e-01 : f32
    %mul3A_243 = vector.broadcast %mul3A_242 : f32 to vector<16xf32>
    %mul3A_244 = arith.mulf %mul3A_243, %add3A_241 : vector<16xf32>
    %add3A_245 = arith.addf %add3A_221, %mul3A_244 : vector<16xf32>
    %bitcast_convert_type3A_246 = tpu.bitcast %scan3A_126#5 : vector<16xf32> -> vector<16xi32>
    %shift_right_arithmetic3A_247 = arith.constant 1 : i32
    %shift_right_arithmetic3A_248 = vector.broadcast %shift_right_arithmetic3A_247 : i32 to vector<16xi32>
    %shift_right_arithmetic3A_249 = arith.shrsi %bitcast_convert_type3A_246, %shift_right_arithmetic3A_248 : vector<16xi32>
    %add3A_250 = arith.constant 532496253 : i32
    %add3A_251 = vector.broadcast %add3A_250 : i32 to vector<16xi32>
    %add3A_252 = arith.addi %shift_right_arithmetic3A_249, %add3A_251 : vector<16xi32>
    %bitcast_convert_type3A_253 = tpu.bitcast %add3A_252 : vector<16xi32> -> vector<16xf32>
    %div3A_254 = arith.divf %scan3A_126#5, %bitcast_convert_type3A_253 : vector<16xf32>
    %add3A_255 = arith.addf %bitcast_convert_type3A_253, %div3A_254 : vector<16xf32>
    %mul3A_256 = arith.constant 5.000000e-01 : f32
    %mul3A_257 = vector.broadcast %mul3A_256 : f32 to vector<16xf32>
    %mul3A_258 = arith.mulf %mul3A_257, %add3A_255 : vector<16xf32>
    %div3A_259 = arith.divf %scan3A_126#5, %mul3A_258 : vector<16xf32>
    %add3A_260 = arith.addf %mul3A_258, %div3A_259 : vector<16xf32>
    %mul3A_261 = arith.constant 5.000000e-01 : f32
    %mul3A_262 = vector.broadcast %mul3A_261 : f32 to vector<16xf32>
    %mul3A_263 = arith.mulf %mul3A_262, %add3A_260 : vector<16xf32>
    %div3A_264 = arith.divf %scan3A_126#5, %mul3A_263 : vector<16xf32>
    %add3A_265 = arith.addf %mul3A_263, %div3A_264 : vector<16xf32>
    %mul3A_266 = arith.constant 5.000000e-01 : f32
    %mul3A_267 = vector.broadcast %mul3A_266 : f32 to vector<16xf32>
    %mul3A_268 = arith.mulf %mul3A_267, %add3A_265 : vector<16xf32>
    %add3A_269 = arith.addf %add3A_245, %mul3A_268 : vector<16xf32>
    %bitcast_convert_type3A_270 = tpu.bitcast %scan3A_126#6 : vector<16xf32> -> vector<16xi32>
    %shift_right_arithmetic3A_271 = arith.constant 1 : i32
    %shift_right_arithmetic3A_272 = vector.broadcast %shift_right_arithmetic3A_271 : i32 to vector<16xi32>
    %shift_right_arithmetic3A_273 = arith.shrsi %bitcast_convert_type3A_270, %shift_right_arithmetic3A_272 : vector<16xi32>
    %add3A_274 = arith.constant 532496253 : i32
    %add3A_275 = vector.broadcast %add3A_274 : i32 to vector<16xi32>
    %add3A_276 = arith.addi %shift_right_arithmetic3A_273, %add3A_275 : vector<16xi32>
    %bitcast_convert_type3A_277 = tpu.bitcast %add3A_276 : vector<16xi32> -> vector<16xf32>
    %div3A_278 = arith.divf %scan3A_126#6, %bitcast_convert_type3A_277 : vector<16xf32>
    %add3A_279 = arith.addf %bitcast_convert_type3A_277, %div3A_278 : vector<16xf32>
    %mul3A_280 = arith.constant 5.000000e-01 : f32
    %mul3A_281 = vector.broadcast %mul3A_280 : f32 to vector<16xf32>
    %mul3A_282 = arith.mulf %mul3A_281, %add3A_279 : vector<16xf32>
    %div3A_283 = arith.divf %scan3A_126#6, %mul3A_282 : vector<16xf32>
    %add3A_284 = arith.addf %mul3A_282, %div3A_283 : vector<16xf32>
    %mul3A_285 = arith.constant 5.000000e-01 : f32
    %mul3A_286 = vector.broadcast %mul3A_285 : f32 to vector<16xf32>
    %mul3A_287 = arith.mulf %mul3A_286, %add3A_284 : vector<16xf32>
    %div3A_288 = arith.divf %scan3A_126#6, %mul3A_287 : vector<16xf32>
    %add3A_289 = arith.addf %mul3A_287, %div3A_288 : vector<16xf32>
    %mul3A_290 = arith.constant 5.000000e-01 : f32
    %mul3A_291 = vector.broadcast %mul3A_290 : f32 to vector<16xf32>
    %mul3A_292 = arith.mulf %mul3A_291, %add3A_289 : vector<16xf32>
    %add3A_293 = arith.addf %add3A_269, %mul3A_292 : vector<16xf32>
    %bitcast_convert_type3A_294 = tpu.bitcast %scan3A_126#7 : vector<16xf32> -> vector<16xi32>
    %shift_right_arithmetic3A_295 = arith.constant 1 : i32
    %shift_right_arithmetic3A_296 = vector.broadcast %shift_right_arithmetic3A_295 : i32 to vector<16xi32>
    %shift_right_arithmetic3A_297 = arith.shrsi %bitcast_convert_type3A_294, %shift_right_arithmetic3A_296 : vector<16xi32>
    %add3A_298 = arith.constant 532496253 : i32
    %add3A_299 = vector.broadcast %add3A_298 : i32 to vector<16xi32>
    %add3A_300 = arith.addi %shift_right_arithmetic3A_297, %add3A_299 : vector<16xi32>
    %bitcast_convert_type3A_301 = tpu.bitcast %add3A_300 : vector<16xi32> -> vector<16xf32>
    %div3A_302 = arith.divf %scan3A_126#7, %bitcast_convert_type3A_301 : vector<16xf32>
    %add3A_303 = arith.addf %bitcast_convert_type3A_301, %div3A_302 : vector<16xf32>
    %mul3A_304 = arith.constant 5.000000e-01 : f32
    %mul3A_305 = vector.broadcast %mul3A_304 : f32 to vector<16xf32>
    %mul3A_306 = arith.mulf %mul3A_305, %add3A_303 : vector<16xf32>
    %div3A_307 = arith.divf %scan3A_126#7, %mul3A_306 : vector<16xf32>
    %add3A_308 = arith.addf %mul3A_306, %div3A_307 : vector<16xf32>
    %mul3A_309 = arith.constant 5.000000e-01 : f32
    %mul3A_310 = vector.broadcast %mul3A_309 : f32 to vector<16xf32>
    %mul3A_311 = arith.mulf %mul3A_310, %add3A_308 : vector<16xf32>
    %div3A_312 = arith.divf %scan3A_126#7, %mul3A_311 : vector<16xf32>
    %add3A_313 = arith.addf %mul3A_311, %div3A_312 : vector<16xf32>
    %mul3A_314 = arith.constant 5.000000e-01 : f32
    %mul3A_315 = vector.broadcast %mul3A_314 : f32 to vector<16xf32>
    %mul3A_316 = arith.mulf %mul3A_315, %add3A_313 : vector<16xf32>
    %add3A_317 = arith.addf %add3A_293, %mul3A_316 : vector<16xf32>
    %swap3A = arith.constant 0 : index
    %swap3A_318 = tpu.vector_load %arg10[%swap3A] {strides = array<i32>} : memref<16xf32, #tpu.memory_space<vmem>>, vector<16xf32>,
    %swap3A_319 = vector.shape_cast %swap3A_318 : vector<16xf32> to vector<16xf32>
    %swap3A_320 = vector.shape_cast %add3A_317 : vector<16xf32> to vector<16xf32>
    tpu.vector_store %arg10[%swap3A], %swap3A_320 {strides = array<i32>} : memref<16xf32, #tpu.memory_space<vmem>>, vector<16xf32>,
    %mul3A_321 = arith.constant 16 : i32
    %mul3A_322 = arith.muli %add3A, %mul3A_321 : i32
    "tpu.region"() ({
      %run_scoped3A = tpu.sem_alloc : memref<!tpu.dma_semaphore, #tpu.memory_space<semaphore_mem>>
      %dma_start3A = tpu.memref_slice %arg3[%mul3A_322] : memref<512xf32, #tpu.memory_space<hbm>> -> memref<16xf32, #tpu.memory_space<hbm>>
      %dma_start3A_323 = tpu.memref_slice %arg3[%mul3A_322] : memref<512xf32, #tpu.memory_space<hbm>> -> memref<16xf32, #tpu.memory_space<hbm>>
      tpu.enqueue_dma source(%arg10 : memref<16xf32, #tpu.memory_space<vmem>>) target(%dma_start3A_323 : memref<16xf32, #tpu.memory_space<hbm>>) target_semaphore(%run_scoped3A : memref<!tpu.dma_semaphore, #tpu.memory_space<semaphore_mem>>)
      %dma_wait3A = tpu.memref_slice %arg3[%mul3A_322] : memref<512xf32, #tpu.memory_space<hbm>> -> memref<16xf32, #tpu.memory_space<hbm>>
      %dma_wait3A_324 = tpu.memref_slice %arg3[%mul3A_322] : memref<512xf32, #tpu.memory_space<hbm>> -> memref<16xf32, #tpu.memory_space<hbm>>
      tpu.wait_dma2 semaphore(%run_scoped3A : memref<!tpu.dma_semaphore, #tpu.memory_space<semaphore_mem>>) src(%arg10 : memref<16xf32, #tpu.memory_space<vmem>>) dst(%dma_wait3A_324 : memref<16xf32, #tpu.memory_space<hbm>>)
      tpu.yield
    }) : () -> ()
    return
  }
}

module attributes {stable_mosaic.version = 14 : i64} {
  func.func @_chamfer_tc(%arg0: i32, %arg1: i32, %arg2: memref<1x512x3xf32, #tpu.memory_space<vmem>>, %arg3: memref<1x3x4096xf32, #tpu.memory_space<vmem>>, %arg4: memref<1x1x6xf32, #tpu.memory_space<smem>>) attributes {dimension_semantics = [#tpu.dimension_semantics<arbitrary>, #tpu.dimension_semantics<arbitrary>], iteration_bounds = array<i64: 4, 6>, scalar_prefetch = 0 : i64, scratch_operands = 0 : i64, tpu.core_type = #tpu.core_type<tc>, window_params = [{transform_indices = @transform_0, window_bounds = array<i64: 1, 512, 3>}, {transform_indices = @transform_1, window_bounds = array<i64: 1, 3, 4096>}, {transform_indices = @transform_2, window_bounds = array<i64: 1, 1, 6>}]} {
    %get3A = arith.constant 0 : index
    %get3A_0 = arith.constant 0 : index
    %get3A_1 = arith.constant 0 : index
    %get3A_2 = vector.load %arg2[%get3A, %get3A_0, %get3A_1] : memref<1x512x3xf32, #tpu.memory_space<vmem>>, vector<1x512x3xf32>
    %get3A_3 = vector.shape_cast %get3A_2 : vector<1x512x3xf32> to vector<512x3xf32>
    %get3A_4 = arith.constant 0 : index
    %get3A_5 = arith.constant 0 : index
    %get3A_6 = arith.constant 0 : index
    %get3A_7 = vector.load %arg3[%get3A_4, %get3A_5, %get3A_6] : memref<1x3x4096xf32, #tpu.memory_space<vmem>>, vector<1x3x4096xf32>
    %get3A_8 = vector.shape_cast %get3A_7 : vector<1x3x4096xf32> to vector<3x4096xf32>
    %mul3A = arith.constant -2.000000e+00 : f32
    %mul3A_9 = vector.broadcast %mul3A : f32 to vector<512x3xf32>
    %mul3A_10 = arith.mulf %get3A_3, %mul3A_9 : vector<512x3xf32>
    %convert_element_type3A = arith.truncf %mul3A_10 : vector<512x3xf32> to vector<512x3xbf16>
    %convert_element_type3A_11 = arith.extf %convert_element_type3A : vector<512x3xbf16> to vector<512x3xf32>
    %sub3A = arith.subf %mul3A_10, %convert_element_type3A_11 : vector<512x3xf32>
    %convert_element_type3A_12 = arith.truncf %sub3A : vector<512x3xf32> to vector<512x3xbf16>
    %convert_element_type3A_13 = arith.truncf %get3A_8 : vector<3x4096xf32> to vector<3x4096xbf16>
    %convert_element_type3A_14 = arith.extf %convert_element_type3A_13 : vector<3x4096xbf16> to vector<3x4096xf32>
    %sub3A_15 = arith.subf %get3A_8, %convert_element_type3A_14 : vector<3x4096xf32>
    %convert_element_type3A_16 = arith.truncf %sub3A_15 : vector<3x4096xf32> to vector<3x4096xbf16>
    %concatenate3A = tpu.concatenate %convert_element_type3A, %convert_element_type3A, %convert_element_type3A_12 in 1 : vector<512x3xbf16>, vector<512x3xbf16>, vector<512x3xbf16> -> vector<512x9xbf16>
    %concatenate3A_17 = tpu.concatenate %convert_element_type3A_13, %convert_element_type3A_16, %convert_element_type3A_13 in 0 : vector<3x4096xbf16>, vector<3x4096xbf16>, vector<3x4096xbf16> -> vector<9x4096xbf16>
    %dot_general3A = arith.constant dense<0.000000e+00> : vector<512x4096xf32>
    %dot_general3A_18 = tpu.matmul %concatenate3A, %concatenate3A_17, %dot_general3A {dimension_numbers = #tpu.dot_dimension_numbers<[1], [0], [0], [1], [0, 0, 1, 1], [], []>, transpose_lhs_hint = false} : vector<512x9xbf16>, vector<9x4096xbf16>, vector<512x4096xf32> -> vector<512x4096xf32>
    %mul3A_19 = arith.mulf %get3A_8, %get3A_8 : vector<3x4096xf32>
    %reduce_sum3A = arith.constant dense<0.000000e+00> : vector<4096xf32>
    %reduce_sum3A_20 = vector.multi_reduction <add>, %mul3A_19, %reduce_sum3A [0] : vector<3x4096xf32> to vector<4096xf32>
    %broadcast_in_dim3A = vector.shape_cast %reduce_sum3A_20 : vector<4096xf32> to vector<1x4096xf32>
    %add3A = vector.broadcast %broadcast_in_dim3A : vector<1x4096xf32> to vector<512x4096xf32>
    %add3A_21 = arith.addf %add3A, %dot_general3A_18 : vector<512x4096xf32>
    %reduce_min3A = arith.constant dense<0x7F800000> : vector<512xf32>
    %reduce_min3A_22 = vector.multi_reduction <minimumf>, %add3A_21, %reduce_min3A [1] : vector<512x4096xf32> to vector<512xf32>
    %mul3A_23 = arith.mulf %get3A_3, %get3A_3 : vector<512x3xf32>
    %reduce_sum3A_24 = arith.constant dense<0.000000e+00> : vector<512xf32>
    %reduce_sum3A_25 = vector.multi_reduction <add>, %mul3A_23, %reduce_sum3A_24 [1] : vector<512x3xf32> to vector<512xf32>
    %add3A_26 = arith.addf %reduce_sum3A_25, %reduce_min3A_22 : vector<512xf32>
    %max3A = arith.constant 0.000000e+00 : f32
    %max3A_27 = vector.broadcast %max3A : f32 to vector<512xf32>
    %max3A_28 = arith.maximumf %add3A_26, %max3A_27 : vector<512xf32>
    %sqrt3A = math.sqrt %max3A_28 : vector<512xf32>
    %reduce_sum3A_29 = vector.shape_cast %sqrt3A : vector<512xf32> to vector<1x512xf32>
    %reduce_sum3A_30 = arith.constant dense<0.000000e+00> : vector<1xf32>
    %reduce_sum3A_31 = vector.multi_reduction <add>, %reduce_sum3A_29, %reduce_sum3A_30 [1] : vector<1x512xf32> to vector<1xf32>
    %reduce_sum3A_32 = vector.shape_cast %reduce_sum3A_31 : vector<1xf32> to vector<1x1xf32>
    %reduce_sum3A_33 = vector.extract %reduce_sum3A_32[0, 0] : f32 from vector<1x1xf32>
    %swap3A = arith.constant 0 : index
    %swap3A_34 = arith.constant 0 : index
    %swap3A_35 = arith.index_cast %arg1 : i32 to index
    %swap3A_36 = memref.load %arg4[%swap3A, %swap3A_34, %swap3A_35] : memref<1x1x6xf32, #tpu.memory_space<smem>>
    memref.store %reduce_sum3A_33, %arg4[%swap3A, %swap3A_34, %swap3A_35] : memref<1x1x6xf32, #tpu.memory_space<smem>>
    return
  }
  func.func @transform_0(%arg0: i32, %arg1: i32) -> (i32, i32, i32) {
    %c0_i32 = arith.constant 0 : i32
    %c0_i32_0 = arith.constant 0 : i32
    return %arg0, %arg1, %c0_i32 : i32, i32, i32
  }
  func.func @transform_1(%arg0: i32, %arg1: i32) -> (i32, i32, i32) {
    %c0_i32 = arith.constant 0 : i32
    %c0_i32_0 = arith.constant 0 : i32
    %c0_i32_1 = arith.constant 0 : i32
    return %arg0, %c0_i32, %c0_i32_0 : i32, i32, i32
  }
  func.func @transform_2(%arg0: i32, %arg1: i32) -> (i32, i32, i32) {
    %c0_i32 = arith.constant 0 : i32
    %c0_i32_0 = arith.constant 0 : i32
    %c0_i32_1 = arith.constant 0 : i32
    return %arg0, %c0_i32, %c0_i32_0 : i32, i32, i32
  }
}

</mosaic_0001>

<sc_bundles>
// kernel: kernel.4.cloned.1.call-start
scs
__scs_entry_jumppad:
0x0: {  	(pc) =	sbr.rel $0x88, $3  }
0x1: {  	(tag) =	ssettag $0x0;
	lr =	simm.s32 $0x1  }
0x2: {  	[smem:$0x3F9F] =	sst lr;
	_ =	strace $0xD0000000  }
0x3: {  	_ = 	snop  }
0x4: {  	_ = 	snop  }
0x5: {  	_ = 	snop  }
0x6: {  	_ = 	snop  }
0x7: {  	_ = 	snop  }
__scs_overlays_trampoline_lowered:
0x8: {  	[smem:$0x3FAE] =	sst s0  }
0x9: {  	[smem:$0x3FAF] =	sst s1  }
0xa: {  	[smem:$0x3FB0] =	sst s2  }
0xb: {  	[smem:$0x3FB1] =	sst s3  }
0xc: {  	[smem:$0x3FB2] =	sst s4  }
0xd: {  	[smem:$0x3FB3] =	sst s5  }
0xe: {  	[smem:$0x3FB4] =	sst s6  }
0xf: {  	[smem:$0x3FB5] =	sst s7  }
0x10: {  	[smem:$0x3FB6] =	sst s8  }
0x11: {  	[smem:$0x3FB7] =	sst s9;
	s0 =	simm.s32 @!p0 $0x0  }
0x12: {  	s1 =	sld [smem:$0x3F9D];
	s0 =	simm.s32 @p0 $0x1  }
0x13: {  	[smem:$0x3FB8] =	sst s0;
	s0 =	simm.s32 @!p1 $0x0  }
0x14: {  	s2 =	sld [smem:$0x3F9C];
	s0 =	simm.s32 @p1 $0x1  }
0x15: {  	[smem:$0x3FB9] =	sst s0;
	s0 =	simm.s32 @!p2 $0x0  }
0x16: {  	s3 =	sld [smem:$0x3FDB];
	s0 =	simm.s32 @p2 $0x1  }
0x17: {  	s4 =	simm.s32 $0x1BF5;
	[smem:$0x3FBB] =	sst s0  }
0x18: {  	s0 =	sld [smem:$0x3F9E];
	_ =	swait.ge [sflag:s4], $0x0  }
0x19: {  	s7 =	sld [smem:$0x3F9F]  }
0x1a: {  	s8 =	sadd.s32 $0xFFFFE003, lr  }
0x1b: {  	s9 =	sadd.s32 $0xFFFFFEF7, lr;
	s5 =	simm.s32 $0xFFFFFFFF;
	p2 =	slt.u32 s8, $0xFFFFF086  }
0x1c: {  	p1 =	slt.u32 s9, $0xF7A;
	s5 =	simm.s32 @!p2 $0x0  }
0x1d: {  	s5 =	simm.s32 @p1 $0x1;
	p0 =	seq.s32 s7, s2  }
0x1e: {  	s7 =	smul.u32 @!p0 $0xF7A, s2;
	p2 =	seq.s32 @!p0 s5, $0x0  }
0x1f: {  	s9 =	smul.u32 $0xF7A, s1;
	s8 =	simm.s32 @!p0 $0x1BF5;
	p2 =	por !p2, p0  }
0x20: {  	[sflag:s8] =	ssyncset.s32 @!p0 $0xFFFFF086;
	s6 =	sadd.s32 @!p0 s3, s7;
	s7 =	simm.s32 @!p0 $0x108  }
0x21: {  	s3 =	sadd.s32 s3, s9;
	s6 =	sadd.s32 @!p0 $0x88, s6;
	s7 =	simm.s32 @p2 $0x1082  }
0x22: {  	[simem:s7], [sflag:s8] =	dma.local @!p0 [hbm:s6], $0xF7A  }
0x23: {  	s9 =	sor.u32 $0xD0000000, s2;
	s6 =	simm.s32 $0x108;
	_ =	swait.ge @!p0 [sflag:s8], $0x0  }
0x24: {  	s3 =	sadd.s32 $0x88, s3;
	s6 =	simm.s32 @!p1 $0x1082;
	[sflag:s4] =	ssyncset.s32 $0xFFFFF086  }
0x25: {  	[simem:s6], [sflag:s4] =	dma.local [hbm:s3], $0xF7A  }
0x26: {  	[smem:$0x3F9F] =	sst s1;
	(tag) =	ssettag s2;
	_ =	strace s9  }
0x27: {  	s1 =	sld [smem:$0x3FAF]  }
0x28: {  	s2 =	sld [smem:$0x3FB0]  }
0x29: {  	s4 =	sld [smem:$0x3FB2]  }
0x2a: {  	p0 =	seq.s32 s5, $0x0;
	s5 =	sld [smem:$0x3FB3]  }
0x2b: {  	s6 =	sld [smem:$0x3FB4]  }
0x2c: {  	s7 =	sld [smem:$0x3FB5]  }
0x2d: {  	s3 =	simm.s32 $0x108;
	s8 =	sld [smem:$0x3FB6]  }
0x2e: {  	s3 =	simm.s32 @!p0 $0x1082;
	s9 =	sld [smem:$0x3FB7]  }
0x2f: {  	lr =	sadd.s32 s0, s3;
	s0 =	sld [smem:$0x3FAE]  }
0x30: {  	s3 =	sld [smem:$0x3FB1]  }
0x31: {  	[smem:$0x3FBA] =	sst s10  }
0x32: {  	s10 =	sld [smem:$0x3FB8];
	_ =	sdelay $0x3  }
0x33: {  	p0 =	seq.s32 s10, $0x1;
	s10 =	sld [smem:$0x3FBA];
	_ =	sdelay $0x3  }
0x34: {  	[smem:$0x3FBA] =	sst s10  }
0x35: {  	s10 =	sld [smem:$0x3FB9];
	_ =	sdelay $0x3  }
0x36: {  	p1 =	seq.s32 s10, $0x1;
	s10 =	sld [smem:$0x3FBA];
	_ =	sdelay $0x3  }
0x37: {  	[smem:$0x3FBA] =	sst s10  }
0x38: {  	s10 =	sld [smem:$0x3FBB]  }
0x39: {  	_ = 	snop;
	(pc) =	sbr.ind lr, $3  }
0x3a: {  	_ = 	snop  }
0x3b: {  	_ = 	snop  }
0x3c: {  	p2 =	seq.s32 s10, $0x1;
	s10 =	sld [smem:$0x3FBA]  }
0x3d: {  	_ =	shalt  }
0x3e: {  	_ =	shalt  }
0x3f: {  	_ =	shalt  }
0x40: {  	_ =	shalt  }
0x41: {  	_ =	shalt  }
0x42: {  	_ =	shalt  }
0x43: {  	_ =	shalt  }
0x44: {  	_ =	shalt  }
0x45: {  	_ =	shalt  }
0x46: {  	_ =	shalt  }
0x47: {  	_ =	shalt  }
0x48: {  	_ =	shalt  }
0x49: {  	_ =	shalt  }
0x4a: {  	_ =	shalt  }
0x4b: {  	_ =	shalt  }
0x4c: {  	_ =	shalt  }
0x4d: {  	_ =	shalt  }
0x4e: {  	_ =	shalt  }
0x4f: {  	_ =	shalt  }
0x50: {  	_ =	shalt  }
0x51: {  	_ =	shalt  }
0x52: {  	_ =	shalt  }
0x53: {  	_ =	shalt  }
0x54: {  	_ =	shalt  }
0x55: {  	_ =	shalt  }
0x56: {  	_ =	shalt  }
0x57: {  	_ =	shalt  }
0x58: {  	_ =	shalt  }
0x59: {  	_ =	shalt  }
0x5a: {  	_ =	shalt  }
0x5b: {  	_ =	shalt  }
0x5c: {  	_ =	shalt  }
0x5d: {  	_ =	shalt  }
0x5e: {  	_ =	shalt  }
0x5f: {  	_ =	shalt  }
0x60: {  	_ =	shalt  }
0x61: {  	_ =	shalt  }
0x62: {  	_ =	shalt  }
0x63: {  	_ =	shalt  }
0x64: {  	_ =	shalt  }
0x65: {  	_ =	shalt  }
0x66: {  	_ =	shalt  }
0x67: {  	_ =	shalt  }
0x68: {  	_ =	shalt  }
0x69: {  	_ =	shalt  }
0x6a: {  	_ =	shalt  }
0x6b: {  	_ =	shalt  }
0x6c: {  	_ =	shalt  }
0x6d: {  	_ =	shalt  }
0x6e: {  	_ =	shalt  }
0x6f: {  	_ =	shalt  }
0x70: {  	_ =	shalt  }
0x71: {  	_ =	shalt  }
0x72: {  	_ =	shalt  }
0x73: {  	_ =	shalt  }
0x74: {  	_ =	shalt  }
0x75: {  	_ =	shalt  }
0x76: {  	_ =	shalt  }
0x77: {  	_ =	shalt  }
0x78: {  	_ =	shalt  }
0x79: {  	_ =	shalt  }
0x7a: {  	_ =	shalt  }
0x7b: {  	_ =	shalt  }
0x7c: {  	_ =	shalt  }
0x7d: {  	_ =	shalt  }
0x7e: {  	_ =	shalt  }
0x7f: {  	_ =	shalt  }
0x80: {  	_ =	shalt  }
0x81: {  	_ =	shalt  }
0x82: {  	_ =	shalt  }
0x83: {  	_ =	shalt  }
0x84: {  	_ =	shalt  }
0x85: {  	_ =	shalt  }
0x86: {  	_ =	shalt  }
0x87: {  	_ =	shalt  }
.Lfunc_end0:
.L_simem_size_0:
called_computation_lowered:
.L_overlay_start_0:
0x88: {  	s2 =	sld [smem:$0x3FD9]  }
0x89: {  	s3 =	sld [smem:$0x3FFE];
	_ =	sdelay $0x1  }
0x8a: {  	s1 =	srdreg.scid  }
0x8b: {  	s0 =	sand.u32 $0x1, s1  }
0x8c: {  	s16 =	sshll.u32 s0, $0xA;
	s2 =	sadd.s32 s3, s2  }
0x8d: {  	s2 =	sadd.s32 s2, s16  }
0x8e: {  	[smem:$0x3FC6] =	sst s2  }
0x8f: {  	_ = 	snop  }
0x90: {  	(tm) =	ssettm $0x1  }
0x91: {  	s17 =	sld [smem:$0x3FFB];
	_ =	sdelay $0x3  }
0x92: {  	_ =	strace s17  }
0x93: {  	s2 =	sld [smem:$0x3FFC];
	_ =	sdelay $0x3  }
0x94: {  	_ =	strace s2  }
0x95: {  	s2 =	sld [smem:$0x3FFD];
	_ =	sdelay $0x3  }
0x96: {  	_ =	strace s2  }
0x97: {  	_ =	strace $0x8FFFFFFF  }
0x98: {  	s18 =	sld [smem:$0x3FDB];
	_ =	sdelay $0x1  }
0x99: {  	s19 =	simm.s32 $_scs_section_size  }
0x9a: {  	s4 =	simm.s32 $_size__tile_overlayer_lowered;
	s5 =	simm.s32 $_tile_overlayer_lowered  }
0x9b: {  	s22 =	simm.s32 $0x1BFF;
	s21 =	sshll.u32 s5, $0x1;
	s2 =	sadd.s32 s19, s18  }
0x9c: {  	s6 =	simm.s32 $0x0;
	s20 =	sshll.u32 s4, $0x1;
	s4 =	sadd.s32 s21, s2  }
0x9d: {  	[timem:s6], [sflag:s22] =	dma.local [hbm:s4], s20  }
0x9e: {  	_ =	swait.ge [sflag:s22], s20  }
0x9f: {  	s3 =	ssub.s32 $0x0, s20;
	[sflag:s22] =	ssyncset.done $0x0  }
0xa0: {  	[sflag:s22] =	ssyncadd.s32 s3;
	_ =	sdelay $0x1  }
0xa1: {  	s23 =	simm.s32 $0x1B8B  }
0xa2: {  	_ =	swait.ge [sflag:s23], $0x1  }
0xa3: {  	[sflag:s23] =	ssyncset.done $0x0  }
0xa4: {  	s25 =	simm.s32 $0x1B8E;
	s24 =	sld [smem:$0x3FFE];
	[sflag:s23] =	ssyncadd.s32 $0xFFFFFFFF  }
0xa5: {  	s26 =	simm.s32 $execute0_lowered;
	[smem:$0x3FD2] =	sst s25  }
0xa6: {  	s4 =	sshll.u32 s26, $0x1;
	_ =	strace $0x80000046;
	[dreg:$0x1] =	wrdreg $0xFFFFFFFF  }
0xa7: {  	s28 =	simm.s32 $_size_execute0_lowered;
	s2 =	sadd.s32 s2, s4;
	[dreg:$0x0] =	wrdreg $0x0  }
0xa8: {  	s4 =	sshll.u32 s28, $0x1;
	[dreg:$0x2] =	wrdreg s2  }
0xa9: {  	[dreg:$0x3] =	wrdreg s4  }
0xaa: {  	[dreg:$0x4] =	wrdreg $0xC0  }
0xab: {  	_ =	task [dreg:s6], $0x5FFFF  }
0xac: {  	[dreg:$0x1] =	wrdreg $0xFFFFFFFF  }
0xad: {  	[dreg:$0x0] =	wrdreg $0x60  }
0xae: {  	[dreg:$0x2] =	wrdreg s24  }
0xaf: {  	[dreg:$0x3] =	wrdreg $0x9  }
0xb0: {  	_ =	task.clear_ibuf [dreg:s6], $0x4FFFF;
	_ =	strace $0x90000046  }
0xb1: {  	s29 =	simm.s32 $0x9;
	_ =	strace $0x80000048  }
0xb2: {  	_ =	swait.ge [sflag:s29], $0x1  }
0xb3: {  	[sflag:s29] =	ssyncadd.s32 $0xFFFFFFFF  }
0xb4: {  	_ =	strace $0x90000048  }
0xb5: {  	_ =	sfence  }
0xb6: {  	s30 =	sld [smem:$0x0];
	_ =	sdelay $0x2  }
0xb7: {  	s31 =	sshll.u32 s1, $0xD;
	s1 =	sshrl.u32 s1, $0x2  }
0xb8: {  	s3 =	sand.u32 $0x4000, s31;
	s1 =	sadd.s32 s1, s30  }
0xb9: {  	s0 =	sor.u32 s3, s0;
	s1 =	sshll.u32 s1, $0x11  }
0xba: {  	s0 =	sor.u32 s1, s0  }
0xbb: {  	s0 =	sadd.s32 $0x8F2B, s0  }
0xbc: {  	[sflag:s0] =	ssyncadd.remote.s32 $0x1  }
0xbd: {  	_ =	sfence.sel $0xFFFF  }
0xbe: {  	[dreg:$0x0] =	wrdreg $0xFFFFFFFF;
	(pc) =	sbr.abs _section_cstart, $3  }
0xbf: {  	[dreg:$0x1] =	wrdreg $0xFFFFFFFF  }
0xc0: {  	_ =	task.clear_ibuf [dreg:s6], $0x2FFFF;
	_ =	strace $0x9FFFFFFF  }
0xc1: {  	(tm) =	ssettm $0x7FFFFFFF  }
tec
execute0_lowered:
.L_overlay_start_1:
0x0: {  	(tag) =	ssettag $0x1  }
0x1: {  	s6 =	rddreg [dreg:$0x0]  }
0x2: {  	s0 =	rddreg [dreg:$0x1]  }
0x3: {  	s2 =	simm.s32 $0x0;
	s3 =	srdreg.scid;
	s1 =	stileid.u32  }
0x4: {  	s12 =	simm.s32 $0x80;
	s13 =	simm.s32 $0x100;
	s14 =	simm.s32 $0x180  }
0x5: {  	s15 =	simm.s32 $0x1180;
	s16 =	simm.s32 $0x2180;
	s17 =	simm.s32 $0x3180  }
0x6: {  	s18 =	simm.s32 $0x0;
	[smem:$0x7FF] =	sst s2;
	s3 =	sand.u32 $0x1, s3  }
0x7: {  	s4 =	sshll.u32 s1, $0x1;
	s5 =	sshrl.u32 s1, $0x2;
	_ =	strace $0x80000047  }
0x8: {  	s4 =	sor.u32 s3, s4;
	s8 =	smul.u32 $0x3000, s5;
	s3 =	ssub.s32 $0x2, s3  }
0x9: {  	s5 =	sxor.u32 $0x1, s5;
	s7 =	sshll.u32 s4, $0x1;
	s4 =	sshll.u32 s4, $0x7  }
0xa: {  	s28 =	sshrl.u32 s3, $0x1;
	s5 =	smul.u32 $0x3000, s5;
	s4 =	sand.u32 $0x380, s4  }
0xb: {  	s9 =	sadd.s32 s7, s6;
	s10 =	ssub.s32 s3, s28;
	s4 =	sor.u32 s8, s4  }
0xc: {  	s11 =	sshrl.u32 s5, $0x3;
	s9 =	sadd.s32 $0x1800, s9;
	s10 =	smax.u32 s10, $0x1  }
0xd: {  	s29 =	sshrl.u32 s4, $0x3;
	s30 =	sadd.s32 $0x1000, s4;
	s4 =	sadd.s32 $0x2000, s4  }
0xe: {  	s3 =	sadd.s32 s6, s29;
	s7 =	sshrl.u32 s30, $0x3;
	s31 =	sshrl.u32 s4, $0x3  }
0xf: {  	s4 =	sadd.s32 s6, s7;
	s5 =	sadd.s32 s6, s31;
	s6 =	sadd.s32 s6, s11  }
0x10: {  	s11 =	simm.s32 $0x1;
	s7 =	sadd.s32 $0x200, s6;
	s8 =	sadd.s32 $0x400, s6  }
.LBB2_1:
0x11: {  	[tilespmem:s2], [sflag:$0x1] =	stream.linear.gather [hbm4b:s3+s2], $0x80, $0x38;
	[tilespmem:$0x3200] =	vst v63  }
0x12: {  	_ =	swait.ge [sflag:s11], $0x80  }
0x13: {  	[sflag:s11] =	ssyncset.done $0x0  }
0x14: {  	[sflag:s11] =	ssyncadd.s32 $0xFFFFFF80  }
0x15: {  	[tilespmem:s12], [sflag:$0x1] =	stream.linear.gather [hbm4b:s4+s2], $0x80, $0x38;
	[tilespmem:$0x3200] =	vst v63  }
0x16: {  	_ =	swait.ge [sflag:s11], $0x80  }
0x17: {  	[sflag:s11] =	ssyncset.done $0x0  }
0x18: {  	[sflag:s11] =	ssyncadd.s32 $0xFFFFFF80  }
0x19: {  	[tilespmem:s13], [sflag:$0x1] =	stream.linear.gather [hbm4b:s5+s2], $0x80, $0x38;
	[tilespmem:$0x3200] =	vst v63  }
0x1a: {  	_ =	swait.ge [sflag:s11], $0x80  }
0x1b: {  	[sflag:s11] =	ssyncset.done $0x0  }
0x1c: {  	[sflag:s11] =	ssyncadd.s32 $0xFFFFFF80  }
0x1d: {  	[tilespmem:s14], [sflag:$0x1] =	stream.linear.gather [hbm4b:s6+s2], $0x1000, $0x38;
	[tilespmem:$0x3200] =	vst v63  }
0x1e: {  	_ =	swait.ge [sflag:s11], $0x1000  }
0x1f: {  	[sflag:s11] =	ssyncset.done $0x0  }
0x20: {  	[sflag:s11] =	ssyncadd.s32 $0xFFFFF000  }
0x21: {  	[tilespmem:s15], [sflag:$0x1] =	stream.linear.gather [hbm4b:s7+s2], $0x1000, $0x38;
	[tilespmem:$0x3200] =	vst v63  }
0x22: {  	_ =	swait.ge [sflag:s11], $0x1000  }
0x23: {  	[sflag:s11] =	ssyncset.done $0x0  }
0x24: {  	[sflag:s11] =	ssyncadd.s32 $0xFFFFF000  }
0x25: {  	[tilespmem:s16], [sflag:$0x1] =	stream.linear.gather [hbm4b:s8+s2], $0x1000, $0x38;
	[tilespmem:$0x3200] =	vst v63  }
0x26: {  	_ =	swait.ge [sflag:s11], $0x1000  }
0x27: {  	[sflag:s11] =	ssyncset.done $0x0  }
0x28: {  	[sflag:s11] =	ssyncadd.s32 $0xFFFFF000  }
0x29: {  	v0 =	vld [tilespmem:$0x0]  }
0x2a: {  	v1 =	vld [tilespmem:$0x80]  }
0x2b: {  	v2 =	vld [tilespmem:$0x100]  }
0x2c: {  	v3 =	vld [tilespmem:$0x10]  }
0x2d: {  	v4 =	vld [tilespmem:$0x90]  }
0x2e: {  	v5 =	vld [tilespmem:$0x110]  }
0x2f: {  	v6 =	vld [tilespmem:$0x20]  }
0x30: {  	v7 =	vld [tilespmem:$0xA0]  }
0x31: {  	v8 =	vld [tilespmem:$0x120]  }
0x32: {  	v9 =	vld [tilespmem:$0x30]  }
0x33: {  	v10 =	vld [tilespmem:$0xB0]  }
0x34: {  	v11 =	vld [tilespmem:$0x130]  }
0x35: {  	v12 =	vld [tilespmem:$0x40]  }
0x36: {  	v13 =	vld [tilespmem:$0xC0]  }
0x37: {  	v14 =	vld [tilespmem:$0x140]  }
0x38: {  	v15 =	vld [tilespmem:$0x50]  }
0x39: {  	v16 =	vld [tilespmem:$0xD0]  }
0x3a: {  	v17 =	vld [tilespmem:$0x150]  }
0x3b: {  	v18 =	vld [tilespmem:$0x60]  }
0x3c: {  	v19 =	vld [tilespmem:$0xE0]  }
0x3d: {  	v20 =	vld [tilespmem:$0x160]  }
0x3e: {  	v27 =	vimm.f32 $3.000000010e+38;
	v28 =	vimm.f32 $3.000000010e+38;
	v21 =	vld [tilespmem:$0x70]  }
0x3f: {  	s19 =	simm.s32 $0xFFFFFFFE;
	v29 =	vimm.f32 $3.000000010e+38;
	v30 =	vimm.f32 $3.000000010e+38;
	v31 =	vimm.f32 $3.000000010e+38;
	s20 =	simm.s32 $0x2190;
	v22 =	vld [tilespmem:$0xF0]  }
0x40: {  	s21 =	simm.s32 $0x1190;
	s22 =	simm.s32 $0x190;
	v32 =	vimm.f32 $3.000000010e+38;
	v33 =	vimm.f32 $3.000000010e+38;
	v34 =	vimm.f32 $3.000000010e+38;
	v23 =	vld [tilespmem:$0x170]  }
.LBB2_2:
0x41: {  	v25 =	vld [tilespmem:s22+$0xFFFFFFF0]  }
0x42: {  	v26 =	vld [tilespmem:s21+$0xFFFFFFF0]  }
0x43: {  	v24 =	vld [tilespmem:s20+$0xFFFFFFF0];
	_ =	sdelay $0x3  }
0x44: {  	v35 =	vbroadcast v25, $0x0  }
0x45: {  	v36 =	vbroadcast v26, $0x0;
	v39 =	vbroadcast v24, $0x0  }
0x46: {  	v37 =	vsub.f32 v0, v35  }
0x47: {  	v38 =	vsub.f32 v1, v36;
	v40 =	vsub.f32 v2, v39  }
0x48: {  	v41 =	vsub.f32 v3, v35;
	v42 =	vsub.f32 v4, v36  }
0x49: {  	v57 =	vsub.f32 v5, v39;
	v43 =	vsub.f32 v6, v35  }
0x4a: {  	v47 =	vbroadcast v26, $0x1;
	v44 =	vsub.f32 v7, v36;
	v59 =	vsub.f32 v8, v39  }
0x4b: {  	v62 =	vsub.f32 v9, v35;
	v45 =	vsub.f32 v10, v36;
	v37 =	vmul.f32 v37, v37  }
0x4c: {  	v48 =	vsub.f32 v11, v39;
	v38 =	vmul.f32 v38, v38;
	v56 =	vmul.f32 v40, v40  }
0x4d: {  	v51 =	vsub.f32 v12, v35;
	v41 =	vmul.f32 v41, v41;
	v42 =	vmul.f32 v42, v42  }
0x4e: {  	v46 =	vsub.f32 v13, v36;
	v40 =	vmul.f32 v57, v57;
	v60 =	vmul.f32 v43, v43  }
0x4f: {  	v53 =	vsub.f32 v14, v39;
	v61 =	vmul.f32 v44, v44;
	v49 =	vmul.f32 v62, v62  }
0x50: {  	v50 =	vmul.f32 v45, v45;
	v54 =	vmul.f32 v51, v51;
	v57 =	vsub.f32 v16, v36  }
0x51: {  	v55 =	vmul.f32 v46, v46;
	v62 =	vsub.f32 v19, v36;
	v36 =	vsub.f32 v22, v36  }
0x52: {  	v43 =	vmul.f32 v53, v53;
	v37 =	vadd.f32 v38, v37;
	v58 =	vadd.f32 v42, v41  }
0x53: {  	v63 =	vadd.f32 v61, v60;
	v41 =	vmul.f32 v59, v59;
	v52 =	vadd.f32 v50, v49  }
0x54: {  	v42 =	vmul.f32 v48, v48;
	v59 =	vsub.f32 v17, v39;
	v61 =	vsub.f32 v18, v35  }
0x55: {  	v53 =	vmul.f32 v62, v62;
	v48 =	vsub.f32 v1, v47;
	v62 =	vsub.f32 v7, v47  }
0x56: {  	v46 =	vbroadcast v25, $0x1;
	v37 =	vadd.f32 v56, v37;
	v38 =	vadd.f32 v40, v58  }
0x57: {  	v60 =	vmul.f32 v57, v57;
	v40 =	vadd.f32 v41, v63;
	v56 =	vsub.f32 v15, v35  }
0x58: {  	v36 =	vmul.f32 v36, v36;
	v41 =	vadd.f32 v42, v52;
	v58 =	vadd.f32 v55, v54  }
0x59: {  	v63 =	vmul.f32 v59, v59;
	v52 =	vsub.f32 v20, v39;
	v35 =	vsub.f32 v21, v35  }
0x5a: {  	v54 =	vsub.f32 v0, v46;
	v39 =	vsub.f32 v23, v39;
	v34 =	vmin.f32 v34, v37  }
0x5b: {  	v37 =	vmul.f32 v56, v56;
	v33 =	vmin.f32 v33, v38;
	v38 =	vmul.f32 v61, v61  }
0x5c: {  	v59 =	vsub.f32 v3, v46;
	v44 =	vmul.f32 v52, v52;
	v35 =	vmul.f32 v35, v35  }
0x5d: {  	v42 =	vadd.f32 v43, v58;
	v43 =	vbroadcast v24, $0x1;
	v55 =	vmul.f32 v54, v54  }
0x5e: {  	v31 =	vmin.f32 v31, v41;
	v61 =	vsub.f32 v6, v46;
	v52 =	vsub.f32 v9, v46  }
0x5f: {  	v41 =	vmul.f32 v59, v59;
	v54 =	vsub.f32 v12, v46;
	v59 =	vsub.f32 v16, v47  }
0x60: {  	v56 =	vmul.f32 v48, v48;
	v37 =	vadd.f32 v60, v37;
	v38 =	vadd.f32 v53, v38  }
0x61: {  	v45 =	vmul.f32 v62, v62;
	v35 =	vadd.f32 v36, v35;
	v57 =	vsub.f32 v2, v43  }
0x62: {  	v32 =	vmin.f32 v32, v40;
	v58 =	vadd.f32 v56, v55;
	v60 =	vsub.f32 v4, v47  }
0x63: {  	v39 =	vmul.f32 v39, v39;
	v49 =	vsub.f32 v8, v43;
	v53 =	vsub.f32 v10, v47  }
0x64: {  	v30 =	vmin.f32 v30, v42;
	v55 =	vsub.f32 v11, v43;
	v56 =	vsub.f32 v13, v47  }
0x65: {  	v40 =	vmul.f32 v54, v54;
	v37 =	vadd.f32 v63, v37;
	v38 =	vadd.f32 v44, v38  }
0x66: {  	v63 =	vsub.f32 v5, v43;
	v42 =	vmul.f32 v60, v60;
	v44 =	vmul.f32 v61, v61  }
0x67: {  	v36 =	vmul.f32 v57, v57;
	v35 =	vadd.f32 v39, v35;
	v51 =	vmul.f32 v49, v49  }
0x68: {  	v39 =	vmul.f32 v52, v52;
	v57 =	vsub.f32 v14, v43;
	v60 =	vmul.f32 v55, v55  }
0x69: {  	v52 =	vsub.f32 v21, v46;
	v41 =	vadd.f32 v42, v41;
	v48 =	vmul.f32 v63, v63  }
0x6a: {  	v50 =	vadd.f32 v45, v44;
	v29 =	vmin.f32 v29, v37;
	v36 =	vadd.f32 v36, v58  }
0x6b: {  	v28 =	vmin.f32 v28, v38;
	v27 =	vmin.f32 v27, v35;
	v35 =	vmul.f32 v53, v53  }
0x6c: {  	v42 =	vmul.f32 v56, v56;
	v58 =	vsub.f32 v15, v46;
	v61 =	vmul.f32 v57, v57  }
0x6d: {  	v63 =	vmul.f32 v59, v59;
	v53 =	vsub.f32 v22, v47;
	v56 =	vsub.f32 v20, v43  }
0x6e: {  	v44 =	vbroadcast v26, $0x2;
	v57 =	vsub.f32 v23, v43;
	v37 =	vadd.f32 v48, v41  }
0x6f: {  	v45 =	vbroadcast v24, $0x2;
	v38 =	vadd.f32 v51, v50;
	v35 =	vadd.f32 v35, v39  }
0x70: {  	v40 =	vadd.f32 v42, v40;
	v62 =	vmul.f32 v58, v58;
	v48 =	vsub.f32 v17, v43  }
0x71: {  	v34 =	vmin.f32 v34, v36;
	v50 =	vsub.f32 v18, v46;
	v51 =	vsub.f32 v19, v47  }
0x72: {  	v42 =	vmul.f32 v53, v53;
	v59 =	vsub.f32 v1, v44;
	v41 =	vmul.f32 v56, v56  }
0x73: {  	v56 =	vsub.f32 v7, v44;
	v35 =	vadd.f32 v60, v35;
	v33 =	vmin.f32 v33, v37  }
0x74: {  	v37 =	vadd.f32 v61, v40;
	v49 =	vadd.f32 v63, v62;
	v36 =	vmul.f32 v48, v48  }
0x75: {  	v32 =	vmin.f32 v32, v38;
	v54 =	vmul.f32 v50, v50;
	v55 =	vmul.f32 v51, v51  }
0x76: {  	v38 =	vmul.f32 v52, v52;
	v61 =	vsub.f32 v4, v44;
	v62 =	vsub.f32 v2, v45  }
0x77: {  	v43 =	vmul.f32 v59, v59;
	v63 =	vsub.f32 v5, v45;
	v59 =	vsub.f32 v10, v44  }
0x78: {  	v40 =	vbroadcast v25, $0x2;
	v51 =	vsub.f32 v22, v44;
	v36 =	vadd.f32 v36, v49  }
0x79: {  	v39 =	vadd.f32 v55, v54;
	v31 =	vmin.f32 v31, v35;
	v38 =	vadd.f32 v42, v38  }
0x7a: {  	v58 =	vsub.f32 v0, v40;
	v60 =	vsub.f32 v3, v40;
	v47 =	vmul.f32 v61, v61  }
0x7b: {  	v35 =	vmul.f32 v57, v57;
	v52 =	vmul.f32 v62, v62;
	v55 =	vsub.f32 v6, v40  }
0x7c: {  	v54 =	vmul.f32 v63, v63;
	v57 =	vsub.f32 v8, v45;
	v61 =	vsub.f32 v13, v44  }
0x7d: {  	v30 =	vmin.f32 v30, v37;
	v62 =	vsub.f32 v11, v45;
	v63 =	vsub.f32 v14, v45  }
0x7e: {  	v50 =	vsub.f32 v21, v40;
	v42 =	vmul.f32 v58, v58;
	v46 =	vmul.f32 v60, v60  }
0x7f: {  	v39 =	vadd.f32 v41, v39;
	v35 =	vadd.f32 v35, v38;
	v29 =	vmin.f32 v29, v36  }
0x80: {  	v38 =	vmul.f32 v55, v55;
	v58 =	vsub.f32 v9, v40;
	v60 =	vsub.f32 v12, v40  }
0x81: {  	v41 =	vbroadcast v25, $0x3;
	v42 =	vadd.f32 v43, v42;
	v53 =	vadd.f32 v47, v46  }
0x82: {  	v28 =	vmin.f32 v28, v39;
	v39 =	vmul.f32 v56, v56;
	v43 =	vmul.f32 v59, v59  }
0x83: {  	v46 =	vmul.f32 v60, v60;
	v47 =	vmul.f32 v61, v61;
	v60 =	vsub.f32 v15, v40  }
0x84: {  	v56 =	vmul.f32 v63, v63;
	v61 =	vsub.f32 v16, v44;
	v63 =	vsub.f32 v19, v44  }
0x85: {  	v27 =	vmin.f32 v27, v35;
	v37 =	vadd.f32 v52, v42;
	v36 =	vadd.f32 v54, v53  }
0x86: {  	v42 =	vmul.f32 v58, v58;
	v38 =	vadd.f32 v39, v38;
	v52 =	vmul.f32 v57, v57  }
0x87: {  	v54 =	vmul.f32 v62, v62;
	v55 =	vadd.f32 v47, v46;
	v62 =	vsub.f32 v18, v40  }
0x88: {  	v46 =	vsub.f32 v17, v45;
	v35 =	vmul.f32 v60, v60;
	v47 =	vsub.f32 v20, v45  }
0x89: {  	v39 =	vmul.f32 v63, v63;
	v45 =	vsub.f32 v23, v45;
	v53 =	vadd.f32 v43, v42  }
0x8a: {  	v34 =	vmin.f32 v34, v37;
	v57 =	vadd.f32 v52, v38;
	v38 =	vmul.f32 v61, v61  }
0x8b: {  	v33 =	vmin.f32 v33, v36;
	v36 =	vmul.f32 v62, v62;
	v48 =	vmul.f32 v46, v46  }
0x8c: {  	v59 =	vadd.f32 v56, v55;
	v49 =	vmul.f32 v47, v47;
	v42 =	vbroadcast v26, $0x3  }
0x8d: {  	v52 =	vmul.f32 v50, v50;
	v43 =	vbroadcast v24, $0x3;
	v56 =	vsub.f32 v3, v41  }
0x8e: {  	v62 =	vsub.f32 v6, v41;
	v58 =	vadd.f32 v54, v53;
	v32 =	vmin.f32 v32, v57  }
0x8f: {  	v30 =	vmin.f32 v30, v59;
	v35 =	vadd.f32 v38, v35;
	v36 =	vadd.f32 v39, v36  }
0x90: {  	v53 =	vmul.f32 v51, v51;
	v54 =	vsub.f32 v0, v41;
	v55 =	vsub.f32 v1, v42  }
0x91: {  	v57 =	vsub.f32 v4, v42;
	v44 =	vmul.f32 v56, v56;
	v59 =	vmul.f32 v45, v45  }
0x92: {  	v60 =	vsub.f32 v5, v43;
	v63 =	vsub.f32 v7, v42;
	v51 =	vmul.f32 v62, v62  }
0x93: {  	v56 =	vsub.f32 v11, v43;
	v62 =	vsub.f32 v16, v42;
	v31 =	vmin.f32 v31, v58  }
0x94: {  	v35 =	vadd.f32 v48, v35;
	v36 =	vadd.f32 v49, v36;
	v39 =	vmul.f32 v54, v54  }
0x95: {  	v40 =	vmul.f32 v55, v55;
	v58 =	vsub.f32 v2, v43;
	v46 =	vmul.f32 v57, v57  }
0x96: {  	v37 =	vadd.f32 v53, v52;
	v45 =	vmul.f32 v60, v60;
	v53 =	vsub.f32 v9, v41  }
0x97: {  	v52 =	vmul.f32 v63, v63;
	v54 =	vsub.f32 v10, v42;
	v55 =	vsub.f32 v8, v43  }
0x98: {  	v57 =	vsub.f32 v12, v41;
	v39 =	vadd.f32 v40, v39;
	v61 =	vmul.f32 v58, v58  }
0x99: {  	v44 =	vadd.f32 v46, v44;
	v29 =	vmin.f32 v29, v35;
	v48 =	vadd.f32 v59, v37  }
0x9a: {  	v28 =	vmin.f32 v28, v36;
	v36 =	vmul.f32 v53, v53;
	v58 =	vsub.f32 v13, v42  }
0x9b: {  	v35 =	vmul.f32 v55, v55;
	v40 =	vmul.f32 v56, v56;
	v59 =	vsub.f32 v14, v43  }
0x9c: {  	v37 =	vmul.f32 v57, v57;
	v46 =	vsub.f32 v17, v43;
	v49 =	vadd.f32 v61, v39  }
0x9d: {  	v50 =	vadd.f32 v45, v44;
	v27 =	vmin.f32 v27, v48;
	v39 =	vadd.f32 v52, v51  }
0x9e: {  	v44 =	vmul.f32 v54, v54;
	v45 =	vmul.f32 v58, v58;
	v61 =	vsub.f32 v15, v41  }
0x9f: {  	v60 =	vmul.f32 v59, v59;
	v48 =	vsub.f32 v18, v41;
	v41 =	vsub.f32 v21, v41  }
0xa0: {  	v52 =	vsub.f32 v20, v43;
	v43 =	vsub.f32 v23, v43;
	v34 =	vmin.f32 v34, v49  }
0xa1: {  	v36 =	vadd.f32 v44, v36;
	v33 =	vmin.f32 v33, v50;
	v35 =	vadd.f32 v35, v39  }
0xa2: {  	v37 =	vadd.f32 v45, v37;
	v47 =	vmul.f32 v61, v61;
	v50 =	vmul.f32 v48, v48  }
0xa3: {  	v49 =	vsub.f32 v19, v42;
	v41 =	vmul.f32 v41, v41;
	v44 =	vbroadcast v25, $0x4  }
0xa4: {  	v42 =	vsub.f32 v22, v42;
	v45 =	vbroadcast v26, $0x4;
	v53 =	vmul.f32 v52, v52  }
0xa5: {  	v55 =	vmul.f32 v43, v43;
	v36 =	vadd.f32 v40, v36;
	v32 =	vmin.f32 v32, v35  }
0xa6: {  	v63 =	vadd.f32 v60, v37;
	v35 =	vmul.f32 v62, v62;
	v56 =	vsub.f32 v0, v44  }
0xa7: {  	v51 =	vmul.f32 v49, v49;
	v57 =	vsub.f32 v1, v45;
	v62 =	vsub.f32 v3, v44  }
0xa8: {  	v42 =	vmul.f32 v42, v42;
	v48 =	vsub.f32 v6, v44;
	v49 =	vsub.f32 v7, v45  }
0xa9: {  	v37 =	vmul.f32 v46, v46;
	v52 =	vsub.f32 v9, v44;
	v35 =	vadd.f32 v35, v47  }
0xaa: {  	v31 =	vmin.f32 v31, v36;
	v38 =	vadd.f32 v51, v50;
	v54 =	vadd.f32 v42, v41  }
0xab: {  	v60 =	vmul.f32 v56, v56;
	v61 =	vmul.f32 v57, v57;
	v30 =	vmin.f32 v30, v63  }
0xac: {  	v63 =	vsub.f32 v4, v45;
	v36 =	vmul.f32 v62, v62;
	v43 =	vmul.f32 v49, v49  }
0xad: {  	v56 =	vmul.f32 v52, v52;
	v57 =	vsub.f32 v12, v44;
	v35 =	vadd.f32 v37, v35  }
0xae: {  	v58 =	vadd.f32 v53, v38;
	v38 =	vbroadcast v24, $0x4;
	v59 =	vadd.f32 v55, v54  }
0xaf: {  	v40 =	vadd.f32 v61, v60;
	v42 =	vmul.f32 v63, v63;
	v37 =	vmul.f32 v48, v48  }
0xb0: {  	v53 =	vsub.f32 v10, v45;
	v60 =	vsub.f32 v16, v45;
	v61 =	vmul.f32 v57, v57  }
0xb1: {  	v57 =	vsub.f32 v22, v45;
	v29 =	vmin.f32 v29, v35;
	v46 =	vsub.f32 v2, v38  }
0xb2: {  	v47 =	vsub.f32 v5, v38;
	v28 =	vmin.f32 v28, v58;
	v36 =	vadd.f32 v42, v36  }
0xb3: {  	v50 =	vsub.f32 v8, v38;
	v27 =	vmin.f32 v27, v59;
	v37 =	vadd.f32 v43, v37  }
0xb4: {  	v55 =	vsub.f32 v11, v38;
	v58 =	vsub.f32 v13, v45;
	v43 =	vmul.f32 v60, v60  }
0xb5: {  	v59 =	vsub.f32 v15, v44;
	v35 =	vmul.f32 v46, v46;
	v41 =	vmul.f32 v47, v47  }
0xb6: {  	v63 =	vsub.f32 v14, v38;
	v51 =	vmul.f32 v50, v50;
	v62 =	vmul.f32 v58, v58  }
0xb7: {  	v42 =	vmul.f32 v59, v59;
	v46 =	vsub.f32 v17, v38;
	v50 =	vsub.f32 v18, v44  }
0xb8: {  	v48 =	vmul.f32 v63, v63;
	v35 =	vadd.f32 v35, v40;
	v36 =	vadd.f32 v41, v36  }
0xb9: {  	v54 =	vadd.f32 v51, v37;
	v37 =	vmul.f32 v55, v55;
	v47 =	vadd.f32 v62, v61  }
0xba: {  	v49 =	vadd.f32 v43, v42;
	v40 =	vbroadcast v25, $0x5;
	v43 =	vbroadcast v26, $0x5  }
0xbb: {  	v51 =	vsub.f32 v19, v45;
	v42 =	vmul.f32 v57, v57;
	v45 =	vbroadcast v25, $0x6  }
0xbc: {  	v34 =	vmin.f32 v34, v35;
	v33 =	vmin.f32 v33, v36;
	v35 =	vmul.f32 v53, v53  }
0xbd: {  	v32 =	vmin.f32 v32, v54;
	v36 =	vmul.f32 v46, v46;
	v52 =	vadd.f32 v48, v47  }
0xbe: {  	v53 =	vsub.f32 v20, v38;
	v54 =	vmul.f32 v50, v50;
	v38 =	vsub.f32 v23, v38  }
0xbf: {  	v55 =	vmul.f32 v51, v51;
	v58 =	vsub.f32 v0, v40;
	v59 =	vsub.f32 v1, v43  }
0xc0: {  	v46 =	vbroadcast v24, $0x5;
	v48 =	vsub.f32 v3, v40;
	v35 =	vadd.f32 v35, v56  }
0xc1: {  	v47 =	vbroadcast v26, $0x6;
	v36 =	vadd.f32 v36, v49;
	v56 =	vsub.f32 v21, v44  }
0xc2: {  	v39 =	vadd.f32 v55, v54;
	v38 =	vmul.f32 v38, v38;
	v61 =	vsub.f32 v2, v46  }
0xc3: {  	v62 =	vmul.f32 v58, v58;
	v49 =	vsub.f32 v4, v43;
	v51 =	vsub.f32 v5, v46  }
0xc4: {  	v63 =	vmul.f32 v59, v59;
	v54 =	vsub.f32 v7, v43;
	v58 =	vsub.f32 v9, v40  }
0xc5: {  	v30 =	vmin.f32 v30, v52;
	v59 =	vsub.f32 v10, v43;
	v35 =	vadd.f32 v37, v35  }
0xc6: {  	v37 =	vmul.f32 v53, v53;
	v41 =	vmul.f32 v56, v56;
	v50 =	vadd.f32 v63, v62  }
0xc7: {  	v52 =	vmul.f32 v49, v49;
	v29 =	vmin.f32 v29, v36;
	v53 =	vsub.f32 v6, v40  }
0xc8: {  	v55 =	vmul.f32 v51, v51;
	v56 =	vsub.f32 v8, v46;
	v57 =	vmul.f32 v54, v54  }
0xc9: {  	v62 =	vmul.f32 v59, v59;
	v63 =	vsub.f32 v12, v40;
	v31 =	vmin.f32 v31, v35  }
0xca: {  	v37 =	vadd.f32 v37, v39;
	v60 =	vadd.f32 v42, v41;
	v41 =	vmul.f32 v61, v61  }
0xcb: {  	v35 =	vmul.f32 v48, v48;
	v61 =	vsub.f32 v11, v46;
	v48 =	vsub.f32 v13, v43  }
0xcc: {  	v36 =	vmul.f32 v53, v53;
	v53 =	vsub.f32 v16, v43;
	v38 =	vadd.f32 v38, v60  }
0xcd: {  	v39 =	vadd.f32 v41, v50;
	v35 =	vadd.f32 v52, v35;
	v28 =	vmin.f32 v28, v37  }
0xce: {  	v36 =	vadd.f32 v57, v36;
	v60 =	vmul.f32 v56, v56;
	v37 =	vmul.f32 v58, v58  }
0xcf: {  	v49 =	vmul.f32 v61, v61;
	v50 =	vsub.f32 v14, v46;
	v52 =	vsub.f32 v15, v40  }
0xd0: {  	v51 =	vmul.f32 v48, v48;
	v57 =	vsub.f32 v18, v40;
	v58 =	vsub.f32 v19, v43  }
0xd1: {  	v56 =	vmul.f32 v53, v53;
	v40 =	vsub.f32 v21, v40;
	v43 =	vsub.f32 v22, v43  }
0xd2: {  	v35 =	vadd.f32 v55, v35;
	v27 =	vmin.f32 v27, v38;
	v36 =	vadd.f32 v60, v36  }
0xd3: {  	v37 =	vadd.f32 v62, v37;
	v38 =	vmul.f32 v63, v63;
	v34 =	vmin.f32 v34, v39  }
0xd4: {  	v54 =	vmul.f32 v50, v50;
	v55 =	vsub.f32 v17, v46;
	v39 =	vmul.f32 v52, v52  }
0xd5: {  	v60 =	vsub.f32 v20, v46;
	v61 =	vmul.f32 v58, v58;
	v40 =	vmul.f32 v40, v40  }
0xd6: {  	v62 =	vsub.f32 v0, v45;
	v63 =	vsub.f32 v1, v47;
	v52 =	vmul.f32 v43, v43  }
0xd7: {  	v43 =	vbroadcast v24, $0x6;
	v58 =	vsub.f32 v3, v45;
	v37 =	vadd.f32 v49, v37  }
0xd8: {  	v38 =	vadd.f32 v51, v38;
	v33 =	vmin.f32 v33, v35;
	v39 =	vadd.f32 v56, v39  }
0xd9: {  	v59 =	vmul.f32 v55, v55;
	v35 =	vmul.f32 v57, v57;
	v55 =	vsub.f32 v23, v46  }
0xda: {  	v42 =	vmul.f32 v60, v60;
	v40 =	vadd.f32 v52, v40;
	v56 =	vsub.f32 v2, v43  }
0xdb: {  	v53 =	vmul.f32 v62, v62;
	v60 =	vsub.f32 v6, v45;
	v62 =	vsub.f32 v5, v43  }
0xdc: {  	v52 =	vsub.f32 v9, v45;
	v38 =	vadd.f32 v54, v38  }
0xdd: {  	v32 =	vmin.f32 v32, v36;
	v35 =	vadd.f32 v61, v35;
	v39 =	vadd.f32 v59, v39  }
0xde: {  	v54 =	vmul.f32 v63, v63;
	v31 =	vmin.f32 v31, v37;
	v59 =	vsub.f32 v4, v47  }
0xdf: {  	v36 =	vmul.f32 v55, v55;
	v61 =	vsub.f32 v7, v47;
	v63 =	vsub.f32 v8, v43  }
0xe0: {  	v44 =	vmul.f32 v60, v60;
	v37 =	vmul.f32 v56, v56;
	v55 =	vsub.f32 v11, v43  }
0xe1: {  	v48 =	vmul.f32 v62, v62;
	v56 =	vsub.f32 v13, v47;
	v35 =	vadd.f32 v42, v35  }
0xe2: {  	v57 =	vadd.f32 v54, v53;
	v30 =	vmin.f32 v30, v38;
	v38 =	vmul.f32 v58, v58  }
0xe3: {  	v42 =	vmul.f32 v59, v59;
	v46 =	vmul.f32 v61, v61;
	v36 =	vadd.f32 v36, v40  }
0xe4: {  	v51 =	vmul.f32 v63, v63;
	v53 =	vsub.f32 v10, v47;
	v54 =	vsub.f32 v12, v45  }
0xe5: {  	v29 =	vmin.f32 v29, v39;
	v58 =	vsub.f32 v15, v45;
	v59 =	vsub.f32 v16, v47  }
0xe6: {  	v39 =	vmul.f32 v52, v52;
	v52 =	vsub.f32 v21, v45;
	v38 =	vadd.f32 v42, v38  }
0xe7: {  	v60 =	vmul.f32 v55, v55;
	v50 =	vadd.f32 v46, v44;
	v37 =	vadd.f32 v37, v57  }
0xe8: {  	v28 =	vmin.f32 v28, v35;
	v27 =	vmin.f32 v27, v36;
	v36 =	vmul.f32 v53, v53  }
0xe9: {  	v57 =	vsub.f32 v14, v43;
	v40 =	vmul.f32 v54, v54;
	v42 =	vmul.f32 v56, v56  }
0xea: {  	v62 =	vmul.f32 v58, v58;
	v53 =	vsub.f32 v22, v47;
	v56 =	vsub.f32 v20, v43  }
0xeb: {  	v63 =	vmul.f32 v59, v59;
	v38 =	vadd.f32 v48, v38;
	v35 =	vadd.f32 v51, v50  }
0xec: {  	v44 =	vbroadcast v26, $0x7;
	v36 =	vadd.f32 v36, v39;
	v40 =	vadd.f32 v42, v40  }
0xed: {  	v61 =	vmul.f32 v57, v57;
	v48 =	vsub.f32 v17, v43;
	v49 =	vadd.f32 v63, v62  }
0xee: {  	v34 =	vmin.f32 v34, v37;
	v50 =	vsub.f32 v18, v45;
	v51 =	vsub.f32 v19, v47  }
0xef: {  	v42 =	vmul.f32 v53, v53;
	v57 =	vsub.f32 v23, v43;
	v59 =	vsub.f32 v1, v44  }
0xf0: {  	v45 =	vbroadcast v24, $0x7;
	v41 =	vmul.f32 v56, v56;
	v56 =	vsub.f32 v7, v44  }
0xf1: {  	v36 =	vadd.f32 v60, v36;
	v33 =	vmin.f32 v33, v38;
	v38 =	vadd.f32 v61, v40  }
0xf2: {  	v37 =	vmul.f32 v48, v48;
	v32 =	vmin.f32 v32, v35;
	v54 =	vmul.f32 v50, v50  }
0xf3: {  	v55 =	vmul.f32 v51, v51;
	v35 =	vmul.f32 v52, v52;
	v61 =	vsub.f32 v4, v44  }
0xf4: {  	v40 =	vbroadcast v25, $0x7;
	v62 =	vsub.f32 v2, v45;
	v63 =	vsub.f32 v5, v45  }
0xf5: {  	v43 =	vmul.f32 v59, v59;
	v59 =	vsub.f32 v10, v44;
	v51 =	vsub.f32 v22, v44  }
0xf6: {  	v37 =	vadd.f32 v37, v49;
	v39 =	vadd.f32 v55, v54  }
0xf7: {  	v31 =	vmin.f32 v31, v36;
	v35 =	vadd.f32 v42, v35;
	v58 =	vsub.f32 v0, v40  }
0xf8: {  	v60 =	vsub.f32 v3, v40;
	v47 =	vmul.f32 v61, v61;
	v36 =	vmul.f32 v57, v57  }
0xf9: {  	v52 =	vmul.f32 v62, v62;
	v55 =	vsub.f32 v6, v40;
	v57 =	vsub.f32 v8, v45  }
0xfa: {  	v54 =	vmul.f32 v63, v63;
	v61 =	vsub.f32 v13, v44;
	v62 =	vsub.f32 v11, v45  }
0xfb: {  	v30 =	vmin.f32 v30, v38;
	v63 =	vsub.f32 v14, v45;
	v50 =	vsub.f32 v21, v40  }
0xfc: {  	v42 =	vmul.f32 v58, v58;
	v46 =	vmul.f32 v60, v60;
	v39 =	vadd.f32 v41, v39  }
0xfd: {  	v35 =	vadd.f32 v36, v35;
	v29 =	vmin.f32 v29, v37;
	v38 =	vmul.f32 v55, v55  }
0xfe: {  	v58 =	vsub.f32 v9, v40;
	v60 =	vsub.f32 v12, v40;
	v41 =	vbroadcast v25, $0x8  }
0xff: {  	v42 =	vadd.f32 v43, v42;
	v28 =	vmin.f32 v28, v39;
	v39 =	vmul.f32 v56, v56  }
0x100: {  	v53 =	vadd.f32 v47, v46;
	v43 =	vmul.f32 v59, v59;
	v46 =	vmul.f32 v60, v60  }
0x101: {  	v47 =	vmul.f32 v61, v61;
	v56 =	vmul.f32 v63, v63;
	v60 =	vsub.f32 v15, v40  }
0x102: {  	v27 =	vmin.f32 v27, v35;
	v61 =	vsub.f32 v16, v44;
	v63 =	vsub.f32 v19, v44  }
0x103: {  	v36 =	vadd.f32 v52, v42;
	v37 =	vadd.f32 v54, v53;
	v42 =	vmul.f32 v58, v58  }
0x104: {  	v38 =	vadd.f32 v39, v38;
	v52 =	vmul.f32 v57, v57;
	v55 =	vadd.f32 v47, v46  }
0x105: {  	v54 =	vmul.f32 v62, v62;
	v62 =	vsub.f32 v18, v40;
	v46 =	vsub.f32 v17, v45  }
0x106: {  	v35 =	vmul.f32 v60, v60;
	v47 =	vsub.f32 v20, v45;
	v39 =	vmul.f32 v63, v63  }
0x107: {  	v45 =	vsub.f32 v23, v45;
	v53 =	vadd.f32 v43, v42;
	v34 =	vmin.f32 v34, v36  }
0x108: {  	v57 =	vadd.f32 v52, v38;
	v38 =	vmul.f32 v61, v61;
	v36 =	vmul.f32 v62, v62  }
0x109: {  	v33 =	vmin.f32 v33, v37;
	v48 =	vmul.f32 v46, v46;
	v49 =	vmul.f32 v47, v47  }
0x10a: {  	v59 =	vadd.f32 v56, v55;
	v42 =	vbroadcast v26, $0x8;
	v52 =	vmul.f32 v50, v50  }
0x10b: {  	v43 =	vbroadcast v24, $0x8;
	v56 =	vsub.f32 v3, v41;
	v62 =	vsub.f32 v6, v41  }
0x10c: {  	v58 =	vadd.f32 v54, v53;
	v32 =	vmin.f32 v32, v57;
	v35 =	vadd.f32 v38, v35  }
0x10d: {  	v30 =	vmin.f32 v30, v59;
	v36 =	vadd.f32 v39, v36;
	v54 =	vsub.f32 v0, v41  }
0x10e: {  	v53 =	vmul.f32 v51, v51;
	v55 =	vsub.f32 v1, v42;
	v57 =	vsub.f32 v4, v42  }
0x10f: {  	v44 =	vmul.f32 v56, v56;
	v59 =	vmul.f32 v45, v45;
	v60 =	vsub.f32 v5, v43  }
0x110: {  	v63 =	vsub.f32 v7, v42;
	v51 =	vmul.f32 v62, v62;
	v56 =	vsub.f32 v11, v43  }
0x111: {  	v62 =	vsub.f32 v16, v42;
	v31 =	vmin.f32 v31, v58;
	v35 =	vadd.f32 v48, v35  }
0x112: {  	v36 =	vadd.f32 v49, v36;
	v39 =	vmul.f32 v54, v54;
	v40 =	vmul.f32 v55, v55  }
0x113: {  	v58 =	vsub.f32 v2, v43;
	v46 =	vmul.f32 v57, v57;
	v37 =	vadd.f32 v53, v52  }
0x114: {  	v45 =	vmul.f32 v60, v60;
	v53 =	vsub.f32 v9, v41;
	v54 =	vsub.f32 v10, v42  }
0x115: {  	v52 =	vmul.f32 v63, v63;
	v55 =	vsub.f32 v8, v43;
	v57 =	vsub.f32 v12, v41  }
0x116: {  	v39 =	vadd.f32 v40, v39;
	v61 =	vmul.f32 v58, v58;
	v44 =	vadd.f32 v46, v44  }
0x117: {  	v29 =	vmin.f32 v29, v35;
	v48 =	vadd.f32 v59, v37;
	v28 =	vmin.f32 v28, v36  }
0x118: {  	v36 =	vmul.f32 v53, v53;
	v58 =	vsub.f32 v13, v42;
	v35 =	vmul.f32 v55, v55  }
0x119: {  	v40 =	vmul.f32 v56, v56;
	v59 =	vsub.f32 v14, v43;
	v46 =	vsub.f32 v17, v43  }
0x11a: {  	v37 =	vmul.f32 v57, v57;
	v49 =	vadd.f32 v61, v39;
	v50 =	vadd.f32 v45, v44  }
0x11b: {  	v27 =	vmin.f32 v27, v48;
	v39 =	vadd.f32 v52, v51;
	v44 =	vmul.f32 v54, v54  }
0x11c: {  	v45 =	vmul.f32 v58, v58;
	v61 =	vsub.f32 v15, v41;
	v48 =	vsub.f32 v18, v41  }
0x11d: {  	v60 =	vmul.f32 v59, v59;
	v41 =	vsub.f32 v21, v41;
	v52 =	vsub.f32 v20, v43  }
0x11e: {  	v43 =	vsub.f32 v23, v43;
	v34 =	vmin.f32 v34, v49;
	v36 =	vadd.f32 v44, v36  }
0x11f: {  	v33 =	vmin.f32 v33, v50;
	v35 =	vadd.f32 v35, v39;
	v47 =	vmul.f32 v61, v61  }
0x120: {  	v37 =	vadd.f32 v45, v37;
	v50 =	vmul.f32 v48, v48;
	v41 =	vmul.f32 v41, v41  }
0x121: {  	v49 =	vsub.f32 v19, v42;
	v44 =	vbroadcast v25, $0x9;
	v45 =	vbroadcast v26, $0x9  }
0x122: {  	v42 =	vsub.f32 v22, v42;
	v53 =	vmul.f32 v52, v52;
	v55 =	vmul.f32 v43, v43  }
0x123: {  	v36 =	vadd.f32 v40, v36;
	v32 =	vmin.f32 v32, v35;
	v63 =	vadd.f32 v60, v37  }
0x124: {  	v35 =	vmul.f32 v62, v62;
	v37 =	vmul.f32 v46, v46;
	v56 =	vsub.f32 v0, v44  }
0x125: {  	v51 =	vmul.f32 v49, v49;
	v57 =	vsub.f32 v1, v45;
	v62 =	vsub.f32 v3, v44  }
0x126: {  	v42 =	vmul.f32 v42, v42;
	v48 =	vsub.f32 v6, v44;
	v49 =	vsub.f32 v7, v45  }
0x127: {  	v52 =	vsub.f32 v9, v44;
	v31 =	vmin.f32 v31, v36;
	v35 =	vadd.f32 v35, v47  }
0x128: {  	v38 =	vadd.f32 v51, v50;
	v54 =	vadd.f32 v42, v41;
	v60 =	vmul.f32 v56, v56  }
0x129: {  	v61 =	vmul.f32 v57, v57;
	v30 =	vmin.f32 v30, v63;
	v63 =	vsub.f32 v4, v45  }
0x12a: {  	v36 =	vmul.f32 v62, v62;
	v43 =	vmul.f32 v49, v49;
	v57 =	vsub.f32 v12, v44  }
0x12b: {  	v56 =	vmul.f32 v52, v52;
	v35 =	vadd.f32 v37, v35;
	v58 =	vadd.f32 v53, v38  }
0x12c: {  	v38 =	vbroadcast v24, $0x9;
	v59 =	vadd.f32 v55, v54;
	v40 =	vadd.f32 v61, v60  }
0x12d: {  	v42 =	vmul.f32 v63, v63;
	v37 =	vmul.f32 v48, v48;
	v53 =	vsub.f32 v10, v45  }
0x12e: {  	v60 =	vsub.f32 v16, v45;
	v61 =	vmul.f32 v57, v57;
	v57 =	vsub.f32 v22, v45  }
0x12f: {  	v29 =	vmin.f32 v29, v35;
	v46 =	vsub.f32 v2, v38;
	v47 =	vsub.f32 v5, v38  }
0x130: {  	v28 =	vmin.f32 v28, v58;
	v36 =	vadd.f32 v42, v36;
	v50 =	vsub.f32 v8, v38  }
0x131: {  	v27 =	vmin.f32 v27, v59;
	v37 =	vadd.f32 v43, v37;
	v55 =	vsub.f32 v11, v38  }
0x132: {  	v58 =	vsub.f32 v13, v45;
	v59 =	vsub.f32 v15, v44;
	v43 =	vmul.f32 v60, v60  }
0x133: {  	v63 =	vsub.f32 v14, v38;
	v35 =	vmul.f32 v46, v46;
	v41 =	vmul.f32 v47, v47  }
0x134: {  	v51 =	vmul.f32 v50, v50;
	v62 =	vmul.f32 v58, v58;
	v46 =	vsub.f32 v17, v38  }
0x135: {  	v42 =	vmul.f32 v59, v59;
	v50 =	vsub.f32 v18, v44;
	v35 =	vadd.f32 v35, v40  }
0x136: {  	v48 =	vmul.f32 v63, v63;
	v36 =	vadd.f32 v41, v36;
	v54 =	vadd.f32 v51, v37  }
0x137: {  	v37 =	vmul.f32 v55, v55;
	v47 =	vadd.f32 v62, v61;
	v49 =	vadd.f32 v43, v42  }
0x138: {  	v51 =	vsub.f32 v19, v45;
	v40 =	vbroadcast v25, $0xA;
	v43 =	vbroadcast v26, $0xA  }
0x139: {  	v42 =	vmul.f32 v57, v57;
	v45 =	vbroadcast v25, $0xB;
	v34 =	vmin.f32 v34, v35  }
0x13a: {  	v33 =	vmin.f32 v33, v36;
	v35 =	vmul.f32 v53, v53;
	v32 =	vmin.f32 v32, v54  }
0x13b: {  	v36 =	vmul.f32 v46, v46;
	v52 =	vadd.f32 v48, v47;
	v53 =	vsub.f32 v20, v38  }
0x13c: {  	v54 =	vmul.f32 v50, v50;
	v38 =	vsub.f32 v23, v38;
	v58 =	vsub.f32 v0, v40  }
0x13d: {  	v55 =	vmul.f32 v51, v51;
	v59 =	vsub.f32 v1, v43;
	v48 =	vsub.f32 v3, v40  }
0x13e: {  	v46 =	vbroadcast v24, $0xA;
	v35 =	vadd.f32 v35, v56;
	v36 =	vadd.f32 v36, v49  }
0x13f: {  	v47 =	vbroadcast v26, $0xB;
	v56 =	vsub.f32 v21, v44;
	v39 =	vadd.f32 v55, v54  }
0x140: {  	v38 =	vmul.f32 v38, v38;
	v61 =	vsub.f32 v2, v46;
	v62 =	vmul.f32 v58, v58  }
0x141: {  	v63 =	vmul.f32 v59, v59;
	v49 =	vsub.f32 v4, v43;
	v51 =	vsub.f32 v5, v46  }
0x142: {  	v30 =	vmin.f32 v30, v52;
	v54 =	vsub.f32 v7, v43;
	v58 =	vsub.f32 v9, v40  }
0x143: {  	v59 =	vsub.f32 v10, v43;
	v35 =	vadd.f32 v37, v35;
	v37 =	vmul.f32 v53, v53  }
0x144: {  	v41 =	vmul.f32 v56, v56;
	v50 =	vadd.f32 v63, v62;
	v52 =	vmul.f32 v49, v49  }
0x145: {  	v29 =	vmin.f32 v29, v36;
	v53 =	vsub.f32 v6, v40;
	v55 =	vmul.f32 v51, v51  }
0x146: {  	v56 =	vsub.f32 v8, v46;
	v57 =	vmul.f32 v54, v54;
	v63 =	vsub.f32 v12, v40  }
0x147: {  	v31 =	vmin.f32 v31, v35;
	v37 =	vadd.f32 v37, v39;
	v60 =	vadd.f32 v42, v41  }
0x148: {  	v41 =	vmul.f32 v61, v61;
	v35 =	vmul.f32 v48, v48;
	v61 =	vsub.f32 v11, v46  }
0x149: {  	v36 =	vmul.f32 v53, v53;
	v48 =	vsub.f32 v13, v43;
	v53 =	vsub.f32 v16, v43  }
0x14a: {  	v62 =	vmul.f32 v59, v59;
	v38 =	vadd.f32 v38, v60;
	v39 =	vadd.f32 v41, v50  }
0x14b: {  	v35 =	vadd.f32 v52, v35;
	v28 =	vmin.f32 v28, v37;
	v36 =	vadd.f32 v57, v36  }
0x14c: {  	v60 =	vmul.f32 v56, v56;
	v37 =	vmul.f32 v58, v58;
	v50 =	vsub.f32 v14, v46  }
0x14d: {  	v49 =	vmul.f32 v61, v61;
	v52 =	vsub.f32 v15, v40;
	v57 =	vsub.f32 v18, v40  }
0x14e: {  	v51 =	vmul.f32 v48, v48;
	v58 =	vsub.f32 v19, v43;
	v40 =	vsub.f32 v21, v40  }
0x14f: {  	v56 =	vmul.f32 v53, v53;
	v43 =	vsub.f32 v22, v43;
	v35 =	vadd.f32 v55, v35  }
0x150: {  	v27 =	vmin.f32 v27, v38;
	v36 =	vadd.f32 v60, v36;
	v37 =	vadd.f32 v62, v37  }
0x151: {  	v38 =	vmul.f32 v63, v63;
	v34 =	vmin.f32 v34, v39;
	v54 =	vmul.f32 v50, v50  }
0x152: {  	v55 =	vsub.f32 v17, v46;
	v39 =	vmul.f32 v52, v52;
	v60 =	vsub.f32 v20, v46  }
0x153: {  	v61 =	vmul.f32 v58, v58;
	v40 =	vmul.f32 v40, v40;
	v62 =	vsub.f32 v0, v45  }
0x154: {  	v63 =	vsub.f32 v1, v47;
	v52 =	vmul.f32 v43, v43;
	v58 =	vsub.f32 v3, v45  }
0x155: {  	v43 =	vbroadcast v24, $0xB;
	v37 =	vadd.f32 v49, v37;
	v38 =	vadd.f32 v51, v38  }
0x156: {  	v33 =	vmin.f32 v33, v35;
	v39 =	vadd.f32 v56, v39;
	v59 =	vmul.f32 v55, v55  }
0x157: {  	v35 =	vmul.f32 v57, v57;
	v55 =	vsub.f32 v23, v46;
	v40 =	vadd.f32 v52, v40  }
0x158: {  	v42 =	vmul.f32 v60, v60;
	v56 =	vsub.f32 v2, v43;
	v60 =	vsub.f32 v6, v45  }
0x159: {  	v53 =	vmul.f32 v62, v62;
	v62 =	vsub.f32 v5, v43;
	v52 =	vsub.f32 v9, v45  }
0x15a: {  	v49 =	vsub.f32 v18, v45;
	v38 =	vadd.f32 v54, v38  }
0x15b: {  	v32 =	vmin.f32 v32, v36;
	v35 =	vadd.f32 v61, v35;
	v39 =	vadd.f32 v59, v39  }
0x15c: {  	v54 =	vmul.f32 v63, v63;
	v31 =	vmin.f32 v31, v37;
	v59 =	vsub.f32 v4, v47  }
0x15d: {  	v36 =	vmul.f32 v55, v55;
	v61 =	vsub.f32 v7, v47;
	v63 =	vsub.f32 v8, v43  }
0x15e: {  	v44 =	vmul.f32 v60, v60;
	v37 =	vmul.f32 v56, v56;
	v55 =	vsub.f32 v11, v43  }
0x15f: {  	v48 =	vmul.f32 v62, v62;
	v56 =	vsub.f32 v13, v47;
	v35 =	vadd.f32 v42, v35  }
0x160: {  	v57 =	vadd.f32 v54, v53;
	v30 =	vmin.f32 v30, v38;
	v38 =	vmul.f32 v58, v58  }
0x161: {  	v42 =	vmul.f32 v59, v59;
	v46 =	vmul.f32 v61, v61;
	v36 =	vadd.f32 v36, v40  }
0x162: {  	v29 =	vmin.f32 v29, v39;
	v53 =	vsub.f32 v10, v47;
	v54 =	vsub.f32 v12, v45  }
0x163: {  	v39 =	vmul.f32 v52, v52;
	v58 =	vsub.f32 v15, v45;
	v59 =	vsub.f32 v16, v47  }
0x164: {  	v60 =	vmul.f32 v55, v55;
	v52 =	vsub.f32 v22, v47;
	v55 =	vsub.f32 v20, v43  }
0x165: {  	v51 =	vmul.f32 v63, v63;
	v38 =	vadd.f32 v42, v38;
	v50 =	vadd.f32 v46, v44  }
0x166: {  	v37 =	vadd.f32 v37, v57;
	v27 =	vmin.f32 v27, v36;
	v36 =	vmul.f32 v53, v53  }
0x167: {  	v28 =	vmin.f32 v28, v35;
	v40 =	vmul.f32 v54, v54;
	v42 =	vmul.f32 v56, v56  }
0x168: {  	v57 =	vsub.f32 v14, v43;
	v62 =	vmul.f32 v58, v58;
	v63 =	vmul.f32 v59, v59  }
0x169: {  	v46 =	vsub.f32 v17, v43;
	v53 =	vmul.f32 v49, v49;
	v44 =	vbroadcast v26, $0xC  }
0x16a: {  	v56 =	vsub.f32 v23, v43;
	v41 =	vmul.f32 v55, v55;
	v38 =	vadd.f32 v48, v38  }
0x16b: {  	v35 =	vadd.f32 v51, v50;
	v36 =	vadd.f32 v36, v39;
	v61 =	vmul.f32 v57, v57  }
0x16c: {  	v40 =	vadd.f32 v42, v40;
	v34 =	vmin.f32 v34, v37;
	v48 =	vadd.f32 v63, v62  }
0x16d: {  	v37 =	vmul.f32 v46, v46;
	v50 =	vsub.f32 v19, v47;
	v51 =	vsub.f32 v21, v45  }
0x16e: {  	v42 =	vmul.f32 v52, v52;
	v58 =	vsub.f32 v1, v44;
	v45 =	vbroadcast v24, $0xC  }
0x16f: {  	v36 =	vadd.f32 v60, v36;
	v33 =	vmin.f32 v33, v38;
	v38 =	vadd.f32 v61, v40  }
0x170: {  	v32 =	vmin.f32 v32, v35;
	v37 =	vadd.f32 v37, v48;
	v54 =	vmul.f32 v50, v50  }
0x171: {  	v35 =	vmul.f32 v51, v51;
	v60 =	vsub.f32 v4, v44;
	v61 =	vsub.f32 v2, v45  }
0x172: {  	v40 =	vbroadcast v25, $0xC;
	v62 =	vsub.f32 v5, v45;
	v51 =	vsub.f32 v7, v44  }
0x173: {  	v43 =	vmul.f32 v58, v58;
	v52 =	vsub.f32 v8, v45;
	v58 =	vsub.f32 v14, v45  }
0x174: {  	v39 =	vadd.f32 v54, v53;
	v31 =	vmin.f32 v31, v36;
	v35 =	vadd.f32 v42, v35  }
0x175: {  	v57 =	vsub.f32 v0, v40;
	v47 =	vmul.f32 v60, v60;
	v36 =	vmul.f32 v56, v56  }
0x176: {  	v59 =	vsub.f32 v3, v40;
	v63 =	vmul.f32 v61, v61;
	v49 =	vmul.f32 v62, v62  }
0x177: {  	v30 =	vmin.f32 v30, v38;
	v50 =	vsub.f32 v6, v40;
	v53 =	vsub.f32 v9, v40  }
0x178: {  	v29 =	vmin.f32 v29, v37;
	v54 =	vsub.f32 v10, v44;
	v55 =	vsub.f32 v12, v40  }
0x179: {  	v56 =	vsub.f32 v13, v44;
	v42 =	vmul.f32 v57, v57;
	v46 =	vmul.f32 v59, v59  }
0x17a: {  	v39 =	vadd.f32 v41, v39;
	v35 =	vadd.f32 v36, v35;
	v38 =	vmul.f32 v50, v50  }
0x17b: {  	v57 =	vsub.f32 v11, v45;
	v59 =	vmul.f32 v52, v52;
	v52 =	vsub.f32 v16, v44  }
0x17c: {  	v41 =	vbroadcast v25, $0xD;
	v42 =	vadd.f32 v43, v42;
	v48 =	vadd.f32 v47, v46  }
0x17d: {  	v28 =	vmin.f32 v28, v39;
	v39 =	vmul.f32 v51, v51;
	v43 =	vmul.f32 v54, v54  }
0x17e: {  	v46 =	vmul.f32 v55, v55;
	v47 =	vmul.f32 v56, v56;
	v51 =	vsub.f32 v15, v40  }
0x17f: {  	v61 =	vmul.f32 v57, v57;
	v54 =	vsub.f32 v19, v44;
	v55 =	vsub.f32 v17, v45  }
0x180: {  	v27 =	vmin.f32 v27, v35;
	v56 =	vsub.f32 v20, v45;
	v45 =	vsub.f32 v23, v45  }
0x181: {  	v36 =	vadd.f32 v63, v42;
	v37 =	vadd.f32 v49, v48;
	v42 =	vmul.f32 v53, v53  }
0x182: {  	v38 =	vadd.f32 v39, v38;
	v62 =	vadd.f32 v47, v46;
	v63 =	vmul.f32 v58, v58  }
0x183: {  	v53 =	vsub.f32 v18, v40;
	v35 =	vmul.f32 v51, v51;
	v39 =	vmul.f32 v54, v54  }
0x184: {  	v57 =	vmul.f32 v55, v55;
	v58 =	vmul.f32 v56, v56;
	v55 =	vsub.f32 v6, v41  }
0x185: {  	v60 =	vadd.f32 v43, v42;
	v34 =	vmin.f32 v34, v36;
	v48 =	vadd.f32 v59, v38  }
0x186: {  	v33 =	vmin.f32 v33, v37;
	v50 =	vadd.f32 v63, v62;
	v38 =	vmul.f32 v52, v52  }
0x187: {  	v36 =	vmul.f32 v53, v53;
	v59 =	vsub.f32 v21, v40;
	v42 =	vbroadcast v26, $0xD  }
0x188: {  	v63 =	vsub.f32 v0, v41;
	v43 =	vbroadcast v24, $0xD;
	v52 =	vmul.f32 v45, v45  }
0x189: {  	v49 =	vadd.f32 v61, v60;
	v32 =	vmin.f32 v32, v48;
	v35 =	vadd.f32 v38, v35  }
0x18a: {  	v30 =	vmin.f32 v30, v50;
	v36 =	vadd.f32 v39, v36;
	v60 =	vsub.f32 v22, v44  }
0x18b: {  	v61 =	vmul.f32 v59, v59;
	v48 =	vsub.f32 v1, v42;
	v50 =	vsub.f32 v4, v42  }
0x18c: {  	v39 =	vmul.f32 v63, v63;
	v51 =	vsub.f32 v2, v43;
	v53 =	vsub.f32 v5, v43  }
0x18d: {  	v56 =	vsub.f32 v7, v42;
	v63 =	vsub.f32 v10, v42;
	v31 =	vmin.f32 v31, v49  }
0x18e: {  	v35 =	vadd.f32 v57, v35;
	v36 =	vadd.f32 v58, v36;
	v62 =	vmul.f32 v60, v60  }
0x18f: {  	v49 =	vsub.f32 v3, v41;
	v40 =	vmul.f32 v48, v48;
	v46 =	vmul.f32 v50, v50  }
0x190: {  	v54 =	vmul.f32 v51, v51;
	v45 =	vmul.f32 v53, v53;
	v48 =	vsub.f32 v8, v43  }
0x191: {  	v60 =	vmul.f32 v55, v55;
	v50 =	vsub.f32 v12, v41;
	v51 =	vsub.f32 v13, v42  }
0x192: {  	v55 =	vsub.f32 v16, v42;
	v44 =	vmul.f32 v49, v49;
	v37 =	vadd.f32 v62, v61  }
0x193: {  	v39 =	vadd.f32 v40, v39;
	v29 =	vmin.f32 v29, v35;
	v61 =	vmul.f32 v56, v56  }
0x194: {  	v28 =	vmin.f32 v28, v36;
	v62 =	vsub.f32 v9, v41;
	v49 =	vsub.f32 v11, v43  }
0x195: {  	v35 =	vmul.f32 v48, v48;
	v44 =	vadd.f32 v46, v44;
	v57 =	vadd.f32 v52, v37  }
0x196: {  	v58 =	vadd.f32 v54, v39;
	v39 =	vadd.f32 v61, v60;
	v36 =	vmul.f32 v62, v62  }
0x197: {  	v40 =	vmul.f32 v49, v49;
	v52 =	vsub.f32 v14, v43;
	v54 =	vsub.f32 v15, v41  }
0x198: {  	v37 =	vmul.f32 v50, v50;
	v60 =	vsub.f32 v19, v42;
	v42 =	vsub.f32 v22, v42  }
0x199: {  	v59 =	vadd.f32 v45, v44;
	v27 =	vmin.f32 v27, v57;
	v44 =	vmul.f32 v63, v63  }
0x19a: {  	v34 =	vmin.f32 v34, v58;
	v45 =	vmul.f32 v51, v51;
	v35 =	vadd.f32 v35, v39  }
0x19b: {  	v53 =	vmul.f32 v52, v52;
	v57 =	vsub.f32 v17, v43;
	v58 =	vmul.f32 v54, v54  }
0x19c: {  	v62 =	vmul.f32 v60, v60;
	v63 =	vsub.f32 v20, v43;
	v42 =	vmul.f32 v42, v42  }
0x19d: {  	v43 =	vsub.f32 v23, v43;
	v36 =	vadd.f32 v44, v36;
	v33 =	vmin.f32 v33, v59  }
0x19e: {  	v37 =	vadd.f32 v45, v37;
	v32 =	vmin.f32 v32, v35;
	v35 =	vmul.f32 v55, v55  }
0x19f: {  	v59 =	vsub.f32 v18, v41;
	v41 =	vsub.f32 v21, v41;
	v44 =	vbroadcast v25, $0xE  }
0x1a0: {  	v45 =	vbroadcast v26, $0xE;
	v46 =	vmul.f32 v63, v63;
	v36 =	vadd.f32 v40, v36  }
0x1a1: {  	v48 =	vmul.f32 v43, v43;
	v56 =	vadd.f32 v53, v37;
	v35 =	vadd.f32 v35, v58  }
0x1a2: {  	v61 =	vmul.f32 v59, v59;
	v49 =	vsub.f32 v0, v44;
	v50 =	vsub.f32 v1, v45  }
0x1a3: {  	v41 =	vmul.f32 v41, v41;
	v55 =	vsub.f32 v3, v44;
	v59 =	vsub.f32 v6, v44  }
0x1a4: {  	v37 =	vmul.f32 v57, v57;
	v60 =	vsub.f32 v7, v45;
	v63 =	vsub.f32 v9, v44  }
0x1a5: {  	v31 =	vmin.f32 v31, v36;
	v38 =	vadd.f32 v62, v61;
	v47 =	vadd.f32 v42, v41  }
0x1a6: {  	v35 =	vadd.f32 v37, v35;
	v53 =	vmul.f32 v49, v49;
	v54 =	vmul.f32 v50, v50  }
0x1a7: {  	v30 =	vmin.f32 v30, v56;
	v36 =	vmul.f32 v55, v55;
	v37 =	vmul.f32 v59, v59  }
0x1a8: {  	v56 =	vsub.f32 v4, v45;
	v43 =	vmul.f32 v60, v60;
	v49 =	vmul.f32 v63, v63  }
0x1a9: {  	v50 =	vsub.f32 v12, v44;
	v51 =	vadd.f32 v46, v38;
	v38 =	vbroadcast v24, $0xE  }
0x1aa: {  	v52 =	vadd.f32 v48, v47;
	v29 =	vmin.f32 v29, v35;
	v40 =	vadd.f32 v54, v53  }
0x1ab: {  	v42 =	vmul.f32 v56, v56;
	v37 =	vadd.f32 v43, v37;
	v46 =	vsub.f32 v10, v45  }
0x1ac: {  	v53 =	vsub.f32 v16, v45;
	v54 =	vmul.f32 v50, v50;
	v50 =	vsub.f32 v21, v44  }
0x1ad: {  	v57 =	vsub.f32 v2, v38;
	v58 =	vsub.f32 v5, v38;
	v28 =	vmin.f32 v28, v51  }
0x1ae: {  	v36 =	vadd.f32 v42, v36;
	v61 =	vsub.f32 v8, v38;
	v27 =	vmin.f32 v27, v52  }
0x1af: {  	v48 =	vsub.f32 v11, v38;
	v51 =	vsub.f32 v13, v45;
	v43 =	vmul.f32 v53, v53  }
0x1b0: {  	v52 =	vsub.f32 v15, v44;
	v35 =	vmul.f32 v57, v57;
	v41 =	vmul.f32 v58, v58  }
0x1b1: {  	v56 =	vsub.f32 v14, v38;
	v62 =	vmul.f32 v61, v61;
	v55 =	vmul.f32 v51, v51  }
0x1b2: {  	v42 =	vmul.f32 v52, v52;
	v57 =	vsub.f32 v17, v38;
	v61 =	vsub.f32 v18, v44  }
0x1b3: {  	v59 =	vmul.f32 v56, v56;
	v51 =	vsub.f32 v22, v45;
	v35 =	vadd.f32 v35, v40  }
0x1b4: {  	v44 =	vbroadcast v24, $0xF;
	v36 =	vadd.f32 v41, v36;
	v47 =	vadd.f32 v62, v37  }
0x1b5: {  	v37 =	vmul.f32 v48, v48;
	v58 =	vadd.f32 v55, v54;
	v60 =	vadd.f32 v43, v42  }
0x1b6: {  	v62 =	vsub.f32 v19, v45;
	v48 =	vmul.f32 v61, v61;
	v40 =	vbroadcast v25, $0xF  }
0x1b7: {  	v43 =	vbroadcast v26, $0xF;
	v25 =	vsub.f32 v23, v38;
	v26 =	vmul.f32 v50, v50  }
0x1b8: {  	v52 =	vmul.f32 v51, v51;
	v55 =	vsub.f32 v2, v44;
	v50 =	vsub.f32 v11, v44  }
0x1b9: {  	v34 =	vmin.f32 v34, v35;
	v33 =	vmin.f32 v33, v36;
	v63 =	vadd.f32 v59, v58  }
0x1ba: {  	v32 =	vmin.f32 v32, v47;
	v47 =	vsub.f32 v20, v38;
	v53 =	vsub.f32 v0, v40  }
0x1bb: {  	v35 =	vmul.f32 v46, v46;
	v54 =	vsub.f32 v1, v43;
	v26 =	vadd.f32 v52, v26  }
0x1bc: {  	v36 =	vmul.f32 v57, v57;
	v58 =	vsub.f32 v3, v40;
	v59 =	vsub.f32 v4, v43  }
0x1bd: {  	v25 =	vmul.f32 v25, v25;
	v46 =	vsub.f32 v8, v44;
	v52 =	vsub.f32 v13, v43  }
0x1be: {  	v38 =	vmul.f32 v50, v50;
	v35 =	vadd.f32 v35, v49;
	v49 =	vmul.f32 v62, v62  }
0x1bf: {  	v36 =	vadd.f32 v36, v60;
	v56 =	vmul.f32 v53, v53;
	v57 =	vmul.f32 v54, v54  }
0x1c0: {  	v30 =	vmin.f32 v30, v63;
	v25 =	vadd.f32 v25, v26;
	v60 =	vsub.f32 v5, v44  }
0x1c1: {  	v61 =	vmul.f32 v59, v59;
	v62 =	vsub.f32 v6, v40;
	v63 =	vsub.f32 v7, v43  }
0x1c2: {  	v54 =	vsub.f32 v14, v44;
	v41 =	vmul.f32 v52, v52;
	v59 =	vsub.f32 v19, v43  }
0x1c3: {  	v35 =	vadd.f32 v37, v35;
	v37 =	vmul.f32 v47, v47;
	v39 =	vadd.f32 v49, v48  }
0x1c4: {  	v26 =	vadd.f32 v57, v56;
	v29 =	vmin.f32 v29, v36;
	v45 =	vmul.f32 v60, v60  }
0x1c5: {  	v36 =	vmul.f32 v62, v62;
	v47 =	vmul.f32 v63, v63;
	v48 =	vsub.f32 v10, v43  }
0x1c6: {  	v49 =	vmul.f32 v46, v46;
	v27 =	vmin.f32 v27, v25;
	v25 =	vsub.f32 v12, v40  }
0x1c7: {  	v57 =	vsub.f32 v17, v44;
	v31 =	vmin.f32 v31, v35;
	v24 =	vadd.f32 v37, v39  }
0x1c8: {  	v37 =	vmul.f32 v55, v55;
	v35 =	vmul.f32 v58, v58;
	v36 =	vadd.f32 v47, v36  }
0x1c9: {  	v51 =	vmul.f32 v48, v48;
	v55 =	vsub.f32 v16, v43;
	v58 =	vsub.f32 v18, v40  }
0x1ca: {  	v25 =	vmul.f32 v25, v25;
	v43 =	vsub.f32 v22, v43;
	v26 =	vadd.f32 v37, v26  }
0x1cb: {  	v35 =	vadd.f32 v61, v35;
	v28 =	vmin.f32 v28, v24;
	v24 =	vsub.f32 v9, v40  }
0x1cc: {  	v39 =	vmul.f32 v54, v54;
	v36 =	vadd.f32 v49, v36;
	v56 =	vadd.f32 v41, v25  }
0x1cd: {  	v25 =	vld [tilespmem:s21+$0x0];
	v42 =	vmul.f32 v55, v55;
	v61 =	vsub.f32 v20, v44;
	v55 =	vsub.f32 v23, v44  }
0x1ce: {  	v24 =	vmul.f32 v24, v24;
	v34 =	vmin.f32 v34, v26;
	v26 =	vsub.f32 v15, v40  }
0x1cf: {  	v52 =	vmul.f32 v43, v43;
	v35 =	vadd.f32 v45, v35;
	v40 =	vsub.f32 v21, v40  }
0x1d0: {  	v45 =	vmul.f32 v59, v59;
	v53 =	vadd.f32 v51, v24;
	v26 =	vmul.f32 v26, v26  }
0x1d1: {  	v33 =	vmin.f32 v33, v35;
	v35 =	vmul.f32 v58, v58;
	v40 =	vmul.f32 v40, v40  }
0x1d2: {  	v24 =	vld [tilespmem:s22+$0x0];
	v47 =	vbroadcast v25, $0x0;
	v37 =	vadd.f32 v38, v53;
	v38 =	vadd.f32 v39, v56  }
0x1d3: {  	v41 =	vmul.f32 v57, v57;
	v60 =	vadd.f32 v42, v26;
	v35 =	vadd.f32 v45, v35  }
0x1d4: {  	v42 =	vmul.f32 v61, v61;
	v40 =	vadd.f32 v52, v40;
	v63 =	vsub.f32 v1, v47  }
0x1d5: {  	v32 =	vmin.f32 v32, v36;
	v26 =	vld [tilespmem:s20+$0x0];
	v59 =	vsub.f32 v4, v47;
	v61 =	vsub.f32 v7, v47  }
0x1d6: {  	v36 =	vmul.f32 v55, v55;
	v39 =	vadd.f32 v41, v60;
	v35 =	vadd.f32 v42, v35  }
0x1d7: {  	v31 =	vmin.f32 v31, v37;
	v30 =	vmin.f32 v30, v38;
	v46 =	vbroadcast v24, $0x0  }
0x1d8: {  	v36 =	vadd.f32 v36, v40;
	v54 =	vmul.f32 v63, v63;
	v42 =	vmul.f32 v59, v59  }
0x1d9: {  	v45 =	vmul.f32 v61, v61;
	v59 =	vsub.f32 v16, v47;
	v29 =	vmin.f32 v29, v39  }
0x1da: {  	v28 =	vmin.f32 v28, v35;
	v62 =	vsub.f32 v0, v46;
	v43 =	vbroadcast v26, $0x0  }
0x1db: {  	v27 =	vmin.f32 v27, v36;
	v58 =	vsub.f32 v3, v46;
	v60 =	vsub.f32 v6, v46  }
0x1dc: {  	v52 =	vsub.f32 v9, v46;
	v53 =	vmul.f32 v62, v62;
	v56 =	vsub.f32 v2, v43  }
0x1dd: {  	v62 =	vsub.f32 v5, v43;
	v38 =	vmul.f32 v58, v58;
	v63 =	vsub.f32 v8, v43  }
0x1de: {  	v44 =	vmul.f32 v60, v60;
	v55 =	vsub.f32 v11, v43;
	v58 =	vsub.f32 v15, v46  }
0x1df: {  	v39 =	vmul.f32 v52, v52;
	v52 =	vsub.f32 v21, v46;
	v57 =	vadd.f32 v54, v53  }
0x1e0: {  	v37 =	vmul.f32 v56, v56;
	v38 =	vadd.f32 v42, v38;
	v48 =	vmul.f32 v62, v62  }
0x1e1: {  	v50 =	vadd.f32 v45, v44;
	v51 =	vmul.f32 v63, v63;
	v53 =	vsub.f32 v10, v47  }
0x1e2: {  	v54 =	vsub.f32 v12, v46;
	v56 =	vsub.f32 v13, v47;
	v62 =	vmul.f32 v58, v58  }
0x1e3: {  	v63 =	vmul.f32 v59, v59;
	v37 =	vadd.f32 v37, v57;
	v38 =	vadd.f32 v48, v38  }
0x1e4: {  	v44 =	vbroadcast v25, $0x1;
	v35 =	vadd.f32 v51, v50;
	v57 =	vsub.f32 v14, v43  }
0x1e5: {  	v45 =	vbroadcast v26, $0x1;
	v48 =	vsub.f32 v17, v43;
	v49 =	vadd.f32 v63, v62  }
0x1e6: {  	v36 =	vmul.f32 v53, v53;
	v50 =	vsub.f32 v18, v46;
	v51 =	vsub.f32 v19, v47  }
0x1e7: {  	v42 =	vmul.f32 v56, v56;
	v53 =	vsub.f32 v22, v47;
	v56 =	vsub.f32 v20, v43  }
0x1e8: {  	v40 =	vmul.f32 v54, v54;
	v59 =	vsub.f32 v1, v44;
	v62 =	vsub.f32 v2, v45  }
0x1e9: {  	v60 =	vmul.f32 v55, v55;
	v63 =	vsub.f32 v5, v45;
	v36 =	vadd.f32 v36, v39  }
0x1ea: {  	v61 =	vmul.f32 v57, v57;
	v40 =	vadd.f32 v42, v40;
	v34 =	vmin.f32 v34, v37  }
0x1eb: {  	v37 =	vmul.f32 v48, v48;
	v32 =	vmin.f32 v32, v35;
	v54 =	vmul.f32 v50, v50  }
0x1ec: {  	v55 =	vmul.f32 v51, v51;
	v35 =	vmul.f32 v52, v52;
	v57 =	vsub.f32 v23, v43  }
0x1ed: {  	v41 =	vmul.f32 v56, v56;
	v43 =	vmul.f32 v59, v59;
	v56 =	vsub.f32 v7, v44  }
0x1ee: {  	v52 =	vmul.f32 v62, v62;
	v59 =	vsub.f32 v10, v44;
	v62 =	vsub.f32 v11, v45  }
0x1ef: {  	v42 =	vmul.f32 v53, v53;
	v51 =	vsub.f32 v22, v44;
	v36 =	vadd.f32 v60, v36  }
0x1f0: {  	v33 =	vmin.f32 v33, v38;
	v38 =	vadd.f32 v61, v40;
	v37 =	vadd.f32 v37, v49  }
0x1f1: {  	v39 =	vadd.f32 v55, v54;
	v40 =	vbroadcast v24, $0x1;
	v35 =	vadd.f32 v42, v35  }
0x1f2: {  	v61 =	vsub.f32 v4, v44;
	v54 =	vmul.f32 v63, v63;
	v63 =	vsub.f32 v14, v45  }
0x1f3: {  	v31 =	vmin.f32 v31, v36;
	v58 =	vsub.f32 v0, v40;
	v60 =	vsub.f32 v3, v40  }
0x1f4: {  	v47 =	vmul.f32 v61, v61;
	v36 =	vmul.f32 v57, v57;
	v39 =	vadd.f32 v41, v39  }
0x1f5: {  	v30 =	vmin.f32 v30, v38;
	v29 =	vmin.f32 v29, v37;
	v55 =	vsub.f32 v6, v40  }
0x1f6: {  	v57 =	vsub.f32 v8, v45;
	v61 =	vsub.f32 v13, v44;
	v41 =	vbroadcast v24, $0x2  }
0x1f7: {  	v50 =	vsub.f32 v21, v40;
	v42 =	vmul.f32 v58, v58;
	v46 =	vmul.f32 v60, v60  }
0x1f8: {  	v35 =	vadd.f32 v36, v35;
	v28 =	vmin.f32 v28, v39;
	v38 =	vmul.f32 v55, v55  }
0x1f9: {  	v58 =	vsub.f32 v9, v40;
	v39 =	vmul.f32 v56, v56;
	v60 =	vsub.f32 v12, v40  }
0x1fa: {  	v56 =	vmul.f32 v63, v63;
	v63 =	vsub.f32 v19, v44;
	v42 =	vadd.f32 v43, v42  }
0x1fb: {  	v53 =	vadd.f32 v47, v46;
	v43 =	vmul.f32 v59, v59;
	v46 =	vmul.f32 v60, v60  }
0x1fc: {  	v47 =	vmul.f32 v61, v61;
	v38 =	vadd.f32 v39, v38;
	v27 =	vmin.f32 v27, v35  }
0x1fd: {  	v60 =	vsub.f32 v15, v40;
	v61 =	vsub.f32 v16, v44;
	v39 =	vmul.f32 v63, v63  }
0x1fe: {  	v36 =	vadd.f32 v52, v42;
	v37 =	vadd.f32 v54, v53;
	v42 =	vmul.f32 v58, v58  }
0x1ff: {  	v54 =	vmul.f32 v62, v62;
	v55 =	vadd.f32 v47, v46;
	v62 =	vsub.f32 v18, v40  }
0x200: {  	v52 =	vmul.f32 v57, v57;
	v46 =	vsub.f32 v17, v45;
	v47 =	vsub.f32 v20, v45  }
0x201: {  	v35 =	vmul.f32 v60, v60;
	v45 =	vsub.f32 v23, v45;
	v53 =	vadd.f32 v43, v42  }
0x202: {  	v34 =	vmin.f32 v34, v36;
	v57 =	vadd.f32 v52, v38;
	v38 =	vmul.f32 v61, v61  }
0x203: {  	v33 =	vmin.f32 v33, v37;
	v36 =	vmul.f32 v62, v62;
	v48 =	vmul.f32 v46, v46  }
0x204: {  	v59 =	vadd.f32 v56, v55;
	v49 =	vmul.f32 v47, v47;
	v42 =	vbroadcast v25, $0x2  }
0x205: {  	v52 =	vmul.f32 v50, v50;
	v43 =	vbroadcast v26, $0x2;
	v56 =	vsub.f32 v3, v41  }
0x206: {  	v62 =	vsub.f32 v6, v41;
	v58 =	vadd.f32 v54, v53;
	v32 =	vmin.f32 v32, v57  }
0x207: {  	v30 =	vmin.f32 v30, v59;
	v35 =	vadd.f32 v38, v35;
	v36 =	vadd.f32 v39, v36  }
0x208: {  	v53 =	vmul.f32 v51, v51;
	v54 =	vsub.f32 v0, v41;
	v55 =	vsub.f32 v1, v42  }
0x209: {  	v57 =	vsub.f32 v4, v42;
	v44 =	vmul.f32 v56, v56;
	v59 =	vmul.f32 v45, v45  }
0x20a: {  	v60 =	vsub.f32 v5, v43;
	v63 =	vsub.f32 v7, v42;
	v51 =	vmul.f32 v62, v62  }
0x20b: {  	v56 =	vsub.f32 v11, v43;
	v62 =	vsub.f32 v16, v42;
	v31 =	vmin.f32 v31, v58  }
0x20c: {  	v35 =	vadd.f32 v48, v35;
	v36 =	vadd.f32 v49, v36;
	v39 =	vmul.f32 v54, v54  }
0x20d: {  	v40 =	vmul.f32 v55, v55;
	v58 =	vsub.f32 v2, v43;
	v46 =	vmul.f32 v57, v57  }
0x20e: {  	v37 =	vadd.f32 v53, v52;
	v45 =	vmul.f32 v60, v60;
	v53 =	vsub.f32 v9, v41  }
0x20f: {  	v52 =	vmul.f32 v63, v63;
	v54 =	vsub.f32 v10, v42;
	v55 =	vsub.f32 v8, v43  }
0x210: {  	v57 =	vsub.f32 v12, v41;
	v39 =	vadd.f32 v40, v39;
	v61 =	vmul.f32 v58, v58  }
0x211: {  	v44 =	vadd.f32 v46, v44;
	v29 =	vmin.f32 v29, v35;
	v48 =	vadd.f32 v59, v37  }
0x212: {  	v28 =	vmin.f32 v28, v36;
	v36 =	vmul.f32 v53, v53;
	v58 =	vsub.f32 v13, v42  }
0x213: {  	v35 =	vmul.f32 v55, v55;
	v40 =	vmul.f32 v56, v56;
	v59 =	vsub.f32 v14, v43  }
0x214: {  	v37 =	vmul.f32 v57, v57;
	v46 =	vsub.f32 v17, v43;
	v49 =	vadd.f32 v61, v39  }
0x215: {  	v50 =	vadd.f32 v45, v44;
	v27 =	vmin.f32 v27, v48;
	v39 =	vadd.f32 v52, v51  }
0x216: {  	v44 =	vmul.f32 v54, v54;
	v45 =	vmul.f32 v58, v58;
	v61 =	vsub.f32 v15, v41  }
0x217: {  	v60 =	vmul.f32 v59, v59;
	v48 =	vsub.f32 v18, v41;
	v41 =	vsub.f32 v21, v41  }
0x218: {  	v52 =	vsub.f32 v20, v43;
	v43 =	vsub.f32 v23, v43;
	v34 =	vmin.f32 v34, v49  }
0x219: {  	v36 =	vadd.f32 v44, v36;
	v33 =	vmin.f32 v33, v50;
	v35 =	vadd.f32 v35, v39  }
0x21a: {  	v37 =	vadd.f32 v45, v37;
	v47 =	vmul.f32 v61, v61;
	v50 =	vmul.f32 v48, v48  }
0x21b: {  	v49 =	vsub.f32 v19, v42;
	v41 =	vmul.f32 v41, v41;
	v44 =	vbroadcast v24, $0x3  }
0x21c: {  	v42 =	vsub.f32 v22, v42;
	v45 =	vbroadcast v25, $0x3;
	v53 =	vmul.f32 v52, v52  }
0x21d: {  	v55 =	vmul.f32 v43, v43;
	v36 =	vadd.f32 v40, v36;
	v32 =	vmin.f32 v32, v35  }
0x21e: {  	v63 =	vadd.f32 v60, v37;
	v35 =	vmul.f32 v62, v62;
	v56 =	vsub.f32 v0, v44  }
0x21f: {  	v51 =	vmul.f32 v49, v49;
	v57 =	vsub.f32 v1, v45;
	v62 =	vsub.f32 v3, v44  }
0x220: {  	v42 =	vmul.f32 v42, v42;
	v48 =	vsub.f32 v6, v44;
	v49 =	vsub.f32 v7, v45  }
0x221: {  	v37 =	vmul.f32 v46, v46;
	v52 =	vsub.f32 v9, v44;
	v35 =	vadd.f32 v35, v47  }
0x222: {  	v31 =	vmin.f32 v31, v36;
	v38 =	vadd.f32 v51, v50;
	v54 =	vadd.f32 v42, v41  }
0x223: {  	v60 =	vmul.f32 v56, v56;
	v61 =	vmul.f32 v57, v57;
	v30 =	vmin.f32 v30, v63  }
0x224: {  	v63 =	vsub.f32 v4, v45;
	v36 =	vmul.f32 v62, v62;
	v43 =	vmul.f32 v49, v49  }
0x225: {  	v56 =	vmul.f32 v52, v52;
	v57 =	vsub.f32 v12, v44;
	v35 =	vadd.f32 v37, v35  }
0x226: {  	v58 =	vadd.f32 v53, v38;
	v38 =	vbroadcast v26, $0x3;
	v59 =	vadd.f32 v55, v54  }
0x227: {  	v40 =	vadd.f32 v61, v60;
	v42 =	vmul.f32 v63, v63;
	v37 =	vmul.f32 v48, v48  }
0x228: {  	v53 =	vsub.f32 v10, v45;
	v60 =	vsub.f32 v16, v45;
	v61 =	vmul.f32 v57, v57  }
0x229: {  	v57 =	vsub.f32 v22, v45;
	v29 =	vmin.f32 v29, v35;
	v46 =	vsub.f32 v2, v38  }
0x22a: {  	v47 =	vsub.f32 v5, v38;
	v28 =	vmin.f32 v28, v58;
	v36 =	vadd.f32 v42, v36  }
0x22b: {  	v50 =	vsub.f32 v8, v38;
	v27 =	vmin.f32 v27, v59;
	v37 =	vadd.f32 v43, v37  }
0x22c: {  	v55 =	vsub.f32 v11, v38;
	v58 =	vsub.f32 v13, v45;
	v43 =	vmul.f32 v60, v60  }
0x22d: {  	v59 =	vsub.f32 v15, v44;
	v35 =	vmul.f32 v46, v46;
	v41 =	vmul.f32 v47, v47  }
0x22e: {  	v63 =	vsub.f32 v14, v38;
	v51 =	vmul.f32 v50, v50;
	v62 =	vmul.f32 v58, v58  }
0x22f: {  	v42 =	vmul.f32 v59, v59;
	v46 =	vsub.f32 v17, v38;
	v50 =	vsub.f32 v18, v44  }
0x230: {  	v48 =	vmul.f32 v63, v63;
	v35 =	vadd.f32 v35, v40;
	v36 =	vadd.f32 v41, v36  }
0x231: {  	v54 =	vadd.f32 v51, v37;
	v37 =	vmul.f32 v55, v55;
	v47 =	vadd.f32 v62, v61  }
0x232: {  	v49 =	vadd.f32 v43, v42;
	v40 =	vbroadcast v24, $0x4;
	v43 =	vbroadcast v25, $0x4  }
0x233: {  	v51 =	vsub.f32 v19, v45;
	v42 =	vmul.f32 v57, v57;
	v45 =	vbroadcast v24, $0x5  }
0x234: {  	v34 =	vmin.f32 v34, v35;
	v33 =	vmin.f32 v33, v36;
	v35 =	vmul.f32 v53, v53  }
0x235: {  	v32 =	vmin.f32 v32, v54;
	v36 =	vmul.f32 v46, v46;
	v52 =	vadd.f32 v48, v47  }
0x236: {  	v53 =	vsub.f32 v20, v38;
	v54 =	vmul.f32 v50, v50;
	v38 =	vsub.f32 v23, v38  }
0x237: {  	v55 =	vmul.f32 v51, v51;
	v58 =	vsub.f32 v0, v40;
	v59 =	vsub.f32 v1, v43  }
0x238: {  	v46 =	vbroadcast v26, $0x4;
	v48 =	vsub.f32 v3, v40;
	v35 =	vadd.f32 v35, v56  }
0x239: {  	v47 =	vbroadcast v25, $0x5;
	v36 =	vadd.f32 v36, v49;
	v56 =	vsub.f32 v21, v44  }
0x23a: {  	v39 =	vadd.f32 v55, v54;
	v38 =	vmul.f32 v38, v38;
	v61 =	vsub.f32 v2, v46  }
0x23b: {  	v62 =	vmul.f32 v58, v58;
	v49 =	vsub.f32 v4, v43;
	v51 =	vsub.f32 v5, v46  }
0x23c: {  	v63 =	vmul.f32 v59, v59;
	v54 =	vsub.f32 v7, v43;
	v58 =	vsub.f32 v9, v40  }
0x23d: {  	v30 =	vmin.f32 v30, v52;
	v59 =	vsub.f32 v10, v43;
	v35 =	vadd.f32 v37, v35  }
0x23e: {  	v37 =	vmul.f32 v53, v53;
	v41 =	vmul.f32 v56, v56;
	v50 =	vadd.f32 v63, v62  }
0x23f: {  	v52 =	vmul.f32 v49, v49;
	v29 =	vmin.f32 v29, v36;
	v53 =	vsub.f32 v6, v40  }
0x240: {  	v55 =	vmul.f32 v51, v51;
	v56 =	vsub.f32 v8, v46;
	v57 =	vmul.f32 v54, v54  }
0x241: {  	v62 =	vmul.f32 v59, v59;
	v63 =	vsub.f32 v12, v40;
	v31 =	vmin.f32 v31, v35  }
0x242: {  	v37 =	vadd.f32 v37, v39;
	v60 =	vadd.f32 v42, v41;
	v41 =	vmul.f32 v61, v61  }
0x243: {  	v35 =	vmul.f32 v48, v48;
	v61 =	vsub.f32 v11, v46;
	v48 =	vsub.f32 v13, v43  }
0x244: {  	v36 =	vmul.f32 v53, v53;
	v53 =	vsub.f32 v16, v43;
	v38 =	vadd.f32 v38, v60  }
0x245: {  	v39 =	vadd.f32 v41, v50;
	v35 =	vadd.f32 v52, v35;
	v28 =	vmin.f32 v28, v37  }
0x246: {  	v36 =	vadd.f32 v57, v36;
	v60 =	vmul.f32 v56, v56;
	v37 =	vmul.f32 v58, v58  }
0x247: {  	v49 =	vmul.f32 v61, v61;
	v50 =	vsub.f32 v14, v46;
	v52 =	vsub.f32 v15, v40  }
0x248: {  	v51 =	vmul.f32 v48, v48;
	v57 =	vsub.f32 v18, v40;
	v58 =	vsub.f32 v19, v43  }
0x249: {  	v56 =	vmul.f32 v53, v53;
	v40 =	vsub.f32 v21, v40;
	v43 =	vsub.f32 v22, v43  }
0x24a: {  	v35 =	vadd.f32 v55, v35;
	v27 =	vmin.f32 v27, v38;
	v36 =	vadd.f32 v60, v36  }
0x24b: {  	v37 =	vadd.f32 v62, v37;
	v38 =	vmul.f32 v63, v63;
	v34 =	vmin.f32 v34, v39  }
0x24c: {  	v54 =	vmul.f32 v50, v50;
	v55 =	vsub.f32 v17, v46;
	v39 =	vmul.f32 v52, v52  }
0x24d: {  	v60 =	vsub.f32 v20, v46;
	v61 =	vmul.f32 v58, v58;
	v40 =	vmul.f32 v40, v40  }
0x24e: {  	v62 =	vsub.f32 v0, v45;
	v63 =	vsub.f32 v1, v47;
	v52 =	vmul.f32 v43, v43  }
0x24f: {  	v43 =	vbroadcast v26, $0x5;
	v58 =	vsub.f32 v3, v45;
	v37 =	vadd.f32 v49, v37  }
0x250: {  	v38 =	vadd.f32 v51, v38;
	v33 =	vmin.f32 v33, v35;
	v39 =	vadd.f32 v56, v39  }
0x251: {  	v59 =	vmul.f32 v55, v55;
	v35 =	vmul.f32 v57, v57;
	v55 =	vsub.f32 v23, v46  }
0x252: {  	v42 =	vmul.f32 v60, v60;
	v40 =	vadd.f32 v52, v40;
	v56 =	vsub.f32 v2, v43  }
0x253: {  	v53 =	vmul.f32 v62, v62;
	v60 =	vsub.f32 v6, v45;
	v62 =	vsub.f32 v5, v43  }
0x254: {  	v32 =	vmin.f32 v32, v36;
	v52 =	vsub.f32 v9, v45;
	v38 =	vadd.f32 v54, v38  }
0x255: {  	v35 =	vadd.f32 v61, v35;
	v39 =	vadd.f32 v59, v39;
	v54 =	vmul.f32 v63, v63  }
0x256: {  	v31 =	vmin.f32 v31, v37;
	v59 =	vsub.f32 v4, v47;
	v36 =	vmul.f32 v55, v55  }
0x257: {  	v61 =	vsub.f32 v7, v47;
	v63 =	vsub.f32 v8, v43;
	v44 =	vmul.f32 v60, v60  }
0x258: {  	v37 =	vmul.f32 v56, v56;
	v55 =	vsub.f32 v11, v43;
	v56 =	vsub.f32 v13, v47  }
0x259: {  	v48 =	vmul.f32 v62, v62;
	v35 =	vadd.f32 v42, v35;
	v57 =	vadd.f32 v54, v53  }
0x25a: {  	v30 =	vmin.f32 v30, v38;
	v38 =	vmul.f32 v58, v58;
	v42 =	vmul.f32 v59, v59  }
0x25b: {  	v46 =	vmul.f32 v61, v61;
	v36 =	vadd.f32 v36, v40;
	v51 =	vmul.f32 v63, v63  }
0x25c: {  	v29 =	vmin.f32 v29, v39;
	v53 =	vsub.f32 v10, v47;
	v54 =	vsub.f32 v12, v45  }
0x25d: {  	v39 =	vmul.f32 v52, v52;
	v58 =	vsub.f32 v15, v45;
	v59 =	vsub.f32 v16, v47  }
0x25e: {  	v60 =	vmul.f32 v55, v55;
	v52 =	vsub.f32 v21, v45;
	v38 =	vadd.f32 v42, v38  }
0x25f: {  	v50 =	vadd.f32 v46, v44;
	v37 =	vadd.f32 v37, v57;
	v28 =	vmin.f32 v28, v35  }
0x260: {  	v27 =	vmin.f32 v27, v36;
	v36 =	vmul.f32 v53, v53;
	v40 =	vmul.f32 v54, v54  }
0x261: {  	v57 =	vsub.f32 v14, v43;
	v42 =	vmul.f32 v56, v56;
	v62 =	vmul.f32 v58, v58  }
0x262: {  	v63 =	vmul.f32 v59, v59;
	v53 =	vsub.f32 v22, v47;
	v56 =	vsub.f32 v20, v43  }
0x263: {  	v44 =	vbroadcast v25, $0x6;
	v38 =	vadd.f32 v48, v38;
	v35 =	vadd.f32 v51, v50  }
0x264: {  	v36 =	vadd.f32 v36, v39;
	v61 =	vmul.f32 v57, v57;
	v40 =	vadd.f32 v42, v40  }
0x265: {  	v34 =	vmin.f32 v34, v37;
	v48 =	vsub.f32 v17, v43;
	v49 =	vadd.f32 v63, v62  }
0x266: {  	v50 =	vsub.f32 v18, v45;
	v51 =	vsub.f32 v19, v47;
	v42 =	vmul.f32 v53, v53  }
0x267: {  	v57 =	vsub.f32 v23, v43;
	v59 =	vsub.f32 v1, v44;
	v45 =	vbroadcast v26, $0x6  }
0x268: {  	v41 =	vmul.f32 v56, v56;
	v56 =	vsub.f32 v7, v44;
	v36 =	vadd.f32 v60, v36  }
0x269: {  	v33 =	vmin.f32 v33, v38;
	v38 =	vadd.f32 v61, v40;
	v37 =	vmul.f32 v48, v48  }
0x26a: {  	v32 =	vmin.f32 v32, v35;
	v54 =	vmul.f32 v50, v50;
	v55 =	vmul.f32 v51, v51  }
0x26b: {  	v35 =	vmul.f32 v52, v52;
	v61 =	vsub.f32 v4, v44;
	v62 =	vsub.f32 v2, v45  }
0x26c: {  	v43 =	vmul.f32 v59, v59;
	v63 =	vsub.f32 v5, v45;
	v59 =	vsub.f32 v10, v44  }
0x26d: {  	v40 =	vbroadcast v24, $0x6;
	v51 =	vsub.f32 v22, v44;
	v37 =	vadd.f32 v37, v49  }
0x26e: {  	v39 =	vadd.f32 v55, v54;
	v31 =	vmin.f32 v31, v36;
	v35 =	vadd.f32 v42, v35  }
0x26f: {  	v58 =	vsub.f32 v0, v40;
	v60 =	vsub.f32 v3, v40;
	v47 =	vmul.f32 v61, v61  }
0x270: {  	v36 =	vmul.f32 v57, v57;
	v52 =	vmul.f32 v62, v62;
	v55 =	vsub.f32 v6, v40  }
0x271: {  	v54 =	vmul.f32 v63, v63;
	v57 =	vsub.f32 v8, v45;
	v61 =	vsub.f32 v13, v44  }
0x272: {  	v30 =	vmin.f32 v30, v38;
	v62 =	vsub.f32 v11, v45;
	v63 =	vsub.f32 v14, v45  }
0x273: {  	v50 =	vsub.f32 v21, v40;
	v42 =	vmul.f32 v58, v58;
	v46 =	vmul.f32 v60, v60  }
0x274: {  	v39 =	vadd.f32 v41, v39;
	v35 =	vadd.f32 v36, v35;
	v29 =	vmin.f32 v29, v37  }
0x275: {  	v38 =	vmul.f32 v55, v55;
	v58 =	vsub.f32 v9, v40;
	v60 =	vsub.f32 v12, v40  }
0x276: {  	v41 =	vbroadcast v24, $0x7;
	v42 =	vadd.f32 v43, v42;
	v53 =	vadd.f32 v47, v46  }
0x277: {  	v28 =	vmin.f32 v28, v39;
	v39 =	vmul.f32 v56, v56;
	v43 =	vmul.f32 v59, v59  }
0x278: {  	v46 =	vmul.f32 v60, v60;
	v47 =	vmul.f32 v61, v61;
	v60 =	vsub.f32 v15, v40  }
0x279: {  	v56 =	vmul.f32 v63, v63;
	v61 =	vsub.f32 v16, v44;
	v63 =	vsub.f32 v19, v44  }
0x27a: {  	v27 =	vmin.f32 v27, v35;
	v36 =	vadd.f32 v52, v42;
	v37 =	vadd.f32 v54, v53  }
0x27b: {  	v42 =	vmul.f32 v58, v58;
	v38 =	vadd.f32 v39, v38;
	v52 =	vmul.f32 v57, v57  }
0x27c: {  	v54 =	vmul.f32 v62, v62;
	v55 =	vadd.f32 v47, v46;
	v62 =	vsub.f32 v18, v40  }
0x27d: {  	v46 =	vsub.f32 v17, v45;
	v35 =	vmul.f32 v60, v60;
	v47 =	vsub.f32 v20, v45  }
0x27e: {  	v39 =	vmul.f32 v63, v63;
	v45 =	vsub.f32 v23, v45;
	v53 =	vadd.f32 v43, v42  }
0x27f: {  	v34 =	vmin.f32 v34, v36;
	v57 =	vadd.f32 v52, v38;
	v38 =	vmul.f32 v61, v61  }
0x280: {  	v33 =	vmin.f32 v33, v37;
	v36 =	vmul.f32 v62, v62;
	v48 =	vmul.f32 v46, v46  }
0x281: {  	v59 =	vadd.f32 v56, v55;
	v49 =	vmul.f32 v47, v47;
	v42 =	vbroadcast v25, $0x7  }
0x282: {  	v52 =	vmul.f32 v50, v50;
	v43 =	vbroadcast v26, $0x7;
	v56 =	vsub.f32 v3, v41  }
0x283: {  	v62 =	vsub.f32 v6, v41;
	v58 =	vadd.f32 v54, v53;
	v32 =	vmin.f32 v32, v57  }
0x284: {  	v30 =	vmin.f32 v30, v59;
	v35 =	vadd.f32 v38, v35;
	v36 =	vadd.f32 v39, v36  }
0x285: {  	v53 =	vmul.f32 v51, v51;
	v54 =	vsub.f32 v0, v41;
	v55 =	vsub.f32 v1, v42  }
0x286: {  	v57 =	vsub.f32 v4, v42;
	v44 =	vmul.f32 v56, v56;
	v59 =	vmul.f32 v45, v45  }
0x287: {  	v60 =	vsub.f32 v5, v43;
	v63 =	vsub.f32 v7, v42;
	v51 =	vmul.f32 v62, v62  }
0x288: {  	v56 =	vsub.f32 v11, v43;
	v62 =	vsub.f32 v16, v42;
	v31 =	vmin.f32 v31, v58  }
0x289: {  	v35 =	vadd.f32 v48, v35;
	v36 =	vadd.f32 v49, v36;
	v39 =	vmul.f32 v54, v54  }
0x28a: {  	v40 =	vmul.f32 v55, v55;
	v58 =	vsub.f32 v2, v43;
	v46 =	vmul.f32 v57, v57  }
0x28b: {  	v37 =	vadd.f32 v53, v52;
	v45 =	vmul.f32 v60, v60;
	v53 =	vsub.f32 v9, v41  }
0x28c: {  	v52 =	vmul.f32 v63, v63;
	v54 =	vsub.f32 v10, v42;
	v55 =	vsub.f32 v8, v43  }
0x28d: {  	v57 =	vsub.f32 v12, v41;
	v39 =	vadd.f32 v40, v39;
	v61 =	vmul.f32 v58, v58  }
0x28e: {  	v44 =	vadd.f32 v46, v44;
	v29 =	vmin.f32 v29, v35;
	v48 =	vadd.f32 v59, v37  }
0x28f: {  	v28 =	vmin.f32 v28, v36;
	v36 =	vmul.f32 v53, v53;
	v58 =	vsub.f32 v13, v42  }
0x290: {  	v35 =	vmul.f32 v55, v55;
	v40 =	vmul.f32 v56, v56;
	v59 =	vsub.f32 v14, v43  }
0x291: {  	v37 =	vmul.f32 v57, v57;
	v46 =	vsub.f32 v17, v43;
	v49 =	vadd.f32 v61, v39  }
0x292: {  	v50 =	vadd.f32 v45, v44;
	v27 =	vmin.f32 v27, v48;
	v39 =	vadd.f32 v52, v51  }
0x293: {  	v44 =	vmul.f32 v54, v54;
	v45 =	vmul.f32 v58, v58;
	v61 =	vsub.f32 v15, v41  }
0x294: {  	v60 =	vmul.f32 v59, v59;
	v48 =	vsub.f32 v18, v41;
	v41 =	vsub.f32 v21, v41  }
0x295: {  	v52 =	vsub.f32 v20, v43;
	v43 =	vsub.f32 v23, v43;
	v34 =	vmin.f32 v34, v49  }
0x296: {  	v36 =	vadd.f32 v44, v36;
	v33 =	vmin.f32 v33, v50;
	v35 =	vadd.f32 v35, v39  }
0x297: {  	v37 =	vadd.f32 v45, v37;
	v47 =	vmul.f32 v61, v61;
	v50 =	vmul.f32 v48, v48  }
0x298: {  	v49 =	vsub.f32 v19, v42;
	v41 =	vmul.f32 v41, v41;
	v44 =	vbroadcast v24, $0x8  }
0x299: {  	v42 =	vsub.f32 v22, v42;
	v45 =	vbroadcast v25, $0x8;
	v53 =	vmul.f32 v52, v52  }
0x29a: {  	v55 =	vmul.f32 v43, v43;
	v36 =	vadd.f32 v40, v36;
	v32 =	vmin.f32 v32, v35  }
0x29b: {  	v63 =	vadd.f32 v60, v37;
	v35 =	vmul.f32 v62, v62;
	v56 =	vsub.f32 v0, v44  }
0x29c: {  	v51 =	vmul.f32 v49, v49;
	v57 =	vsub.f32 v1, v45;
	v62 =	vsub.f32 v3, v44  }
0x29d: {  	v42 =	vmul.f32 v42, v42;
	v48 =	vsub.f32 v6, v44;
	v49 =	vsub.f32 v7, v45  }
0x29e: {  	v37 =	vmul.f32 v46, v46;
	v52 =	vsub.f32 v9, v44;
	v35 =	vadd.f32 v35, v47  }
0x29f: {  	v31 =	vmin.f32 v31, v36;
	v38 =	vadd.f32 v51, v50;
	v54 =	vadd.f32 v42, v41  }
0x2a0: {  	v60 =	vmul.f32 v56, v56;
	v61 =	vmul.f32 v57, v57;
	v30 =	vmin.f32 v30, v63  }
0x2a1: {  	v63 =	vsub.f32 v4, v45;
	v36 =	vmul.f32 v62, v62;
	v43 =	vmul.f32 v49, v49  }
0x2a2: {  	v56 =	vmul.f32 v52, v52;
	v57 =	vsub.f32 v12, v44;
	v35 =	vadd.f32 v37, v35  }
0x2a3: {  	v58 =	vadd.f32 v53, v38;
	v38 =	vbroadcast v26, $0x8;
	v59 =	vadd.f32 v55, v54  }
0x2a4: {  	v40 =	vadd.f32 v61, v60;
	v42 =	vmul.f32 v63, v63;
	v37 =	vmul.f32 v48, v48  }
0x2a5: {  	v53 =	vsub.f32 v10, v45;
	v60 =	vsub.f32 v16, v45;
	v61 =	vmul.f32 v57, v57  }
0x2a6: {  	v57 =	vsub.f32 v22, v45;
	v29 =	vmin.f32 v29, v35;
	v46 =	vsub.f32 v2, v38  }
0x2a7: {  	v47 =	vsub.f32 v5, v38;
	v28 =	vmin.f32 v28, v58;
	v36 =	vadd.f32 v42, v36  }
0x2a8: {  	v50 =	vsub.f32 v8, v38;
	v27 =	vmin.f32 v27, v59;
	v37 =	vadd.f32 v43, v37  }
0x2a9: {  	v55 =	vsub.f32 v11, v38;
	v58 =	vsub.f32 v13, v45;
	v43 =	vmul.f32 v60, v60  }
0x2aa: {  	v59 =	vsub.f32 v15, v44;
	v35 =	vmul.f32 v46, v46;
	v41 =	vmul.f32 v47, v47  }
0x2ab: {  	v63 =	vsub.f32 v14, v38;
	v51 =	vmul.f32 v50, v50;
	v62 =	vmul.f32 v58, v58  }
0x2ac: {  	v42 =	vmul.f32 v59, v59;
	v46 =	vsub.f32 v17, v38;
	v50 =	vsub.f32 v18, v44  }
0x2ad: {  	v48 =	vmul.f32 v63, v63;
	v35 =	vadd.f32 v35, v40;
	v36 =	vadd.f32 v41, v36  }
0x2ae: {  	v54 =	vadd.f32 v51, v37;
	v37 =	vmul.f32 v55, v55;
	v47 =	vadd.f32 v62, v61  }
0x2af: {  	v49 =	vadd.f32 v43, v42;
	v40 =	vbroadcast v24, $0x9;
	v43 =	vbroadcast v25, $0x9  }
0x2b0: {  	v51 =	vsub.f32 v19, v45;
	v42 =	vmul.f32 v57, v57;
	v45 =	vbroadcast v24, $0xA  }
0x2b1: {  	v34 =	vmin.f32 v34, v35;
	v33 =	vmin.f32 v33, v36;
	v35 =	vmul.f32 v53, v53  }
0x2b2: {  	v32 =	vmin.f32 v32, v54;
	v36 =	vmul.f32 v46, v46;
	v52 =	vadd.f32 v48, v47  }
0x2b3: {  	v53 =	vsub.f32 v20, v38;
	v54 =	vmul.f32 v50, v50;
	v38 =	vsub.f32 v23, v38  }
0x2b4: {  	v55 =	vmul.f32 v51, v51;
	v58 =	vsub.f32 v0, v40;
	v59 =	vsub.f32 v1, v43  }
0x2b5: {  	v46 =	vbroadcast v26, $0x9;
	v48 =	vsub.f32 v3, v40;
	v35 =	vadd.f32 v35, v56  }
0x2b6: {  	v47 =	vbroadcast v25, $0xA;
	v36 =	vadd.f32 v36, v49;
	v56 =	vsub.f32 v21, v44  }
0x2b7: {  	v39 =	vadd.f32 v55, v54;
	v38 =	vmul.f32 v38, v38;
	v61 =	vsub.f32 v2, v46  }
0x2b8: {  	v62 =	vmul.f32 v58, v58;
	v49 =	vsub.f32 v4, v43;
	v51 =	vsub.f32 v5, v46  }
0x2b9: {  	v63 =	vmul.f32 v59, v59;
	v54 =	vsub.f32 v7, v43;
	v58 =	vsub.f32 v9, v40  }
0x2ba: {  	v30 =	vmin.f32 v30, v52;
	v59 =	vsub.f32 v10, v43;
	v35 =	vadd.f32 v37, v35  }
0x2bb: {  	v37 =	vmul.f32 v53, v53;
	v41 =	vmul.f32 v56, v56;
	v50 =	vadd.f32 v63, v62  }
0x2bc: {  	v52 =	vmul.f32 v49, v49;
	v29 =	vmin.f32 v29, v36;
	v53 =	vsub.f32 v6, v40  }
0x2bd: {  	v55 =	vmul.f32 v51, v51;
	v56 =	vsub.f32 v8, v46;
	v57 =	vmul.f32 v54, v54  }
0x2be: {  	v62 =	vmul.f32 v59, v59;
	v63 =	vsub.f32 v12, v40;
	v31 =	vmin.f32 v31, v35  }
0x2bf: {  	v37 =	vadd.f32 v37, v39;
	v60 =	vadd.f32 v42, v41;
	v41 =	vmul.f32 v61, v61  }
0x2c0: {  	v35 =	vmul.f32 v48, v48;
	v61 =	vsub.f32 v11, v46;
	v48 =	vsub.f32 v13, v43  }
0x2c1: {  	v36 =	vmul.f32 v53, v53;
	v53 =	vsub.f32 v16, v43;
	v38 =	vadd.f32 v38, v60  }
0x2c2: {  	v39 =	vadd.f32 v41, v50;
	v35 =	vadd.f32 v52, v35;
	v28 =	vmin.f32 v28, v37  }
0x2c3: {  	v36 =	vadd.f32 v57, v36;
	v60 =	vmul.f32 v56, v56;
	v37 =	vmul.f32 v58, v58  }
0x2c4: {  	v49 =	vmul.f32 v61, v61;
	v50 =	vsub.f32 v14, v46;
	v52 =	vsub.f32 v15, v40  }
0x2c5: {  	v51 =	vmul.f32 v48, v48;
	v57 =	vsub.f32 v18, v40;
	v58 =	vsub.f32 v19, v43  }
0x2c6: {  	v56 =	vmul.f32 v53, v53;
	v40 =	vsub.f32 v21, v40;
	v43 =	vsub.f32 v22, v43  }
0x2c7: {  	v35 =	vadd.f32 v55, v35;
	v27 =	vmin.f32 v27, v38;
	v36 =	vadd.f32 v60, v36  }
0x2c8: {  	v37 =	vadd.f32 v62, v37;
	v38 =	vmul.f32 v63, v63;
	v34 =	vmin.f32 v34, v39  }
0x2c9: {  	v54 =	vmul.f32 v50, v50;
	v55 =	vsub.f32 v17, v46;
	v60 =	vsub.f32 v20, v46  }
0x2ca: {  	v39 =	vmul.f32 v52, v52;
	v62 =	vsub.f32 v0, v45;
	v63 =	vsub.f32 v1, v47  }
0x2cb: {  	v61 =	vmul.f32 v58, v58;
	v58 =	vsub.f32 v4, v47;
	v50 =	vsub.f32 v9, v45  }
0x2cc: {  	v40 =	vmul.f32 v40, v40;
	v37 =	vadd.f32 v49, v37;
	v38 =	vadd.f32 v51, v38  }
0x2cd: {  	v33 =	vmin.f32 v33, v35;
	v59 =	vmul.f32 v55, v55;
	v35 =	vmul.f32 v57, v57  }
0x2ce: {  	v39 =	vadd.f32 v56, v39;
	v42 =	vmul.f32 v60, v60;
	v51 =	vmul.f32 v43, v43  }
0x2cf: {  	v43 =	vbroadcast v26, $0xA;
	v57 =	vsub.f32 v3, v45;
	v60 =	vsub.f32 v7, v47  }
0x2d0: {  	v52 =	vmul.f32 v62, v62;
	v38 =	vadd.f32 v54, v38;
	v35 =	vadd.f32 v61, v35  }
0x2d1: {  	v53 =	vmul.f32 v63, v63;
	v39 =	vadd.f32 v59, v39;
	v54 =	vsub.f32 v23, v46  }
0x2d2: {  	v40 =	vadd.f32 v51, v40;
	v55 =	vsub.f32 v2, v43  }
0x2d3: {  	v32 =	vmin.f32 v32, v36;
	v56 =	vadd.f32 v53, v52;
	v59 =	vsub.f32 v6, v45  }
0x2d4: {  	v31 =	vmin.f32 v31, v37;
	v61 =	vsub.f32 v5, v43;
	v62 =	vsub.f32 v8, v43  }
0x2d5: {  	v46 =	vmul.f32 v60, v60;
	v51 =	vsub.f32 v10, v47;
	v52 =	vsub.f32 v11, v43  }
0x2d6: {  	v30 =	vmin.f32 v30, v38;
	v36 =	vmul.f32 v54, v54;
	v38 =	vmul.f32 v57, v57  }
0x2d7: {  	v35 =	vadd.f32 v42, v35;
	v42 =	vmul.f32 v58, v58;
	v44 =	vmul.f32 v59, v59  }
0x2d8: {  	v53 =	vsub.f32 v12, v45;
	v37 =	vmul.f32 v55, v55;
	v63 =	vmul.f32 v61, v61  }
0x2d9: {  	v49 =	vmul.f32 v62, v62;
	v29 =	vmin.f32 v29, v39;
	v54 =	vsub.f32 v13, v47  }
0x2da: {  	v39 =	vmul.f32 v50, v50;
	v55 =	vsub.f32 v15, v45;
	v57 =	vsub.f32 v14, v43  }
0x2db: {  	v58 =	vsub.f32 v17, v43;
	v59 =	vmul.f32 v52, v52;
	v52 =	vsub.f32 v23, v43  }
0x2dc: {  	v41 =	vmul.f32 v53, v53;
	v38 =	vadd.f32 v42, v38;
	v36 =	vadd.f32 v36, v40  }
0x2dd: {  	v48 =	vadd.f32 v46, v44;
	v37 =	vadd.f32 v37, v56;
	v28 =	vmin.f32 v28, v35  }
0x2de: {  	v56 =	vsub.f32 v16, v47;
	v42 =	vmul.f32 v54, v54;
	v44 =	vmul.f32 v55, v55  }
0x2df: {  	v61 =	vmul.f32 v57, v57;
	v40 =	vbroadcast v25, $0xB;
	v38 =	vadd.f32 v63, v38  }
0x2e0: {  	v35 =	vadd.f32 v49, v48;
	v27 =	vmin.f32 v27, v36;
	v36 =	vmul.f32 v51, v51  }
0x2e1: {  	v46 =	vmul.f32 v56, v56;
	v60 =	vadd.f32 v42, v41;
	v63 =	vmul.f32 v58, v58  }
0x2e2: {  	v34 =	vmin.f32 v34, v37;
	v48 =	vsub.f32 v21, v45;
	v49 =	vsub.f32 v22, v47  }
0x2e3: {  	v51 =	vsub.f32 v20, v43;
	v37 =	vbroadcast v24, $0xB;
	v54 =	vsub.f32 v1, v40  }
0x2e4: {  	v43 =	vbroadcast v26, $0xB;
	v56 =	vsub.f32 v4, v40;
	v36 =	vadd.f32 v36, v39  }
0x2e5: {  	v62 =	vadd.f32 v46, v44;
	v33 =	vmin.f32 v33, v38;
	v41 =	vadd.f32 v61, v60  }
0x2e6: {  	v32 =	vmin.f32 v32, v35;
	v44 =	vsub.f32 v18, v45;
	v46 =	vsub.f32 v19, v47  }
0x2e7: {  	v35 =	vmul.f32 v48, v48;
	v53 =	vsub.f32 v0, v37;
	v55 =	vsub.f32 v3, v37  }
0x2e8: {  	v39 =	vmul.f32 v49, v49;
	v57 =	vsub.f32 v2, v43;
	v58 =	vsub.f32 v5, v43  }
0x2e9: {  	v38 =	vmul.f32 v51, v51;
	v48 =	vsub.f32 v6, v37;
	v49 =	vsub.f32 v7, v40  }
0x2ea: {  	v45 =	vmul.f32 v56, v56;
	v51 =	vsub.f32 v10, v40;
	v36 =	vadd.f32 v59, v36  }
0x2eb: {  	v42 =	vadd.f32 v63, v62;
	v30 =	vmin.f32 v30, v41;
	v50 =	vmul.f32 v46, v46  }
0x2ec: {  	v35 =	vadd.f32 v39, v35;
	v41 =	vmul.f32 v52, v52;
	v39 =	vmul.f32 v53, v53  }
0x2ed: {  	v60 =	vmul.f32 v57, v57;
	v62 =	vmul.f32 v58, v58;
	v52 =	vsub.f32 v12, v37  }
0x2ee: {  	v53 =	vsub.f32 v13, v40;
	v57 =	vsub.f32 v14, v43;
	v31 =	vmin.f32 v31, v36  }
0x2ef: {  	v29 =	vmin.f32 v29, v42;
	v36 =	vmul.f32 v44, v44;
	v42 =	vmul.f32 v54, v54  }
0x2f0: {  	v44 =	vmul.f32 v55, v55;
	v35 =	vadd.f32 v41, v35;
	v54 =	vsub.f32 v8, v43  }
0x2f1: {  	v46 =	vbroadcast v25, $0xD;
	v55 =	vsub.f32 v11, v43;
	v36 =	vadd.f32 v50, v36  }
0x2f2: {  	v59 =	vadd.f32 v42, v39;
	v61 =	vadd.f32 v45, v44;
	v27 =	vmin.f32 v27, v35  }
0x2f3: {  	v50 =	vsub.f32 v9, v37;
	v42 =	vmul.f32 v51, v51;
	v44 =	vmul.f32 v52, v52  }
0x2f4: {  	v45 =	vmul.f32 v53, v53;
	v51 =	vsub.f32 v18, v37;
	v52 =	vsub.f32 v19, v40  }
0x2f5: {  	v56 =	vmul.f32 v54, v54;
	v53 =	vsub.f32 v17, v43;
	v54 =	vsub.f32 v20, v43  }
0x2f6: {  	v39 =	vmul.f32 v49, v49;
	v43 =	vsub.f32 v23, v43;
	v36 =	vadd.f32 v38, v36  }
0x2f7: {  	v58 =	vmul.f32 v55, v55;
	v63 =	vadd.f32 v60, v59;
	v35 =	vadd.f32 v62, v61  }
0x2f8: {  	v38 =	vmul.f32 v48, v48;
	v41 =	vmul.f32 v50, v50;
	v44 =	vadd.f32 v45, v44  }
0x2f9: {  	v59 =	vmul.f32 v57, v57;
	v60 =	vsub.f32 v15, v37;
	v61 =	vsub.f32 v16, v40  }
0x2fa: {  	v37 =	vsub.f32 v21, v37;
	v40 =	vsub.f32 v22, v40;
	v45 =	vbroadcast v25, $0xC  }
0x2fb: {  	v57 =	vmul.f32 v43, v43;
	v43 =	vbroadcast v26, $0xC;
	v28 =	vmin.f32 v28, v36  }
0x2fc: {  	v38 =	vadd.f32 v39, v38;
	v41 =	vadd.f32 v42, v41;
	v34 =	vmin.f32 v34, v63  }
0x2fd: {  	v48 =	vadd.f32 v59, v44;
	v49 =	vmul.f32 v60, v60;
	v50 =	vmul.f32 v61, v61  }
0x2fe: {  	v33 =	vmin.f32 v33, v35;
	v35 =	vmul.f32 v51, v51;
	v44 =	vmul.f32 v52, v52  }
0x2ff: {  	v36 =	vmul.f32 v53, v53;
	v37 =	vmul.f32 v37, v37;
	v60 =	vsub.f32 v2, v43  }
0x300: {  	v40 =	vmul.f32 v40, v40;
	v51 =	vsub.f32 v8, v43;
	v62 =	vadd.f32 v56, v38  }
0x301: {  	v42 =	vmul.f32 v54, v54;
	v63 =	vadd.f32 v58, v41;
	v41 =	vadd.f32 v50, v49  }
0x302: {  	v35 =	vadd.f32 v44, v35;
	v44 =	vbroadcast v24, $0xC;
	v56 =	vsub.f32 v1, v45  }
0x303: {  	v37 =	vadd.f32 v40, v37;
	v30 =	vmin.f32 v30, v48;
	v38 =	vmul.f32 v60, v60  }
0x304: {  	v49 =	vsub.f32 v7, v45;
	v50 =	vsub.f32 v5, v43;
	v54 =	vmul.f32 v51, v51  }
0x305: {  	v60 =	vsub.f32 v13, v45;
	v32 =	vmin.f32 v32, v62;
	v55 =	vsub.f32 v0, v44  }
0x306: {  	v36 =	vadd.f32 v36, v41;
	v59 =	vmul.f32 v56, v56;
	v35 =	vadd.f32 v42, v35  }
0x307: {  	v31 =	vmin.f32 v31, v63;
	v37 =	vadd.f32 v57, v37;
	v62 =	vsub.f32 v3, v44  }
0x308: {  	v63 =	vsub.f32 v4, v45;
	v48 =	vsub.f32 v6, v44;
	v42 =	vmul.f32 v49, v49  }
0x309: {  	v52 =	vmul.f32 v50, v50;
	v56 =	vsub.f32 v10, v45;
	v49 =	vbroadcast v26, $0xD  }
0x30a: {  	v57 =	vsub.f32 v11, v43;
	v50 =	vbroadcast v25, $0xE;
	v25 =	vbroadcast v25, $0xF  }
0x30b: {  	v58 =	vmul.f32 v55, v55;
	v29 =	vmin.f32 v29, v36;
	v36 =	vmul.f32 v62, v62  }
0x30c: {  	v40 =	vmul.f32 v63, v63;
	v41 =	vmul.f32 v48, v48;
	v55 =	vsub.f32 v9, v44  }
0x30d: {  	v28 =	vmin.f32 v28, v35;
	v62 =	vsub.f32 v16, v45;
	v51 =	vsub.f32 v1, v50  }
0x30e: {  	v27 =	vmin.f32 v27, v37;
	v61 =	vadd.f32 v59, v58;
	v36 =	vadd.f32 v40, v36  }
0x30f: {  	v53 =	vadd.f32 v42, v41;
	v58 =	vmul.f32 v55, v55;
	v59 =	vsub.f32 v12, v44  }
0x310: {  	v40 =	vmul.f32 v57, v57;
	v48 =	vmul.f32 v62, v62;
	v38 =	vadd.f32 v38, v61  }
0x311: {  	v42 =	vbroadcast v24, $0xD;
	v35 =	vadd.f32 v52, v36;
	v39 =	vadd.f32 v54, v53  }
0x312: {  	v36 =	vmul.f32 v56, v56;
	v61 =	vsub.f32 v15, v44;
	v53 =	vsub.f32 v14, v43  }
0x313: {  	v63 =	vmul.f32 v59, v59;
	v54 =	vsub.f32 v17, v43;
	v59 =	vsub.f32 v19, v45  }
0x314: {  	v52 =	vmul.f32 v60, v60;
	v60 =	vsub.f32 v20, v43;
	v45 =	vsub.f32 v22, v45  }
0x315: {  	v43 =	vsub.f32 v23, v43;
	v36 =	vadd.f32 v36, v58;
	v47 =	vmul.f32 v61, v61  }
0x316: {  	v55 =	vadd.f32 v52, v63;
	v56 =	vmul.f32 v53, v53;
	v37 =	vmul.f32 v54, v54  }
0x317: {  	v58 =	vsub.f32 v18, v44;
	v34 =	vmin.f32 v34, v38;
	v62 =	vmul.f32 v59, v59  }
0x318: {  	v44 =	vsub.f32 v21, v44;
	v45 =	vmul.f32 v45, v45;
	v63 =	vsub.f32 v0, v42  }
0x319: {  	v52 =	vsub.f32 v1, v46;
	v43 =	vmul.f32 v43, v43;
	v54 =	vsub.f32 v2, v49  }
0x31a: {  	v33 =	vmin.f32 v33, v35;
	v32 =	vmin.f32 v32, v39;
	v36 =	vadd.f32 v40, v36  }
0x31b: {  	v57 =	vadd.f32 v48, v47;
	v61 =	vmul.f32 v58, v58;
	v40 =	vmul.f32 v60, v60  }
0x31c: {  	v38 =	vadd.f32 v56, v55;
	v44 =	vmul.f32 v44, v44;
	v55 =	vmul.f32 v63, v63  }
0x31d: {  	v56 =	vmul.f32 v52, v52;
	v58 =	vsub.f32 v4, v46;
	v60 =	vsub.f32 v5, v49  }
0x31e: {  	v63 =	vsub.f32 v7, v46;
	v48 =	vbroadcast v24, $0xE;
	v37 =	vadd.f32 v37, v57  }
0x31f: {  	v24 =	vbroadcast v24, $0xF;
	v41 =	vadd.f32 v62, v61;
	v53 =	vadd.f32 v45, v44  }
0x320: {  	v57 =	vsub.f32 v3, v42;
	v59 =	vadd.f32 v56, v55;
	v44 =	vmul.f32 v54, v54  }
0x321: {  	v61 =	vmul.f32 v58, v58;
	v62 =	vsub.f32 v6, v42;
	v52 =	vmul.f32 v60, v60  }
0x322: {  	v54 =	vmul.f32 v63, v63;
	v55 =	vsub.f32 v9, v42;
	v56 =	vsub.f32 v10, v46  }
0x323: {  	v31 =	vmin.f32 v31, v36;
	v58 =	vsub.f32 v11, v49;
	v60 =	vsub.f32 v12, v42  }
0x324: {  	v30 =	vmin.f32 v30, v38;
	v63 =	vsub.f32 v14, v49;
	v40 =	vadd.f32 v40, v41  }
0x325: {  	v41 =	vadd.f32 v43, v53;
	v35 =	vmul.f32 v57, v57;
	v43 =	vadd.f32 v44, v59  }
0x326: {  	v53 =	vsub.f32 v8, v49;
	v39 =	vmul.f32 v62, v62;
	v36 =	vmul.f32 v55, v55  }
0x327: {  	v59 =	vmul.f32 v56, v56;
	v62 =	vmul.f32 v58, v58;
	v56 =	vsub.f32 v17, v49  }
0x328: {  	v55 =	vmul.f32 v63, v63;
	v58 =	vsub.f32 v18, v42;
	v63 =	vsub.f32 v0, v48  }
0x329: {  	v38 =	vmul.f32 v60, v60;
	v35 =	vadd.f32 v61, v35;
	v39 =	vadd.f32 v54, v39  }
0x32a: {  	v29 =	vmin.f32 v29, v37;
	v61 =	vsub.f32 v13, v46;
	v36 =	vadd.f32 v59, v36  }
0x32b: {  	v57 =	vmul.f32 v53, v53;
	v53 =	vsub.f32 v15, v42;
	v54 =	vsub.f32 v16, v46  }
0x32c: {  	v28 =	vmin.f32 v28, v40;
	v59 =	vsub.f32 v19, v46;
	v60 =	vmul.f32 v56, v56  }
0x32d: {  	v40 =	vmul.f32 v58, v58;
	v42 =	vsub.f32 v21, v42;
	v46 =	vsub.f32 v22, v46  }
0x32e: {  	v27 =	vmin.f32 v27, v41;
	v34 =	vmin.f32 v34, v43;
	v58 =	vsub.f32 v3, v48  }
0x32f: {  	v35 =	vadd.f32 v52, v35;
	v39 =	vadd.f32 v57, v39;
	v52 =	vmul.f32 v61, v61  }
0x330: {  	v36 =	vadd.f32 v62, v36;
	v37 =	vmul.f32 v53, v53;
	v57 =	vmul.f32 v54, v54  }
0x331: {  	v61 =	vsub.f32 v20, v49;
	v62 =	vmul.f32 v59, v59;
	v42 =	vmul.f32 v42, v42  }
0x332: {  	v53 =	vmul.f32 v63, v63;
	v54 =	vmul.f32 v51, v51;
	v59 =	vsub.f32 v4, v50  }
0x333: {  	v38 =	vadd.f32 v52, v38;
	v37 =	vadd.f32 v57, v37;
	v45 =	vmul.f32 v61, v61  }
0x334: {  	v40 =	vadd.f32 v62, v40;
	v52 =	vmul.f32 v46, v46;
	v46 =	vbroadcast v26, $0xE  }
0x335: {  	v57 =	vadd.f32 v54, v53;
	v33 =	vmin.f32 v33, v35;
	v61 =	vsub.f32 v7, v50  }
0x336: {  	v35 =	vmul.f32 v58, v58;
	v54 =	vsub.f32 v9, v48;
	v58 =	vsub.f32 v13, v50  }
0x337: {  	v32 =	vmin.f32 v32, v39;
	v38 =	vadd.f32 v55, v38;
	v37 =	vadd.f32 v60, v37  }
0x338: {  	v31 =	vmin.f32 v31, v36;
	v40 =	vadd.f32 v45, v40;
	v55 =	vsub.f32 v23, v49  }
0x339: {  	v26 =	vbroadcast v26, $0xF;
	v42 =	vadd.f32 v52, v42;
	v56 =	vsub.f32 v2, v46  }
0x33a: {  	v60 =	vsub.f32 v6, v48;
	v62 =	vsub.f32 v5, v46;
	v45 =	vmul.f32 v59, v59  }
0x33b: {  	v52 =	vsub.f32 v8, v46;
	v49 =	vmul.f32 v61, v61;
	v59 =	vsub.f32 v14, v46  }
0x33c: {  	v61 =	vsub.f32 v16, v50;
	v41 =	vmul.f32 v55, v55;
	v47 =	vmul.f32 v60, v60  }
0x33d: {  	v35 =	vadd.f32 v45, v35;
	v43 =	vmul.f32 v56, v56;
	v63 =	vmul.f32 v62, v62  }
0x33e: {  	v53 =	vmul.f32 v52, v52;
	v30 =	vmin.f32 v30, v38;
	v55 =	vsub.f32 v10, v50  }
0x33f: {  	v56 =	vsub.f32 v12, v48;
	v45 =	vmul.f32 v58, v58;
	v60 =	vsub.f32 v15, v48  }
0x340: {  	v29 =	vmin.f32 v29, v37;
	v58 =	vsub.f32 v21, v48;
	v41 =	vadd.f32 v41, v42  }
0x341: {  	v28 =	vmin.f32 v28, v40;
	v51 =	vadd.f32 v49, v47;
	v39 =	vadd.f32 v43, v57  }
0x342: {  	v35 =	vadd.f32 v63, v35;
	v57 =	vsub.f32 v11, v46;
	v42 =	vmul.f32 v54, v54  }
0x343: {  	v38 =	vmul.f32 v55, v55;
	v43 =	vmul.f32 v56, v56;
	v54 =	vsub.f32 v17, v46  }
0x344: {  	v63 =	vmul.f32 v59, v59;
	v56 =	vsub.f32 v18, v48;
	v59 =	vsub.f32 v22, v50  }
0x345: {  	v52 =	vmul.f32 v60, v60;
	v36 =	vadd.f32 v53, v51;
	v38 =	vadd.f32 v38, v42  }
0x346: {  	v62 =	vmul.f32 v57, v57;
	v43 =	vadd.f32 v45, v43;
	v53 =	vmul.f32 v61, v61  }
0x347: {  	v57 =	vsub.f32 v19, v50;
	v27 =	vmin.f32 v27, v41;
	v60 =	vmul.f32 v56, v56  }
0x348: {  	v41 =	vmul.f32 v58, v58;
	v45 =	vmul.f32 v59, v59;
	v56 =	vsub.f32 v4, v25  }
0x349: {  	v34 =	vmin.f32 v34, v39;
	v37 =	vadd.f32 v62, v38;
	v40 =	vadd.f32 v63, v43  }
0x34a: {  	v55 =	vadd.f32 v53, v52;
	v38 =	vmul.f32 v54, v54;
	v62 =	vsub.f32 v20, v46  }
0x34b: {  	v61 =	vmul.f32 v57, v57;
	v46 =	vsub.f32 v23, v46;
	v41 =	vadd.f32 v45, v41  }
0x34c: {  	v33 =	vmin.f32 v33, v35;
	v53 =	vsub.f32 v0, v24;
	v54 =	vsub.f32 v1, v25  }
0x34d: {  	v32 =	vmin.f32 v32, v36;
	v38 =	vadd.f32 v38, v55;
	v42 =	vadd.f32 v61, v60  }
0x34e: {  	v63 =	vmul.f32 v62, v62;
	v52 =	vmul.f32 v46, v46;
	v55 =	vsub.f32 v3, v24  }
0x34f: {  	v57 =	vmul.f32 v53, v53;
	v58 =	vmul.f32 v54, v54;
	v61 =	vsub.f32 v2, v26  }
0x350: {  	v60 =	vmul.f32 v56, v56;
	v62 =	vsub.f32 v5, v26;
	v53 =	vsub.f32 v9, v24  }
0x351: {  	v54 =	vsub.f32 v10, v25;
	v31 =	vmin.f32 v31, v37;
	v30 =	vmin.f32 v30, v40  }
0x352: {  	v42 =	vadd.f32 v63, v42;
	v41 =	vadd.f32 v52, v41;
	v59 =	vmul.f32 v55, v55  }
0x353: {  	v43 =	vadd.f32 v58, v57;
	v39 =	vmul.f32 v61, v61;
	v63 =	vsub.f32 v6, v24  }
0x354: {  	v52 =	vsub.f32 v7, v25;
	v35 =	vmul.f32 v62, v62;
	v57 =	vmul.f32 v53, v53  }
0x355: {  	v58 =	vmul.f32 v54, v54;
	v61 =	vsub.f32 v12, v24;
	v62 =	vsub.f32 v13, v25  }
0x356: {  	v29 =	vmin.f32 v29, v38;
	v44 =	vadd.f32 v60, v59;
	v39 =	vadd.f32 v39, v43  }
0x357: {  	v55 =	vmul.f32 v63, v63;
	v59 =	vsub.f32 v8, v26;
	v60 =	vsub.f32 v11, v26  }
0x358: {  	v56 =	vmul.f32 v52, v52;
	v63 =	vsub.f32 v15, v24;
	v52 =	vsub.f32 v16, v25  }
0x359: {  	v53 =	vmul.f32 v61, v61;
	v54 =	vmul.f32 v62, v62;
	v61 =	vsub.f32 v19, v25  }
0x35a: {  	v28 =	vmin.f32 v28, v42;
	v25 =	vsub.f32 v22, v25;
	v62 =	vsub.f32 v20, v26  }
0x35b: {  	v27 =	vmin.f32 v27, v41;
	v35 =	vadd.f32 v35, v44;
	v43 =	vadd.f32 v56, v55  }
0x35c: {  	v44 =	vadd.f32 v58, v57;
	v36 =	vmul.f32 v59, v59;
	v37 =	vmul.f32 v60, v60  }
0x35d: {  	v55 =	vmul.f32 v63, v63;
	v57 =	vadd.f32 v54, v53;
	v58 =	vsub.f32 v14, v26  }
0x35e: {  	v56 =	vmul.f32 v52, v52;
	v59 =	vsub.f32 v17, v26;
	v60 =	vsub.f32 v18, v24  }
0x35f: {  	v24 =	vsub.f32 v21, v24;
	v45 =	vmul.f32 v61, v61;
	v26 =	vsub.f32 v23, v26  }
0x360: {  	v25 =	vmul.f32 v25, v25;
	v36 =	vadd.f32 v36, v43;
	v42 =	vmul.f32 v60, v60  }
0x361: {  	s19 =	sadd.s32 $0x2, s19;
	v37 =	vadd.f32 v37, v44;
	v24 =	vmul.f32 v24, v24;
	v43 =	vmul.f32 v58, v58  }
0x362: {  	p0 =	slt.u32 s19, $0xFE;
	v44 =	vadd.f32 v56, v55;
	v38 =	vmul.f32 v59, v59;
	v26 =	vmul.f32 v26, v26  }
.Ltmp0:
0x363: {  	v42 =	vadd.f32 v45, v42;
	v24 =	vadd.f32 v25, v24;
	v25 =	vmul.f32 v62, v62;
	(pc) =	sbr.rel @p0 .LBB2_2-.Ltmp0, $4  }
0x364: {  	v34 =	vmin.f32 v34, v39;
	v63 =	vadd.f32 v43, v57;
	v38 =	vadd.f32 v38, v44  }
0x365: {  	v33 =	vmin.f32 v33, v35;
	v25 =	vadd.f32 v25, v42;
	v24 =	vadd.f32 v26, v24  }
0x366: {  	v32 =	vmin.f32 v32, v36;
	v31 =	vmin.f32 v31, v37;
	v30 =	vmin.f32 v30, v63  }
0x367: {  	s21 =	sadd.s32 $0x20, s21;
	s22 =	sadd.s32 $0x20, s22;
	s20 =	sadd.s32 $0x20, s20;
	v29 =	vmin.f32 v29, v38;
	v28 =	vmin.f32 v28, v25;
	v27 =	vmin.f32 v27, v24  }
0x368: {  	v0 =	vshra.s32 v34, $0x1  }
0x369: {  	v0 =	vadd.s32 $0x1FBD3F7D, v0  }
0x36a: {  	(erf) = vrcp.f32 v0;
	_ =	sdelay $0x8  }
0x36b: {  	v1 =	vpop (erf)  }
0x36c: {  	v1 =	vmul.f32 v1, v34;
	_ =	sdelay $0x1  }
0x36d: {  	v0 =	vadd.f32 v0, v1;
	_ =	sdelay $0x1  }
0x36e: {  	v0 =	vmul.f32 $5.000000000e-01, v0;
	_ =	sdelay $0x1  }
0x36f: {  	(erf) = vrcp.f32 v0;
	_ =	sdelay $0x8  }
0x370: {  	v35 =	vpop (erf)  }
0x371: {  	v1 =	vmul.f32 v35, v34;
	_ =	sdelay $0x1  }
0x372: {  	v0 =	vadd.f32 v1, v0;
	_ =	sdelay $0x1  }
0x373: {  	v0 =	vmul.f32 $5.000000000e-01, v0  }
0x374: {  	v36 =	vshra.s32 v33, $0x1  }
0x375: {  	v1 =	vadd.s32 $0x1FBD3F7D, v36;
	(erf) = vrcp.f32 v0  }
0x376: {  	(erf) = vrcp.f32 v1;
	_ =	sdelay $0x7  }
0x377: {  	v2 =	vpop (erf)  }
0x378: {  	v3 =	vpop (erf)  }
0x379: {  	v3 =	vmul.f32 v3, v33;
	_ =	sdelay $0x1  }
0x37a: {  	v1 =	vadd.f32 v1, v3;
	_ =	sdelay $0x1  }
0x37b: {  	v1 =	vmul.f32 $5.000000000e-01, v1;
	_ =	sdelay $0x1  }
0x37c: {  	(erf) = vrcp.f32 v1;
	_ =	sdelay $0x8  }
0x37d: {  	v37 =	vpop (erf)  }
0x37e: {  	v3 =	vmul.f32 v37, v33;
	_ =	sdelay $0x1  }
0x37f: {  	v1 =	vadd.f32 v3, v1;
	_ =	sdelay $0x1  }
0x380: {  	v1 =	vmul.f32 $5.000000000e-01, v1  }
0x381: {  	v38 =	vshra.s32 v32, $0x1  }
0x382: {  	v3 =	vadd.s32 $0x1FBD3F7D, v38;
	(erf) = vrcp.f32 v1  }
0x383: {  	(erf) = vrcp.f32 v3;
	_ =	sdelay $0x7  }
0x384: {  	v4 =	vpop (erf)  }
0x385: {  	v5 =	vpop (erf)  }
0x386: {  	v5 =	vmul.f32 v5, v32;
	_ =	sdelay $0x1  }
0x387: {  	v3 =	vadd.f32 v3, v5;
	_ =	sdelay $0x1  }
0x388: {  	v3 =	vmul.f32 $5.000000000e-01, v3;
	_ =	sdelay $0x1  }
0x389: {  	(erf) = vrcp.f32 v3;
	_ =	sdelay $0x8  }
0x38a: {  	v39 =	vpop (erf)  }
0x38b: {  	v5 =	vmul.f32 v39, v32;
	_ =	sdelay $0x1  }
0x38c: {  	v3 =	vadd.f32 v5, v3;
	_ =	sdelay $0x1  }
0x38d: {  	v3 =	vmul.f32 $5.000000000e-01, v3  }
0x38e: {  	v40 =	vshra.s32 v31, $0x1  }
0x38f: {  	v5 =	vadd.s32 $0x1FBD3F7D, v40;
	(erf) = vrcp.f32 v3  }
0x390: {  	(erf) = vrcp.f32 v5;
	_ =	sdelay $0x7  }
0x391: {  	v6 =	vpop (erf)  }
0x392: {  	v7 =	vpop (erf)  }
0x393: {  	v7 =	vmul.f32 v7, v31;
	_ =	sdelay $0x1  }
0x394: {  	v5 =	vadd.f32 v5, v7;
	_ =	sdelay $0x1  }
0x395: {  	v5 =	vmul.f32 $5.000000000e-01, v5;
	_ =	sdelay $0x1  }
0x396: {  	(erf) = vrcp.f32 v5;
	_ =	sdelay $0x8  }
0x397: {  	v41 =	vpop (erf)  }
0x398: {  	v7 =	vmul.f32 v41, v31;
	_ =	sdelay $0x1  }
0x399: {  	v5 =	vadd.f32 v7, v5;
	_ =	sdelay $0x1  }
0x39a: {  	v5 =	vmul.f32 $5.000000000e-01, v5  }
0x39b: {  	v42 =	vshra.s32 v30, $0x1  }
0x39c: {  	v7 =	vadd.s32 $0x1FBD3F7D, v42;
	(erf) = vrcp.f32 v5  }
0x39d: {  	(erf) = vrcp.f32 v7;
	_ =	sdelay $0x7  }
0x39e: {  	v8 =	vpop (erf)  }
0x39f: {  	v9 =	vpop (erf)  }
0x3a0: {  	v9 =	vmul.f32 v9, v30;
	_ =	sdelay $0x1  }
0x3a1: {  	v7 =	vadd.f32 v7, v9;
	_ =	sdelay $0x1  }
0x3a2: {  	v7 =	vmul.f32 $5.000000000e-01, v7;
	_ =	sdelay $0x1  }
0x3a3: {  	(erf) = vrcp.f32 v7;
	_ =	sdelay $0x8  }
0x3a4: {  	v43 =	vpop (erf)  }
0x3a5: {  	v9 =	vmul.f32 v43, v30;
	_ =	sdelay $0x1  }
0x3a6: {  	v7 =	vadd.f32 v9, v7;
	_ =	sdelay $0x1  }
0x3a7: {  	v7 =	vmul.f32 $5.000000000e-01, v7  }
0x3a8: {  	v44 =	vshra.s32 v29, $0x1  }
0x3a9: {  	v9 =	vadd.s32 $0x1FBD3F7D, v44;
	(erf) = vrcp.f32 v7  }
0x3aa: {  	(erf) = vrcp.f32 v9;
	_ =	sdelay $0x7  }
0x3ab: {  	v10 =	vpop (erf)  }
0x3ac: {  	v11 =	vpop (erf)  }
0x3ad: {  	v11 =	vmul.f32 v11, v29;
	_ =	sdelay $0x1  }
0x3ae: {  	v9 =	vadd.f32 v9, v11;
	_ =	sdelay $0x1  }
0x3af: {  	v9 =	vmul.f32 $5.000000000e-01, v9;
	_ =	sdelay $0x1  }
0x3b0: {  	(erf) = vrcp.f32 v9;
	_ =	sdelay $0x8  }
0x3b1: {  	v45 =	vpop (erf)  }
0x3b2: {  	v11 =	vmul.f32 v45, v29;
	_ =	sdelay $0x1  }
0x3b3: {  	v9 =	vadd.f32 v11, v9;
	_ =	sdelay $0x1  }
0x3b4: {  	v9 =	vmul.f32 $5.000000000e-01, v9  }
0x3b5: {  	v46 =	vshra.s32 v28, $0x1  }
0x3b6: {  	v11 =	vadd.s32 $0x1FBD3F7D, v46;
	(erf) = vrcp.f32 v9  }
0x3b7: {  	(erf) = vrcp.f32 v11;
	_ =	sdelay $0x7  }
0x3b8: {  	v12 =	vpop (erf)  }
0x3b9: {  	v13 =	vpop (erf)  }
0x3ba: {  	v13 =	vmul.f32 v13, v28;
	_ =	sdelay $0x1  }
0x3bb: {  	v11 =	vadd.f32 v11, v13;
	_ =	sdelay $0x1  }
0x3bc: {  	v11 =	vmul.f32 $5.000000000e-01, v11;
	_ =	sdelay $0x1  }
0x3bd: {  	(erf) = vrcp.f32 v11;
	_ =	sdelay $0x8  }
0x3be: {  	v47 =	vpop (erf)  }
0x3bf: {  	v13 =	vmul.f32 v47, v28;
	_ =	sdelay $0x1  }
0x3c0: {  	v11 =	vadd.f32 v13, v11;
	_ =	sdelay $0x1  }
0x3c1: {  	v11 =	vmul.f32 $5.000000000e-01, v11  }
0x3c2: {  	v48 =	vshra.s32 v27, $0x1  }
0x3c3: {  	v13 =	vadd.s32 $0x1FBD3F7D, v48;
	(erf) = vrcp.f32 v11  }
0x3c4: {  	(erf) = vrcp.f32 v13;
	_ =	sdelay $0x7  }
0x3c5: {  	v14 =	vpop (erf)  }
0x3c6: {  	v15 =	vpop (erf)  }
0x3c7: {  	v15 =	vmul.f32 v15, v27;
	_ =	sdelay $0x1  }
0x3c8: {  	v13 =	vadd.f32 v13, v15;
	_ =	sdelay $0x1  }
0x3c9: {  	v13 =	vmul.f32 $5.000000000e-01, v13;
	_ =	sdelay $0x1  }
0x3ca: {  	(erf) = vrcp.f32 v13;
	_ =	sdelay $0x8  }
0x3cb: {  	v49 =	vpop (erf)  }
0x3cc: {  	v2 =	vmul.f32 v2, v34;
	v15 =	vmul.f32 v49, v27;
	_ =	sdelay $0x1  }
0x3cd: {  	v0 =	vadd.f32 v2, v0;
	v50 =	vmul.f32 v4, v33;
	v51 =	vadd.f32 v15, v13;
	_ =	sdelay $0x1  }
0x3ce: {  	v0 =	vmul.f32 $5.000000000e-01, v0;
	v1 =	vadd.f32 v50, v1;
	v52 =	vmul.f32 $5.000000000e-01, v51  }
0x3cf: {  	v53 =	vmul.f32 v6, v32  }
0x3d0: {  	v0 =	vadd.f32 $0.0e+00, v0;
	v1 =	vmul.f32 $5.000000000e-01, v1;
	(erf) = vrcp.f32 v52  }
0x3d1: {  	v3 =	vadd.f32 v53, v3;
	v54 =	vmul.f32 v8, v31  }
0x3d2: {  	v0 =	vadd.f32 v1, v0  }
0x3d3: {  	v3 =	vmul.f32 $5.000000000e-01, v3;
	v55 =	vadd.f32 v54, v5;
	v56 =	vmul.f32 v10, v30;
	_ =	sdelay $0x1  }
0x3d4: {  	v0 =	vadd.f32 v3, v0;
	v1 =	vmul.f32 $5.000000000e-01, v55;
	v57 =	vadd.f32 v56, v7  }
0x3d5: {  	v58 =	vmul.f32 v12, v29  }
0x3d6: {  	v0 =	vadd.f32 v1, v0;
	v59 =	vmul.f32 $5.000000000e-01, v57  }
0x3d7: {  	v60 =	vadd.f32 v58, v9;
	v61 =	vmul.f32 v14, v28  }
0x3d8: {  	v0 =	vadd.f32 v59, v0;
	v62 =	vpop (erf)  }
0x3d9: {  	v3 =	vmul.f32 $5.000000000e-01, v60;
	v4 =	vadd.f32 v61, v11;
	v1 =	vmul.f32 v62, v27;
	_ =	sdelay $0x1  }
0x3da: {  	v0 =	vadd.f32 v3, v0;
	v63 =	vmul.f32 $5.000000000e-01, v4;
	v1 =	vadd.f32 v1, v52;
	_ =	sdelay $0x1  }
0x3db: {  	v0 =	vadd.f32 v63, v0;
	v1 =	vmul.f32 $5.000000000e-01, v1;
	_ =	sdelay $0x1  }
0x3dc: {  	s18 =	sadd.s32 $0x1, s18;
	v0 =	vadd.f32 v1, v0  }
0x3dd: {  	p0 =	sne.s32 s18, s10  }
.Ltmp1:
0x3de: {  	[tilespmem:$0x3180] =	vst v0;
	(pc) =	sbr.rel @p0 .LBB2_1-.Ltmp1, $4  }
0x3df: {  	[hbm4b:s9+s2] =	stream.linear.scatter [tilespmem:s17], [sflag:$0x1], $0x10, $0x38;
	[tilespmem:$0x3200] =	vst v63  }
0x3e0: {  	_ =	swait.ge [sflag:s11], $0x10  }
0x3e1: {  	[sflag:s11] =	ssyncset.done $0x0  }
0x3e2: {  	[sflag:s11] =	ssyncadd.s32 $0xFFFFFFF0  }
0x3e3: {  	_ =	sfence.sel $0x180000  }
0x3e4: {  	[bflag:$0x0] =	sbarrier.arrive $0xFFFF  }
0x3e5: {  	p0 =	sne.s32 s1, $0x0;
	_ =	strace $0x90000047  }
0x3e6: {  	s0 =	sadd.s32 @!p0 $0x100000, s0;
	[bflag:$0x2] =	sbarrier.arrive $0xFFFF  }
0x3e7: {  	[sflag:s0] =	ssyncadd.tile.s32 @!p0 $0x1;
	_ =	shalt  }
.Lfunc_end2:
_tile_overlayer_lowered:
.L_overlay_start_2:
0x3e8: {  	(tag) =	ssettag $0x2  }
0x3e9: {  	s0 =	rddreg [dreg:$0x0];
	s2 =	stileid.u32  }
0x3ea: {  	s1 =	rddreg [dreg:$0x1];
	p0 =	sne.s32 s2, $0x0  }
0x3eb: {  	s3 =	rddreg [dreg:$0x2];
	[bflag:$0x3] =	sbarrier.arrive $0xFFFF;
	s2 =	simm.s32 @!p0 $0x1C01  }
0x3ec: {  	[timem:s3], [sflag:s2] =	dma.local @!p0 [hbm:s0], s1  }
0x3ed: {  	s0 =	simm.s32 @!p0 $0x1  }
0x3ee: {  	_ =	swait.ge @!p0 [sflag:s0], s1  }
0x3ef: {  	s1 =	ssub.s32 @!p0 $0x0, s1;
	[sflag:s0] =	ssyncset.done @!p0 $0x0  }
0x3f0: {  	[sflag:s0] =	ssyncadd.s32 @!p0 s1  }
0x3f1: {  	[bflag:$0x3] =	sbarrier.arrive $0xFFFF  }
0x3f2: {  	_ =	shalt  }

</sc_bundles>
